<compile_context>
chip_gen: v7x
topology: tpu7x:2x2x1
jax: 0.10.2.dev20260603
libtpu: 0.0.44.dev20260713+nightly
codegen_flags: <defaults>
</compile_context>

<pallas_src>
import functools

import jax
import jax.numpy as jnp
from jax import lax
from jax.experimental import pallas as pl
from jax.experimental.pallas import tpu as pltpu
from jax.experimental.pallas import tpu_sc as plsc

N = 10000
NP = 10240
E = 160000
DM = 256
HG = 128
NSC = 2
NSUB = 16
LANE = 16

C = 64
CH = C // 2
GH = CH // LANE
EPAD = 160768
EPAD2 = 163840
EP = EPAD // NSUB
M = EP // CH
NB = 16
RN = NP // NSUB
RC = 64
NNORM = RN // RC

RB = 400
GRID = N // RB



def _qkv_body(x_ref, wq_ref, wk_ref, wv_ref, q_ref, k_ref, v_ref):
    xb = x_ref[...]
    for w_ref, o_ref in ((wq_ref, q_ref), (wk_ref, k_ref), (wv_ref, v_ref)):
        r = jnp.dot(xb, w_ref[...], preferred_element_type=jnp.float32)
        o_ref[0] = r[:, :HG]
        o_ref[1] = r[:, HG:]


def _qkv(x, wq, wk, wv):
    out = jax.ShapeDtypeStruct((NSC, NP, HG), jnp.float32)
    return pl.pallas_call(
        _qkv_body,
        grid=(GRID,),
        in_specs=[
            pl.BlockSpec((RB, DM), lambda i: (i, 0)),
            pl.BlockSpec((DM, DM), lambda i: (0, 0)),
            pl.BlockSpec((DM, DM), lambda i: (0, 0)),
            pl.BlockSpec((DM, DM), lambda i: (0, 0)),
        ],
        out_specs=[
            pl.BlockSpec((NSC, RB, HG), lambda i: (0, i, 0)),
            pl.BlockSpec((NSC, RB, HG), lambda i: (0, i, 0)),
            pl.BlockSpec((NSC, RB, HG), lambda i: (0, i, 0)),
        ],
        out_shape=[out, out, out],
    )(x, wq, wk, wv)



def _edge_body(k_hbm, q_hbm, v_hbm, src_hbm, dst_hbm, z128_hbm, z16_hbm,
               out_hbm,
               ft2_acc, den_acc,
               srcv, dstv, gsrcv, gdstv,
               krows, qrows, vrows, dstage, sem):
    c = lax.axis_index("c")
    s = lax.axis_index("s")
    cN = c * NP

    r0 = s * RN
    pltpu.sync_copy(z128_hbm.at[pl.ds(r0, RN)], ft2_acc.at[pl.ds(r0, RN)])
    pltpu.sync_copy(z16_hbm.at[pl.ds(r0, RN)], den_acc.at[pl.ds(r0, RN)])
    plsc.subcore_barrier()

    lanes = lax.iota(jnp.int32, LANE)
    base0 = s * EP
    zf = jnp.zeros((LANE,), jnp.float32)

    def dz(i, carry):
        dstage[i] = zf
        return carry
    lax.fori_loop(0, C, dz, 0)

    def refill(b):
        b1 = jnp.bitwise_and(b, 1)
        rbase = s * M + b * NB
        pltpu.sync_copy(src_hbm.at[pl.ds(rbase, NB)], srcv.at[b1])
        pltpu.sync_copy(dst_hbm.at[pl.ds(rbase, NB)], dstv.at[b1])

        def gi(r, carry2):
            for j in range(CH // LANE):
                sl = pl.ds(j * LANE, LANE)
                gsrcv[b1, r, sl] = srcv[b1, r, sl] + cN
                gdstv[b1, r, sl] = dstv[b1, r, sl] + cN
            return carry2
        lax.fori_loop(0, NB, gi, 0)

    def fetch(t, half):
        blk = jnp.right_shift(t, 4)
        buf = jnp.bitwise_and(blk, 1)
        row = jnp.bitwise_and(t, NB - 1)
        off = half * CH
        pltpu.async_copy(k_hbm.at[gsrcv.at[buf, row]],
                         krows.at[pl.ds(off, CH)], sem)
        pltpu.async_copy(q_hbm.at[gdstv.at[buf, row]],
                         qrows.at[pl.ds(off, CH)], sem)
        pltpu.async_copy(v_hbm.at[gsrcv.at[buf, row]],
                         vrows.at[pl.ds(off, CH)], sem)

    refill(jnp.int32(0))
    fetch(jnp.int32(0), 0)

    def half_body(t, carry):
        half = jnp.bitwise_and(t, 1)
        off = half * CH
        blk = jnp.right_shift(t, 4)
        buf = jnp.bitwise_and(blk, 1)
        row = jnp.bitwise_and(t, NB - 1)
        pltpu.make_async_copy(
            k_hbm.at[pl.ds(0, CH)], krows.at[pl.ds(off, CH)], sem).wait()
        pltpu.make_async_copy(
            q_hbm.at[pl.ds(0, CH)], qrows.at[pl.ds(off, CH)], sem).wait()
        pltpu.make_async_copy(
            v_hbm.at[pl.ds(0, CH)], vrows.at[pl.ds(off, CH)], sem).wait()

        @pl.when(row == 0)
        def _():
            refill(blk + 1)

        @pl.when(t + 1 < M)
        def _():
            fetch(t + 1, 1 - half)

        for g in range(GH):
            ridx = lanes + (g * LANE) + off

            def dot_d(d, accs):
                cb = jnp.bitwise_and(d + lanes, 31)
                out = []
                for h in range(4):
                    cvec = (h * 32) + cb
                    kv = plsc.load_gather(krows, [ridx, cvec])
                    qv = plsc.load_gather(qrows, [ridx, cvec])
                    out.append(accs[h] + kv * qv)
                return tuple(out)
            accs = lax.fori_loop(0, 32, dot_d, (zf, zf, zf, zf), unroll=4)
            evs = []
            for h in range(4):
                ev = jnp.exp(accs[h] * 0.0625)
                evs.append(ev)
                plsc.store_scatter(
                    dstage, [ridx, jnp.full((LANE,), h, jnp.int32)], ev)

            def scale_d(d, carry2):
                cb = jnp.bitwise_and(d + lanes, 31)
                for h in range(4):
                    cvec = (h * 32) + cb
                    vv = plsc.load_gather(vrows, [ridx, cvec])
                    plsc.store_scatter(qrows, [ridx, cvec], vv * evs[h])
                return carry2
            lax.fori_loop(0, 32, scale_d, 0, unroll=4)

        pltpu.sync_copy(qrows.at[pl.ds(off, CH)],
                        ft2_acc.at[dstv.at[buf, row]], add=True)
        pltpu.sync_copy(dstage.at[pl.ds(off, CH)],
                        den_acc.at[dstv.at[buf, row]], add=True)
        return carry
    lax.fori_loop(0, M, half_body, 0)
    plsc.subcore_barrier()

    def norm_chunk(t, carry):
        row = s * RN + t * RC
        pltpu.sync_copy(ft2_acc.at[pl.ds(row, RC)], krows)
        pltpu.sync_copy(den_acc.at[pl.ds(row, RC)], dstage)

        def row_body(r, carry2):
            dv = jnp.maximum(dstage[r], 1e-20)
            inv = 1.0 / dv
            for h in range(4):
                bv = jnp.full((LANE,), inv[h], jnp.float32)
                for j in (2 * h, 2 * h + 1):
                    sl = pl.ds(j * LANE, LANE)
                    krows[r, sl] = krows[r, sl] * bv
            return carry2
        lax.fori_loop(0, RC, row_body, 0)
        pltpu.sync_copy(krows, out_hbm.at[pl.ds(cN + row, RC)])
        return carry
    lax.fori_loop(0, NNORM, norm_chunk, 0)


def _make_edge_call():
    mesh = plsc.VectorSubcoreMesh(core_axis_name="c", subcore_axis_name="s")
    f32 = jnp.float32
    return pl.kernel(
        _edge_body,
        out_type=jax.ShapeDtypeStruct((NSC * NP, HG), f32),
        mesh=mesh,
        compiler_params=pltpu.CompilerParams(
            needs_layout_passes=False, use_tc_tiling_on_sc=False),
        scratch_types=[
            pltpu.VMEM_SHARED((NP, HG), f32),
            pltpu.VMEM_SHARED((NP, LANE), f32),
            pltpu.VMEM((2, NB, CH), jnp.int32),
            pltpu.VMEM((2, NB, CH), jnp.int32),
            pltpu.VMEM((2, NB, CH), jnp.int32),
            pltpu.VMEM((2, NB, CH), jnp.int32),
            pltpu.VMEM((C, HG), f32),
            pltpu.VMEM((C, HG), f32),
            pltpu.VMEM((C, HG), f32),
            pltpu.VMEM((C, LANE), f32),
            pltpu.SemaphoreType.DMA,
        ],
    )


_EDGE_CALL = _make_edge_call()



def _ln(x, g, b):
    mu = jnp.mean(x, axis=-1, keepdims=True)
    var = jnp.mean((x - mu) ** 2, axis=-1, keepdims=True)
    return (x - mu) / jnp.sqrt(var + 1e-5) * g + b


def _post_body(ft2_ref, x_ref, g_ref, b_ref, w1_ref, b1_ref, al_ref,
               w2_ref, b2_ref, o_ref):
    g = g_ref[...]
    b = b_ref[...]
    rst = jnp.concatenate([ft2_ref[0], ft2_ref[1]], axis=1) + x_ref[...]
    rst = _ln(rst, g, b)
    h = jnp.dot(rst, w1_ref[...], preferred_element_type=jnp.float32)
    h = h + b1_ref[...]
    h = jnp.where(h > 0, h, al_ref[...] * h)
    ffn = jnp.dot(h, w2_ref[...], preferred_element_type=jnp.float32)
    ffn = ffn + b2_ref[...]
    o_ref[...] = _ln(rst + ffn, g, b)


def _post(ft2, x, g, b, w1, b1, al, w2, b2):
    d_ff = w1.shape[1]
    return pl.pallas_call(
        _post_body,
        grid=(GRID,),
        in_specs=[
            pl.BlockSpec((NSC, RB, HG), lambda i: (0, i, 0)),
            pl.BlockSpec((RB, DM), lambda i: (i, 0)),
            pl.BlockSpec((1, DM), lambda i: (0, 0)),
            pl.BlockSpec((1, DM), lambda i: (0, 0)),
            pl.BlockSpec((DM, d_ff), lambda i: (0, 0)),
            pl.BlockSpec((1, d_ff), lambda i: (0, 0)),
            pl.BlockSpec((1, d_ff), lambda i: (0, 0)),
            pl.BlockSpec((d_ff, DM), lambda i: (0, 0)),
            pl.BlockSpec((1, DM), lambda i: (0, 0)),
        ],
        out_specs=pl.BlockSpec((RB, DM), lambda i: (i, 0)),
        out_shape=jax.ShapeDtypeStruct((N, DM), jnp.float32),
    )(ft2, x, g, b, w1, b1, al, w2, b2)



def kernel(x, params, edge_index):
    src = jnp.concatenate(
        [edge_index[0], jnp.zeros((EPAD2 - E,), jnp.int32)]
    ).reshape(EPAD2 // CH, CH)
    dst = jnp.concatenate(
        [edge_index[1], jnp.full((EPAD2 - E,), NP - 1, jnp.int32)]
    ).reshape(EPAD2 // CH, CH)
    z128 = jnp.zeros((NP, HG), jnp.float32)
    z16 = jnp.zeros((NP, LANE), jnp.float32)
    feat = x
    for p in params:
        q, k, v = _qkv(feat, p['Wq'], p['Wk'], p['Wv'])
        ft2 = _EDGE_CALL(
            k.reshape(NSC * NP, HG), q.reshape(NSC * NP, HG),
            v.reshape(NSC * NP, HG), src, dst, z128, z16)
        feat = _post(
            ft2.reshape(NSC, NP, HG), feat,
            p['g'].reshape(1, DM), p['b'].reshape(1, DM),
            p['W1'], p['b1'].reshape(1, -1), p['alpha'].reshape(1, -1),
            p['W2'], p['b2'].reshape(1, DM))
    return feat

# --- scband reference (transcript-rebuilt; emitter-appended) ---
"""Pipeline reference for scband-graph-trans-19971597926652 (READ-ONLY COPY).

The authoritative reference and input builder live on the scoring server;
editing this copy changes nothing except your own understanding.
"""

import jax, jax.numpy as jnp
import numpy as np

N = 10000
E = 160000
D_MODEL = 256
H = 8
DH = 32  # D_MODEL // H
PROP = 2
D_FF = 4 * D_MODEL


def _init_params(key):
    params = []
    for l in range(PROP):
        kl = jax.random.fold_in(key, l)
        ks = jax.random.split(kl, 8)
        s = 1.0 / np.sqrt(D_MODEL)
        sf = 1.0 / np.sqrt(D_FF)
        p = {
            'Wq': jax.random.uniform(ks[0], (D_MODEL, H * DH), minval=-s, maxval=s, dtype=jnp.float32),
            'Wk': jax.random.uniform(ks[1], (D_MODEL, H * DH), minval=-s, maxval=s, dtype=jnp.float32),
            'Wv': jax.random.uniform(ks[2], (D_MODEL, H * DH), minval=-s, maxval=s, dtype=jnp.float32),
            'g': jnp.ones((D_MODEL,), jnp.float32),
            'b': jnp.zeros((D_MODEL,), jnp.float32),
            'W1': jax.random.uniform(ks[3], (D_MODEL, D_FF), minval=-s, maxval=s, dtype=jnp.float32),
            'b1': jax.random.uniform(ks[4], (D_FF,), minval=-s, maxval=s, dtype=jnp.float32),
            'alpha': jnp.full((D_FF,), 0.25, jnp.float32),
            'W2': jax.random.uniform(ks[5], (D_FF, D_MODEL), minval=-sf, maxval=sf, dtype=jnp.float32),
            'b2': jax.random.uniform(ks[6], (D_MODEL,), minval=-sf, maxval=sf, dtype=jnp.float32),
        }
        params.append(p)
    return params


def setup_inputs(seed: int = 0) -> dict:
    key = jax.random.key(seed)
    k1, k2, k3 = jax.random.split(key, 3)
    x = jax.random.normal(k1, (N, D_MODEL), dtype=jnp.float32)
    edge_index = jax.random.randint(k2, (2, E), 0, N, dtype=jnp.int32)
    params = _init_params(k3)
    return {'x': x, 'params': params, 'edge_index': edge_index}


def _layer_norm(x, g, b):
    mu = jnp.mean(x, axis=-1, keepdims=True)
    var = jnp.mean((x - mu) ** 2, axis=-1, keepdims=True)
    return (x - mu) / jnp.sqrt(var + 1e-5) * g + b


def _gat_layer(feat, src, dst, p):
    # feat_c = feat.clone().detach() in torch -> stop_gradient
    feat_c = jax.lax.stop_gradient(feat)
    q = (feat @ p['Wq']).reshape(-1, H, DH)
    k = (feat_c @ p['Wk']).reshape(-1, H, DH)
    v = (feat_c @ p['Wv']).reshape(-1, H, DH)
    # apply_edges fn.u_dot_v('el','er','e'): el=k (src), er=q (dst)
    e = jnp.sum(k[src] * q[dst], axis=-1) / np.sqrt(H * DH)  # [E, H]
    # edge_softmax over incoming edges of each dst node
    emax = jax.ops.segment_max(e, dst, num_segments=N)
    emax = jnp.where(jnp.isfinite(emax), emax, 0.0)
    ex = jnp.exp(e - emax[dst])
    denom = jax.ops.segment_sum(ex, dst, num_segments=N)
    a = ex / jnp.maximum(denom[dst], 1e-20)  # [E, H]
    # update_all u_mul_e + sum
    m = v[src] * a[:, :, None]  # [E, H, DH]
    ft2 = jax.ops.segment_sum(m, dst, num_segments=N).reshape(-1, H * DH)
    rst = ft2 + feat
    # trans=True branch (note: original reuses ln1 twice; ln2 is unused)
    rst = _layer_norm(rst, p['g'], p['b'])
    h = rst @ p['W1'] + p['b1']
    h = jnp.where(h > 0, h, p['alpha'] * h)  # PReLU
    ffn = h @ p['W2'] + p['b2']
    rst = _layer_norm(rst + ffn, p['g'], p['b'])
    return rst


def reference(x, params, edge_index):
    src = edge_index[0]
    dst = edge_index[1]
    feat = x
    for p in params:
        feat = _gat_layer(feat, src, dst, p)
    return feat

if __name__ == "__main__":
    import jax
    _d = setup_inputs()
    print(jax.jit(kernel)(*tuple(_d.values())))

</pallas_src>

<mosaic_0001>
#map = affine_map<(d0, d1) -> (0, 0)>
module attributes {stable_mosaic.version = 14 : i64} {
  func.func @_edge_body(%arg0: i32, %arg1: i32, %arg2: memref<20480x128xf32, #tpu.memory_space<hbm>>, %arg3: memref<20480x128xf32, #tpu.memory_space<hbm>>, %arg4: memref<20480x128xf32, #tpu.memory_space<hbm>>, %arg5: memref<5120x32xi32, #tpu.memory_space<hbm>>, %arg6: memref<5120x32xi32, #tpu.memory_space<hbm>>, %arg7: memref<10240x128xf32, #tpu.memory_space<hbm>>, %arg8: memref<10240x16xf32, #tpu.memory_space<hbm>>, %arg9: memref<20480x128xf32, #tpu.memory_space<hbm>>, %arg10: memref<10240x128xf32, #tpu.memory_space<vmem_shared>>, %arg11: memref<10240x16xf32, #tpu.memory_space<vmem_shared>>, %arg12: memref<2x16x32xi32, #tpu.memory_space<vmem>>, %arg13: memref<2x16x32xi32, #tpu.memory_space<vmem>>, %arg14: memref<2x16x32xi32, #tpu.memory_space<vmem>>, %arg15: memref<2x16x32xi32, #tpu.memory_space<vmem>>, %arg16: memref<64x128xf32, #tpu.memory_space<vmem>>, %arg17: memref<64x128xf32, #tpu.memory_space<vmem>>, %arg18: memref<64x128xf32, #tpu.memory_space<vmem>>, %arg19: memref<64x16xf32, #tpu.memory_space<vmem>>, %arg20: memref<!tpu.dma_semaphore, #tpu.memory_space<semaphore_mem>>) attributes {dimension_semantics = [#tpu.dimension_semantics<core_parallel>, #tpu.dimension_semantics<subcore_parallel>], iteration_bounds = array<i64: 2, 16>, scalar_prefetch = 0 : i64, scratch_operands = 11 : i64, tpu.core_type = #tpu.core_type<sc_vector_subcore>, window_params = [{transform_indices = #map}, {transform_indices = #map}, {transform_indices = #map}, {transform_indices = #map}, {transform_indices = #map}, {transform_indices = #map}, {transform_indices = #map}, {transform_indices = #map}]} {
    %mul3A = arith.constant 10240 : i32
    %mul3A_0 = arith.muli %arg0, %mul3A : i32
    %mul3A_1 = arith.constant 640 : i32
    %mul3A_2 = arith.muli %arg1, %mul3A_1 : i32
    "tpu.region"() ({
      %run_scoped3A = tpu.sem_alloc : memref<!tpu.dma_semaphore, #tpu.memory_space<semaphore_mem>>
      %dma_start3A_70 = arith.constant 0 : i32
      %dma_start3A_71 = tpu.memref_slice %arg10[%mul3A_2, %dma_start3A_70] : memref<10240x128xf32, #tpu.memory_space<vmem_shared>> -> memref<640x128xf32, #tpu.memory_space<vmem_shared>>
      %dma_start3A_72 = arith.constant 0 : i32
      %dma_start3A_73 = tpu.memref_slice %arg7[%mul3A_2, %dma_start3A_72] : memref<10240x128xf32, #tpu.memory_space<hbm>> -> memref<640x128xf32, #tpu.memory_space<hbm>>
      tpu.enqueue_dma source(%dma_start3A_73 : memref<640x128xf32, #tpu.memory_space<hbm>>) target(%dma_start3A_71 : memref<640x128xf32, #tpu.memory_space<vmem_shared>>) target_semaphore(%run_scoped3A : memref<!tpu.dma_semaphore, #tpu.memory_space<semaphore_mem>>)
      %dma_wait3A = arith.constant 0 : i32
      %dma_wait3A_74 = tpu.memref_slice %arg10[%mul3A_2, %dma_wait3A] : memref<10240x128xf32, #tpu.memory_space<vmem_shared>> -> memref<640x128xf32, #tpu.memory_space<vmem_shared>>
      %dma_wait3A_75 = arith.constant 0 : i32
      %dma_wait3A_76 = tpu.memref_slice %arg7[%mul3A_2, %dma_wait3A_75] : memref<10240x128xf32, #tpu.memory_space<hbm>> -> memref<640x128xf32, #tpu.memory_space<hbm>>
      tpu.wait_dma2 semaphore(%run_scoped3A : memref<!tpu.dma_semaphore, #tpu.memory_space<semaphore_mem>>) src(%dma_wait3A_76 : memref<640x128xf32, #tpu.memory_space<hbm>>) dst(%dma_wait3A_74 : memref<640x128xf32, #tpu.memory_space<vmem_shared>>)
      tpu.yield
    }) : () -> ()
    "tpu.region"() ({
      %run_scoped3A = tpu.sem_alloc : memref<!tpu.dma_semaphore, #tpu.memory_space<semaphore_mem>>
      %dma_start3A_70 = arith.constant 0 : i32
      %dma_start3A_71 = tpu.memref_slice %arg11[%mul3A_2, %dma_start3A_70] : memref<10240x16xf32, #tpu.memory_space<vmem_shared>> -> memref<640x16xf32, #tpu.memory_space<vmem_shared>>
      %dma_start3A_72 = arith.constant 0 : i32
      %dma_start3A_73 = tpu.memref_slice %arg8[%mul3A_2, %dma_start3A_72] : memref<10240x16xf32, #tpu.memory_space<hbm>> -> memref<640x16xf32, #tpu.memory_space<hbm>>
      tpu.enqueue_dma source(%dma_start3A_73 : memref<640x16xf32, #tpu.memory_space<hbm>>) target(%dma_start3A_71 : memref<640x16xf32, #tpu.memory_space<vmem_shared>>) target_semaphore(%run_scoped3A : memref<!tpu.dma_semaphore, #tpu.memory_space<semaphore_mem>>)
      %dma_wait3A = arith.constant 0 : i32
      %dma_wait3A_74 = tpu.memref_slice %arg11[%mul3A_2, %dma_wait3A] : memref<10240x16xf32, #tpu.memory_space<vmem_shared>> -> memref<640x16xf32, #tpu.memory_space<vmem_shared>>
      %dma_wait3A_75 = arith.constant 0 : i32
      %dma_wait3A_76 = tpu.memref_slice %arg8[%mul3A_2, %dma_wait3A_75] : memref<10240x16xf32, #tpu.memory_space<hbm>> -> memref<640x16xf32, #tpu.memory_space<hbm>>
      tpu.wait_dma2 semaphore(%run_scoped3A : memref<!tpu.dma_semaphore, #tpu.memory_space<semaphore_mem>>) src(%dma_wait3A_76 : memref<640x16xf32, #tpu.memory_space<hbm>>) dst(%dma_wait3A_74 : memref<640x16xf32, #tpu.memory_space<vmem_shared>>)
      tpu.yield
    }) : () -> ()
    %barrier3A = arith.constant 0 : index
    tpu.barrier barrier_id(%barrier3A)
    %iota3A = tpu.iota {dimensions = array<i32: 0>} : vector<16xi32>
    %mul3A_3 = arith.constant 10048 : i32
    %mul3A_4 = arith.muli %arg1, %mul3A_3 : i32
    %broadcast_in_dim3A = arith.constant 0.000000e+00 : f32
    %broadcast_in_dim3A_5 = vector.broadcast %broadcast_in_dim3A : f32 to vector<16xf32>
    %scan3A = arith.constant 0 : i32
    %scan3A_6 = arith.constant 0 : i32
    %scan3A_7 = arith.constant 64 : i32
    %scan3A_8 = arith.addi %scan3A_6, %scan3A_7 : i32
    %scan3A_9 = arith.constant 1 : i32
    scf.for %scan3A_70 = %scan3A_6 to %scan3A_8 step %scan3A_9  : i32 {
      %swap3A = arith.index_cast %scan3A_70 : i32 to index
      %swap3A_71 = arith.constant 0 : index
      %swap3A_72 = tpu.vector_load %arg19[%swap3A, %swap3A_71] {strides = array<i32>} : memref<64x16xf32, #tpu.memory_space<vmem>>, vector<16xf32>,
      tpu.vector_store %arg19[%swap3A, %swap3A_71], %broadcast_in_dim3A_5 {strides = array<i32>} : memref<64x16xf32, #tpu.memory_space<vmem>>, vector<16xf32>,
    }
    %scan3A_10 = arith.constant 64 : i32
    %and3A = arith.constant 0 : i32
    %and3A_11 = arith.constant 1 : i32
    %and3A_12 = arith.andi %and3A, %and3A_11 : i32
    %mul3A_13 = arith.constant 314 : i32
    %mul3A_14 = arith.muli %arg1, %mul3A_13 : i32
    %mul3A_15 = arith.constant 0 : i32
    %mul3A_16 = arith.constant 16 : i32
    %mul3A_17 = arith.muli %mul3A_15, %mul3A_16 : i32
    %add3A = arith.addi %mul3A_14, %mul3A_17 : i32
    "tpu.region"() ({
      %run_scoped3A = tpu.sem_alloc : memref<!tpu.dma_semaphore, #tpu.memory_space<semaphore_mem>>
      %dma_start3A_70 = arith.constant 0 : i32
      %dma_start3A_71 = arith.constant 0 : i32
      %dma_start3A_72 = tpu.memref_slice %arg12[%and3A_12, %dma_start3A_70, %dma_start3A_71] : memref<2x16x32xi32, #tpu.memory_space<vmem>> -> memref<1x16x32xi32, #tpu.memory_space<vmem>>
      %dma_start3A_73 = tpu.memref_squeeze %dma_start3A_72 : memref<1x16x32xi32, #tpu.memory_space<vmem>> -> memref<16x32xi32, #tpu.memory_space<vmem>>
      %dma_start3A_74 = arith.constant 0 : i32
      %dma_start3A_75 = tpu.memref_slice %arg5[%add3A, %dma_start3A_74] : memref<5120x32xi32, #tpu.memory_space<hbm>> -> memref<16x32xi32, #tpu.memory_space<hbm>>
      %dma_start3A_76 = arith.constant 0 : i32
      %dma_start3A_77 = arith.constant 0 : i32
      %dma_start3A_78 = tpu.memref_slice %arg12[%and3A_12, %dma_start3A_76, %dma_start3A_77] : memref<2x16x32xi32, #tpu.memory_space<vmem>> -> memref<1x16x32xi32, #tpu.memory_space<vmem>>
      %dma_start3A_79 = tpu.memref_squeeze %dma_start3A_78 : memref<1x16x32xi32, #tpu.memory_space<vmem>> -> memref<16x32xi32, #tpu.memory_space<vmem>>
      %dma_start3A_80 = arith.constant 0 : i32
      %dma_start3A_81 = tpu.memref_slice %arg5[%add3A, %dma_start3A_80] : memref<5120x32xi32, #tpu.memory_space<hbm>> -> memref<16x32xi32, #tpu.memory_space<hbm>>
      tpu.enqueue_dma source(%dma_start3A_81 : memref<16x32xi32, #tpu.memory_space<hbm>>) target(%dma_start3A_79 : memref<16x32xi32, #tpu.memory_space<vmem>>) target_semaphore(%run_scoped3A : memref<!tpu.dma_semaphore, #tpu.memory_space<semaphore_mem>>)
      %dma_wait3A = arith.constant 0 : i32
      %dma_wait3A_82 = arith.constant 0 : i32
      %dma_wait3A_83 = tpu.memref_slice %arg12[%and3A_12, %dma_wait3A, %dma_wait3A_82] : memref<2x16x32xi32, #tpu.memory_space<vmem>> -> memref<1x16x32xi32, #tpu.memory_space<vmem>>
      %dma_wait3A_84 = tpu.memref_squeeze %dma_wait3A_83 : memref<1x16x32xi32, #tpu.memory_space<vmem>> -> memref<16x32xi32, #tpu.memory_space<vmem>>
      %dma_wait3A_85 = arith.constant 0 : i32
      %dma_wait3A_86 = tpu.memref_slice %arg5[%add3A, %dma_wait3A_85] : memref<5120x32xi32, #tpu.memory_space<hbm>> -> memref<16x32xi32, #tpu.memory_space<hbm>>
      %dma_wait3A_87 = arith.constant 0 : i32
      %dma_wait3A_88 = arith.constant 0 : i32
      %dma_wait3A_89 = tpu.memref_slice %arg12[%and3A_12, %dma_wait3A_87, %dma_wait3A_88] : memref<2x16x32xi32, #tpu.memory_space<vmem>> -> memref<1x16x32xi32, #tpu.memory_space<vmem>>
      %dma_wait3A_90 = tpu.memref_squeeze %dma_wait3A_89 : memref<1x16x32xi32, #tpu.memory_space<vmem>> -> memref<16x32xi32, #tpu.memory_space<vmem>>
      %dma_wait3A_91 = arith.constant 0 : i32
      %dma_wait3A_92 = tpu.memref_slice %arg5[%add3A, %dma_wait3A_91] : memref<5120x32xi32, #tpu.memory_space<hbm>> -> memref<16x32xi32, #tpu.memory_space<hbm>>
      tpu.wait_dma2 semaphore(%run_scoped3A : memref<!tpu.dma_semaphore, #tpu.memory_space<semaphore_mem>>) src(%dma_wait3A_92 : memref<16x32xi32, #tpu.memory_space<hbm>>) dst(%dma_wait3A_90 : memref<16x32xi32, #tpu.memory_space<vmem>>)
      tpu.yield
    }) : () -> ()
    "tpu.region"() ({
      %run_scoped3A = tpu.sem_alloc : memref<!tpu.dma_semaphore, #tpu.memory_space<semaphore_mem>>
      %dma_start3A_70 = arith.constant 0 : i32
      %dma_start3A_71 = arith.constant 0 : i32
      %dma_start3A_72 = tpu.memref_slice %arg13[%and3A_12, %dma_start3A_70, %dma_start3A_71] : memref<2x16x32xi32, #tpu.memory_space<vmem>> -> memref<1x16x32xi32, #tpu.memory_space<vmem>>
      %dma_start3A_73 = tpu.memref_squeeze %dma_start3A_72 : memref<1x16x32xi32, #tpu.memory_space<vmem>> -> memref<16x32xi32, #tpu.memory_space<vmem>>
      %dma_start3A_74 = arith.constant 0 : i32
      %dma_start3A_75 = tpu.memref_slice %arg6[%add3A, %dma_start3A_74] : memref<5120x32xi32, #tpu.memory_space<hbm>> -> memref<16x32xi32, #tpu.memory_space<hbm>>
      %dma_start3A_76 = arith.constant 0 : i32
      %dma_start3A_77 = arith.constant 0 : i32
      %dma_start3A_78 = tpu.memref_slice %arg13[%and3A_12, %dma_start3A_76, %dma_start3A_77] : memref<2x16x32xi32, #tpu.memory_space<vmem>> -> memref<1x16x32xi32, #tpu.memory_space<vmem>>
      %dma_start3A_79 = tpu.memref_squeeze %dma_start3A_78 : memref<1x16x32xi32, #tpu.memory_space<vmem>> -> memref<16x32xi32, #tpu.memory_space<vmem>>
      %dma_start3A_80 = arith.constant 0 : i32
      %dma_start3A_81 = tpu.memref_slice %arg6[%add3A, %dma_start3A_80] : memref<5120x32xi32, #tpu.memory_space<hbm>> -> memref<16x32xi32, #tpu.memory_space<hbm>>
      tpu.enqueue_dma source(%dma_start3A_81 : memref<16x32xi32, #tpu.memory_space<hbm>>) target(%dma_start3A_79 : memref<16x32xi32, #tpu.memory_space<vmem>>) target_semaphore(%run_scoped3A : memref<!tpu.dma_semaphore, #tpu.memory_space<semaphore_mem>>)
      %dma_wait3A = arith.constant 0 : i32
      %dma_wait3A_82 = arith.constant 0 : i32
      %dma_wait3A_83 = tpu.memref_slice %arg13[%and3A_12, %dma_wait3A, %dma_wait3A_82] : memref<2x16x32xi32, #tpu.memory_space<vmem>> -> memref<1x16x32xi32, #tpu.memory_space<vmem>>
      %dma_wait3A_84 = tpu.memref_squeeze %dma_wait3A_83 : memref<1x16x32xi32, #tpu.memory_space<vmem>> -> memref<16x32xi32, #tpu.memory_space<vmem>>
      %dma_wait3A_85 = arith.constant 0 : i32
      %dma_wait3A_86 = tpu.memref_slice %arg6[%add3A, %dma_wait3A_85] : memref<5120x32xi32, #tpu.memory_space<hbm>> -> memref<16x32xi32, #tpu.memory_space<hbm>>
      %dma_wait3A_87 = arith.constant 0 : i32
      %dma_wait3A_88 = arith.constant 0 : i32
      %dma_wait3A_89 = tpu.memref_slice %arg13[%and3A_12, %dma_wait3A_87, %dma_wait3A_88] : memref<2x16x32xi32, #tpu.memory_space<vmem>> -> memref<1x16x32xi32, #tpu.memory_space<vmem>>
      %dma_wait3A_90 = tpu.memref_squeeze %dma_wait3A_89 : memref<1x16x32xi32, #tpu.memory_space<vmem>> -> memref<16x32xi32, #tpu.memory_space<vmem>>
      %dma_wait3A_91 = arith.constant 0 : i32
      %dma_wait3A_92 = tpu.memref_slice %arg6[%add3A, %dma_wait3A_91] : memref<5120x32xi32, #tpu.memory_space<hbm>> -> memref<16x32xi32, #tpu.memory_space<hbm>>
      tpu.wait_dma2 semaphore(%run_scoped3A : memref<!tpu.dma_semaphore, #tpu.memory_space<semaphore_mem>>) src(%dma_wait3A_92 : memref<16x32xi32, #tpu.memory_space<hbm>>) dst(%dma_wait3A_90 : memref<16x32xi32, #tpu.memory_space<vmem>>)
      tpu.yield
    }) : () -> ()
    %scan3A_18 = arith.constant 0 : i32
    %scan3A_19 = arith.constant 0 : i32
    %scan3A_20 = arith.constant 16 : i32
    %scan3A_21 = arith.addi %scan3A_19, %scan3A_20 : i32
    %scan3A_22 = arith.constant 1 : i32
    scf.for %scan3A_70 = %scan3A_19 to %scan3A_21 step %scan3A_22  : i32 {
      %get3A = arith.index_cast %and3A_12 : i32 to index
      %get3A_71 = arith.index_cast %scan3A_70 : i32 to index
      %get3A_72 = arith.constant 0 : index
      %get3A_73 = tpu.vector_load %arg12[%get3A, %get3A_71, %get3A_72] {strides = array<i32>} : memref<2x16x32xi32, #tpu.memory_space<vmem>>, vector<16xi32>,
      %add3A_74 = vector.broadcast %mul3A_0 : i32 to vector<16xi32>
      %add3A_75 = arith.addi %get3A_73, %add3A_74 : vector<16xi32>
      %swap3A = arith.index_cast %and3A_12 : i32 to index
      %swap3A_76 = arith.index_cast %scan3A_70 : i32 to index
      %swap3A_77 = arith.constant 0 : index
      %swap3A_78 = tpu.vector_load %arg14[%swap3A, %swap3A_76, %swap3A_77] {strides = array<i32>} : memref<2x16x32xi32, #tpu.memory_space<vmem>>, vector<16xi32>,
      tpu.vector_store %arg14[%swap3A, %swap3A_76, %swap3A_77], %add3A_75 {strides = array<i32>} : memref<2x16x32xi32, #tpu.memory_space<vmem>>, vector<16xi32>,
      %get3A_79 = arith.index_cast %and3A_12 : i32 to index
      %get3A_80 = arith.index_cast %scan3A_70 : i32 to index
      %get3A_81 = arith.constant 0 : index
      %get3A_82 = tpu.vector_load %arg13[%get3A_79, %get3A_80, %get3A_81] {strides = array<i32>} : memref<2x16x32xi32, #tpu.memory_space<vmem>>, vector<16xi32>,
      %add3A_83 = vector.broadcast %mul3A_0 : i32 to vector<16xi32>
      %add3A_84 = arith.addi %get3A_82, %add3A_83 : vector<16xi32>
      %swap3A_85 = arith.index_cast %and3A_12 : i32 to index
      %swap3A_86 = arith.index_cast %scan3A_70 : i32 to index
      %swap3A_87 = arith.constant 0 : index
      %swap3A_88 = tpu.vector_load %arg15[%swap3A_85, %swap3A_86, %swap3A_87] {strides = array<i32>} : memref<2x16x32xi32, #tpu.memory_space<vmem>>, vector<16xi32>,
      tpu.vector_store %arg15[%swap3A_85, %swap3A_86, %swap3A_87], %add3A_84 {strides = array<i32>} : memref<2x16x32xi32, #tpu.memory_space<vmem>>, vector<16xi32>,
      %get3A_89 = arith.index_cast %and3A_12 : i32 to index
      %get3A_90 = arith.index_cast %scan3A_70 : i32 to index
      %get3A_91 = arith.constant 16 : index
      %get3A_92 = tpu.vector_load %arg12[%get3A_89, %get3A_90, %get3A_91] {strides = array<i32>} : memref<2x16x32xi32, #tpu.memory_space<vmem>>, vector<16xi32>,
      %add3A_93 = vector.broadcast %mul3A_0 : i32 to vector<16xi32>
      %add3A_94 = arith.addi %get3A_92, %add3A_93 : vector<16xi32>
      %swap3A_95 = arith.index_cast %and3A_12 : i32 to index
      %swap3A_96 = arith.index_cast %scan3A_70 : i32 to index
      %swap3A_97 = arith.constant 16 : index
      %swap3A_98 = tpu.vector_load %arg14[%swap3A_95, %swap3A_96, %swap3A_97] {strides = array<i32>} : memref<2x16x32xi32, #tpu.memory_space<vmem>>, vector<16xi32>,
      tpu.vector_store %arg14[%swap3A_95, %swap3A_96, %swap3A_97], %add3A_94 {strides = array<i32>} : memref<2x16x32xi32, #tpu.memory_space<vmem>>, vector<16xi32>,
      %get3A_99 = arith.index_cast %and3A_12 : i32 to index
      %get3A_100 = arith.index_cast %scan3A_70 : i32 to index
      %get3A_101 = arith.constant 16 : index
      %get3A_102 = tpu.vector_load %arg13[%get3A_99, %get3A_100, %get3A_101] {strides = array<i32>} : memref<2x16x32xi32, #tpu.memory_space<vmem>>, vector<16xi32>,
      %add3A_103 = vector.broadcast %mul3A_0 : i32 to vector<16xi32>
      %add3A_104 = arith.addi %get3A_102, %add3A_103 : vector<16xi32>
      %swap3A_105 = arith.index_cast %and3A_12 : i32 to index
      %swap3A_106 = arith.index_cast %scan3A_70 : i32 to index
      %swap3A_107 = arith.constant 16 : index
      %swap3A_108 = tpu.vector_load %arg15[%swap3A_105, %swap3A_106, %swap3A_107] {strides = array<i32>} : memref<2x16x32xi32, #tpu.memory_space<vmem>>, vector<16xi32>,
      tpu.vector_store %arg15[%swap3A_105, %swap3A_106, %swap3A_107], %add3A_104 {strides = array<i32>} : memref<2x16x32xi32, #tpu.memory_space<vmem>>, vector<16xi32>,
    }
    %scan3A_23 = arith.constant 16 : i32
    %shift_right_arithmetic3A = arith.constant 0 : i32
    %shift_right_arithmetic3A_24 = arith.constant 4 : i32
    %shift_right_arithmetic3A_25 = arith.shrsi %shift_right_arithmetic3A, %shift_right_arithmetic3A_24 : i32
    %and3A_26 = arith.constant 1 : i32
    %and3A_27 = arith.andi %shift_right_arithmetic3A_25, %and3A_26 : i32
    %and3A_28 = arith.constant 0 : i32
    %and3A_29 = arith.constant 15 : i32
    %and3A_30 = arith.andi %and3A_28, %and3A_29 : i32
    %dma_start3A = arith.constant 0 : i32
    %dma_start3A_31 = arith.constant 0 : i32
    %dma_start3A_32 = tpu.memref_slice %arg16[%dma_start3A, %dma_start3A_31] : memref<64x128xf32, #tpu.memory_space<vmem>> -> memref<32x128xf32, #tpu.memory_space<vmem>>
    %dma_start3A_33 = arith.constant 0 : i32
    %dma_start3A_34 = tpu.memref_slice %arg14[%and3A_27, %and3A_30, %dma_start3A_33] : memref<2x16x32xi32, #tpu.memory_space<vmem>> -> memref<1x1x32xi32, #tpu.memory_space<vmem>>
    %dma_start3A_35 = tpu.memref_squeeze %dma_start3A_34 : memref<1x1x32xi32, #tpu.memory_space<vmem>> -> memref<32xi32, #tpu.memory_space<vmem>>
    %dma_start3A_36 = arith.constant 0 : i32
    %dma_start3A_37 = arith.constant 0 : i32
    %dma_start3A_38 = tpu.memref_slice %arg2[%dma_start3A_36, %dma_start3A_37] : memref<20480x128xf32, #tpu.memory_space<hbm>> -> memref<20480x128xf32, #tpu.memory_space<hbm>>
    tpu.enqueue_indirect_dma source(%dma_start3A_38 : memref<20480x128xf32, #tpu.memory_space<hbm>>) target(%dma_start3A_32 : memref<32x128xf32, #tpu.memory_space<vmem>>) offsets(%dma_start3A_35 : memref<32xi32, #tpu.memory_space<vmem>>) semaphore(%arg20 : memref<!tpu.dma_semaphore, #tpu.memory_space<semaphore_mem>>)
    %dma_start3A_39 = arith.constant 0 : i32
    %dma_start3A_40 = arith.constant 0 : i32
    %dma_start3A_41 = tpu.memref_slice %arg17[%dma_start3A_39, %dma_start3A_40] : memref<64x128xf32, #tpu.memory_space<vmem>> -> memref<32x128xf32, #tpu.memory_space<vmem>>
    %dma_start3A_42 = arith.constant 0 : i32
    %dma_start3A_43 = tpu.memref_slice %arg15[%and3A_27, %and3A_30, %dma_start3A_42] : memref<2x16x32xi32, #tpu.memory_space<vmem>> -> memref<1x1x32xi32, #tpu.memory_space<vmem>>
    %dma_start3A_44 = tpu.memref_squeeze %dma_start3A_43 : memref<1x1x32xi32, #tpu.memory_space<vmem>> -> memref<32xi32, #tpu.memory_space<vmem>>
    %dma_start3A_45 = arith.constant 0 : i32
    %dma_start3A_46 = arith.constant 0 : i32
    %dma_start3A_47 = tpu.memref_slice %arg3[%dma_start3A_45, %dma_start3A_46] : memref<20480x128xf32, #tpu.memory_space<hbm>> -> memref<20480x128xf32, #tpu.memory_space<hbm>>
    tpu.enqueue_indirect_dma source(%dma_start3A_47 : memref<20480x128xf32, #tpu.memory_space<hbm>>) target(%dma_start3A_41 : memref<32x128xf32, #tpu.memory_space<vmem>>) offsets(%dma_start3A_44 : memref<32xi32, #tpu.memory_space<vmem>>) semaphore(%arg20 : memref<!tpu.dma_semaphore, #tpu.memory_space<semaphore_mem>>)
    %dma_start3A_48 = arith.constant 0 : i32
    %dma_start3A_49 = arith.constant 0 : i32
    %dma_start3A_50 = tpu.memref_slice %arg18[%dma_start3A_48, %dma_start3A_49] : memref<64x128xf32, #tpu.memory_space<vmem>> -> memref<32x128xf32, #tpu.memory_space<vmem>>
    %dma_start3A_51 = arith.constant 0 : i32
    %dma_start3A_52 = tpu.memref_slice %arg14[%and3A_27, %and3A_30, %dma_start3A_51] : memref<2x16x32xi32, #tpu.memory_space<vmem>> -> memref<1x1x32xi32, #tpu.memory_space<vmem>>
    %dma_start3A_53 = tpu.memref_squeeze %dma_start3A_52 : memref<1x1x32xi32, #tpu.memory_space<vmem>> -> memref<32xi32, #tpu.memory_space<vmem>>
    %dma_start3A_54 = arith.constant 0 : i32
    %dma_start3A_55 = arith.constant 0 : i32
    %dma_start3A_56 = tpu.memref_slice %arg4[%dma_start3A_54, %dma_start3A_55] : memref<20480x128xf32, #tpu.memory_space<hbm>> -> memref<20480x128xf32, #tpu.memory_space<hbm>>
    tpu.enqueue_indirect_dma source(%dma_start3A_56 : memref<20480x128xf32, #tpu.memory_space<hbm>>) target(%dma_start3A_50 : memref<32x128xf32, #tpu.memory_space<vmem>>) offsets(%dma_start3A_53 : memref<32xi32, #tpu.memory_space<vmem>>) semaphore(%arg20 : memref<!tpu.dma_semaphore, #tpu.memory_space<semaphore_mem>>)
    %scan3A_57 = arith.constant 0 : i32
    %scan3A_58 = arith.constant 0 : i32
    %scan3A_59 = arith.constant 314 : i32
    %scan3A_60 = arith.addi %scan3A_58, %scan3A_59 : i32
    %scan3A_61 = arith.constant 1 : i32
    scf.for %scan3A_70 = %scan3A_58 to %scan3A_60 step %scan3A_61  : i32 {
      %and3A_71 = arith.constant 1 : i32
      %and3A_72 = arith.andi %scan3A_70, %and3A_71 : i32
      %mul3A_73 = arith.constant 32 : i32
      %mul3A_74 = arith.muli %and3A_72, %mul3A_73 : i32
      %shift_right_arithmetic3A_75 = arith.constant 4 : i32
      %shift_right_arithmetic3A_76 = arith.shrsi %scan3A_70, %shift_right_arithmetic3A_75 : i32
      %and3A_77 = arith.constant 1 : i32
      %and3A_78 = arith.andi %shift_right_arithmetic3A_76, %and3A_77 : i32
      %and3A_79 = arith.constant 15 : i32
      %and3A_80 = arith.andi %scan3A_70, %and3A_79 : i32
      %dma_wait3A = arith.constant 0 : i32
      %dma_wait3A_81 = tpu.memref_slice %arg16[%mul3A_74, %dma_wait3A] : memref<64x128xf32, #tpu.memory_space<vmem>> -> memref<32x128xf32, #tpu.memory_space<vmem>>
      %dma_wait3A_82 = arith.constant 0 : i32
      %dma_wait3A_83 = arith.constant 0 : i32
      %dma_wait3A_84 = tpu.memref_slice %arg2[%dma_wait3A_82, %dma_wait3A_83] : memref<20480x128xf32, #tpu.memory_space<hbm>> -> memref<32x128xf32, #tpu.memory_space<hbm>>
      %dma_wait3A_85 = arith.constant 0 : i32
      %dma_wait3A_86 = tpu.memref_slice %arg16[%mul3A_74, %dma_wait3A_85] : memref<64x128xf32, #tpu.memory_space<vmem>> -> memref<32x128xf32, #tpu.memory_space<vmem>>
      %dma_wait3A_87 = arith.constant 0 : i32
      %dma_wait3A_88 = arith.constant 0 : i32
      %dma_wait3A_89 = tpu.memref_slice %arg2[%dma_wait3A_87, %dma_wait3A_88] : memref<20480x128xf32, #tpu.memory_space<hbm>> -> memref<32x128xf32, #tpu.memory_space<hbm>>
      tpu.wait_dma2 semaphore(%arg20 : memref<!tpu.dma_semaphore, #tpu.memory_space<semaphore_mem>>) src(%dma_wait3A_89 : memref<32x128xf32, #tpu.memory_space<hbm>>) dst(%dma_wait3A_86 : memref<32x128xf32, #tpu.memory_space<vmem>>)
      %dma_wait3A_90 = arith.constant 0 : i32
      %dma_wait3A_91 = tpu.memref_slice %arg17[%mul3A_74, %dma_wait3A_90] : memref<64x128xf32, #tpu.memory_space<vmem>> -> memref<32x128xf32, #tpu.memory_space<vmem>>
      %dma_wait3A_92 = arith.constant 0 : i32
      %dma_wait3A_93 = arith.constant 0 : i32
      %dma_wait3A_94 = tpu.memref_slice %arg3[%dma_wait3A_92, %dma_wait3A_93] : memref<20480x128xf32, #tpu.memory_space<hbm>> -> memref<32x128xf32, #tpu.memory_space<hbm>>
      %dma_wait3A_95 = arith.constant 0 : i32
      %dma_wait3A_96 = tpu.memref_slice %arg17[%mul3A_74, %dma_wait3A_95] : memref<64x128xf32, #tpu.memory_space<vmem>> -> memref<32x128xf32, #tpu.memory_space<vmem>>
      %dma_wait3A_97 = arith.constant 0 : i32
      %dma_wait3A_98 = arith.constant 0 : i32
      %dma_wait3A_99 = tpu.memref_slice %arg3[%dma_wait3A_97, %dma_wait3A_98] : memref<20480x128xf32, #tpu.memory_space<hbm>> -> memref<32x128xf32, #tpu.memory_space<hbm>>
      tpu.wait_dma2 semaphore(%arg20 : memref<!tpu.dma_semaphore, #tpu.memory_space<semaphore_mem>>) src(%dma_wait3A_99 : memref<32x128xf32, #tpu.memory_space<hbm>>) dst(%dma_wait3A_96 : memref<32x128xf32, #tpu.memory_space<vmem>>)
      %dma_wait3A_100 = arith.constant 0 : i32
      %dma_wait3A_101 = tpu.memref_slice %arg18[%mul3A_74, %dma_wait3A_100] : memref<64x128xf32, #tpu.memory_space<vmem>> -> memref<32x128xf32, #tpu.memory_space<vmem>>
      %dma_wait3A_102 = arith.constant 0 : i32
      %dma_wait3A_103 = arith.constant 0 : i32
      %dma_wait3A_104 = tpu.memref_slice %arg4[%dma_wait3A_102, %dma_wait3A_103] : memref<20480x128xf32, #tpu.memory_space<hbm>> -> memref<32x128xf32, #tpu.memory_space<hbm>>
      %dma_wait3A_105 = arith.constant 0 : i32
      %dma_wait3A_106 = tpu.memref_slice %arg18[%mul3A_74, %dma_wait3A_105] : memref<64x128xf32, #tpu.memory_space<vmem>> -> memref<32x128xf32, #tpu.memory_space<vmem>>
      %dma_wait3A_107 = arith.constant 0 : i32
      %dma_wait3A_108 = arith.constant 0 : i32
      %dma_wait3A_109 = tpu.memref_slice %arg4[%dma_wait3A_107, %dma_wait3A_108] : memref<20480x128xf32, #tpu.memory_space<hbm>> -> memref<32x128xf32, #tpu.memory_space<hbm>>
      tpu.wait_dma2 semaphore(%arg20 : memref<!tpu.dma_semaphore, #tpu.memory_space<semaphore_mem>>) src(%dma_wait3A_109 : memref<32x128xf32, #tpu.memory_space<hbm>>) dst(%dma_wait3A_106 : memref<32x128xf32, #tpu.memory_space<vmem>>)
      %eq3A = arith.constant 0 : i32
      %eq3A_110 = arith.cmpi eq, %and3A_80, %eq3A : i32
      %convert_element_type3A = arith.extui %eq3A_110 : i1 to i32
      %cond3A = arith.constant 0 : i32
      %cond3A_111 = arith.cmpi ne, %convert_element_type3A, %cond3A : i32
      scf.if %cond3A_111 {
        %add3A_199 = arith.constant 1 : i32
        %add3A_200 = arith.addi %shift_right_arithmetic3A_76, %add3A_199 : i32
        %and3A_201 = arith.constant 1 : i32
        %and3A_202 = arith.andi %add3A_200, %and3A_201 : i32
        %mul3A_203 = arith.constant 314 : i32
        %mul3A_204 = arith.muli %arg1, %mul3A_203 : i32
        %mul3A_205 = arith.constant 16 : i32
        %mul3A_206 = arith.muli %add3A_200, %mul3A_205 : i32
        %add3A_207 = arith.addi %mul3A_204, %mul3A_206 : i32
        "tpu.region"() ({
          %run_scoped3A = tpu.sem_alloc : memref<!tpu.dma_semaphore, #tpu.memory_space<semaphore_mem>>
          %dma_start3A_214 = arith.constant 0 : i32
          %dma_start3A_215 = arith.constant 0 : i32
          %dma_start3A_216 = tpu.memref_slice %arg12[%and3A_202, %dma_start3A_214, %dma_start3A_215] : memref<2x16x32xi32, #tpu.memory_space<vmem>> -> memref<1x16x32xi32, #tpu.memory_space<vmem>>
          %dma_start3A_217 = tpu.memref_squeeze %dma_start3A_216 : memref<1x16x32xi32, #tpu.memory_space<vmem>> -> memref<16x32xi32, #tpu.memory_space<vmem>>
          %dma_start3A_218 = arith.constant 0 : i32
          %dma_start3A_219 = tpu.memref_slice %arg5[%add3A_207, %dma_start3A_218] : memref<5120x32xi32, #tpu.memory_space<hbm>> -> memref<16x32xi32, #tpu.memory_space<hbm>>
          %dma_start3A_220 = arith.constant 0 : i32
          %dma_start3A_221 = arith.constant 0 : i32
          %dma_start3A_222 = tpu.memref_slice %arg12[%and3A_202, %dma_start3A_220, %dma_start3A_221] : memref<2x16x32xi32, #tpu.memory_space<vmem>> -> memref<1x16x32xi32, #tpu.memory_space<vmem>>
          %dma_start3A_223 = tpu.memref_squeeze %dma_start3A_222 : memref<1x16x32xi32, #tpu.memory_space<vmem>> -> memref<16x32xi32, #tpu.memory_space<vmem>>
          %dma_start3A_224 = arith.constant 0 : i32
          %dma_start3A_225 = tpu.memref_slice %arg5[%add3A_207, %dma_start3A_224] : memref<5120x32xi32, #tpu.memory_space<hbm>> -> memref<16x32xi32, #tpu.memory_space<hbm>>
          tpu.enqueue_dma source(%dma_start3A_225 : memref<16x32xi32, #tpu.memory_space<hbm>>) target(%dma_start3A_223 : memref<16x32xi32, #tpu.memory_space<vmem>>) target_semaphore(%run_scoped3A : memref<!tpu.dma_semaphore, #tpu.memory_space<semaphore_mem>>)
          %dma_wait3A_226 = arith.constant 0 : i32
          %dma_wait3A_227 = arith.constant 0 : i32
          %dma_wait3A_228 = tpu.memref_slice %arg12[%and3A_202, %dma_wait3A_226, %dma_wait3A_227] : memref<2x16x32xi32, #tpu.memory_space<vmem>> -> memref<1x16x32xi32, #tpu.memory_space<vmem>>
          %dma_wait3A_229 = tpu.memref_squeeze %dma_wait3A_228 : memref<1x16x32xi32, #tpu.memory_space<vmem>> -> memref<16x32xi32, #tpu.memory_space<vmem>>
          %dma_wait3A_230 = arith.constant 0 : i32
          %dma_wait3A_231 = tpu.memref_slice %arg5[%add3A_207, %dma_wait3A_230] : memref<5120x32xi32, #tpu.memory_space<hbm>> -> memref<16x32xi32, #tpu.memory_space<hbm>>
          %dma_wait3A_232 = arith.constant 0 : i32
          %dma_wait3A_233 = arith.constant 0 : i32
          %dma_wait3A_234 = tpu.memref_slice %arg12[%and3A_202, %dma_wait3A_232, %dma_wait3A_233] : memref<2x16x32xi32, #tpu.memory_space<vmem>> -> memref<1x16x32xi32, #tpu.memory_space<vmem>>
          %dma_wait3A_235 = tpu.memref_squeeze %dma_wait3A_234 : memref<1x16x32xi32, #tpu.memory_space<vmem>> -> memref<16x32xi32, #tpu.memory_space<vmem>>
          %dma_wait3A_236 = arith.constant 0 : i32
          %dma_wait3A_237 = tpu.memref_slice %arg5[%add3A_207, %dma_wait3A_236] : memref<5120x32xi32, #tpu.memory_space<hbm>> -> memref<16x32xi32, #tpu.memory_space<hbm>>
          tpu.wait_dma2 semaphore(%run_scoped3A : memref<!tpu.dma_semaphore, #tpu.memory_space<semaphore_mem>>) src(%dma_wait3A_237 : memref<16x32xi32, #tpu.memory_space<hbm>>) dst(%dma_wait3A_235 : memref<16x32xi32, #tpu.memory_space<vmem>>)
          tpu.yield
        }) : () -> ()
        "tpu.region"() ({
          %run_scoped3A = tpu.sem_alloc : memref<!tpu.dma_semaphore, #tpu.memory_space<semaphore_mem>>
          %dma_start3A_214 = arith.constant 0 : i32
          %dma_start3A_215 = arith.constant 0 : i32
          %dma_start3A_216 = tpu.memref_slice %arg13[%and3A_202, %dma_start3A_214, %dma_start3A_215] : memref<2x16x32xi32, #tpu.memory_space<vmem>> -> memref<1x16x32xi32, #tpu.memory_space<vmem>>
          %dma_start3A_217 = tpu.memref_squeeze %dma_start3A_216 : memref<1x16x32xi32, #tpu.memory_space<vmem>> -> memref<16x32xi32, #tpu.memory_space<vmem>>
          %dma_start3A_218 = arith.constant 0 : i32
          %dma_start3A_219 = tpu.memref_slice %arg6[%add3A_207, %dma_start3A_218] : memref<5120x32xi32, #tpu.memory_space<hbm>> -> memref<16x32xi32, #tpu.memory_space<hbm>>
          %dma_start3A_220 = arith.constant 0 : i32
          %dma_start3A_221 = arith.constant 0 : i32
          %dma_start3A_222 = tpu.memref_slice %arg13[%and3A_202, %dma_start3A_220, %dma_start3A_221] : memref<2x16x32xi32, #tpu.memory_space<vmem>> -> memref<1x16x32xi32, #tpu.memory_space<vmem>>
          %dma_start3A_223 = tpu.memref_squeeze %dma_start3A_222 : memref<1x16x32xi32, #tpu.memory_space<vmem>> -> memref<16x32xi32, #tpu.memory_space<vmem>>
          %dma_start3A_224 = arith.constant 0 : i32
          %dma_start3A_225 = tpu.memref_slice %arg6[%add3A_207, %dma_start3A_224] : memref<5120x32xi32, #tpu.memory_space<hbm>> -> memref<16x32xi32, #tpu.memory_space<hbm>>
          tpu.enqueue_dma source(%dma_start3A_225 : memref<16x32xi32, #tpu.memory_space<hbm>>) target(%dma_start3A_223 : memref<16x32xi32, #tpu.memory_space<vmem>>) target_semaphore(%run_scoped3A : memref<!tpu.dma_semaphore, #tpu.memory_space<semaphore_mem>>)
          %dma_wait3A_226 = arith.constant 0 : i32
          %dma_wait3A_227 = arith.constant 0 : i32
          %dma_wait3A_228 = tpu.memref_slice %arg13[%and3A_202, %dma_wait3A_226, %dma_wait3A_227] : memref<2x16x32xi32, #tpu.memory_space<vmem>> -> memref<1x16x32xi32, #tpu.memory_space<vmem>>
          %dma_wait3A_229 = tpu.memref_squeeze %dma_wait3A_228 : memref<1x16x32xi32, #tpu.memory_space<vmem>> -> memref<16x32xi32, #tpu.memory_space<vmem>>
          %dma_wait3A_230 = arith.constant 0 : i32
          %dma_wait3A_231 = tpu.memref_slice %arg6[%add3A_207, %dma_wait3A_230] : memref<5120x32xi32, #tpu.memory_space<hbm>> -> memref<16x32xi32, #tpu.memory_space<hbm>>
          %dma_wait3A_232 = arith.constant 0 : i32
          %dma_wait3A_233 = arith.constant 0 : i32
          %dma_wait3A_234 = tpu.memref_slice %arg13[%and3A_202, %dma_wait3A_232, %dma_wait3A_233] : memref<2x16x32xi32, #tpu.memory_space<vmem>> -> memref<1x16x32xi32, #tpu.memory_space<vmem>>
          %dma_wait3A_235 = tpu.memref_squeeze %dma_wait3A_234 : memref<1x16x32xi32, #tpu.memory_space<vmem>> -> memref<16x32xi32, #tpu.memory_space<vmem>>
          %dma_wait3A_236 = arith.constant 0 : i32
          %dma_wait3A_237 = tpu.memref_slice %arg6[%add3A_207, %dma_wait3A_236] : memref<5120x32xi32, #tpu.memory_space<hbm>> -> memref<16x32xi32, #tpu.memory_space<hbm>>
          tpu.wait_dma2 semaphore(%run_scoped3A : memref<!tpu.dma_semaphore, #tpu.memory_space<semaphore_mem>>) src(%dma_wait3A_237 : memref<16x32xi32, #tpu.memory_space<hbm>>) dst(%dma_wait3A_235 : memref<16x32xi32, #tpu.memory_space<vmem>>)
          tpu.yield
        }) : () -> ()
        %scan3A_208 = arith.constant 0 : i32
        %scan3A_209 = arith.constant 0 : i32
        %scan3A_210 = arith.constant 16 : i32
        %scan3A_211 = arith.addi %scan3A_209, %scan3A_210 : i32
        %scan3A_212 = arith.constant 1 : i32
        scf.for %scan3A_214 = %scan3A_209 to %scan3A_211 step %scan3A_212  : i32 {
          %get3A = arith.index_cast %and3A_202 : i32 to index
          %get3A_215 = arith.index_cast %scan3A_214 : i32 to index
          %get3A_216 = arith.constant 0 : index
          %get3A_217 = tpu.vector_load %arg12[%get3A, %get3A_215, %get3A_216] {strides = array<i32>} : memref<2x16x32xi32, #tpu.memory_space<vmem>>, vector<16xi32>,
          %add3A_218 = vector.broadcast %mul3A_0 : i32 to vector<16xi32>
          %add3A_219 = arith.addi %get3A_217, %add3A_218 : vector<16xi32>
          %swap3A = arith.index_cast %and3A_202 : i32 to index
          %swap3A_220 = arith.index_cast %scan3A_214 : i32 to index
          %swap3A_221 = arith.constant 0 : index
          %swap3A_222 = tpu.vector_load %arg14[%swap3A, %swap3A_220, %swap3A_221] {strides = array<i32>} : memref<2x16x32xi32, #tpu.memory_space<vmem>>, vector<16xi32>,
          tpu.vector_store %arg14[%swap3A, %swap3A_220, %swap3A_221], %add3A_219 {strides = array<i32>} : memref<2x16x32xi32, #tpu.memory_space<vmem>>, vector<16xi32>,
          %get3A_223 = arith.index_cast %and3A_202 : i32 to index
          %get3A_224 = arith.index_cast %scan3A_214 : i32 to index
          %get3A_225 = arith.constant 0 : index
          %get3A_226 = tpu.vector_load %arg13[%get3A_223, %get3A_224, %get3A_225] {strides = array<i32>} : memref<2x16x32xi32, #tpu.memory_space<vmem>>, vector<16xi32>,
          %add3A_227 = vector.broadcast %mul3A_0 : i32 to vector<16xi32>
          %add3A_228 = arith.addi %get3A_226, %add3A_227 : vector<16xi32>
          %swap3A_229 = arith.index_cast %and3A_202 : i32 to index
          %swap3A_230 = arith.index_cast %scan3A_214 : i32 to index
          %swap3A_231 = arith.constant 0 : index
          %swap3A_232 = tpu.vector_load %arg15[%swap3A_229, %swap3A_230, %swap3A_231] {strides = array<i32>} : memref<2x16x32xi32, #tpu.memory_space<vmem>>, vector<16xi32>,
          tpu.vector_store %arg15[%swap3A_229, %swap3A_230, %swap3A_231], %add3A_228 {strides = array<i32>} : memref<2x16x32xi32, #tpu.memory_space<vmem>>, vector<16xi32>,
          %get3A_233 = arith.index_cast %and3A_202 : i32 to index
          %get3A_234 = arith.index_cast %scan3A_214 : i32 to index
          %get3A_235 = arith.constant 16 : index
          %get3A_236 = tpu.vector_load %arg12[%get3A_233, %get3A_234, %get3A_235] {strides = array<i32>} : memref<2x16x32xi32, #tpu.memory_space<vmem>>, vector<16xi32>,
          %add3A_237 = vector.broadcast %mul3A_0 : i32 to vector<16xi32>
          %add3A_238 = arith.addi %get3A_236, %add3A_237 : vector<16xi32>
          %swap3A_239 = arith.index_cast %and3A_202 : i32 to index
          %swap3A_240 = arith.index_cast %scan3A_214 : i32 to index
          %swap3A_241 = arith.constant 16 : index
          %swap3A_242 = tpu.vector_load %arg14[%swap3A_239, %swap3A_240, %swap3A_241] {strides = array<i32>} : memref<2x16x32xi32, #tpu.memory_space<vmem>>, vector<16xi32>,
          tpu.vector_store %arg14[%swap3A_239, %swap3A_240, %swap3A_241], %add3A_238 {strides = array<i32>} : memref<2x16x32xi32, #tpu.memory_space<vmem>>, vector<16xi32>,
          %get3A_243 = arith.index_cast %and3A_202 : i32 to index
          %get3A_244 = arith.index_cast %scan3A_214 : i32 to index
          %get3A_245 = arith.constant 16 : index
          %get3A_246 = tpu.vector_load %arg13[%get3A_243, %get3A_244, %get3A_245] {strides = array<i32>} : memref<2x16x32xi32, #tpu.memory_space<vmem>>, vector<16xi32>,
          %add3A_247 = vector.broadcast %mul3A_0 : i32 to vector<16xi32>
          %add3A_248 = arith.addi %get3A_246, %add3A_247 : vector<16xi32>
          %swap3A_249 = arith.index_cast %and3A_202 : i32 to index
          %swap3A_250 = arith.index_cast %scan3A_214 : i32 to index
          %swap3A_251 = arith.constant 16 : index
          %swap3A_252 = tpu.vector_load %arg15[%swap3A_249, %swap3A_250, %swap3A_251] {strides = array<i32>} : memref<2x16x32xi32, #tpu.memory_space<vmem>>, vector<16xi32>,
          tpu.vector_store %arg15[%swap3A_249, %swap3A_250, %swap3A_251], %add3A_248 {strides = array<i32>} : memref<2x16x32xi32, #tpu.memory_space<vmem>>, vector<16xi32>,
        }
        %scan3A_213 = arith.constant 16 : i32
      } else {
      }
      %add3A_112 = arith.constant 1 : i32
      %add3A_113 = arith.addi %scan3A_70, %add3A_112 : i32
      %lt3A = arith.constant 314 : i32
      %lt3A_114 = arith.cmpi slt, %add3A_113, %lt3A : i32
      %convert_element_type3A_115 = arith.extui %lt3A_114 : i1 to i32
      %cond3A_116 = arith.constant 0 : i32
      %cond3A_117 = arith.cmpi ne, %convert_element_type3A_115, %cond3A_116 : i32
      scf.if %cond3A_117 {
        %add3A_199 = arith.constant 1 : i32
        %add3A_200 = arith.addi %scan3A_70, %add3A_199 : i32
        %sub3A = arith.constant 1 : i32
        %sub3A_201 = arith.subi %sub3A, %and3A_72 : i32
        %shift_right_arithmetic3A_202 = arith.constant 4 : i32
        %shift_right_arithmetic3A_203 = arith.shrsi %add3A_200, %shift_right_arithmetic3A_202 : i32
        %and3A_204 = arith.constant 1 : i32
        %and3A_205 = arith.andi %shift_right_arithmetic3A_203, %and3A_204 : i32
        %and3A_206 = arith.constant 15 : i32
        %and3A_207 = arith.andi %add3A_200, %and3A_206 : i32
        %mul3A_208 = arith.constant 32 : i32
        %mul3A_209 = arith.muli %sub3A_201, %mul3A_208 : i32
        %dma_start3A_210 = arith.constant 0 : i32
        %dma_start3A_211 = tpu.memref_slice %arg16[%mul3A_209, %dma_start3A_210] : memref<64x128xf32, #tpu.memory_space<vmem>> -> memref<32x128xf32, #tpu.memory_space<vmem>>
        %dma_start3A_212 = arith.constant 0 : i32
        %dma_start3A_213 = tpu.memref_slice %arg14[%and3A_205, %and3A_207, %dma_start3A_212] : memref<2x16x32xi32, #tpu.memory_space<vmem>> -> memref<1x1x32xi32, #tpu.memory_space<vmem>>
        %dma_start3A_214 = tpu.memref_squeeze %dma_start3A_213 : memref<1x1x32xi32, #tpu.memory_space<vmem>> -> memref<32xi32, #tpu.memory_space<vmem>>
        %dma_start3A_215 = arith.constant 0 : i32
        %dma_start3A_216 = arith.constant 0 : i32
        %dma_start3A_217 = tpu.memref_slice %arg2[%dma_start3A_215, %dma_start3A_216] : memref<20480x128xf32, #tpu.memory_space<hbm>> -> memref<20480x128xf32, #tpu.memory_space<hbm>>
        tpu.enqueue_indirect_dma source(%dma_start3A_217 : memref<20480x128xf32, #tpu.memory_space<hbm>>) target(%dma_start3A_211 : memref<32x128xf32, #tpu.memory_space<vmem>>) offsets(%dma_start3A_214 : memref<32xi32, #tpu.memory_space<vmem>>) semaphore(%arg20 : memref<!tpu.dma_semaphore, #tpu.memory_space<semaphore_mem>>)
        %dma_start3A_218 = arith.constant 0 : i32
        %dma_start3A_219 = tpu.memref_slice %arg17[%mul3A_209, %dma_start3A_218] : memref<64x128xf32, #tpu.memory_space<vmem>> -> memref<32x128xf32, #tpu.memory_space<vmem>>
        %dma_start3A_220 = arith.constant 0 : i32
        %dma_start3A_221 = tpu.memref_slice %arg15[%and3A_205, %and3A_207, %dma_start3A_220] : memref<2x16x32xi32, #tpu.memory_space<vmem>> -> memref<1x1x32xi32, #tpu.memory_space<vmem>>
        %dma_start3A_222 = tpu.memref_squeeze %dma_start3A_221 : memref<1x1x32xi32, #tpu.memory_space<vmem>> -> memref<32xi32, #tpu.memory_space<vmem>>
        %dma_start3A_223 = arith.constant 0 : i32
        %dma_start3A_224 = arith.constant 0 : i32
        %dma_start3A_225 = tpu.memref_slice %arg3[%dma_start3A_223, %dma_start3A_224] : memref<20480x128xf32, #tpu.memory_space<hbm>> -> memref<20480x128xf32, #tpu.memory_space<hbm>>
        tpu.enqueue_indirect_dma source(%dma_start3A_225 : memref<20480x128xf32, #tpu.memory_space<hbm>>) target(%dma_start3A_219 : memref<32x128xf32, #tpu.memory_space<vmem>>) offsets(%dma_start3A_222 : memref<32xi32, #tpu.memory_space<vmem>>) semaphore(%arg20 : memref<!tpu.dma_semaphore, #tpu.memory_space<semaphore_mem>>)
        %dma_start3A_226 = arith.constant 0 : i32
        %dma_start3A_227 = tpu.memref_slice %arg18[%mul3A_209, %dma_start3A_226] : memref<64x128xf32, #tpu.memory_space<vmem>> -> memref<32x128xf32, #tpu.memory_space<vmem>>
        %dma_start3A_228 = arith.constant 0 : i32
        %dma_start3A_229 = tpu.memref_slice %arg14[%and3A_205, %and3A_207, %dma_start3A_228] : memref<2x16x32xi32, #tpu.memory_space<vmem>> -> memref<1x1x32xi32, #tpu.memory_space<vmem>>
        %dma_start3A_230 = tpu.memref_squeeze %dma_start3A_229 : memref<1x1x32xi32, #tpu.memory_space<vmem>> -> memref<32xi32, #tpu.memory_space<vmem>>
        %dma_start3A_231 = arith.constant 0 : i32
        %dma_start3A_232 = arith.constant 0 : i32
        %dma_start3A_233 = tpu.memref_slice %arg4[%dma_start3A_231, %dma_start3A_232] : memref<20480x128xf32, #tpu.memory_space<hbm>> -> memref<20480x128xf32, #tpu.memory_space<hbm>>
        tpu.enqueue_indirect_dma source(%dma_start3A_233 : memref<20480x128xf32, #tpu.memory_space<hbm>>) target(%dma_start3A_227 : memref<32x128xf32, #tpu.memory_space<vmem>>) offsets(%dma_start3A_230 : memref<32xi32, #tpu.memory_space<vmem>>) semaphore(%arg20 : memref<!tpu.dma_semaphore, #tpu.memory_space<semaphore_mem>>)
      } else {
      }
      %add3A_118 = arith.constant 0 : i32
      %add3A_119 = vector.broadcast %add3A_118 : i32 to vector<16xi32>
      %add3A_120 = arith.addi %iota3A, %add3A_119 : vector<16xi32>
      %add3A_121 = vector.broadcast %mul3A_74 : i32 to vector<16xi32>
      %add3A_122 = arith.addi %add3A_120, %add3A_121 : vector<16xi32>
      %scan3A_123 = arith.constant 0 : i32
      %scan3A_124 = arith.constant 32 : i32
      %scan3A_125 = arith.addi %scan3A_123, %scan3A_124 : i32
      %scan3A_126 = arith.constant 4 : i32
      %scan3A_127:4 = scf.for %scan3A_199 = %scan3A_123 to %scan3A_125 step %scan3A_126 iter_args(%scan3A_200 = %broadcast_in_dim3A_5, %scan3A_201 = %broadcast_in_dim3A_5, %scan3A_202 = %broadcast_in_dim3A_5, %scan3A_203 = %broadcast_in_dim3A_5) -> (vector<16xf32>, vector<16xf32>, vector<16xf32>, vector<16xf32>)  : i32 {
        %add3A_204 = vector.broadcast %scan3A_199 : i32 to vector<16xi32>
        %add3A_205 = arith.addi %add3A_204, %iota3A : vector<16xi32>
        %and3A_206 = arith.constant 31 : i32
        %and3A_207 = vector.broadcast %and3A_206 : i32 to vector<16xi32>
        %and3A_208 = arith.andi %add3A_205, %and3A_207 : vector<16xi32>
        %add3A_209 = arith.constant 0 : i32
        %add3A_210 = vector.broadcast %add3A_209 : i32 to vector<16xi32>
        %add3A_211 = arith.addi %add3A_210, %and3A_208 : vector<16xi32>
        %gather3A = tpu.vector_load_idx %arg16[%add3A_122, %add3A_211] : memref<64x128xf32, #tpu.memory_space<vmem>>[vector<16xi32>, vector<16xi32>], vector<16xf32>,
        %gather3A_212 = tpu.vector_load_idx %arg17[%add3A_122, %add3A_211] : memref<64x128xf32, #tpu.memory_space<vmem>>[vector<16xi32>, vector<16xi32>], vector<16xf32>,
        %mul3A_213 = arith.mulf %gather3A, %gather3A_212 : vector<16xf32>
        %add3A_214 = arith.addf %scan3A_200, %mul3A_213 : vector<16xf32>
        %add3A_215 = arith.constant 32 : i32
        %add3A_216 = vector.broadcast %add3A_215 : i32 to vector<16xi32>
        %add3A_217 = arith.addi %add3A_216, %and3A_208 : vector<16xi32>
        %gather3A_218 = tpu.vector_load_idx %arg16[%add3A_122, %add3A_217] : memref<64x128xf32, #tpu.memory_space<vmem>>[vector<16xi32>, vector<16xi32>], vector<16xf32>,
        %gather3A_219 = tpu.vector_load_idx %arg17[%add3A_122, %add3A_217] : memref<64x128xf32, #tpu.memory_space<vmem>>[vector<16xi32>, vector<16xi32>], vector<16xf32>,
        %mul3A_220 = arith.mulf %gather3A_218, %gather3A_219 : vector<16xf32>
        %add3A_221 = arith.addf %scan3A_201, %mul3A_220 : vector<16xf32>
        %add3A_222 = arith.constant 64 : i32
        %add3A_223 = vector.broadcast %add3A_222 : i32 to vector<16xi32>
        %add3A_224 = arith.addi %add3A_223, %and3A_208 : vector<16xi32>
        %gather3A_225 = tpu.vector_load_idx %arg16[%add3A_122, %add3A_224] : memref<64x128xf32, #tpu.memory_space<vmem>>[vector<16xi32>, vector<16xi32>], vector<16xf32>,
        %gather3A_226 = tpu.vector_load_idx %arg17[%add3A_122, %add3A_224] : memref<64x128xf32, #tpu.memory_space<vmem>>[vector<16xi32>, vector<16xi32>], vector<16xf32>,
        %mul3A_227 = arith.mulf %gather3A_225, %gather3A_226 : vector<16xf32>
        %add3A_228 = arith.addf %scan3A_202, %mul3A_227 : vector<16xf32>
        %add3A_229 = arith.constant 96 : i32
        %add3A_230 = vector.broadcast %add3A_229 : i32 to vector<16xi32>
        %add3A_231 = arith.addi %add3A_230, %and3A_208 : vector<16xi32>
        %gather3A_232 = tpu.vector_load_idx %arg16[%add3A_122, %add3A_231] : memref<64x128xf32, #tpu.memory_space<vmem>>[vector<16xi32>, vector<16xi32>], vector<16xf32>,
        %gather3A_233 = tpu.vector_load_idx %arg17[%add3A_122, %add3A_231] : memref<64x128xf32, #tpu.memory_space<vmem>>[vector<16xi32>, vector<16xi32>], vector<16xf32>,
        %mul3A_234 = arith.mulf %gather3A_232, %gather3A_233 : vector<16xf32>
        %add3A_235 = arith.addf %scan3A_203, %mul3A_234 : vector<16xf32>
        %scan3A_236 = arith.constant 1 : i32
        %scan3A_237 = arith.addi %scan3A_199, %scan3A_236 : i32
        %add3A_238 = vector.broadcast %scan3A_237 : i32 to vector<16xi32>
        %add3A_239 = arith.addi %add3A_238, %iota3A : vector<16xi32>
        %and3A_240 = arith.constant 31 : i32
        %and3A_241 = vector.broadcast %and3A_240 : i32 to vector<16xi32>
        %and3A_242 = arith.andi %add3A_239, %and3A_241 : vector<16xi32>
        %add3A_243 = arith.constant 0 : i32
        %add3A_244 = vector.broadcast %add3A_243 : i32 to vector<16xi32>
        %add3A_245 = arith.addi %add3A_244, %and3A_242 : vector<16xi32>
        %gather3A_246 = tpu.vector_load_idx %arg16[%add3A_122, %add3A_245] : memref<64x128xf32, #tpu.memory_space<vmem>>[vector<16xi32>, vector<16xi32>], vector<16xf32>,
        %gather3A_247 = tpu.vector_load_idx %arg17[%add3A_122, %add3A_245] : memref<64x128xf32, #tpu.memory_space<vmem>>[vector<16xi32>, vector<16xi32>], vector<16xf32>,
        %mul3A_248 = arith.mulf %gather3A_246, %gather3A_247 : vector<16xf32>
        %add3A_249 = arith.addf %add3A_214, %mul3A_248 : vector<16xf32>
        %add3A_250 = arith.constant 32 : i32
        %add3A_251 = vector.broadcast %add3A_250 : i32 to vector<16xi32>
        %add3A_252 = arith.addi %add3A_251, %and3A_242 : vector<16xi32>
        %gather3A_253 = tpu.vector_load_idx %arg16[%add3A_122, %add3A_252] : memref<64x128xf32, #tpu.memory_space<vmem>>[vector<16xi32>, vector<16xi32>], vector<16xf32>,
        %gather3A_254 = tpu.vector_load_idx %arg17[%add3A_122, %add3A_252] : memref<64x128xf32, #tpu.memory_space<vmem>>[vector<16xi32>, vector<16xi32>], vector<16xf32>,
        %mul3A_255 = arith.mulf %gather3A_253, %gather3A_254 : vector<16xf32>
        %add3A_256 = arith.addf %add3A_221, %mul3A_255 : vector<16xf32>
        %add3A_257 = arith.constant 64 : i32
        %add3A_258 = vector.broadcast %add3A_257 : i32 to vector<16xi32>
        %add3A_259 = arith.addi %add3A_258, %and3A_242 : vector<16xi32>
        %gather3A_260 = tpu.vector_load_idx %arg16[%add3A_122, %add3A_259] : memref<64x128xf32, #tpu.memory_space<vmem>>[vector<16xi32>, vector<16xi32>], vector<16xf32>,
        %gather3A_261 = tpu.vector_load_idx %arg17[%add3A_122, %add3A_259] : memref<64x128xf32, #tpu.memory_space<vmem>>[vector<16xi32>, vector<16xi32>], vector<16xf32>,
        %mul3A_262 = arith.mulf %gather3A_260, %gather3A_261 : vector<16xf32>
        %add3A_263 = arith.addf %add3A_228, %mul3A_262 : vector<16xf32>
        %add3A_264 = arith.constant 96 : i32
        %add3A_265 = vector.broadcast %add3A_264 : i32 to vector<16xi32>
        %add3A_266 = arith.addi %add3A_265, %and3A_242 : vector<16xi32>
        %gather3A_267 = tpu.vector_load_idx %arg16[%add3A_122, %add3A_266] : memref<64x128xf32, #tpu.memory_space<vmem>>[vector<16xi32>, vector<16xi32>], vector<16xf32>,
        %gather3A_268 = tpu.vector_load_idx %arg17[%add3A_122, %add3A_266] : memref<64x128xf32, #tpu.memory_space<vmem>>[vector<16xi32>, vector<16xi32>], vector<16xf32>,
        %mul3A_269 = arith.mulf %gather3A_267, %gather3A_268 : vector<16xf32>
        %add3A_270 = arith.addf %add3A_235, %mul3A_269 : vector<16xf32>
        %scan3A_271 = arith.constant 2 : i32
        %scan3A_272 = arith.addi %scan3A_199, %scan3A_271 : i32
        %add3A_273 = vector.broadcast %scan3A_272 : i32 to vector<16xi32>
        %add3A_274 = arith.addi %add3A_273, %iota3A : vector<16xi32>
        %and3A_275 = arith.constant 31 : i32
        %and3A_276 = vector.broadcast %and3A_275 : i32 to vector<16xi32>
        %and3A_277 = arith.andi %add3A_274, %and3A_276 : vector<16xi32>
        %add3A_278 = arith.constant 0 : i32
        %add3A_279 = vector.broadcast %add3A_278 : i32 to vector<16xi32>
        %add3A_280 = arith.addi %add3A_279, %and3A_277 : vector<16xi32>
        %gather3A_281 = tpu.vector_load_idx %arg16[%add3A_122, %add3A_280] : memref<64x128xf32, #tpu.memory_space<vmem>>[vector<16xi32>, vector<16xi32>], vector<16xf32>,
        %gather3A_282 = tpu.vector_load_idx %arg17[%add3A_122, %add3A_280] : memref<64x128xf32, #tpu.memory_space<vmem>>[vector<16xi32>, vector<16xi32>], vector<16xf32>,
        %mul3A_283 = arith.mulf %gather3A_281, %gather3A_282 : vector<16xf32>
        %add3A_284 = arith.addf %add3A_249, %mul3A_283 : vector<16xf32>
        %add3A_285 = arith.constant 32 : i32
        %add3A_286 = vector.broadcast %add3A_285 : i32 to vector<16xi32>
        %add3A_287 = arith.addi %add3A_286, %and3A_277 : vector<16xi32>
        %gather3A_288 = tpu.vector_load_idx %arg16[%add3A_122, %add3A_287] : memref<64x128xf32, #tpu.memory_space<vmem>>[vector<16xi32>, vector<16xi32>], vector<16xf32>,
        %gather3A_289 = tpu.vector_load_idx %arg17[%add3A_122, %add3A_287] : memref<64x128xf32, #tpu.memory_space<vmem>>[vector<16xi32>, vector<16xi32>], vector<16xf32>,
        %mul3A_290 = arith.mulf %gather3A_288, %gather3A_289 : vector<16xf32>
        %add3A_291 = arith.addf %add3A_256, %mul3A_290 : vector<16xf32>
        %add3A_292 = arith.constant 64 : i32
        %add3A_293 = vector.broadcast %add3A_292 : i32 to vector<16xi32>
        %add3A_294 = arith.addi %add3A_293, %and3A_277 : vector<16xi32>
        %gather3A_295 = tpu.vector_load_idx %arg16[%add3A_122, %add3A_294] : memref<64x128xf32, #tpu.memory_space<vmem>>[vector<16xi32>, vector<16xi32>], vector<16xf32>,
        %gather3A_296 = tpu.vector_load_idx %arg17[%add3A_122, %add3A_294] : memref<64x128xf32, #tpu.memory_space<vmem>>[vector<16xi32>, vector<16xi32>], vector<16xf32>,
        %mul3A_297 = arith.mulf %gather3A_295, %gather3A_296 : vector<16xf32>
        %add3A_298 = arith.addf %add3A_263, %mul3A_297 : vector<16xf32>
        %add3A_299 = arith.constant 96 : i32
        %add3A_300 = vector.broadcast %add3A_299 : i32 to vector<16xi32>
        %add3A_301 = arith.addi %add3A_300, %and3A_277 : vector<16xi32>
        %gather3A_302 = tpu.vector_load_idx %arg16[%add3A_122, %add3A_301] : memref<64x128xf32, #tpu.memory_space<vmem>>[vector<16xi32>, vector<16xi32>], vector<16xf32>,
        %gather3A_303 = tpu.vector_load_idx %arg17[%add3A_122, %add3A_301] : memref<64x128xf32, #tpu.memory_space<vmem>>[vector<16xi32>, vector<16xi32>], vector<16xf32>,
        %mul3A_304 = arith.mulf %gather3A_302, %gather3A_303 : vector<16xf32>
        %add3A_305 = arith.addf %add3A_270, %mul3A_304 : vector<16xf32>
        %scan3A_306 = arith.constant 3 : i32
        %scan3A_307 = arith.addi %scan3A_199, %scan3A_306 : i32
        %add3A_308 = vector.broadcast %scan3A_307 : i32 to vector<16xi32>
        %add3A_309 = arith.addi %add3A_308, %iota3A : vector<16xi32>
        %and3A_310 = arith.constant 31 : i32
        %and3A_311 = vector.broadcast %and3A_310 : i32 to vector<16xi32>
        %and3A_312 = arith.andi %add3A_309, %and3A_311 : vector<16xi32>
        %add3A_313 = arith.constant 0 : i32
        %add3A_314 = vector.broadcast %add3A_313 : i32 to vector<16xi32>
        %add3A_315 = arith.addi %add3A_314, %and3A_312 : vector<16xi32>
        %gather3A_316 = tpu.vector_load_idx %arg16[%add3A_122, %add3A_315] : memref<64x128xf32, #tpu.memory_space<vmem>>[vector<16xi32>, vector<16xi32>], vector<16xf32>,
        %gather3A_317 = tpu.vector_load_idx %arg17[%add3A_122, %add3A_315] : memref<64x128xf32, #tpu.memory_space<vmem>>[vector<16xi32>, vector<16xi32>], vector<16xf32>,
        %mul3A_318 = arith.mulf %gather3A_316, %gather3A_317 : vector<16xf32>
        %add3A_319 = arith.addf %add3A_284, %mul3A_318 : vector<16xf32>
        %add3A_320 = arith.constant 32 : i32
        %add3A_321 = vector.broadcast %add3A_320 : i32 to vector<16xi32>
        %add3A_322 = arith.addi %add3A_321, %and3A_312 : vector<16xi32>
        %gather3A_323 = tpu.vector_load_idx %arg16[%add3A_122, %add3A_322] : memref<64x128xf32, #tpu.memory_space<vmem>>[vector<16xi32>, vector<16xi32>], vector<16xf32>,
        %gather3A_324 = tpu.vector_load_idx %arg17[%add3A_122, %add3A_322] : memref<64x128xf32, #tpu.memory_space<vmem>>[vector<16xi32>, vector<16xi32>], vector<16xf32>,
        %mul3A_325 = arith.mulf %gather3A_323, %gather3A_324 : vector<16xf32>
        %add3A_326 = arith.addf %add3A_291, %mul3A_325 : vector<16xf32>
        %add3A_327 = arith.constant 64 : i32
        %add3A_328 = vector.broadcast %add3A_327 : i32 to vector<16xi32>
        %add3A_329 = arith.addi %add3A_328, %and3A_312 : vector<16xi32>
        %gather3A_330 = tpu.vector_load_idx %arg16[%add3A_122, %add3A_329] : memref<64x128xf32, #tpu.memory_space<vmem>>[vector<16xi32>, vector<16xi32>], vector<16xf32>,
        %gather3A_331 = tpu.vector_load_idx %arg17[%add3A_122, %add3A_329] : memref<64x128xf32, #tpu.memory_space<vmem>>[vector<16xi32>, vector<16xi32>], vector<16xf32>,
        %mul3A_332 = arith.mulf %gather3A_330, %gather3A_331 : vector<16xf32>
        %add3A_333 = arith.addf %add3A_298, %mul3A_332 : vector<16xf32>
        %add3A_334 = arith.constant 96 : i32
        %add3A_335 = vector.broadcast %add3A_334 : i32 to vector<16xi32>
        %add3A_336 = arith.addi %add3A_335, %and3A_312 : vector<16xi32>
        %gather3A_337 = tpu.vector_load_idx %arg16[%add3A_122, %add3A_336] : memref<64x128xf32, #tpu.memory_space<vmem>>[vector<16xi32>, vector<16xi32>], vector<16xf32>,
        %gather3A_338 = tpu.vector_load_idx %arg17[%add3A_122, %add3A_336] : memref<64x128xf32, #tpu.memory_space<vmem>>[vector<16xi32>, vector<16xi32>], vector<16xf32>,
        %mul3A_339 = arith.mulf %gather3A_337, %gather3A_338 : vector<16xf32>
        %add3A_340 = arith.addf %add3A_305, %mul3A_339 : vector<16xf32>
        scf.yield %add3A_319, %add3A_326, %add3A_333, %add3A_340 : vector<16xf32>, vector<16xf32>, vector<16xf32>, vector<16xf32>
      }
      %scan3A_128 = arith.constant 32 : i32
      %mul3A_129 = arith.constant 6.250000e-02 : f32
      %mul3A_130 = vector.broadcast %mul3A_129 : f32 to vector<16xf32>
      %mul3A_131 = arith.mulf %scan3A_127#0, %mul3A_130 : vector<16xf32>
      %exp3A = math.exp %mul3A_131 : vector<16xf32>
      %broadcast_in_dim3A_132 = arith.constant 0 : i32
      %broadcast_in_dim3A_133 = vector.broadcast %broadcast_in_dim3A_132 : i32 to vector<16xi32>
      tpu.vector_store_idx %arg19[%add3A_122, %broadcast_in_dim3A_133], %exp3A : memref<64x16xf32, #tpu.memory_space<vmem>>[vector<16xi32>, vector<16xi32>], vector<16xf32>,
      %mul3A_134 = arith.constant 6.250000e-02 : f32
      %mul3A_135 = vector.broadcast %mul3A_134 : f32 to vector<16xf32>
      %mul3A_136 = arith.mulf %scan3A_127#1, %mul3A_135 : vector<16xf32>
      %exp3A_137 = math.exp %mul3A_136 : vector<16xf32>
      %broadcast_in_dim3A_138 = arith.constant 1 : i32
      %broadcast_in_dim3A_139 = vector.broadcast %broadcast_in_dim3A_138 : i32 to vector<16xi32>
      tpu.vector_store_idx %arg19[%add3A_122, %broadcast_in_dim3A_139], %exp3A_137 : memref<64x16xf32, #tpu.memory_space<vmem>>[vector<16xi32>, vector<16xi32>], vector<16xf32>,
      %mul3A_140 = arith.constant 6.250000e-02 : f32
      %mul3A_141 = vector.broadcast %mul3A_140 : f32 to vector<16xf32>
      %mul3A_142 = arith.mulf %scan3A_127#2, %mul3A_141 : vector<16xf32>
      %exp3A_143 = math.exp %mul3A_142 : vector<16xf32>
      %broadcast_in_dim3A_144 = arith.constant 2 : i32
      %broadcast_in_dim3A_145 = vector.broadcast %broadcast_in_dim3A_144 : i32 to vector<16xi32>
      tpu.vector_store_idx %arg19[%add3A_122, %broadcast_in_dim3A_145], %exp3A_143 : memref<64x16xf32, #tpu.memory_space<vmem>>[vector<16xi32>, vector<16xi32>], vector<16xf32>,
      %mul3A_146 = arith.constant 6.250000e-02 : f32
      %mul3A_147 = vector.broadcast %mul3A_146 : f32 to vector<16xf32>
      %mul3A_148 = arith.mulf %scan3A_127#3, %mul3A_147 : vector<16xf32>
      %exp3A_149 = math.exp %mul3A_148 : vector<16xf32>
      %broadcast_in_dim3A_150 = arith.constant 3 : i32
      %broadcast_in_dim3A_151 = vector.broadcast %broadcast_in_dim3A_150 : i32 to vector<16xi32>
      tpu.vector_store_idx %arg19[%add3A_122, %broadcast_in_dim3A_151], %exp3A_149 : memref<64x16xf32, #tpu.memory_space<vmem>>[vector<16xi32>, vector<16xi32>], vector<16xf32>,
      %scan3A_152 = arith.constant 0 : i32
      %scan3A_153 = arith.constant 0 : i32
      %scan3A_154 = arith.constant 32 : i32
      %scan3A_155 = arith.addi %scan3A_153, %scan3A_154 : i32
      %scan3A_156 = arith.constant 4 : i32
      scf.for %scan3A_199 = %scan3A_153 to %scan3A_155 step %scan3A_156  : i32 {
        %add3A_200 = vector.broadcast %scan3A_199 : i32 to vector<16xi32>
        %add3A_201 = arith.addi %add3A_200, %iota3A : vector<16xi32>
        %and3A_202 = arith.constant 31 : i32
        %and3A_203 = vector.broadcast %and3A_202 : i32 to vector<16xi32>
        %and3A_204 = arith.andi %add3A_201, %and3A_203 : vector<16xi32>
        %add3A_205 = arith.constant 0 : i32
        %add3A_206 = vector.broadcast %add3A_205 : i32 to vector<16xi32>
        %add3A_207 = arith.addi %add3A_206, %and3A_204 : vector<16xi32>
        %gather3A = tpu.vector_load_idx %arg18[%add3A_122, %add3A_207] : memref<64x128xf32, #tpu.memory_space<vmem>>[vector<16xi32>, vector<16xi32>], vector<16xf32>,
        %mul3A_208 = arith.mulf %gather3A, %exp3A : vector<16xf32>
        tpu.vector_store_idx %arg17[%add3A_122, %add3A_207], %mul3A_208 : memref<64x128xf32, #tpu.memory_space<vmem>>[vector<16xi32>, vector<16xi32>], vector<16xf32>,
        %add3A_209 = arith.constant 32 : i32
        %add3A_210 = vector.broadcast %add3A_209 : i32 to vector<16xi32>
        %add3A_211 = arith.addi %add3A_210, %and3A_204 : vector<16xi32>
        %gather3A_212 = tpu.vector_load_idx %arg18[%add3A_122, %add3A_211] : memref<64x128xf32, #tpu.memory_space<vmem>>[vector<16xi32>, vector<16xi32>], vector<16xf32>,
        %mul3A_213 = arith.mulf %gather3A_212, %exp3A_137 : vector<16xf32>
        tpu.vector_store_idx %arg17[%add3A_122, %add3A_211], %mul3A_213 : memref<64x128xf32, #tpu.memory_space<vmem>>[vector<16xi32>, vector<16xi32>], vector<16xf32>,
        %add3A_214 = arith.constant 64 : i32
        %add3A_215 = vector.broadcast %add3A_214 : i32 to vector<16xi32>
        %add3A_216 = arith.addi %add3A_215, %and3A_204 : vector<16xi32>
        %gather3A_217 = tpu.vector_load_idx %arg18[%add3A_122, %add3A_216] : memref<64x128xf32, #tpu.memory_space<vmem>>[vector<16xi32>, vector<16xi32>], vector<16xf32>,
        %mul3A_218 = arith.mulf %gather3A_217, %exp3A_143 : vector<16xf32>
        tpu.vector_store_idx %arg17[%add3A_122, %add3A_216], %mul3A_218 : memref<64x128xf32, #tpu.memory_space<vmem>>[vector<16xi32>, vector<16xi32>], vector<16xf32>,
        %add3A_219 = arith.constant 96 : i32
        %add3A_220 = vector.broadcast %add3A_219 : i32 to vector<16xi32>
        %add3A_221 = arith.addi %add3A_220, %and3A_204 : vector<16xi32>
        %gather3A_222 = tpu.vector_load_idx %arg18[%add3A_122, %add3A_221] : memref<64x128xf32, #tpu.memory_space<vmem>>[vector<16xi32>, vector<16xi32>], vector<16xf32>,
        %mul3A_223 = arith.mulf %gather3A_222, %exp3A_149 : vector<16xf32>
        tpu.vector_store_idx %arg17[%add3A_122, %add3A_221], %mul3A_223 : memref<64x128xf32, #tpu.memory_space<vmem>>[vector<16xi32>, vector<16xi32>], vector<16xf32>,
        %scan3A_224 = arith.constant 1 : i32
        %scan3A_225 = arith.addi %scan3A_199, %scan3A_224 : i32
        %add3A_226 = vector.broadcast %scan3A_225 : i32 to vector<16xi32>
        %add3A_227 = arith.addi %add3A_226, %iota3A : vector<16xi32>
        %and3A_228 = arith.constant 31 : i32
        %and3A_229 = vector.broadcast %and3A_228 : i32 to vector<16xi32>
        %and3A_230 = arith.andi %add3A_227, %and3A_229 : vector<16xi32>
        %add3A_231 = arith.constant 0 : i32
        %add3A_232 = vector.broadcast %add3A_231 : i32 to vector<16xi32>
        %add3A_233 = arith.addi %add3A_232, %and3A_230 : vector<16xi32>
        %gather3A_234 = tpu.vector_load_idx %arg18[%add3A_122, %add3A_233] : memref<64x128xf32, #tpu.memory_space<vmem>>[vector<16xi32>, vector<16xi32>], vector<16xf32>,
        %mul3A_235 = arith.mulf %gather3A_234, %exp3A : vector<16xf32>
        tpu.vector_store_idx %arg17[%add3A_122, %add3A_233], %mul3A_235 : memref<64x128xf32, #tpu.memory_space<vmem>>[vector<16xi32>, vector<16xi32>], vector<16xf32>,
        %add3A_236 = arith.constant 32 : i32
        %add3A_237 = vector.broadcast %add3A_236 : i32 to vector<16xi32>
        %add3A_238 = arith.addi %add3A_237, %and3A_230 : vector<16xi32>
        %gather3A_239 = tpu.vector_load_idx %arg18[%add3A_122, %add3A_238] : memref<64x128xf32, #tpu.memory_space<vmem>>[vector<16xi32>, vector<16xi32>], vector<16xf32>,
        %mul3A_240 = arith.mulf %gather3A_239, %exp3A_137 : vector<16xf32>
        tpu.vector_store_idx %arg17[%add3A_122, %add3A_238], %mul3A_240 : memref<64x128xf32, #tpu.memory_space<vmem>>[vector<16xi32>, vector<16xi32>], vector<16xf32>,
        %add3A_241 = arith.constant 64 : i32
        %add3A_242 = vector.broadcast %add3A_241 : i32 to vector<16xi32>
        %add3A_243 = arith.addi %add3A_242, %and3A_230 : vector<16xi32>
        %gather3A_244 = tpu.vector_load_idx %arg18[%add3A_122, %add3A_243] : memref<64x128xf32, #tpu.memory_space<vmem>>[vector<16xi32>, vector<16xi32>], vector<16xf32>,
        %mul3A_245 = arith.mulf %gather3A_244, %exp3A_143 : vector<16xf32>
        tpu.vector_store_idx %arg17[%add3A_122, %add3A_243], %mul3A_245 : memref<64x128xf32, #tpu.memory_space<vmem>>[vector<16xi32>, vector<16xi32>], vector<16xf32>,
        %add3A_246 = arith.constant 96 : i32
        %add3A_247 = vector.broadcast %add3A_246 : i32 to vector<16xi32>
        %add3A_248 = arith.addi %add3A_247, %and3A_230 : vector<16xi32>
        %gather3A_249 = tpu.vector_load_idx %arg18[%add3A_122, %add3A_248] : memref<64x128xf32, #tpu.memory_space<vmem>>[vector<16xi32>, vector<16xi32>], vector<16xf32>,
        %mul3A_250 = arith.mulf %gather3A_249, %exp3A_149 : vector<16xf32>
        tpu.vector_store_idx %arg17[%add3A_122, %add3A_248], %mul3A_250 : memref<64x128xf32, #tpu.memory_space<vmem>>[vector<16xi32>, vector<16xi32>], vector<16xf32>,
        %scan3A_251 = arith.constant 2 : i32
        %scan3A_252 = arith.addi %scan3A_199, %scan3A_251 : i32
        %add3A_253 = vector.broadcast %scan3A_252 : i32 to vector<16xi32>
        %add3A_254 = arith.addi %add3A_253, %iota3A : vector<16xi32>
        %and3A_255 = arith.constant 31 : i32
        %and3A_256 = vector.broadcast %and3A_255 : i32 to vector<16xi32>
        %and3A_257 = arith.andi %add3A_254, %and3A_256 : vector<16xi32>
        %add3A_258 = arith.constant 0 : i32
        %add3A_259 = vector.broadcast %add3A_258 : i32 to vector<16xi32>
        %add3A_260 = arith.addi %add3A_259, %and3A_257 : vector<16xi32>
        %gather3A_261 = tpu.vector_load_idx %arg18[%add3A_122, %add3A_260] : memref<64x128xf32, #tpu.memory_space<vmem>>[vector<16xi32>, vector<16xi32>], vector<16xf32>,
        %mul3A_262 = arith.mulf %gather3A_261, %exp3A : vector<16xf32>
        tpu.vector_store_idx %arg17[%add3A_122, %add3A_260], %mul3A_262 : memref<64x128xf32, #tpu.memory_space<vmem>>[vector<16xi32>, vector<16xi32>], vector<16xf32>,
        %add3A_263 = arith.constant 32 : i32
        %add3A_264 = vector.broadcast %add3A_263 : i32 to vector<16xi32>
        %add3A_265 = arith.addi %add3A_264, %and3A_257 : vector<16xi32>
        %gather3A_266 = tpu.vector_load_idx %arg18[%add3A_122, %add3A_265] : memref<64x128xf32, #tpu.memory_space<vmem>>[vector<16xi32>, vector<16xi32>], vector<16xf32>,
        %mul3A_267 = arith.mulf %gather3A_266, %exp3A_137 : vector<16xf32>
        tpu.vector_store_idx %arg17[%add3A_122, %add3A_265], %mul3A_267 : memref<64x128xf32, #tpu.memory_space<vmem>>[vector<16xi32>, vector<16xi32>], vector<16xf32>,
        %add3A_268 = arith.constant 64 : i32
        %add3A_269 = vector.broadcast %add3A_268 : i32 to vector<16xi32>
        %add3A_270 = arith.addi %add3A_269, %and3A_257 : vector<16xi32>
        %gather3A_271 = tpu.vector_load_idx %arg18[%add3A_122, %add3A_270] : memref<64x128xf32, #tpu.memory_space<vmem>>[vector<16xi32>, vector<16xi32>], vector<16xf32>,
        %mul3A_272 = arith.mulf %gather3A_271, %exp3A_143 : vector<16xf32>
        tpu.vector_store_idx %arg17[%add3A_122, %add3A_270], %mul3A_272 : memref<64x128xf32, #tpu.memory_space<vmem>>[vector<16xi32>, vector<16xi32>], vector<16xf32>,
        %add3A_273 = arith.constant 96 : i32
        %add3A_274 = vector.broadcast %add3A_273 : i32 to vector<16xi32>
        %add3A_275 = arith.addi %add3A_274, %and3A_257 : vector<16xi32>
        %gather3A_276 = tpu.vector_load_idx %arg18[%add3A_122, %add3A_275] : memref<64x128xf32, #tpu.memory_space<vmem>>[vector<16xi32>, vector<16xi32>], vector<16xf32>,
        %mul3A_277 = arith.mulf %gather3A_276, %exp3A_149 : vector<16xf32>
        tpu.vector_store_idx %arg17[%add3A_122, %add3A_275], %mul3A_277 : memref<64x128xf32, #tpu.memory_space<vmem>>[vector<16xi32>, vector<16xi32>], vector<16xf32>,
        %scan3A_278 = arith.constant 3 : i32
        %scan3A_279 = arith.addi %scan3A_199, %scan3A_278 : i32
        %add3A_280 = vector.broadcast %scan3A_279 : i32 to vector<16xi32>
        %add3A_281 = arith.addi %add3A_280, %iota3A : vector<16xi32>
        %and3A_282 = arith.constant 31 : i32
        %and3A_283 = vector.broadcast %and3A_282 : i32 to vector<16xi32>
        %and3A_284 = arith.andi %add3A_281, %and3A_283 : vector<16xi32>
        %add3A_285 = arith.constant 0 : i32
        %add3A_286 = vector.broadcast %add3A_285 : i32 to vector<16xi32>
        %add3A_287 = arith.addi %add3A_286, %and3A_284 : vector<16xi32>
        %gather3A_288 = tpu.vector_load_idx %arg18[%add3A_122, %add3A_287] : memref<64x128xf32, #tpu.memory_space<vmem>>[vector<16xi32>, vector<16xi32>], vector<16xf32>,
        %mul3A_289 = arith.mulf %gather3A_288, %exp3A : vector<16xf32>
        tpu.vector_store_idx %arg17[%add3A_122, %add3A_287], %mul3A_289 : memref<64x128xf32, #tpu.memory_space<vmem>>[vector<16xi32>, vector<16xi32>], vector<16xf32>,
        %add3A_290 = arith.constant 32 : i32
        %add3A_291 = vector.broadcast %add3A_290 : i32 to vector<16xi32>
        %add3A_292 = arith.addi %add3A_291, %and3A_284 : vector<16xi32>
        %gather3A_293 = tpu.vector_load_idx %arg18[%add3A_122, %add3A_292] : memref<64x128xf32, #tpu.memory_space<vmem>>[vector<16xi32>, vector<16xi32>], vector<16xf32>,
        %mul3A_294 = arith.mulf %gather3A_293, %exp3A_137 : vector<16xf32>
        tpu.vector_store_idx %arg17[%add3A_122, %add3A_292], %mul3A_294 : memref<64x128xf32, #tpu.memory_space<vmem>>[vector<16xi32>, vector<16xi32>], vector<16xf32>,
        %add3A_295 = arith.constant 64 : i32
        %add3A_296 = vector.broadcast %add3A_295 : i32 to vector<16xi32>
        %add3A_297 = arith.addi %add3A_296, %and3A_284 : vector<16xi32>
        %gather3A_298 = tpu.vector_load_idx %arg18[%add3A_122, %add3A_297] : memref<64x128xf32, #tpu.memory_space<vmem>>[vector<16xi32>, vector<16xi32>], vector<16xf32>,
        %mul3A_299 = arith.mulf %gather3A_298, %exp3A_143 : vector<16xf32>
        tpu.vector_store_idx %arg17[%add3A_122, %add3A_297], %mul3A_299 : memref<64x128xf32, #tpu.memory_space<vmem>>[vector<16xi32>, vector<16xi32>], vector<16xf32>,
        %add3A_300 = arith.constant 96 : i32
        %add3A_301 = vector.broadcast %add3A_300 : i32 to vector<16xi32>
        %add3A_302 = arith.addi %add3A_301, %and3A_284 : vector<16xi32>
        %gather3A_303 = tpu.vector_load_idx %arg18[%add3A_122, %add3A_302] : memref<64x128xf32, #tpu.memory_space<vmem>>[vector<16xi32>, vector<16xi32>], vector<16xf32>,
        %mul3A_304 = arith.mulf %gather3A_303, %exp3A_149 : vector<16xf32>
        tpu.vector_store_idx %arg17[%add3A_122, %add3A_302], %mul3A_304 : memref<64x128xf32, #tpu.memory_space<vmem>>[vector<16xi32>, vector<16xi32>], vector<16xf32>,
      }
      %scan3A_157 = arith.constant 32 : i32
      %add3A_158 = arith.constant 16 : i32
      %add3A_159 = vector.broadcast %add3A_158 : i32 to vector<16xi32>
      %add3A_160 = arith.addi %iota3A, %add3A_159 : vector<16xi32>
      %add3A_161 = vector.broadcast %mul3A_74 : i32 to vector<16xi32>
      %add3A_162 = arith.addi %add3A_160, %add3A_161 : vector<16xi32>
      %scan3A_163 = arith.constant 0 : i32
      %scan3A_164 = arith.constant 32 : i32
      %scan3A_165 = arith.addi %scan3A_163, %scan3A_164 : i32
      %scan3A_166 = arith.constant 4 : i32
      %scan3A_167:4 = scf.for %scan3A_199 = %scan3A_163 to %scan3A_165 step %scan3A_166 iter_args(%scan3A_200 = %broadcast_in_dim3A_5, %scan3A_201 = %broadcast_in_dim3A_5, %scan3A_202 = %broadcast_in_dim3A_5, %scan3A_203 = %broadcast_in_dim3A_5) -> (vector<16xf32>, vector<16xf32>, vector<16xf32>, vector<16xf32>)  : i32 {
        %add3A_204 = vector.broadcast %scan3A_199 : i32 to vector<16xi32>
        %add3A_205 = arith.addi %add3A_204, %iota3A : vector<16xi32>
        %and3A_206 = arith.constant 31 : i32
        %and3A_207 = vector.broadcast %and3A_206 : i32 to vector<16xi32>
        %and3A_208 = arith.andi %add3A_205, %and3A_207 : vector<16xi32>
        %add3A_209 = arith.constant 0 : i32
        %add3A_210 = vector.broadcast %add3A_209 : i32 to vector<16xi32>
        %add3A_211 = arith.addi %add3A_210, %and3A_208 : vector<16xi32>
        %gather3A = tpu.vector_load_idx %arg16[%add3A_162, %add3A_211] : memref<64x128xf32, #tpu.memory_space<vmem>>[vector<16xi32>, vector<16xi32>], vector<16xf32>,
        %gather3A_212 = tpu.vector_load_idx %arg17[%add3A_162, %add3A_211] : memref<64x128xf32, #tpu.memory_space<vmem>>[vector<16xi32>, vector<16xi32>], vector<16xf32>,
        %mul3A_213 = arith.mulf %gather3A, %gather3A_212 : vector<16xf32>
        %add3A_214 = arith.addf %scan3A_200, %mul3A_213 : vector<16xf32>
        %add3A_215 = arith.constant 32 : i32
        %add3A_216 = vector.broadcast %add3A_215 : i32 to vector<16xi32>
        %add3A_217 = arith.addi %add3A_216, %and3A_208 : vector<16xi32>
        %gather3A_218 = tpu.vector_load_idx %arg16[%add3A_162, %add3A_217] : memref<64x128xf32, #tpu.memory_space<vmem>>[vector<16xi32>, vector<16xi32>], vector<16xf32>,
        %gather3A_219 = tpu.vector_load_idx %arg17[%add3A_162, %add3A_217] : memref<64x128xf32, #tpu.memory_space<vmem>>[vector<16xi32>, vector<16xi32>], vector<16xf32>,
        %mul3A_220 = arith.mulf %gather3A_218, %gather3A_219 : vector<16xf32>
        %add3A_221 = arith.addf %scan3A_201, %mul3A_220 : vector<16xf32>
        %add3A_222 = arith.constant 64 : i32
        %add3A_223 = vector.broadcast %add3A_222 : i32 to vector<16xi32>
        %add3A_224 = arith.addi %add3A_223, %and3A_208 : vector<16xi32>
        %gather3A_225 = tpu.vector_load_idx %arg16[%add3A_162, %add3A_224] : memref<64x128xf32, #tpu.memory_space<vmem>>[vector<16xi32>, vector<16xi32>], vector<16xf32>,
        %gather3A_226 = tpu.vector_load_idx %arg17[%add3A_162, %add3A_224] : memref<64x128xf32, #tpu.memory_space<vmem>>[vector<16xi32>, vector<16xi32>], vector<16xf32>,
        %mul3A_227 = arith.mulf %gather3A_225, %gather3A_226 : vector<16xf32>
        %add3A_228 = arith.addf %scan3A_202, %mul3A_227 : vector<16xf32>
        %add3A_229 = arith.constant 96 : i32
        %add3A_230 = vector.broadcast %add3A_229 : i32 to vector<16xi32>
        %add3A_231 = arith.addi %add3A_230, %and3A_208 : vector<16xi32>
        %gather3A_232 = tpu.vector_load_idx %arg16[%add3A_162, %add3A_231] : memref<64x128xf32, #tpu.memory_space<vmem>>[vector<16xi32>, vector<16xi32>], vector<16xf32>,
        %gather3A_233 = tpu.vector_load_idx %arg17[%add3A_162, %add3A_231] : memref<64x128xf32, #tpu.memory_space<vmem>>[vector<16xi32>, vector<16xi32>], vector<16xf32>,
        %mul3A_234 = arith.mulf %gather3A_232, %gather3A_233 : vector<16xf32>
        %add3A_235 = arith.addf %scan3A_203, %mul3A_234 : vector<16xf32>
        %scan3A_236 = arith.constant 1 : i32
        %scan3A_237 = arith.addi %scan3A_199, %scan3A_236 : i32
        %add3A_238 = vector.broadcast %scan3A_237 : i32 to vector<16xi32>
        %add3A_239 = arith.addi %add3A_238, %iota3A : vector<16xi32>
        %and3A_240 = arith.constant 31 : i32
        %and3A_241 = vector.broadcast %and3A_240 : i32 to vector<16xi32>
        %and3A_242 = arith.andi %add3A_239, %and3A_241 : vector<16xi32>
        %add3A_243 = arith.constant 0 : i32
        %add3A_244 = vector.broadcast %add3A_243 : i32 to vector<16xi32>
        %add3A_245 = arith.addi %add3A_244, %and3A_242 : vector<16xi32>
        %gather3A_246 = tpu.vector_load_idx %arg16[%add3A_162, %add3A_245] : memref<64x128xf32, #tpu.memory_space<vmem>>[vector<16xi32>, vector<16xi32>], vector<16xf32>,
        %gather3A_247 = tpu.vector_load_idx %arg17[%add3A_162, %add3A_245] : memref<64x128xf32, #tpu.memory_space<vmem>>[vector<16xi32>, vector<16xi32>], vector<16xf32>,
        %mul3A_248 = arith.mulf %gather3A_246, %gather3A_247 : vector<16xf32>
        %add3A_249 = arith.addf %add3A_214, %mul3A_248 : vector<16xf32>
        %add3A_250 = arith.constant 32 : i32
        %add3A_251 = vector.broadcast %add3A_250 : i32 to vector<16xi32>
        %add3A_252 = arith.addi %add3A_251, %and3A_242 : vector<16xi32>
        %gather3A_253 = tpu.vector_load_idx %arg16[%add3A_162, %add3A_252] : memref<64x128xf32, #tpu.memory_space<vmem>>[vector<16xi32>, vector<16xi32>], vector<16xf32>,
        %gather3A_254 = tpu.vector_load_idx %arg17[%add3A_162, %add3A_252] : memref<64x128xf32, #tpu.memory_space<vmem>>[vector<16xi32>, vector<16xi32>], vector<16xf32>,
        %mul3A_255 = arith.mulf %gather3A_253, %gather3A_254 : vector<16xf32>
        %add3A_256 = arith.addf %add3A_221, %mul3A_255 : vector<16xf32>
        %add3A_257 = arith.constant 64 : i32
        %add3A_258 = vector.broadcast %add3A_257 : i32 to vector<16xi32>
        %add3A_259 = arith.addi %add3A_258, %and3A_242 : vector<16xi32>
        %gather3A_260 = tpu.vector_load_idx %arg16[%add3A_162, %add3A_259] : memref<64x128xf32, #tpu.memory_space<vmem>>[vector<16xi32>, vector<16xi32>], vector<16xf32>,
        %gather3A_261 = tpu.vector_load_idx %arg17[%add3A_162, %add3A_259] : memref<64x128xf32, #tpu.memory_space<vmem>>[vector<16xi32>, vector<16xi32>], vector<16xf32>,
        %mul3A_262 = arith.mulf %gather3A_260, %gather3A_261 : vector<16xf32>
        %add3A_263 = arith.addf %add3A_228, %mul3A_262 : vector<16xf32>
        %add3A_264 = arith.constant 96 : i32
        %add3A_265 = vector.broadcast %add3A_264 : i32 to vector<16xi32>
        %add3A_266 = arith.addi %add3A_265, %and3A_242 : vector<16xi32>
        %gather3A_267 = tpu.vector_load_idx %arg16[%add3A_162, %add3A_266] : memref<64x128xf32, #tpu.memory_space<vmem>>[vector<16xi32>, vector<16xi32>], vector<16xf32>,
        %gather3A_268 = tpu.vector_load_idx %arg17[%add3A_162, %add3A_266] : memref<64x128xf32, #tpu.memory_space<vmem>>[vector<16xi32>, vector<16xi32>], vector<16xf32>,
        %mul3A_269 = arith.mulf %gather3A_267, %gather3A_268 : vector<16xf32>
        %add3A_270 = arith.addf %add3A_235, %mul3A_269 : vector<16xf32>
        %scan3A_271 = arith.constant 2 : i32
        %scan3A_272 = arith.addi %scan3A_199, %scan3A_271 : i32
        %add3A_273 = vector.broadcast %scan3A_272 : i32 to vector<16xi32>
        %add3A_274 = arith.addi %add3A_273, %iota3A : vector<16xi32>
        %and3A_275 = arith.constant 31 : i32
        %and3A_276 = vector.broadcast %and3A_275 : i32 to vector<16xi32>
        %and3A_277 = arith.andi %add3A_274, %and3A_276 : vector<16xi32>
        %add3A_278 = arith.constant 0 : i32
        %add3A_279 = vector.broadcast %add3A_278 : i32 to vector<16xi32>
        %add3A_280 = arith.addi %add3A_279, %and3A_277 : vector<16xi32>
        %gather3A_281 = tpu.vector_load_idx %arg16[%add3A_162, %add3A_280] : memref<64x128xf32, #tpu.memory_space<vmem>>[vector<16xi32>, vector<16xi32>], vector<16xf32>,
        %gather3A_282 = tpu.vector_load_idx %arg17[%add3A_162, %add3A_280] : memref<64x128xf32, #tpu.memory_space<vmem>>[vector<16xi32>, vector<16xi32>], vector<16xf32>,
        %mul3A_283 = arith.mulf %gather3A_281, %gather3A_282 : vector<16xf32>
        %add3A_284 = arith.addf %add3A_249, %mul3A_283 : vector<16xf32>
        %add3A_285 = arith.constant 32 : i32
        %add3A_286 = vector.broadcast %add3A_285 : i32 to vector<16xi32>
        %add3A_287 = arith.addi %add3A_286, %and3A_277 : vector<16xi32>
        %gather3A_288 = tpu.vector_load_idx %arg16[%add3A_162, %add3A_287] : memref<64x128xf32, #tpu.memory_space<vmem>>[vector<16xi32>, vector<16xi32>], vector<16xf32>,
        %gather3A_289 = tpu.vector_load_idx %arg17[%add3A_162, %add3A_287] : memref<64x128xf32, #tpu.memory_space<vmem>>[vector<16xi32>, vector<16xi32>], vector<16xf32>,
        %mul3A_290 = arith.mulf %gather3A_288, %gather3A_289 : vector<16xf32>
        %add3A_291 = arith.addf %add3A_256, %mul3A_290 : vector<16xf32>
        %add3A_292 = arith.constant 64 : i32
        %add3A_293 = vector.broadcast %add3A_292 : i32 to vector<16xi32>
        %add3A_294 = arith.addi %add3A_293, %and3A_277 : vector<16xi32>
        %gather3A_295 = tpu.vector_load_idx %arg16[%add3A_162, %add3A_294] : memref<64x128xf32, #tpu.memory_space<vmem>>[vector<16xi32>, vector<16xi32>], vector<16xf32>,
        %gather3A_296 = tpu.vector_load_idx %arg17[%add3A_162, %add3A_294] : memref<64x128xf32, #tpu.memory_space<vmem>>[vector<16xi32>, vector<16xi32>], vector<16xf32>,
        %mul3A_297 = arith.mulf %gather3A_295, %gather3A_296 : vector<16xf32>
        %add3A_298 = arith.addf %add3A_263, %mul3A_297 : vector<16xf32>
        %add3A_299 = arith.constant 96 : i32
        %add3A_300 = vector.broadcast %add3A_299 : i32 to vector<16xi32>
        %add3A_301 = arith.addi %add3A_300, %and3A_277 : vector<16xi32>
        %gather3A_302 = tpu.vector_load_idx %arg16[%add3A_162, %add3A_301] : memref<64x128xf32, #tpu.memory_space<vmem>>[vector<16xi32>, vector<16xi32>], vector<16xf32>,
        %gather3A_303 = tpu.vector_load_idx %arg17[%add3A_162, %add3A_301] : memref<64x128xf32, #tpu.memory_space<vmem>>[vector<16xi32>, vector<16xi32>], vector<16xf32>,
        %mul3A_304 = arith.mulf %gather3A_302, %gather3A_303 : vector<16xf32>
        %add3A_305 = arith.addf %add3A_270, %mul3A_304 : vector<16xf32>
        %scan3A_306 = arith.constant 3 : i32
        %scan3A_307 = arith.addi %scan3A_199, %scan3A_306 : i32
        %add3A_308 = vector.broadcast %scan3A_307 : i32 to vector<16xi32>
        %add3A_309 = arith.addi %add3A_308, %iota3A : vector<16xi32>
        %and3A_310 = arith.constant 31 : i32
        %and3A_311 = vector.broadcast %and3A_310 : i32 to vector<16xi32>
        %and3A_312 = arith.andi %add3A_309, %and3A_311 : vector<16xi32>
        %add3A_313 = arith.constant 0 : i32
        %add3A_314 = vector.broadcast %add3A_313 : i32 to vector<16xi32>
        %add3A_315 = arith.addi %add3A_314, %and3A_312 : vector<16xi32>
        %gather3A_316 = tpu.vector_load_idx %arg16[%add3A_162, %add3A_315] : memref<64x128xf32, #tpu.memory_space<vmem>>[vector<16xi32>, vector<16xi32>], vector<16xf32>,
        %gather3A_317 = tpu.vector_load_idx %arg17[%add3A_162, %add3A_315] : memref<64x128xf32, #tpu.memory_space<vmem>>[vector<16xi32>, vector<16xi32>], vector<16xf32>,
        %mul3A_318 = arith.mulf %gather3A_316, %gather3A_317 : vector<16xf32>
        %add3A_319 = arith.addf %add3A_284, %mul3A_318 : vector<16xf32>
        %add3A_320 = arith.constant 32 : i32
        %add3A_321 = vector.broadcast %add3A_320 : i32 to vector<16xi32>
        %add3A_322 = arith.addi %add3A_321, %and3A_312 : vector<16xi32>
        %gather3A_323 = tpu.vector_load_idx %arg16[%add3A_162, %add3A_322] : memref<64x128xf32, #tpu.memory_space<vmem>>[vector<16xi32>, vector<16xi32>], vector<16xf32>,
        %gather3A_324 = tpu.vector_load_idx %arg17[%add3A_162, %add3A_322] : memref<64x128xf32, #tpu.memory_space<vmem>>[vector<16xi32>, vector<16xi32>], vector<16xf32>,
        %mul3A_325 = arith.mulf %gather3A_323, %gather3A_324 : vector<16xf32>
        %add3A_326 = arith.addf %add3A_291, %mul3A_325 : vector<16xf32>
        %add3A_327 = arith.constant 64 : i32
        %add3A_328 = vector.broadcast %add3A_327 : i32 to vector<16xi32>
        %add3A_329 = arith.addi %add3A_328, %and3A_312 : vector<16xi32>
        %gather3A_330 = tpu.vector_load_idx %arg16[%add3A_162, %add3A_329] : memref<64x128xf32, #tpu.memory_space<vmem>>[vector<16xi32>, vector<16xi32>], vector<16xf32>,
        %gather3A_331 = tpu.vector_load_idx %arg17[%add3A_162, %add3A_329] : memref<64x128xf32, #tpu.memory_space<vmem>>[vector<16xi32>, vector<16xi32>], vector<16xf32>,
        %mul3A_332 = arith.mulf %gather3A_330, %gather3A_331 : vector<16xf32>
        %add3A_333 = arith.addf %add3A_298, %mul3A_332 : vector<16xf32>
        %add3A_334 = arith.constant 96 : i32
        %add3A_335 = vector.broadcast %add3A_334 : i32 to vector<16xi32>
        %add3A_336 = arith.addi %add3A_335, %and3A_312 : vector<16xi32>
        %gather3A_337 = tpu.vector_load_idx %arg16[%add3A_162, %add3A_336] : memref<64x128xf32, #tpu.memory_space<vmem>>[vector<16xi32>, vector<16xi32>], vector<16xf32>,
        %gather3A_338 = tpu.vector_load_idx %arg17[%add3A_162, %add3A_336] : memref<64x128xf32, #tpu.memory_space<vmem>>[vector<16xi32>, vector<16xi32>], vector<16xf32>,
        %mul3A_339 = arith.mulf %gather3A_337, %gather3A_338 : vector<16xf32>
        %add3A_340 = arith.addf %add3A_305, %mul3A_339 : vector<16xf32>
        scf.yield %add3A_319, %add3A_326, %add3A_333, %add3A_340 : vector<16xf32>, vector<16xf32>, vector<16xf32>, vector<16xf32>
      }
      %scan3A_168 = arith.constant 32 : i32
      %mul3A_169 = arith.constant 6.250000e-02 : f32
      %mul3A_170 = vector.broadcast %mul3A_169 : f32 to vector<16xf32>
      %mul3A_171 = arith.mulf %scan3A_167#0, %mul3A_170 : vector<16xf32>
      %exp3A_172 = math.exp %mul3A_171 : vector<16xf32>
      %broadcast_in_dim3A_173 = arith.constant 0 : i32
      %broadcast_in_dim3A_174 = vector.broadcast %broadcast_in_dim3A_173 : i32 to vector<16xi32>
      tpu.vector_store_idx %arg19[%add3A_162, %broadcast_in_dim3A_174], %exp3A_172 : memref<64x16xf32, #tpu.memory_space<vmem>>[vector<16xi32>, vector<16xi32>], vector<16xf32>,
      %mul3A_175 = arith.constant 6.250000e-02 : f32
      %mul3A_176 = vector.broadcast %mul3A_175 : f32 to vector<16xf32>
      %mul3A_177 = arith.mulf %scan3A_167#1, %mul3A_176 : vector<16xf32>
      %exp3A_178 = math.exp %mul3A_177 : vector<16xf32>
      %broadcast_in_dim3A_179 = arith.constant 1 : i32
      %broadcast_in_dim3A_180 = vector.broadcast %broadcast_in_dim3A_179 : i32 to vector<16xi32>
      tpu.vector_store_idx %arg19[%add3A_162, %broadcast_in_dim3A_180], %exp3A_178 : memref<64x16xf32, #tpu.memory_space<vmem>>[vector<16xi32>, vector<16xi32>], vector<16xf32>,
      %mul3A_181 = arith.constant 6.250000e-02 : f32
      %mul3A_182 = vector.broadcast %mul3A_181 : f32 to vector<16xf32>
      %mul3A_183 = arith.mulf %scan3A_167#2, %mul3A_182 : vector<16xf32>
      %exp3A_184 = math.exp %mul3A_183 : vector<16xf32>
      %broadcast_in_dim3A_185 = arith.constant 2 : i32
      %broadcast_in_dim3A_186 = vector.broadcast %broadcast_in_dim3A_185 : i32 to vector<16xi32>
      tpu.vector_store_idx %arg19[%add3A_162, %broadcast_in_dim3A_186], %exp3A_184 : memref<64x16xf32, #tpu.memory_space<vmem>>[vector<16xi32>, vector<16xi32>], vector<16xf32>,
      %mul3A_187 = arith.constant 6.250000e-02 : f32
      %mul3A_188 = vector.broadcast %mul3A_187 : f32 to vector<16xf32>
      %mul3A_189 = arith.mulf %scan3A_167#3, %mul3A_188 : vector<16xf32>
      %exp3A_190 = math.exp %mul3A_189 : vector<16xf32>
      %broadcast_in_dim3A_191 = arith.constant 3 : i32
      %broadcast_in_dim3A_192 = vector.broadcast %broadcast_in_dim3A_191 : i32 to vector<16xi32>
      tpu.vector_store_idx %arg19[%add3A_162, %broadcast_in_dim3A_192], %exp3A_190 : memref<64x16xf32, #tpu.memory_space<vmem>>[vector<16xi32>, vector<16xi32>], vector<16xf32>,
      %scan3A_193 = arith.constant 0 : i32
      %scan3A_194 = arith.constant 0 : i32
      %scan3A_195 = arith.constant 32 : i32
      %scan3A_196 = arith.addi %scan3A_194, %scan3A_195 : i32
      %scan3A_197 = arith.constant 4 : i32
      scf.for %scan3A_199 = %scan3A_194 to %scan3A_196 step %scan3A_197  : i32 {
        %add3A_200 = vector.broadcast %scan3A_199 : i32 to vector<16xi32>
        %add3A_201 = arith.addi %add3A_200, %iota3A : vector<16xi32>
        %and3A_202 = arith.constant 31 : i32
        %and3A_203 = vector.broadcast %and3A_202 : i32 to vector<16xi32>
        %and3A_204 = arith.andi %add3A_201, %and3A_203 : vector<16xi32>
        %add3A_205 = arith.constant 0 : i32
        %add3A_206 = vector.broadcast %add3A_205 : i32 to vector<16xi32>
        %add3A_207 = arith.addi %add3A_206, %and3A_204 : vector<16xi32>
        %gather3A = tpu.vector_load_idx %arg18[%add3A_162, %add3A_207] : memref<64x128xf32, #tpu.memory_space<vmem>>[vector<16xi32>, vector<16xi32>], vector<16xf32>,
        %mul3A_208 = arith.mulf %gather3A, %exp3A_172 : vector<16xf32>
        tpu.vector_store_idx %arg17[%add3A_162, %add3A_207], %mul3A_208 : memref<64x128xf32, #tpu.memory_space<vmem>>[vector<16xi32>, vector<16xi32>], vector<16xf32>,
        %add3A_209 = arith.constant 32 : i32
        %add3A_210 = vector.broadcast %add3A_209 : i32 to vector<16xi32>
        %add3A_211 = arith.addi %add3A_210, %and3A_204 : vector<16xi32>
        %gather3A_212 = tpu.vector_load_idx %arg18[%add3A_162, %add3A_211] : memref<64x128xf32, #tpu.memory_space<vmem>>[vector<16xi32>, vector<16xi32>], vector<16xf32>,
        %mul3A_213 = arith.mulf %gather3A_212, %exp3A_178 : vector<16xf32>
        tpu.vector_store_idx %arg17[%add3A_162, %add3A_211], %mul3A_213 : memref<64x128xf32, #tpu.memory_space<vmem>>[vector<16xi32>, vector<16xi32>], vector<16xf32>,
        %add3A_214 = arith.constant 64 : i32
        %add3A_215 = vector.broadcast %add3A_214 : i32 to vector<16xi32>
        %add3A_216 = arith.addi %add3A_215, %and3A_204 : vector<16xi32>
        %gather3A_217 = tpu.vector_load_idx %arg18[%add3A_162, %add3A_216] : memref<64x128xf32, #tpu.memory_space<vmem>>[vector<16xi32>, vector<16xi32>], vector<16xf32>,
        %mul3A_218 = arith.mulf %gather3A_217, %exp3A_184 : vector<16xf32>
        tpu.vector_store_idx %arg17[%add3A_162, %add3A_216], %mul3A_218 : memref<64x128xf32, #tpu.memory_space<vmem>>[vector<16xi32>, vector<16xi32>], vector<16xf32>,
        %add3A_219 = arith.constant 96 : i32
        %add3A_220 = vector.broadcast %add3A_219 : i32 to vector<16xi32>
        %add3A_221 = arith.addi %add3A_220, %and3A_204 : vector<16xi32>
        %gather3A_222 = tpu.vector_load_idx %arg18[%add3A_162, %add3A_221] : memref<64x128xf32, #tpu.memory_space<vmem>>[vector<16xi32>, vector<16xi32>], vector<16xf32>,
        %mul3A_223 = arith.mulf %gather3A_222, %exp3A_190 : vector<16xf32>
        tpu.vector_store_idx %arg17[%add3A_162, %add3A_221], %mul3A_223 : memref<64x128xf32, #tpu.memory_space<vmem>>[vector<16xi32>, vector<16xi32>], vector<16xf32>,
        %scan3A_224 = arith.constant 1 : i32
        %scan3A_225 = arith.addi %scan3A_199, %scan3A_224 : i32
        %add3A_226 = vector.broadcast %scan3A_225 : i32 to vector<16xi32>
        %add3A_227 = arith.addi %add3A_226, %iota3A : vector<16xi32>
        %and3A_228 = arith.constant 31 : i32
        %and3A_229 = vector.broadcast %and3A_228 : i32 to vector<16xi32>
        %and3A_230 = arith.andi %add3A_227, %and3A_229 : vector<16xi32>
        %add3A_231 = arith.constant 0 : i32
        %add3A_232 = vector.broadcast %add3A_231 : i32 to vector<16xi32>
        %add3A_233 = arith.addi %add3A_232, %and3A_230 : vector<16xi32>
        %gather3A_234 = tpu.vector_load_idx %arg18[%add3A_162, %add3A_233] : memref<64x128xf32, #tpu.memory_space<vmem>>[vector<16xi32>, vector<16xi32>], vector<16xf32>,
        %mul3A_235 = arith.mulf %gather3A_234, %exp3A_172 : vector<16xf32>
        tpu.vector_store_idx %arg17[%add3A_162, %add3A_233], %mul3A_235 : memref<64x128xf32, #tpu.memory_space<vmem>>[vector<16xi32>, vector<16xi32>], vector<16xf32>,
        %add3A_236 = arith.constant 32 : i32
        %add3A_237 = vector.broadcast %add3A_236 : i32 to vector<16xi32>
        %add3A_238 = arith.addi %add3A_237, %and3A_230 : vector<16xi32>
        %gather3A_239 = tpu.vector_load_idx %arg18[%add3A_162, %add3A_238] : memref<64x128xf32, #tpu.memory_space<vmem>>[vector<16xi32>, vector<16xi32>], vector<16xf32>,
        %mul3A_240 = arith.mulf %gather3A_239, %exp3A_178 : vector<16xf32>
        tpu.vector_store_idx %arg17[%add3A_162, %add3A_238], %mul3A_240 : memref<64x128xf32, #tpu.memory_space<vmem>>[vector<16xi32>, vector<16xi32>], vector<16xf32>,
        %add3A_241 = arith.constant 64 : i32
        %add3A_242 = vector.broadcast %add3A_241 : i32 to vector<16xi32>
        %add3A_243 = arith.addi %add3A_242, %and3A_230 : vector<16xi32>
        %gather3A_244 = tpu.vector_load_idx %arg18[%add3A_162, %add3A_243] : memref<64x128xf32, #tpu.memory_space<vmem>>[vector<16xi32>, vector<16xi32>], vector<16xf32>,
        %mul3A_245 = arith.mulf %gather3A_244, %exp3A_184 : vector<16xf32>
        tpu.vector_store_idx %arg17[%add3A_162, %add3A_243], %mul3A_245 : memref<64x128xf32, #tpu.memory_space<vmem>>[vector<16xi32>, vector<16xi32>], vector<16xf32>,
        %add3A_246 = arith.constant 96 : i32
        %add3A_247 = vector.broadcast %add3A_246 : i32 to vector<16xi32>
        %add3A_248 = arith.addi %add3A_247, %and3A_230 : vector<16xi32>
        %gather3A_249 = tpu.vector_load_idx %arg18[%add3A_162, %add3A_248] : memref<64x128xf32, #tpu.memory_space<vmem>>[vector<16xi32>, vector<16xi32>], vector<16xf32>,
        %mul3A_250 = arith.mulf %gather3A_249, %exp3A_190 : vector<16xf32>
        tpu.vector_store_idx %arg17[%add3A_162, %add3A_248], %mul3A_250 : memref<64x128xf32, #tpu.memory_space<vmem>>[vector<16xi32>, vector<16xi32>], vector<16xf32>,
        %scan3A_251 = arith.constant 2 : i32
        %scan3A_252 = arith.addi %scan3A_199, %scan3A_251 : i32
        %add3A_253 = vector.broadcast %scan3A_252 : i32 to vector<16xi32>
        %add3A_254 = arith.addi %add3A_253, %iota3A : vector<16xi32>
        %and3A_255 = arith.constant 31 : i32
        %and3A_256 = vector.broadcast %and3A_255 : i32 to vector<16xi32>
        %and3A_257 = arith.andi %add3A_254, %and3A_256 : vector<16xi32>
        %add3A_258 = arith.constant 0 : i32
        %add3A_259 = vector.broadcast %add3A_258 : i32 to vector<16xi32>
        %add3A_260 = arith.addi %add3A_259, %and3A_257 : vector<16xi32>
        %gather3A_261 = tpu.vector_load_idx %arg18[%add3A_162, %add3A_260] : memref<64x128xf32, #tpu.memory_space<vmem>>[vector<16xi32>, vector<16xi32>], vector<16xf32>,
        %mul3A_262 = arith.mulf %gather3A_261, %exp3A_172 : vector<16xf32>
        tpu.vector_store_idx %arg17[%add3A_162, %add3A_260], %mul3A_262 : memref<64x128xf32, #tpu.memory_space<vmem>>[vector<16xi32>, vector<16xi32>], vector<16xf32>,
        %add3A_263 = arith.constant 32 : i32
        %add3A_264 = vector.broadcast %add3A_263 : i32 to vector<16xi32>
        %add3A_265 = arith.addi %add3A_264, %and3A_257 : vector<16xi32>
        %gather3A_266 = tpu.vector_load_idx %arg18[%add3A_162, %add3A_265] : memref<64x128xf32, #tpu.memory_space<vmem>>[vector<16xi32>, vector<16xi32>], vector<16xf32>,
        %mul3A_267 = arith.mulf %gather3A_266, %exp3A_178 : vector<16xf32>
        tpu.vector_store_idx %arg17[%add3A_162, %add3A_265], %mul3A_267 : memref<64x128xf32, #tpu.memory_space<vmem>>[vector<16xi32>, vector<16xi32>], vector<16xf32>,
        %add3A_268 = arith.constant 64 : i32
        %add3A_269 = vector.broadcast %add3A_268 : i32 to vector<16xi32>
        %add3A_270 = arith.addi %add3A_269, %and3A_257 : vector<16xi32>
        %gather3A_271 = tpu.vector_load_idx %arg18[%add3A_162, %add3A_270] : memref<64x128xf32, #tpu.memory_space<vmem>>[vector<16xi32>, vector<16xi32>], vector<16xf32>,
        %mul3A_272 = arith.mulf %gather3A_271, %exp3A_184 : vector<16xf32>
        tpu.vector_store_idx %arg17[%add3A_162, %add3A_270], %mul3A_272 : memref<64x128xf32, #tpu.memory_space<vmem>>[vector<16xi32>, vector<16xi32>], vector<16xf32>,
        %add3A_273 = arith.constant 96 : i32
        %add3A_274 = vector.broadcast %add3A_273 : i32 to vector<16xi32>
        %add3A_275 = arith.addi %add3A_274, %and3A_257 : vector<16xi32>
        %gather3A_276 = tpu.vector_load_idx %arg18[%add3A_162, %add3A_275] : memref<64x128xf32, #tpu.memory_space<vmem>>[vector<16xi32>, vector<16xi32>], vector<16xf32>,
        %mul3A_277 = arith.mulf %gather3A_276, %exp3A_190 : vector<16xf32>
        tpu.vector_store_idx %arg17[%add3A_162, %add3A_275], %mul3A_277 : memref<64x128xf32, #tpu.memory_space<vmem>>[vector<16xi32>, vector<16xi32>], vector<16xf32>,
        %scan3A_278 = arith.constant 3 : i32
        %scan3A_279 = arith.addi %scan3A_199, %scan3A_278 : i32
        %add3A_280 = vector.broadcast %scan3A_279 : i32 to vector<16xi32>
        %add3A_281 = arith.addi %add3A_280, %iota3A : vector<16xi32>
        %and3A_282 = arith.constant 31 : i32
        %and3A_283 = vector.broadcast %and3A_282 : i32 to vector<16xi32>
        %and3A_284 = arith.andi %add3A_281, %and3A_283 : vector<16xi32>
        %add3A_285 = arith.constant 0 : i32
        %add3A_286 = vector.broadcast %add3A_285 : i32 to vector<16xi32>
        %add3A_287 = arith.addi %add3A_286, %and3A_284 : vector<16xi32>
        %gather3A_288 = tpu.vector_load_idx %arg18[%add3A_162, %add3A_287] : memref<64x128xf32, #tpu.memory_space<vmem>>[vector<16xi32>, vector<16xi32>], vector<16xf32>,
        %mul3A_289 = arith.mulf %gather3A_288, %exp3A_172 : vector<16xf32>
        tpu.vector_store_idx %arg17[%add3A_162, %add3A_287], %mul3A_289 : memref<64x128xf32, #tpu.memory_space<vmem>>[vector<16xi32>, vector<16xi32>], vector<16xf32>,
        %add3A_290 = arith.constant 32 : i32
        %add3A_291 = vector.broadcast %add3A_290 : i32 to vector<16xi32>
        %add3A_292 = arith.addi %add3A_291, %and3A_284 : vector<16xi32>
        %gather3A_293 = tpu.vector_load_idx %arg18[%add3A_162, %add3A_292] : memref<64x128xf32, #tpu.memory_space<vmem>>[vector<16xi32>, vector<16xi32>], vector<16xf32>,
        %mul3A_294 = arith.mulf %gather3A_293, %exp3A_178 : vector<16xf32>
        tpu.vector_store_idx %arg17[%add3A_162, %add3A_292], %mul3A_294 : memref<64x128xf32, #tpu.memory_space<vmem>>[vector<16xi32>, vector<16xi32>], vector<16xf32>,
        %add3A_295 = arith.constant 64 : i32
        %add3A_296 = vector.broadcast %add3A_295 : i32 to vector<16xi32>
        %add3A_297 = arith.addi %add3A_296, %and3A_284 : vector<16xi32>
        %gather3A_298 = tpu.vector_load_idx %arg18[%add3A_162, %add3A_297] : memref<64x128xf32, #tpu.memory_space<vmem>>[vector<16xi32>, vector<16xi32>], vector<16xf32>,
        %mul3A_299 = arith.mulf %gather3A_298, %exp3A_184 : vector<16xf32>
        tpu.vector_store_idx %arg17[%add3A_162, %add3A_297], %mul3A_299 : memref<64x128xf32, #tpu.memory_space<vmem>>[vector<16xi32>, vector<16xi32>], vector<16xf32>,
        %add3A_300 = arith.constant 96 : i32
        %add3A_301 = vector.broadcast %add3A_300 : i32 to vector<16xi32>
        %add3A_302 = arith.addi %add3A_301, %and3A_284 : vector<16xi32>
        %gather3A_303 = tpu.vector_load_idx %arg18[%add3A_162, %add3A_302] : memref<64x128xf32, #tpu.memory_space<vmem>>[vector<16xi32>, vector<16xi32>], vector<16xf32>,
        %mul3A_304 = arith.mulf %gather3A_303, %exp3A_190 : vector<16xf32>
        tpu.vector_store_idx %arg17[%add3A_162, %add3A_302], %mul3A_304 : memref<64x128xf32, #tpu.memory_space<vmem>>[vector<16xi32>, vector<16xi32>], vector<16xf32>,
      }
      %scan3A_198 = arith.constant 32 : i32
      "tpu.region"() ({
        %run_scoped3A = tpu.sem_alloc : memref<!tpu.dma_semaphore, #tpu.memory_space<semaphore_mem>>
        %dma_start3A_199 = arith.constant 0 : i32
        %dma_start3A_200 = tpu.memref_slice %arg17[%mul3A_74, %dma_start3A_199] : memref<64x128xf32, #tpu.memory_space<vmem>> -> memref<32x128xf32, #tpu.memory_space<vmem>>
        %dma_start3A_201 = arith.constant 0 : i32
        %dma_start3A_202 = tpu.memref_slice %arg13[%and3A_78, %and3A_80, %dma_start3A_201] : memref<2x16x32xi32, #tpu.memory_space<vmem>> -> memref<1x1x32xi32, #tpu.memory_space<vmem>>
        %dma_start3A_203 = tpu.memref_squeeze %dma_start3A_202 : memref<1x1x32xi32, #tpu.memory_space<vmem>> -> memref<32xi32, #tpu.memory_space<vmem>>
        %dma_start3A_204 = arith.constant 0 : i32
        %dma_start3A_205 = arith.constant 0 : i32
        %dma_start3A_206 = tpu.memref_slice %arg10[%dma_start3A_204, %dma_start3A_205] : memref<10240x128xf32, #tpu.memory_space<vmem_shared>> -> memref<10240x128xf32, #tpu.memory_space<vmem_shared>>
        tpu.enqueue_indirect_dma source(%dma_start3A_200 : memref<32x128xf32, #tpu.memory_space<vmem>>) target(%dma_start3A_206 : memref<10240x128xf32, #tpu.memory_space<vmem_shared>>) offsets(%dma_start3A_203 : memref<32xi32, #tpu.memory_space<vmem>>) semaphore(%run_scoped3A : memref<!tpu.dma_semaphore, #tpu.memory_space<semaphore_mem>>) {add = true}
        %dma_wait3A_207 = arith.constant 0 : i32
        %dma_wait3A_208 = tpu.memref_slice %arg17[%mul3A_74, %dma_wait3A_207] : memref<64x128xf32, #tpu.memory_space<vmem>> -> memref<32x128xf32, #tpu.memory_space<vmem>>
        %dma_wait3A_209 = arith.constant 0 : i32
        %dma_wait3A_210 = tpu.memref_slice %arg13[%and3A_78, %and3A_80, %dma_wait3A_209] : memref<2x16x32xi32, #tpu.memory_space<vmem>> -> memref<1x1x32xi32, #tpu.memory_space<vmem>>
        %dma_wait3A_211 = tpu.memref_squeeze %dma_wait3A_210 : memref<1x1x32xi32, #tpu.memory_space<vmem>> -> memref<32xi32, #tpu.memory_space<vmem>>
        %dma_wait3A_212 = arith.constant 0 : i32
        %dma_wait3A_213 = arith.constant 0 : i32
        %dma_wait3A_214 = tpu.memref_slice %arg10[%dma_wait3A_212, %dma_wait3A_213] : memref<10240x128xf32, #tpu.memory_space<vmem_shared>> -> memref<10240x128xf32, #tpu.memory_space<vmem_shared>>
        tpu.wait_indirect_dma semaphore(%run_scoped3A : memref<!tpu.dma_semaphore, #tpu.memory_space<semaphore_mem>>) src(%dma_wait3A_208 : memref<32x128xf32, #tpu.memory_space<vmem>>) dst(%dma_wait3A_214 : memref<10240x128xf32, #tpu.memory_space<vmem_shared>>)
        tpu.yield
      }) : () -> ()
      "tpu.region"() ({
        %run_scoped3A = tpu.sem_alloc : memref<!tpu.dma_semaphore, #tpu.memory_space<semaphore_mem>>
        %dma_start3A_199 = arith.constant 0 : i32
        %dma_start3A_200 = tpu.memref_slice %arg19[%mul3A_74, %dma_start3A_199] : memref<64x16xf32, #tpu.memory_space<vmem>> -> memref<32x16xf32, #tpu.memory_space<vmem>>
        %dma_start3A_201 = arith.constant 0 : i32
        %dma_start3A_202 = tpu.memref_slice %arg13[%and3A_78, %and3A_80, %dma_start3A_201] : memref<2x16x32xi32, #tpu.memory_space<vmem>> -> memref<1x1x32xi32, #tpu.memory_space<vmem>>
        %dma_start3A_203 = tpu.memref_squeeze %dma_start3A_202 : memref<1x1x32xi32, #tpu.memory_space<vmem>> -> memref<32xi32, #tpu.memory_space<vmem>>
        %dma_start3A_204 = arith.constant 0 : i32
        %dma_start3A_205 = arith.constant 0 : i32
        %dma_start3A_206 = tpu.memref_slice %arg11[%dma_start3A_204, %dma_start3A_205] : memref<10240x16xf32, #tpu.memory_space<vmem_shared>> -> memref<10240x16xf32, #tpu.memory_space<vmem_shared>>
        tpu.enqueue_indirect_dma source(%dma_start3A_200 : memref<32x16xf32, #tpu.memory_space<vmem>>) target(%dma_start3A_206 : memref<10240x16xf32, #tpu.memory_space<vmem_shared>>) offsets(%dma_start3A_203 : memref<32xi32, #tpu.memory_space<vmem>>) semaphore(%run_scoped3A : memref<!tpu.dma_semaphore, #tpu.memory_space<semaphore_mem>>) {add = true}
        %dma_wait3A_207 = arith.constant 0 : i32
        %dma_wait3A_208 = tpu.memref_slice %arg19[%mul3A_74, %dma_wait3A_207] : memref<64x16xf32, #tpu.memory_space<vmem>> -> memref<32x16xf32, #tpu.memory_space<vmem>>
        %dma_wait3A_209 = arith.constant 0 : i32
        %dma_wait3A_210 = tpu.memref_slice %arg13[%and3A_78, %and3A_80, %dma_wait3A_209] : memref<2x16x32xi32, #tpu.memory_space<vmem>> -> memref<1x1x32xi32, #tpu.memory_space<vmem>>
        %dma_wait3A_211 = tpu.memref_squeeze %dma_wait3A_210 : memref<1x1x32xi32, #tpu.memory_space<vmem>> -> memref<32xi32, #tpu.memory_space<vmem>>
        %dma_wait3A_212 = arith.constant 0 : i32
        %dma_wait3A_213 = arith.constant 0 : i32
        %dma_wait3A_214 = tpu.memref_slice %arg11[%dma_wait3A_212, %dma_wait3A_213] : memref<10240x16xf32, #tpu.memory_space<vmem_shared>> -> memref<10240x16xf32, #tpu.memory_space<vmem_shared>>
        tpu.wait_indirect_dma semaphore(%run_scoped3A : memref<!tpu.dma_semaphore, #tpu.memory_space<semaphore_mem>>) src(%dma_wait3A_208 : memref<32x16xf32, #tpu.memory_space<vmem>>) dst(%dma_wait3A_214 : memref<10240x16xf32, #tpu.memory_space<vmem_shared>>)
        tpu.yield
      }) : () -> ()
    }
    %scan3A_62 = arith.constant 314 : i32
    %barrier3A_63 = arith.constant 0 : index
    tpu.barrier barrier_id(%barrier3A_63)
    %scan3A_64 = arith.constant 0 : i32
    %scan3A_65 = arith.constant 0 : i32
    %scan3A_66 = arith.constant 10 : i32
    %scan3A_67 = arith.addi %scan3A_65, %scan3A_66 : i32
    %scan3A_68 = arith.constant 1 : i32
    scf.for %scan3A_70 = %scan3A_65 to %scan3A_67 step %scan3A_68  : i32 {
      %mul3A_71 = arith.constant 640 : i32
      %mul3A_72 = arith.muli %arg1, %mul3A_71 : i32
      %mul3A_73 = arith.constant 64 : i32
      %mul3A_74 = arith.muli %scan3A_70, %mul3A_73 : i32
      %add3A_75 = arith.addi %mul3A_72, %mul3A_74 : i32
      "tpu.region"() ({
        %run_scoped3A = tpu.sem_alloc : memref<!tpu.dma_semaphore, #tpu.memory_space<semaphore_mem>>
        %dma_start3A_83 = arith.constant 0 : i32
        %dma_start3A_84 = tpu.memref_slice %arg10[%add3A_75, %dma_start3A_83] : memref<10240x128xf32, #tpu.memory_space<vmem_shared>> -> memref<64x128xf32, #tpu.memory_space<vmem_shared>>
        %dma_start3A_85 = arith.constant 0 : i32
        %dma_start3A_86 = tpu.memref_slice %arg10[%add3A_75, %dma_start3A_85] : memref<10240x128xf32, #tpu.memory_space<vmem_shared>> -> memref<64x128xf32, #tpu.memory_space<vmem_shared>>
        tpu.enqueue_dma source(%dma_start3A_86 : memref<64x128xf32, #tpu.memory_space<vmem_shared>>) target(%arg16 : memref<64x128xf32, #tpu.memory_space<vmem>>) target_semaphore(%run_scoped3A : memref<!tpu.dma_semaphore, #tpu.memory_space<semaphore_mem>>)
        %dma_wait3A = arith.constant 0 : i32
        %dma_wait3A_87 = tpu.memref_slice %arg10[%add3A_75, %dma_wait3A] : memref<10240x128xf32, #tpu.memory_space<vmem_shared>> -> memref<64x128xf32, #tpu.memory_space<vmem_shared>>
        %dma_wait3A_88 = arith.constant 0 : i32
        %dma_wait3A_89 = tpu.memref_slice %arg10[%add3A_75, %dma_wait3A_88] : memref<10240x128xf32, #tpu.memory_space<vmem_shared>> -> memref<64x128xf32, #tpu.memory_space<vmem_shared>>
        tpu.wait_dma2 semaphore(%run_scoped3A : memref<!tpu.dma_semaphore, #tpu.memory_space<semaphore_mem>>) src(%dma_wait3A_89 : memref<64x128xf32, #tpu.memory_space<vmem_shared>>) dst(%arg16 : memref<64x128xf32, #tpu.memory_space<vmem>>)
        tpu.yield
      }) : () -> ()
      "tpu.region"() ({
        %run_scoped3A = tpu.sem_alloc : memref<!tpu.dma_semaphore, #tpu.memory_space<semaphore_mem>>
        %dma_start3A_83 = arith.constant 0 : i32
        %dma_start3A_84 = tpu.memref_slice %arg11[%add3A_75, %dma_start3A_83] : memref<10240x16xf32, #tpu.memory_space<vmem_shared>> -> memref<64x16xf32, #tpu.memory_space<vmem_shared>>
        %dma_start3A_85 = arith.constant 0 : i32
        %dma_start3A_86 = tpu.memref_slice %arg11[%add3A_75, %dma_start3A_85] : memref<10240x16xf32, #tpu.memory_space<vmem_shared>> -> memref<64x16xf32, #tpu.memory_space<vmem_shared>>
        tpu.enqueue_dma source(%dma_start3A_86 : memref<64x16xf32, #tpu.memory_space<vmem_shared>>) target(%arg19 : memref<64x16xf32, #tpu.memory_space<vmem>>) target_semaphore(%run_scoped3A : memref<!tpu.dma_semaphore, #tpu.memory_space<semaphore_mem>>)
        %dma_wait3A = arith.constant 0 : i32
        %dma_wait3A_87 = tpu.memref_slice %arg11[%add3A_75, %dma_wait3A] : memref<10240x16xf32, #tpu.memory_space<vmem_shared>> -> memref<64x16xf32, #tpu.memory_space<vmem_shared>>
        %dma_wait3A_88 = arith.constant 0 : i32
        %dma_wait3A_89 = tpu.memref_slice %arg11[%add3A_75, %dma_wait3A_88] : memref<10240x16xf32, #tpu.memory_space<vmem_shared>> -> memref<64x16xf32, #tpu.memory_space<vmem_shared>>
        tpu.wait_dma2 semaphore(%run_scoped3A : memref<!tpu.dma_semaphore, #tpu.memory_space<semaphore_mem>>) src(%dma_wait3A_89 : memref<64x16xf32, #tpu.memory_space<vmem_shared>>) dst(%arg19 : memref<64x16xf32, #tpu.memory_space<vmem>>)
        tpu.yield
      }) : () -> ()
      %scan3A_76 = arith.constant 0 : i32
      %scan3A_77 = arith.constant 0 : i32
      %scan3A_78 = arith.constant 64 : i32
      %scan3A_79 = arith.addi %scan3A_77, %scan3A_78 : i32
      %scan3A_80 = arith.constant 1 : i32
      scf.for %scan3A_83 = %scan3A_77 to %scan3A_79 step %scan3A_80  : i32 {
        %get3A = arith.index_cast %scan3A_83 : i32 to index
        %get3A_84 = arith.constant 0 : index
        %get3A_85 = tpu.vector_load %arg19[%get3A, %get3A_84] {strides = array<i32>} : memref<64x16xf32, #tpu.memory_space<vmem>>, vector<16xf32>,
        %max3A = arith.constant 9.99999968E-21 : f32
        %max3A_86 = vector.broadcast %max3A : f32 to vector<16xf32>
        %max3A_87 = arith.maximumf %get3A_85, %max3A_86 : vector<16xf32>
        %div3A = arith.constant 1.000000e+00 : f32
        %div3A_88 = vector.broadcast %div3A : f32 to vector<16xf32>
        %div3A_89 = arith.divf %div3A_88, %max3A_87 : vector<16xf32>
        %slice3A = vector.extract_strided_slice %div3A_89 {offsets = [0], sizes = [1], strides = [1]} : vector<16xf32> to vector<1xf32>
        %squeeze3A = vector.extract %slice3A[0] : f32 from vector<1xf32>
        %broadcast_in_dim3A_90 = vector.broadcast %squeeze3A : f32 to vector<16xf32>
        %get3A_91 = arith.index_cast %scan3A_83 : i32 to index
        %get3A_92 = arith.constant 0 : index
        %get3A_93 = tpu.vector_load %arg16[%get3A_91, %get3A_92] {strides = array<i32>} : memref<64x128xf32, #tpu.memory_space<vmem>>, vector<16xf32>,
        %mul3A_94 = arith.mulf %get3A_93, %broadcast_in_dim3A_90 : vector<16xf32>
        %swap3A = arith.index_cast %scan3A_83 : i32 to index
        %swap3A_95 = arith.constant 0 : index
        %swap3A_96 = tpu.vector_load %arg16[%swap3A, %swap3A_95] {strides = array<i32>} : memref<64x128xf32, #tpu.memory_space<vmem>>, vector<16xf32>,
        tpu.vector_store %arg16[%swap3A, %swap3A_95], %mul3A_94 {strides = array<i32>} : memref<64x128xf32, #tpu.memory_space<vmem>>, vector<16xf32>,
        %get3A_97 = arith.index_cast %scan3A_83 : i32 to index
        %get3A_98 = arith.constant 16 : index
        %get3A_99 = tpu.vector_load %arg16[%get3A_97, %get3A_98] {strides = array<i32>} : memref<64x128xf32, #tpu.memory_space<vmem>>, vector<16xf32>,
        %mul3A_100 = arith.mulf %get3A_99, %broadcast_in_dim3A_90 : vector<16xf32>
        %swap3A_101 = arith.index_cast %scan3A_83 : i32 to index
        %swap3A_102 = arith.constant 16 : index
        %swap3A_103 = tpu.vector_load %arg16[%swap3A_101, %swap3A_102] {strides = array<i32>} : memref<64x128xf32, #tpu.memory_space<vmem>>, vector<16xf32>,
        tpu.vector_store %arg16[%swap3A_101, %swap3A_102], %mul3A_100 {strides = array<i32>} : memref<64x128xf32, #tpu.memory_space<vmem>>, vector<16xf32>,
        %slice3A_104 = vector.extract_strided_slice %div3A_89 {offsets = [1], sizes = [1], strides = [1]} : vector<16xf32> to vector<1xf32>
        %squeeze3A_105 = vector.extract %slice3A_104[0] : f32 from vector<1xf32>
        %broadcast_in_dim3A_106 = vector.broadcast %squeeze3A_105 : f32 to vector<16xf32>
        %get3A_107 = arith.index_cast %scan3A_83 : i32 to index
        %get3A_108 = arith.constant 32 : index
        %get3A_109 = tpu.vector_load %arg16[%get3A_107, %get3A_108] {strides = array<i32>} : memref<64x128xf32, #tpu.memory_space<vmem>>, vector<16xf32>,
        %mul3A_110 = arith.mulf %get3A_109, %broadcast_in_dim3A_106 : vector<16xf32>
        %swap3A_111 = arith.index_cast %scan3A_83 : i32 to index
        %swap3A_112 = arith.constant 32 : index
        %swap3A_113 = tpu.vector_load %arg16[%swap3A_111, %swap3A_112] {strides = array<i32>} : memref<64x128xf32, #tpu.memory_space<vmem>>, vector<16xf32>,
        tpu.vector_store %arg16[%swap3A_111, %swap3A_112], %mul3A_110 {strides = array<i32>} : memref<64x128xf32, #tpu.memory_space<vmem>>, vector<16xf32>,
        %get3A_114 = arith.index_cast %scan3A_83 : i32 to index
        %get3A_115 = arith.constant 48 : index
        %get3A_116 = tpu.vector_load %arg16[%get3A_114, %get3A_115] {strides = array<i32>} : memref<64x128xf32, #tpu.memory_space<vmem>>, vector<16xf32>,
        %mul3A_117 = arith.mulf %get3A_116, %broadcast_in_dim3A_106 : vector<16xf32>
        %swap3A_118 = arith.index_cast %scan3A_83 : i32 to index
        %swap3A_119 = arith.constant 48 : index
        %swap3A_120 = tpu.vector_load %arg16[%swap3A_118, %swap3A_119] {strides = array<i32>} : memref<64x128xf32, #tpu.memory_space<vmem>>, vector<16xf32>,
        tpu.vector_store %arg16[%swap3A_118, %swap3A_119], %mul3A_117 {strides = array<i32>} : memref<64x128xf32, #tpu.memory_space<vmem>>, vector<16xf32>,
        %slice3A_121 = vector.extract_strided_slice %div3A_89 {offsets = [2], sizes = [1], strides = [1]} : vector<16xf32> to vector<1xf32>
        %squeeze3A_122 = vector.extract %slice3A_121[0] : f32 from vector<1xf32>
        %broadcast_in_dim3A_123 = vector.broadcast %squeeze3A_122 : f32 to vector<16xf32>
        %get3A_124 = arith.index_cast %scan3A_83 : i32 to index
        %get3A_125 = arith.constant 64 : index
        %get3A_126 = tpu.vector_load %arg16[%get3A_124, %get3A_125] {strides = array<i32>} : memref<64x128xf32, #tpu.memory_space<vmem>>, vector<16xf32>,
        %mul3A_127 = arith.mulf %get3A_126, %broadcast_in_dim3A_123 : vector<16xf32>
        %swap3A_128 = arith.index_cast %scan3A_83 : i32 to index
        %swap3A_129 = arith.constant 64 : index
        %swap3A_130 = tpu.vector_load %arg16[%swap3A_128, %swap3A_129] {strides = array<i32>} : memref<64x128xf32, #tpu.memory_space<vmem>>, vector<16xf32>,
        tpu.vector_store %arg16[%swap3A_128, %swap3A_129], %mul3A_127 {strides = array<i32>} : memref<64x128xf32, #tpu.memory_space<vmem>>, vector<16xf32>,
        %get3A_131 = arith.index_cast %scan3A_83 : i32 to index
        %get3A_132 = arith.constant 80 : index
        %get3A_133 = tpu.vector_load %arg16[%get3A_131, %get3A_132] {strides = array<i32>} : memref<64x128xf32, #tpu.memory_space<vmem>>, vector<16xf32>,
        %mul3A_134 = arith.mulf %get3A_133, %broadcast_in_dim3A_123 : vector<16xf32>
        %swap3A_135 = arith.index_cast %scan3A_83 : i32 to index
        %swap3A_136 = arith.constant 80 : index
        %swap3A_137 = tpu.vector_load %arg16[%swap3A_135, %swap3A_136] {strides = array<i32>} : memref<64x128xf32, #tpu.memory_space<vmem>>, vector<16xf32>,
        tpu.vector_store %arg16[%swap3A_135, %swap3A_136], %mul3A_134 {strides = array<i32>} : memref<64x128xf32, #tpu.memory_space<vmem>>, vector<16xf32>,
        %slice3A_138 = vector.extract_strided_slice %div3A_89 {offsets = [3], sizes = [1], strides = [1]} : vector<16xf32> to vector<1xf32>
        %squeeze3A_139 = vector.extract %slice3A_138[0] : f32 from vector<1xf32>
        %broadcast_in_dim3A_140 = vector.broadcast %squeeze3A_139 : f32 to vector<16xf32>
        %get3A_141 = arith.index_cast %scan3A_83 : i32 to index
        %get3A_142 = arith.constant 96 : index
        %get3A_143 = tpu.vector_load %arg16[%get3A_141, %get3A_142] {strides = array<i32>} : memref<64x128xf32, #tpu.memory_space<vmem>>, vector<16xf32>,
        %mul3A_144 = arith.mulf %get3A_143, %broadcast_in_dim3A_140 : vector<16xf32>
        %swap3A_145 = arith.index_cast %scan3A_83 : i32 to index
        %swap3A_146 = arith.constant 96 : index
        %swap3A_147 = tpu.vector_load %arg16[%swap3A_145, %swap3A_146] {strides = array<i32>} : memref<64x128xf32, #tpu.memory_space<vmem>>, vector<16xf32>,
        tpu.vector_store %arg16[%swap3A_145, %swap3A_146], %mul3A_144 {strides = array<i32>} : memref<64x128xf32, #tpu.memory_space<vmem>>, vector<16xf32>,
        %get3A_148 = arith.index_cast %scan3A_83 : i32 to index
        %get3A_149 = arith.constant 112 : index
        %get3A_150 = tpu.vector_load %arg16[%get3A_148, %get3A_149] {strides = array<i32>} : memref<64x128xf32, #tpu.memory_space<vmem>>, vector<16xf32>,
        %mul3A_151 = arith.mulf %get3A_150, %broadcast_in_dim3A_140 : vector<16xf32>
        %swap3A_152 = arith.index_cast %scan3A_83 : i32 to index
        %swap3A_153 = arith.constant 112 : index
        %swap3A_154 = tpu.vector_load %arg16[%swap3A_152, %swap3A_153] {strides = array<i32>} : memref<64x128xf32, #tpu.memory_space<vmem>>, vector<16xf32>,
        tpu.vector_store %arg16[%swap3A_152, %swap3A_153], %mul3A_151 {strides = array<i32>} : memref<64x128xf32, #tpu.memory_space<vmem>>, vector<16xf32>,
      }
      %scan3A_81 = arith.constant 64 : i32
      %add3A_82 = arith.addi %mul3A_0, %add3A_75 : i32
      "tpu.region"() ({
        %run_scoped3A = tpu.sem_alloc : memref<!tpu.dma_semaphore, #tpu.memory_space<semaphore_mem>>
        %dma_start3A_83 = arith.constant 0 : i32
        %dma_start3A_84 = tpu.memref_slice %arg9[%add3A_82, %dma_start3A_83] : memref<20480x128xf32, #tpu.memory_space<hbm>> -> memref<64x128xf32, #tpu.memory_space<hbm>>
        %dma_start3A_85 = arith.constant 0 : i32
        %dma_start3A_86 = tpu.memref_slice %arg9[%add3A_82, %dma_start3A_85] : memref<20480x128xf32, #tpu.memory_space<hbm>> -> memref<64x128xf32, #tpu.memory_space<hbm>>
        tpu.enqueue_dma source(%arg16 : memref<64x128xf32, #tpu.memory_space<vmem>>) target(%dma_start3A_86 : memref<64x128xf32, #tpu.memory_space<hbm>>) target_semaphore(%run_scoped3A : memref<!tpu.dma_semaphore, #tpu.memory_space<semaphore_mem>>)
        %dma_wait3A = arith.constant 0 : i32
        %dma_wait3A_87 = tpu.memref_slice %arg9[%add3A_82, %dma_wait3A] : memref<20480x128xf32, #tpu.memory_space<hbm>> -> memref<64x128xf32, #tpu.memory_space<hbm>>
        %dma_wait3A_88 = arith.constant 0 : i32
        %dma_wait3A_89 = tpu.memref_slice %arg9[%add3A_82, %dma_wait3A_88] : memref<20480x128xf32, #tpu.memory_space<hbm>> -> memref<64x128xf32, #tpu.memory_space<hbm>>
        tpu.wait_dma2 semaphore(%run_scoped3A : memref<!tpu.dma_semaphore, #tpu.memory_space<semaphore_mem>>) src(%arg16 : memref<64x128xf32, #tpu.memory_space<vmem>>) dst(%dma_wait3A_89 : memref<64x128xf32, #tpu.memory_space<hbm>>)
        tpu.yield
      }) : () -> ()
    }
    %scan3A_69 = arith.constant 10 : i32
    return
  }
}

#map = affine_map<(d0, d1) -> (0, 0)>
module attributes {stable_mosaic.version = 14 : i64} {
  func.func @_edge_body(%arg0: i32, %arg1: i32, %arg2: memref<20480x128xf32, #tpu.memory_space<hbm>>, %arg3: memref<20480x128xf32, #tpu.memory_space<hbm>>, %arg4: memref<20480x128xf32, #tpu.memory_space<hbm>>, %arg5: memref<5120x32xi32, #tpu.memory_space<hbm>>, %arg6: memref<5120x32xi32, #tpu.memory_space<hbm>>, %arg7: memref<10240x128xf32, #tpu.memory_space<hbm>>, %arg8: memref<10240x16xf32, #tpu.memory_space<hbm>>, %arg9: memref<20480x128xf32, #tpu.memory_space<hbm>>, %arg10: memref<10240x128xf32, #tpu.memory_space<vmem_shared>>, %arg11: memref<10240x16xf32, #tpu.memory_space<vmem_shared>>, %arg12: memref<2x16x32xi32, #tpu.memory_space<vmem>>, %arg13: memref<2x16x32xi32, #tpu.memory_space<vmem>>, %arg14: memref<2x16x32xi32, #tpu.memory_space<vmem>>, %arg15: memref<2x16x32xi32, #tpu.memory_space<vmem>>, %arg16: memref<64x128xf32, #tpu.memory_space<vmem>>, %arg17: memref<64x128xf32, #tpu.memory_space<vmem>>, %arg18: memref<64x128xf32, #tpu.memory_space<vmem>>, %arg19: memref<64x16xf32, #tpu.memory_space<vmem>>, %arg20: memref<!tpu.dma_semaphore, #tpu.memory_space<semaphore_mem>>) attributes {dimension_semantics = [#tpu.dimension_semantics<core_parallel>, #tpu.dimension_semantics<subcore_parallel>], iteration_bounds = array<i64: 2, 16>, scalar_prefetch = 0 : i64, scratch_operands = 11 : i64, tpu.core_type = #tpu.core_type<sc_vector_subcore>, window_params = [{transform_indices = #map}, {transform_indices = #map}, {transform_indices = #map}, {transform_indices = #map}, {transform_indices = #map}, {transform_indices = #map}, {transform_indices = #map}, {transform_indices = #map}]} {
    %mul3A = arith.constant 10240 : i32
    %mul3A_0 = arith.muli %arg0, %mul3A : i32
    %mul3A_1 = arith.constant 640 : i32
    %mul3A_2 = arith.muli %arg1, %mul3A_1 : i32
    "tpu.region"() ({
      %run_scoped3A = tpu.sem_alloc : memref<!tpu.dma_semaphore, #tpu.memory_space<semaphore_mem>>
      %dma_start3A_70 = arith.constant 0 : i32
      %dma_start3A_71 = tpu.memref_slice %arg10[%mul3A_2, %dma_start3A_70] : memref<10240x128xf32, #tpu.memory_space<vmem_shared>> -> memref<640x128xf32, #tpu.memory_space<vmem_shared>>
      %dma_start3A_72 = arith.constant 0 : i32
      %dma_start3A_73 = tpu.memref_slice %arg7[%mul3A_2, %dma_start3A_72] : memref<10240x128xf32, #tpu.memory_space<hbm>> -> memref<640x128xf32, #tpu.memory_space<hbm>>
      tpu.enqueue_dma source(%dma_start3A_73 : memref<640x128xf32, #tpu.memory_space<hbm>>) target(%dma_start3A_71 : memref<640x128xf32, #tpu.memory_space<vmem_shared>>) target_semaphore(%run_scoped3A : memref<!tpu.dma_semaphore, #tpu.memory_space<semaphore_mem>>)
      %dma_wait3A = arith.constant 0 : i32
      %dma_wait3A_74 = tpu.memref_slice %arg10[%mul3A_2, %dma_wait3A] : memref<10240x128xf32, #tpu.memory_space<vmem_shared>> -> memref<640x128xf32, #tpu.memory_space<vmem_shared>>
      %dma_wait3A_75 = arith.constant 0 : i32
      %dma_wait3A_76 = tpu.memref_slice %arg7[%mul3A_2, %dma_wait3A_75] : memref<10240x128xf32, #tpu.memory_space<hbm>> -> memref<640x128xf32, #tpu.memory_space<hbm>>
      tpu.wait_dma2 semaphore(%run_scoped3A : memref<!tpu.dma_semaphore, #tpu.memory_space<semaphore_mem>>) src(%dma_wait3A_76 : memref<640x128xf32, #tpu.memory_space<hbm>>) dst(%dma_wait3A_74 : memref<640x128xf32, #tpu.memory_space<vmem_shared>>)
      tpu.yield
    }) : () -> ()
    "tpu.region"() ({
      %run_scoped3A = tpu.sem_alloc : memref<!tpu.dma_semaphore, #tpu.memory_space<semaphore_mem>>
      %dma_start3A_70 = arith.constant 0 : i32
      %dma_start3A_71 = tpu.memref_slice %arg11[%mul3A_2, %dma_start3A_70] : memref<10240x16xf32, #tpu.memory_space<vmem_shared>> -> memref<640x16xf32, #tpu.memory_space<vmem_shared>>
      %dma_start3A_72 = arith.constant 0 : i32
      %dma_start3A_73 = tpu.memref_slice %arg8[%mul3A_2, %dma_start3A_72] : memref<10240x16xf32, #tpu.memory_space<hbm>> -> memref<640x16xf32, #tpu.memory_space<hbm>>
      tpu.enqueue_dma source(%dma_start3A_73 : memref<640x16xf32, #tpu.memory_space<hbm>>) target(%dma_start3A_71 : memref<640x16xf32, #tpu.memory_space<vmem_shared>>) target_semaphore(%run_scoped3A : memref<!tpu.dma_semaphore, #tpu.memory_space<semaphore_mem>>)
      %dma_wait3A = arith.constant 0 : i32
      %dma_wait3A_74 = tpu.memref_slice %arg11[%mul3A_2, %dma_wait3A] : memref<10240x16xf32, #tpu.memory_space<vmem_shared>> -> memref<640x16xf32, #tpu.memory_space<vmem_shared>>
      %dma_wait3A_75 = arith.constant 0 : i32
      %dma_wait3A_76 = tpu.memref_slice %arg8[%mul3A_2, %dma_wait3A_75] : memref<10240x16xf32, #tpu.memory_space<hbm>> -> memref<640x16xf32, #tpu.memory_space<hbm>>
      tpu.wait_dma2 semaphore(%run_scoped3A : memref<!tpu.dma_semaphore, #tpu.memory_space<semaphore_mem>>) src(%dma_wait3A_76 : memref<640x16xf32, #tpu.memory_space<hbm>>) dst(%dma_wait3A_74 : memref<640x16xf32, #tpu.memory_space<vmem_shared>>)
      tpu.yield
    }) : () -> ()
    %barrier3A = arith.constant 0 : index
    tpu.barrier barrier_id(%barrier3A)
    %iota3A = tpu.iota {dimensions = array<i32: 0>} : vector<16xi32>
    %mul3A_3 = arith.constant 10048 : i32
    %mul3A_4 = arith.muli %arg1, %mul3A_3 : i32
    %broadcast_in_dim3A = arith.constant 0.000000e+00 : f32
    %broadcast_in_dim3A_5 = vector.broadcast %broadcast_in_dim3A : f32 to vector<16xf32>
    %scan3A = arith.constant 0 : i32
    %scan3A_6 = arith.constant 0 : i32
    %scan3A_7 = arith.constant 64 : i32
    %scan3A_8 = arith.addi %scan3A_6, %scan3A_7 : i32
    %scan3A_9 = arith.constant 1 : i32
    scf.for %scan3A_70 = %scan3A_6 to %scan3A_8 step %scan3A_9  : i32 {
      %swap3A = arith.index_cast %scan3A_70 : i32 to index
      %swap3A_71 = arith.constant 0 : index
      %swap3A_72 = tpu.vector_load %arg19[%swap3A, %swap3A_71] {strides = array<i32>} : memref<64x16xf32, #tpu.memory_space<vmem>>, vector<16xf32>,
      tpu.vector_store %arg19[%swap3A, %swap3A_71], %broadcast_in_dim3A_5 {strides = array<i32>} : memref<64x16xf32, #tpu.memory_space<vmem>>, vector<16xf32>,
    }
    %scan3A_10 = arith.constant 64 : i32
    %and3A = arith.constant 0 : i32
    %and3A_11 = arith.constant 1 : i32
    %and3A_12 = arith.andi %and3A, %and3A_11 : i32
    %mul3A_13 = arith.constant 314 : i32
    %mul3A_14 = arith.muli %arg1, %mul3A_13 : i32
    %mul3A_15 = arith.constant 0 : i32
    %mul3A_16 = arith.constant 16 : i32
    %mul3A_17 = arith.muli %mul3A_15, %mul3A_16 : i32
    %add3A = arith.addi %mul3A_14, %mul3A_17 : i32
    "tpu.region"() ({
      %run_scoped3A = tpu.sem_alloc : memref<!tpu.dma_semaphore, #tpu.memory_space<semaphore_mem>>
      %dma_start3A_70 = arith.constant 0 : i32
      %dma_start3A_71 = arith.constant 0 : i32
      %dma_start3A_72 = tpu.memref_slice %arg12[%and3A_12, %dma_start3A_70, %dma_start3A_71] : memref<2x16x32xi32, #tpu.memory_space<vmem>> -> memref<1x16x32xi32, #tpu.memory_space<vmem>>
      %dma_start3A_73 = tpu.memref_squeeze %dma_start3A_72 : memref<1x16x32xi32, #tpu.memory_space<vmem>> -> memref<16x32xi32, #tpu.memory_space<vmem>>
      %dma_start3A_74 = arith.constant 0 : i32
      %dma_start3A_75 = tpu.memref_slice %arg5[%add3A, %dma_start3A_74] : memref<5120x32xi32, #tpu.memory_space<hbm>> -> memref<16x32xi32, #tpu.memory_space<hbm>>
      %dma_start3A_76 = arith.constant 0 : i32
      %dma_start3A_77 = arith.constant 0 : i32
      %dma_start3A_78 = tpu.memref_slice %arg12[%and3A_12, %dma_start3A_76, %dma_start3A_77] : memref<2x16x32xi32, #tpu.memory_space<vmem>> -> memref<1x16x32xi32, #tpu.memory_space<vmem>>
      %dma_start3A_79 = tpu.memref_squeeze %dma_start3A_78 : memref<1x16x32xi32, #tpu.memory_space<vmem>> -> memref<16x32xi32, #tpu.memory_space<vmem>>
      %dma_start3A_80 = arith.constant 0 : i32
      %dma_start3A_81 = tpu.memref_slice %arg5[%add3A, %dma_start3A_80] : memref<5120x32xi32, #tpu.memory_space<hbm>> -> memref<16x32xi32, #tpu.memory_space<hbm>>
      tpu.enqueue_dma source(%dma_start3A_81 : memref<16x32xi32, #tpu.memory_space<hbm>>) target(%dma_start3A_79 : memref<16x32xi32, #tpu.memory_space<vmem>>) target_semaphore(%run_scoped3A : memref<!tpu.dma_semaphore, #tpu.memory_space<semaphore_mem>>)
      %dma_wait3A = arith.constant 0 : i32
      %dma_wait3A_82 = arith.constant 0 : i32
      %dma_wait3A_83 = tpu.memref_slice %arg12[%and3A_12, %dma_wait3A, %dma_wait3A_82] : memref<2x16x32xi32, #tpu.memory_space<vmem>> -> memref<1x16x32xi32, #tpu.memory_space<vmem>>
      %dma_wait3A_84 = tpu.memref_squeeze %dma_wait3A_83 : memref<1x16x32xi32, #tpu.memory_space<vmem>> -> memref<16x32xi32, #tpu.memory_space<vmem>>
      %dma_wait3A_85 = arith.constant 0 : i32
      %dma_wait3A_86 = tpu.memref_slice %arg5[%add3A, %dma_wait3A_85] : memref<5120x32xi32, #tpu.memory_space<hbm>> -> memref<16x32xi32, #tpu.memory_space<hbm>>
      %dma_wait3A_87 = arith.constant 0 : i32
      %dma_wait3A_88 = arith.constant 0 : i32
      %dma_wait3A_89 = tpu.memref_slice %arg12[%and3A_12, %dma_wait3A_87, %dma_wait3A_88] : memref<2x16x32xi32, #tpu.memory_space<vmem>> -> memref<1x16x32xi32, #tpu.memory_space<vmem>>
      %dma_wait3A_90 = tpu.memref_squeeze %dma_wait3A_89 : memref<1x16x32xi32, #tpu.memory_space<vmem>> -> memref<16x32xi32, #tpu.memory_space<vmem>>
      %dma_wait3A_91 = arith.constant 0 : i32
      %dma_wait3A_92 = tpu.memref_slice %arg5[%add3A, %dma_wait3A_91] : memref<5120x32xi32, #tpu.memory_space<hbm>> -> memref<16x32xi32, #tpu.memory_space<hbm>>
      tpu.wait_dma2 semaphore(%run_scoped3A : memref<!tpu.dma_semaphore, #tpu.memory_space<semaphore_mem>>) src(%dma_wait3A_92 : memref<16x32xi32, #tpu.memory_space<hbm>>) dst(%dma_wait3A_90 : memref<16x32xi32, #tpu.memory_space<vmem>>)
      tpu.yield
    }) : () -> ()
    "tpu.region"() ({
      %run_scoped3A = tpu.sem_alloc : memref<!tpu.dma_semaphore, #tpu.memory_space<semaphore_mem>>
      %dma_start3A_70 = arith.constant 0 : i32
      %dma_start3A_71 = arith.constant 0 : i32
      %dma_start3A_72 = tpu.memref_slice %arg13[%and3A_12, %dma_start3A_70, %dma_start3A_71] : memref<2x16x32xi32, #tpu.memory_space<vmem>> -> memref<1x16x32xi32, #tpu.memory_space<vmem>>
      %dma_start3A_73 = tpu.memref_squeeze %dma_start3A_72 : memref<1x16x32xi32, #tpu.memory_space<vmem>> -> memref<16x32xi32, #tpu.memory_space<vmem>>
      %dma_start3A_74 = arith.constant 0 : i32
      %dma_start3A_75 = tpu.memref_slice %arg6[%add3A, %dma_start3A_74] : memref<5120x32xi32, #tpu.memory_space<hbm>> -> memref<16x32xi32, #tpu.memory_space<hbm>>
      %dma_start3A_76 = arith.constant 0 : i32
      %dma_start3A_77 = arith.constant 0 : i32
      %dma_start3A_78 = tpu.memref_slice %arg13[%and3A_12, %dma_start3A_76, %dma_start3A_77] : memref<2x16x32xi32, #tpu.memory_space<vmem>> -> memref<1x16x32xi32, #tpu.memory_space<vmem>>
      %dma_start3A_79 = tpu.memref_squeeze %dma_start3A_78 : memref<1x16x32xi32, #tpu.memory_space<vmem>> -> memref<16x32xi32, #tpu.memory_space<vmem>>
      %dma_start3A_80 = arith.constant 0 : i32
      %dma_start3A_81 = tpu.memref_slice %arg6[%add3A, %dma_start3A_80] : memref<5120x32xi32, #tpu.memory_space<hbm>> -> memref<16x32xi32, #tpu.memory_space<hbm>>
      tpu.enqueue_dma source(%dma_start3A_81 : memref<16x32xi32, #tpu.memory_space<hbm>>) target(%dma_start3A_79 : memref<16x32xi32, #tpu.memory_space<vmem>>) target_semaphore(%run_scoped3A : memref<!tpu.dma_semaphore, #tpu.memory_space<semaphore_mem>>)
      %dma_wait3A = arith.constant 0 : i32
      %dma_wait3A_82 = arith.constant 0 : i32
      %dma_wait3A_83 = tpu.memref_slice %arg13[%and3A_12, %dma_wait3A, %dma_wait3A_82] : memref<2x16x32xi32, #tpu.memory_space<vmem>> -> memref<1x16x32xi32, #tpu.memory_space<vmem>>
      %dma_wait3A_84 = tpu.memref_squeeze %dma_wait3A_83 : memref<1x16x32xi32, #tpu.memory_space<vmem>> -> memref<16x32xi32, #tpu.memory_space<vmem>>
      %dma_wait3A_85 = arith.constant 0 : i32
      %dma_wait3A_86 = tpu.memref_slice %arg6[%add3A, %dma_wait3A_85] : memref<5120x32xi32, #tpu.memory_space<hbm>> -> memref<16x32xi32, #tpu.memory_space<hbm>>
      %dma_wait3A_87 = arith.constant 0 : i32
      %dma_wait3A_88 = arith.constant 0 : i32
      %dma_wait3A_89 = tpu.memref_slice %arg13[%and3A_12, %dma_wait3A_87, %dma_wait3A_88] : memref<2x16x32xi32, #tpu.memory_space<vmem>> -> memref<1x16x32xi32, #tpu.memory_space<vmem>>
      %dma_wait3A_90 = tpu.memref_squeeze %dma_wait3A_89 : memref<1x16x32xi32, #tpu.memory_space<vmem>> -> memref<16x32xi32, #tpu.memory_space<vmem>>
      %dma_wait3A_91 = arith.constant 0 : i32
      %dma_wait3A_92 = tpu.memref_slice %arg6[%add3A, %dma_wait3A_91] : memref<5120x32xi32, #tpu.memory_space<hbm>> -> memref<16x32xi32, #tpu.memory_space<hbm>>
      tpu.wait_dma2 semaphore(%run_scoped3A : memref<!tpu.dma_semaphore, #tpu.memory_space<semaphore_mem>>) src(%dma_wait3A_92 : memref<16x32xi32, #tpu.memory_space<hbm>>) dst(%dma_wait3A_90 : memref<16x32xi32, #tpu.memory_space<vmem>>)
      tpu.yield
    }) : () -> ()
    %scan3A_18 = arith.constant 0 : i32
    %scan3A_19 = arith.constant 0 : i32
    %scan3A_20 = arith.constant 16 : i32
    %scan3A_21 = arith.addi %scan3A_19, %scan3A_20 : i32
    %scan3A_22 = arith.constant 1 : i32
    scf.for %scan3A_70 = %scan3A_19 to %scan3A_21 step %scan3A_22  : i32 {
      %get3A = arith.index_cast %and3A_12 : i32 to index
      %get3A_71 = arith.index_cast %scan3A_70 : i32 to index
      %get3A_72 = arith.constant 0 : index
      %get3A_73 = tpu.vector_load %arg12[%get3A, %get3A_71, %get3A_72] {strides = array<i32>} : memref<2x16x32xi32, #tpu.memory_space<vmem>>, vector<16xi32>,
      %add3A_74 = vector.broadcast %mul3A_0 : i32 to vector<16xi32>
      %add3A_75 = arith.addi %get3A_73, %add3A_74 : vector<16xi32>
      %swap3A = arith.index_cast %and3A_12 : i32 to index
      %swap3A_76 = arith.index_cast %scan3A_70 : i32 to index
      %swap3A_77 = arith.constant 0 : index
      %swap3A_78 = tpu.vector_load %arg14[%swap3A, %swap3A_76, %swap3A_77] {strides = array<i32>} : memref<2x16x32xi32, #tpu.memory_space<vmem>>, vector<16xi32>,
      tpu.vector_store %arg14[%swap3A, %swap3A_76, %swap3A_77], %add3A_75 {strides = array<i32>} : memref<2x16x32xi32, #tpu.memory_space<vmem>>, vector<16xi32>,
      %get3A_79 = arith.index_cast %and3A_12 : i32 to index
      %get3A_80 = arith.index_cast %scan3A_70 : i32 to index
      %get3A_81 = arith.constant 0 : index
      %get3A_82 = tpu.vector_load %arg13[%get3A_79, %get3A_80, %get3A_81] {strides = array<i32>} : memref<2x16x32xi32, #tpu.memory_space<vmem>>, vector<16xi32>,
      %add3A_83 = vector.broadcast %mul3A_0 : i32 to vector<16xi32>
      %add3A_84 = arith.addi %get3A_82, %add3A_83 : vector<16xi32>
      %swap3A_85 = arith.index_cast %and3A_12 : i32 to index
      %swap3A_86 = arith.index_cast %scan3A_70 : i32 to index
      %swap3A_87 = arith.constant 0 : index
      %swap3A_88 = tpu.vector_load %arg15[%swap3A_85, %swap3A_86, %swap3A_87] {strides = array<i32>} : memref<2x16x32xi32, #tpu.memory_space<vmem>>, vector<16xi32>,
      tpu.vector_store %arg15[%swap3A_85, %swap3A_86, %swap3A_87], %add3A_84 {strides = array<i32>} : memref<2x16x32xi32, #tpu.memory_space<vmem>>, vector<16xi32>,
      %get3A_89 = arith.index_cast %and3A_12 : i32 to index
      %get3A_90 = arith.index_cast %scan3A_70 : i32 to index
      %get3A_91 = arith.constant 16 : index
      %get3A_92 = tpu.vector_load %arg12[%get3A_89, %get3A_90, %get3A_91] {strides = array<i32>} : memref<2x16x32xi32, #tpu.memory_space<vmem>>, vector<16xi32>,
      %add3A_93 = vector.broadcast %mul3A_0 : i32 to vector<16xi32>
      %add3A_94 = arith.addi %get3A_92, %add3A_93 : vector<16xi32>
      %swap3A_95 = arith.index_cast %and3A_12 : i32 to index
      %swap3A_96 = arith.index_cast %scan3A_70 : i32 to index
      %swap3A_97 = arith.constant 16 : index
      %swap3A_98 = tpu.vector_load %arg14[%swap3A_95, %swap3A_96, %swap3A_97] {strides = array<i32>} : memref<2x16x32xi32, #tpu.memory_space<vmem>>, vector<16xi32>,
      tpu.vector_store %arg14[%swap3A_95, %swap3A_96, %swap3A_97], %add3A_94 {strides = array<i32>} : memref<2x16x32xi32, #tpu.memory_space<vmem>>, vector<16xi32>,
      %get3A_99 = arith.index_cast %and3A_12 : i32 to index
      %get3A_100 = arith.index_cast %scan3A_70 : i32 to index
      %get3A_101 = arith.constant 16 : index
      %get3A_102 = tpu.vector_load %arg13[%get3A_99, %get3A_100, %get3A_101] {strides = array<i32>} : memref<2x16x32xi32, #tpu.memory_space<vmem>>, vector<16xi32>,
      %add3A_103 = vector.broadcast %mul3A_0 : i32 to vector<16xi32>
      %add3A_104 = arith.addi %get3A_102, %add3A_103 : vector<16xi32>
      %swap3A_105 = arith.index_cast %and3A_12 : i32 to index
      %swap3A_106 = arith.index_cast %scan3A_70 : i32 to index
      %swap3A_107 = arith.constant 16 : index
      %swap3A_108 = tpu.vector_load %arg15[%swap3A_105, %swap3A_106, %swap3A_107] {strides = array<i32>} : memref<2x16x32xi32, #tpu.memory_space<vmem>>, vector<16xi32>,
      tpu.vector_store %arg15[%swap3A_105, %swap3A_106, %swap3A_107], %add3A_104 {strides = array<i32>} : memref<2x16x32xi32, #tpu.memory_space<vmem>>, vector<16xi32>,
    }
    %scan3A_23 = arith.constant 16 : i32
    %shift_right_arithmetic3A = arith.constant 0 : i32
    %shift_right_arithmetic3A_24 = arith.constant 4 : i32
    %shift_right_arithmetic3A_25 = arith.shrsi %shift_right_arithmetic3A, %shift_right_arithmetic3A_24 : i32
    %and3A_26 = arith.constant 1 : i32
    %and3A_27 = arith.andi %shift_right_arithmetic3A_25, %and3A_26 : i32
    %and3A_28 = arith.constant 0 : i32
    %and3A_29 = arith.constant 15 : i32
    %and3A_30 = arith.andi %and3A_28, %and3A_29 : i32
    %dma_start3A = arith.constant 0 : i32
    %dma_start3A_31 = arith.constant 0 : i32
    %dma_start3A_32 = tpu.memref_slice %arg16[%dma_start3A, %dma_start3A_31] : memref<64x128xf32, #tpu.memory_space<vmem>> -> memref<32x128xf32, #tpu.memory_space<vmem>>
    %dma_start3A_33 = arith.constant 0 : i32
    %dma_start3A_34 = tpu.memref_slice %arg14[%and3A_27, %and3A_30, %dma_start3A_33] : memref<2x16x32xi32, #tpu.memory_space<vmem>> -> memref<1x1x32xi32, #tpu.memory_space<vmem>>
    %dma_start3A_35 = tpu.memref_squeeze %dma_start3A_34 : memref<1x1x32xi32, #tpu.memory_space<vmem>> -> memref<32xi32, #tpu.memory_space<vmem>>
    %dma_start3A_36 = arith.constant 0 : i32
    %dma_start3A_37 = arith.constant 0 : i32
    %dma_start3A_38 = tpu.memref_slice %arg2[%dma_start3A_36, %dma_start3A_37] : memref<20480x128xf32, #tpu.memory_space<hbm>> -> memref<20480x128xf32, #tpu.memory_space<hbm>>
    tpu.enqueue_indirect_dma source(%dma_start3A_38 : memref<20480x128xf32, #tpu.memory_space<hbm>>) target(%dma_start3A_32 : memref<32x128xf32, #tpu.memory_space<vmem>>) offsets(%dma_start3A_35 : memref<32xi32, #tpu.memory_space<vmem>>) semaphore(%arg20 : memref<!tpu.dma_semaphore, #tpu.memory_space<semaphore_mem>>)
    %dma_start3A_39 = arith.constant 0 : i32
    %dma_start3A_40 = arith.constant 0 : i32
    %dma_start3A_41 = tpu.memref_slice %arg17[%dma_start3A_39, %dma_start3A_40] : memref<64x128xf32, #tpu.memory_space<vmem>> -> memref<32x128xf32, #tpu.memory_space<vmem>>
    %dma_start3A_42 = arith.constant 0 : i32
    %dma_start3A_43 = tpu.memref_slice %arg15[%and3A_27, %and3A_30, %dma_start3A_42] : memref<2x16x32xi32, #tpu.memory_space<vmem>> -> memref<1x1x32xi32, #tpu.memory_space<vmem>>
    %dma_start3A_44 = tpu.memref_squeeze %dma_start3A_43 : memref<1x1x32xi32, #tpu.memory_space<vmem>> -> memref<32xi32, #tpu.memory_space<vmem>>
    %dma_start3A_45 = arith.constant 0 : i32
    %dma_start3A_46 = arith.constant 0 : i32
    %dma_start3A_47 = tpu.memref_slice %arg3[%dma_start3A_45, %dma_start3A_46] : memref<20480x128xf32, #tpu.memory_space<hbm>> -> memref<20480x128xf32, #tpu.memory_space<hbm>>
    tpu.enqueue_indirect_dma source(%dma_start3A_47 : memref<20480x128xf32, #tpu.memory_space<hbm>>) target(%dma_start3A_41 : memref<32x128xf32, #tpu.memory_space<vmem>>) offsets(%dma_start3A_44 : memref<32xi32, #tpu.memory_space<vmem>>) semaphore(%arg20 : memref<!tpu.dma_semaphore, #tpu.memory_space<semaphore_mem>>)
    %dma_start3A_48 = arith.constant 0 : i32
    %dma_start3A_49 = arith.constant 0 : i32
    %dma_start3A_50 = tpu.memref_slice %arg18[%dma_start3A_48, %dma_start3A_49] : memref<64x128xf32, #tpu.memory_space<vmem>> -> memref<32x128xf32, #tpu.memory_space<vmem>>
    %dma_start3A_51 = arith.constant 0 : i32
    %dma_start3A_52 = tpu.memref_slice %arg14[%and3A_27, %and3A_30, %dma_start3A_51] : memref<2x16x32xi32, #tpu.memory_space<vmem>> -> memref<1x1x32xi32, #tpu.memory_space<vmem>>
    %dma_start3A_53 = tpu.memref_squeeze %dma_start3A_52 : memref<1x1x32xi32, #tpu.memory_space<vmem>> -> memref<32xi32, #tpu.memory_space<vmem>>
    %dma_start3A_54 = arith.constant 0 : i32
    %dma_start3A_55 = arith.constant 0 : i32
    %dma_start3A_56 = tpu.memref_slice %arg4[%dma_start3A_54, %dma_start3A_55] : memref<20480x128xf32, #tpu.memory_space<hbm>> -> memref<20480x128xf32, #tpu.memory_space<hbm>>
    tpu.enqueue_indirect_dma source(%dma_start3A_56 : memref<20480x128xf32, #tpu.memory_space<hbm>>) target(%dma_start3A_50 : memref<32x128xf32, #tpu.memory_space<vmem>>) offsets(%dma_start3A_53 : memref<32xi32, #tpu.memory_space<vmem>>) semaphore(%arg20 : memref<!tpu.dma_semaphore, #tpu.memory_space<semaphore_mem>>)
    %scan3A_57 = arith.constant 0 : i32
    %scan3A_58 = arith.constant 0 : i32
    %scan3A_59 = arith.constant 314 : i32
    %scan3A_60 = arith.addi %scan3A_58, %scan3A_59 : i32
    %scan3A_61 = arith.constant 1 : i32
    scf.for %scan3A_70 = %scan3A_58 to %scan3A_60 step %scan3A_61  : i32 {
      %and3A_71 = arith.constant 1 : i32
      %and3A_72 = arith.andi %scan3A_70, %and3A_71 : i32
      %mul3A_73 = arith.constant 32 : i32
      %mul3A_74 = arith.muli %and3A_72, %mul3A_73 : i32
      %shift_right_arithmetic3A_75 = arith.constant 4 : i32
      %shift_right_arithmetic3A_76 = arith.shrsi %scan3A_70, %shift_right_arithmetic3A_75 : i32
      %and3A_77 = arith.constant 1 : i32
      %and3A_78 = arith.andi %shift_right_arithmetic3A_76, %and3A_77 : i32
      %and3A_79 = arith.constant 15 : i32
      %and3A_80 = arith.andi %scan3A_70, %and3A_79 : i32
      %dma_wait3A = arith.constant 0 : i32
      %dma_wait3A_81 = tpu.memref_slice %arg16[%mul3A_74, %dma_wait3A] : memref<64x128xf32, #tpu.memory_space<vmem>> -> memref<32x128xf32, #tpu.memory_space<vmem>>
      %dma_wait3A_82 = arith.constant 0 : i32
      %dma_wait3A_83 = arith.constant 0 : i32
      %dma_wait3A_84 = tpu.memref_slice %arg2[%dma_wait3A_82, %dma_wait3A_83] : memref<20480x128xf32, #tpu.memory_space<hbm>> -> memref<32x128xf32, #tpu.memory_space<hbm>>
      %dma_wait3A_85 = arith.constant 0 : i32
      %dma_wait3A_86 = tpu.memref_slice %arg16[%mul3A_74, %dma_wait3A_85] : memref<64x128xf32, #tpu.memory_space<vmem>> -> memref<32x128xf32, #tpu.memory_space<vmem>>
      %dma_wait3A_87 = arith.constant 0 : i32
      %dma_wait3A_88 = arith.constant 0 : i32
      %dma_wait3A_89 = tpu.memref_slice %arg2[%dma_wait3A_87, %dma_wait3A_88] : memref<20480x128xf32, #tpu.memory_space<hbm>> -> memref<32x128xf32, #tpu.memory_space<hbm>>
      tpu.wait_dma2 semaphore(%arg20 : memref<!tpu.dma_semaphore, #tpu.memory_space<semaphore_mem>>) src(%dma_wait3A_89 : memref<32x128xf32, #tpu.memory_space<hbm>>) dst(%dma_wait3A_86 : memref<32x128xf32, #tpu.memory_space<vmem>>)
      %dma_wait3A_90 = arith.constant 0 : i32
      %dma_wait3A_91 = tpu.memref_slice %arg17[%mul3A_74, %dma_wait3A_90] : memref<64x128xf32, #tpu.memory_space<vmem>> -> memref<32x128xf32, #tpu.memory_space<vmem>>
      %dma_wait3A_92 = arith.constant 0 : i32
      %dma_wait3A_93 = arith.constant 0 : i32
      %dma_wait3A_94 = tpu.memref_slice %arg3[%dma_wait3A_92, %dma_wait3A_93] : memref<20480x128xf32, #tpu.memory_space<hbm>> -> memref<32x128xf32, #tpu.memory_space<hbm>>
      %dma_wait3A_95 = arith.constant 0 : i32
      %dma_wait3A_96 = tpu.memref_slice %arg17[%mul3A_74, %dma_wait3A_95] : memref<64x128xf32, #tpu.memory_space<vmem>> -> memref<32x128xf32, #tpu.memory_space<vmem>>
      %dma_wait3A_97 = arith.constant 0 : i32
      %dma_wait3A_98 = arith.constant 0 : i32
      %dma_wait3A_99 = tpu.memref_slice %arg3[%dma_wait3A_97, %dma_wait3A_98] : memref<20480x128xf32, #tpu.memory_space<hbm>> -> memref<32x128xf32, #tpu.memory_space<hbm>>
      tpu.wait_dma2 semaphore(%arg20 : memref<!tpu.dma_semaphore, #tpu.memory_space<semaphore_mem>>) src(%dma_wait3A_99 : memref<32x128xf32, #tpu.memory_space<hbm>>) dst(%dma_wait3A_96 : memref<32x128xf32, #tpu.memory_space<vmem>>)
      %dma_wait3A_100 = arith.constant 0 : i32
      %dma_wait3A_101 = tpu.memref_slice %arg18[%mul3A_74, %dma_wait3A_100] : memref<64x128xf32, #tpu.memory_space<vmem>> -> memref<32x128xf32, #tpu.memory_space<vmem>>
      %dma_wait3A_102 = arith.constant 0 : i32
      %dma_wait3A_103 = arith.constant 0 : i32
      %dma_wait3A_104 = tpu.memref_slice %arg4[%dma_wait3A_102, %dma_wait3A_103] : memref<20480x128xf32, #tpu.memory_space<hbm>> -> memref<32x128xf32, #tpu.memory_space<hbm>>
      %dma_wait3A_105 = arith.constant 0 : i32
      %dma_wait3A_106 = tpu.memref_slice %arg18[%mul3A_74, %dma_wait3A_105] : memref<64x128xf32, #tpu.memory_space<vmem>> -> memref<32x128xf32, #tpu.memory_space<vmem>>
      %dma_wait3A_107 = arith.constant 0 : i32
      %dma_wait3A_108 = arith.constant 0 : i32
      %dma_wait3A_109 = tpu.memref_slice %arg4[%dma_wait3A_107, %dma_wait3A_108] : memref<20480x128xf32, #tpu.memory_space<hbm>> -> memref<32x128xf32, #tpu.memory_space<hbm>>
      tpu.wait_dma2 semaphore(%arg20 : memref<!tpu.dma_semaphore, #tpu.memory_space<semaphore_mem>>) src(%dma_wait3A_109 : memref<32x128xf32, #tpu.memory_space<hbm>>) dst(%dma_wait3A_106 : memref<32x128xf32, #tpu.memory_space<vmem>>)
      %eq3A = arith.constant 0 : i32
      %eq3A_110 = arith.cmpi eq, %and3A_80, %eq3A : i32
      %convert_element_type3A = arith.extui %eq3A_110 : i1 to i32
      %cond3A = arith.constant 0 : i32
      %cond3A_111 = arith.cmpi ne, %convert_element_type3A, %cond3A : i32
      scf.if %cond3A_111 {
        %add3A_199 = arith.constant 1 : i32
        %add3A_200 = arith.addi %shift_right_arithmetic3A_76, %add3A_199 : i32
        %and3A_201 = arith.constant 1 : i32
        %and3A_202 = arith.andi %add3A_200, %and3A_201 : i32
        %mul3A_203 = arith.constant 314 : i32
        %mul3A_204 = arith.muli %arg1, %mul3A_203 : i32
        %mul3A_205 = arith.constant 16 : i32
        %mul3A_206 = arith.muli %add3A_200, %mul3A_205 : i32
        %add3A_207 = arith.addi %mul3A_204, %mul3A_206 : i32
        "tpu.region"() ({
          %run_scoped3A = tpu.sem_alloc : memref<!tpu.dma_semaphore, #tpu.memory_space<semaphore_mem>>
          %dma_start3A_214 = arith.constant 0 : i32
          %dma_start3A_215 = arith.constant 0 : i32
          %dma_start3A_216 = tpu.memref_slice %arg12[%and3A_202, %dma_start3A_214, %dma_start3A_215] : memref<2x16x32xi32, #tpu.memory_space<vmem>> -> memref<1x16x32xi32, #tpu.memory_space<vmem>>
          %dma_start3A_217 = tpu.memref_squeeze %dma_start3A_216 : memref<1x16x32xi32, #tpu.memory_space<vmem>> -> memref<16x32xi32, #tpu.memory_space<vmem>>
          %dma_start3A_218 = arith.constant 0 : i32
          %dma_start3A_219 = tpu.memref_slice %arg5[%add3A_207, %dma_start3A_218] : memref<5120x32xi32, #tpu.memory_space<hbm>> -> memref<16x32xi32, #tpu.memory_space<hbm>>
          %dma_start3A_220 = arith.constant 0 : i32
          %dma_start3A_221 = arith.constant 0 : i32
          %dma_start3A_222 = tpu.memref_slice %arg12[%and3A_202, %dma_start3A_220, %dma_start3A_221] : memref<2x16x32xi32, #tpu.memory_space<vmem>> -> memref<1x16x32xi32, #tpu.memory_space<vmem>>
          %dma_start3A_223 = tpu.memref_squeeze %dma_start3A_222 : memref<1x16x32xi32, #tpu.memory_space<vmem>> -> memref<16x32xi32, #tpu.memory_space<vmem>>
          %dma_start3A_224 = arith.constant 0 : i32
          %dma_start3A_225 = tpu.memref_slice %arg5[%add3A_207, %dma_start3A_224] : memref<5120x32xi32, #tpu.memory_space<hbm>> -> memref<16x32xi32, #tpu.memory_space<hbm>>
          tpu.enqueue_dma source(%dma_start3A_225 : memref<16x32xi32, #tpu.memory_space<hbm>>) target(%dma_start3A_223 : memref<16x32xi32, #tpu.memory_space<vmem>>) target_semaphore(%run_scoped3A : memref<!tpu.dma_semaphore, #tpu.memory_space<semaphore_mem>>)
          %dma_wait3A_226 = arith.constant 0 : i32
          %dma_wait3A_227 = arith.constant 0 : i32
          %dma_wait3A_228 = tpu.memref_slice %arg12[%and3A_202, %dma_wait3A_226, %dma_wait3A_227] : memref<2x16x32xi32, #tpu.memory_space<vmem>> -> memref<1x16x32xi32, #tpu.memory_space<vmem>>
          %dma_wait3A_229 = tpu.memref_squeeze %dma_wait3A_228 : memref<1x16x32xi32, #tpu.memory_space<vmem>> -> memref<16x32xi32, #tpu.memory_space<vmem>>
          %dma_wait3A_230 = arith.constant 0 : i32
          %dma_wait3A_231 = tpu.memref_slice %arg5[%add3A_207, %dma_wait3A_230] : memref<5120x32xi32, #tpu.memory_space<hbm>> -> memref<16x32xi32, #tpu.memory_space<hbm>>
          %dma_wait3A_232 = arith.constant 0 : i32
          %dma_wait3A_233 = arith.constant 0 : i32
          %dma_wait3A_234 = tpu.memref_slice %arg12[%and3A_202, %dma_wait3A_232, %dma_wait3A_233] : memref<2x16x32xi32, #tpu.memory_space<vmem>> -> memref<1x16x32xi32, #tpu.memory_space<vmem>>
          %dma_wait3A_235 = tpu.memref_squeeze %dma_wait3A_234 : memref<1x16x32xi32, #tpu.memory_space<vmem>> -> memref<16x32xi32, #tpu.memory_space<vmem>>
          %dma_wait3A_236 = arith.constant 0 : i32
          %dma_wait3A_237 = tpu.memref_slice %arg5[%add3A_207, %dma_wait3A_236] : memref<5120x32xi32, #tpu.memory_space<hbm>> -> memref<16x32xi32, #tpu.memory_space<hbm>>
          tpu.wait_dma2 semaphore(%run_scoped3A : memref<!tpu.dma_semaphore, #tpu.memory_space<semaphore_mem>>) src(%dma_wait3A_237 : memref<16x32xi32, #tpu.memory_space<hbm>>) dst(%dma_wait3A_235 : memref<16x32xi32, #tpu.memory_space<vmem>>)
          tpu.yield
        }) : () -> ()
        "tpu.region"() ({
          %run_scoped3A = tpu.sem_alloc : memref<!tpu.dma_semaphore, #tpu.memory_space<semaphore_mem>>
          %dma_start3A_214 = arith.constant 0 : i32
          %dma_start3A_215 = arith.constant 0 : i32
          %dma_start3A_216 = tpu.memref_slice %arg13[%and3A_202, %dma_start3A_214, %dma_start3A_215] : memref<2x16x32xi32, #tpu.memory_space<vmem>> -> memref<1x16x32xi32, #tpu.memory_space<vmem>>
          %dma_start3A_217 = tpu.memref_squeeze %dma_start3A_216 : memref<1x16x32xi32, #tpu.memory_space<vmem>> -> memref<16x32xi32, #tpu.memory_space<vmem>>
          %dma_start3A_218 = arith.constant 0 : i32
          %dma_start3A_219 = tpu.memref_slice %arg6[%add3A_207, %dma_start3A_218] : memref<5120x32xi32, #tpu.memory_space<hbm>> -> memref<16x32xi32, #tpu.memory_space<hbm>>
          %dma_start3A_220 = arith.constant 0 : i32
          %dma_start3A_221 = arith.constant 0 : i32
          %dma_start3A_222 = tpu.memref_slice %arg13[%and3A_202, %dma_start3A_220, %dma_start3A_221] : memref<2x16x32xi32, #tpu.memory_space<vmem>> -> memref<1x16x32xi32, #tpu.memory_space<vmem>>
          %dma_start3A_223 = tpu.memref_squeeze %dma_start3A_222 : memref<1x16x32xi32, #tpu.memory_space<vmem>> -> memref<16x32xi32, #tpu.memory_space<vmem>>
          %dma_start3A_224 = arith.constant 0 : i32
          %dma_start3A_225 = tpu.memref_slice %arg6[%add3A_207, %dma_start3A_224] : memref<5120x32xi32, #tpu.memory_space<hbm>> -> memref<16x32xi32, #tpu.memory_space<hbm>>
          tpu.enqueue_dma source(%dma_start3A_225 : memref<16x32xi32, #tpu.memory_space<hbm>>) target(%dma_start3A_223 : memref<16x32xi32, #tpu.memory_space<vmem>>) target_semaphore(%run_scoped3A : memref<!tpu.dma_semaphore, #tpu.memory_space<semaphore_mem>>)
          %dma_wait3A_226 = arith.constant 0 : i32
          %dma_wait3A_227 = arith.constant 0 : i32
          %dma_wait3A_228 = tpu.memref_slice %arg13[%and3A_202, %dma_wait3A_226, %dma_wait3A_227] : memref<2x16x32xi32, #tpu.memory_space<vmem>> -> memref<1x16x32xi32, #tpu.memory_space<vmem>>
          %dma_wait3A_229 = tpu.memref_squeeze %dma_wait3A_228 : memref<1x16x32xi32, #tpu.memory_space<vmem>> -> memref<16x32xi32, #tpu.memory_space<vmem>>
          %dma_wait3A_230 = arith.constant 0 : i32
          %dma_wait3A_231 = tpu.memref_slice %arg6[%add3A_207, %dma_wait3A_230] : memref<5120x32xi32, #tpu.memory_space<hbm>> -> memref<16x32xi32, #tpu.memory_space<hbm>>
          %dma_wait3A_232 = arith.constant 0 : i32
          %dma_wait3A_233 = arith.constant 0 : i32
          %dma_wait3A_234 = tpu.memref_slice %arg13[%and3A_202, %dma_wait3A_232, %dma_wait3A_233] : memref<2x16x32xi32, #tpu.memory_space<vmem>> -> memref<1x16x32xi32, #tpu.memory_space<vmem>>
          %dma_wait3A_235 = tpu.memref_squeeze %dma_wait3A_234 : memref<1x16x32xi32, #tpu.memory_space<vmem>> -> memref<16x32xi32, #tpu.memory_space<vmem>>
          %dma_wait3A_236 = arith.constant 0 : i32
          %dma_wait3A_237 = tpu.memref_slice %arg6[%add3A_207, %dma_wait3A_236] : memref<5120x32xi32, #tpu.memory_space<hbm>> -> memref<16x32xi32, #tpu.memory_space<hbm>>
          tpu.wait_dma2 semaphore(%run_scoped3A : memref<!tpu.dma_semaphore, #tpu.memory_space<semaphore_mem>>) src(%dma_wait3A_237 : memref<16x32xi32, #tpu.memory_space<hbm>>) dst(%dma_wait3A_235 : memref<16x32xi32, #tpu.memory_space<vmem>>)
          tpu.yield
        }) : () -> ()
        %scan3A_208 = arith.constant 0 : i32
        %scan3A_209 = arith.constant 0 : i32
        %scan3A_210 = arith.constant 16 : i32
        %scan3A_211 = arith.addi %scan3A_209, %scan3A_210 : i32
        %scan3A_212 = arith.constant 1 : i32
        scf.for %scan3A_214 = %scan3A_209 to %scan3A_211 step %scan3A_212  : i32 {
          %get3A = arith.index_cast %and3A_202 : i32 to index
          %get3A_215 = arith.index_cast %scan3A_214 : i32 to index
          %get3A_216 = arith.constant 0 : index
          %get3A_217 = tpu.vector_load %arg12[%get3A, %get3A_215, %get3A_216] {strides = array<i32>} : memref<2x16x32xi32, #tpu.memory_space<vmem>>, vector<16xi32>,
          %add3A_218 = vector.broadcast %mul3A_0 : i32 to vector<16xi32>
          %add3A_219 = arith.addi %get3A_217, %add3A_218 : vector<16xi32>
          %swap3A = arith.index_cast %and3A_202 : i32 to index
          %swap3A_220 = arith.index_cast %scan3A_214 : i32 to index
          %swap3A_221 = arith.constant 0 : index
          %swap3A_222 = tpu.vector_load %arg14[%swap3A, %swap3A_220, %swap3A_221] {strides = array<i32>} : memref<2x16x32xi32, #tpu.memory_space<vmem>>, vector<16xi32>,
          tpu.vector_store %arg14[%swap3A, %swap3A_220, %swap3A_221], %add3A_219 {strides = array<i32>} : memref<2x16x32xi32, #tpu.memory_space<vmem>>, vector<16xi32>,
          %get3A_223 = arith.index_cast %and3A_202 : i32 to index
          %get3A_224 = arith.index_cast %scan3A_214 : i32 to index
          %get3A_225 = arith.constant 0 : index
          %get3A_226 = tpu.vector_load %arg13[%get3A_223, %get3A_224, %get3A_225] {strides = array<i32>} : memref<2x16x32xi32, #tpu.memory_space<vmem>>, vector<16xi32>,
          %add3A_227 = vector.broadcast %mul3A_0 : i32 to vector<16xi32>
          %add3A_228 = arith.addi %get3A_226, %add3A_227 : vector<16xi32>
          %swap3A_229 = arith.index_cast %and3A_202 : i32 to index
          %swap3A_230 = arith.index_cast %scan3A_214 : i32 to index
          %swap3A_231 = arith.constant 0 : index
          %swap3A_232 = tpu.vector_load %arg15[%swap3A_229, %swap3A_230, %swap3A_231] {strides = array<i32>} : memref<2x16x32xi32, #tpu.memory_space<vmem>>, vector<16xi32>,
          tpu.vector_store %arg15[%swap3A_229, %swap3A_230, %swap3A_231], %add3A_228 {strides = array<i32>} : memref<2x16x32xi32, #tpu.memory_space<vmem>>, vector<16xi32>,
          %get3A_233 = arith.index_cast %and3A_202 : i32 to index
          %get3A_234 = arith.index_cast %scan3A_214 : i32 to index
          %get3A_235 = arith.constant 16 : index
          %get3A_236 = tpu.vector_load %arg12[%get3A_233, %get3A_234, %get3A_235] {strides = array<i32>} : memref<2x16x32xi32, #tpu.memory_space<vmem>>, vector<16xi32>,
          %add3A_237 = vector.broadcast %mul3A_0 : i32 to vector<16xi32>
          %add3A_238 = arith.addi %get3A_236, %add3A_237 : vector<16xi32>
          %swap3A_239 = arith.index_cast %and3A_202 : i32 to index
          %swap3A_240 = arith.index_cast %scan3A_214 : i32 to index
          %swap3A_241 = arith.constant 16 : index
          %swap3A_242 = tpu.vector_load %arg14[%swap3A_239, %swap3A_240, %swap3A_241] {strides = array<i32>} : memref<2x16x32xi32, #tpu.memory_space<vmem>>, vector<16xi32>,
          tpu.vector_store %arg14[%swap3A_239, %swap3A_240, %swap3A_241], %add3A_238 {strides = array<i32>} : memref<2x16x32xi32, #tpu.memory_space<vmem>>, vector<16xi32>,
          %get3A_243 = arith.index_cast %and3A_202 : i32 to index
          %get3A_244 = arith.index_cast %scan3A_214 : i32 to index
          %get3A_245 = arith.constant 16 : index
          %get3A_246 = tpu.vector_load %arg13[%get3A_243, %get3A_244, %get3A_245] {strides = array<i32>} : memref<2x16x32xi32, #tpu.memory_space<vmem>>, vector<16xi32>,
          %add3A_247 = vector.broadcast %mul3A_0 : i32 to vector<16xi32>
          %add3A_248 = arith.addi %get3A_246, %add3A_247 : vector<16xi32>
          %swap3A_249 = arith.index_cast %and3A_202 : i32 to index
          %swap3A_250 = arith.index_cast %scan3A_214 : i32 to index
          %swap3A_251 = arith.constant 16 : index
          %swap3A_252 = tpu.vector_load %arg15[%swap3A_249, %swap3A_250, %swap3A_251] {strides = array<i32>} : memref<2x16x32xi32, #tpu.memory_space<vmem>>, vector<16xi32>,
          tpu.vector_store %arg15[%swap3A_249, %swap3A_250, %swap3A_251], %add3A_248 {strides = array<i32>} : memref<2x16x32xi32, #tpu.memory_space<vmem>>, vector<16xi32>,
        }
        %scan3A_213 = arith.constant 16 : i32
      } else {
      }
      %add3A_112 = arith.constant 1 : i32
      %add3A_113 = arith.addi %scan3A_70, %add3A_112 : i32
      %lt3A = arith.constant 314 : i32
      %lt3A_114 = arith.cmpi slt, %add3A_113, %lt3A : i32
      %convert_element_type3A_115 = arith.extui %lt3A_114 : i1 to i32
      %cond3A_116 = arith.constant 0 : i32
      %cond3A_117 = arith.cmpi ne, %convert_element_type3A_115, %cond3A_116 : i32
      scf.if %cond3A_117 {
        %add3A_199 = arith.constant 1 : i32
        %add3A_200 = arith.addi %scan3A_70, %add3A_199 : i32
        %sub3A = arith.constant 1 : i32
        %sub3A_201 = arith.subi %sub3A, %and3A_72 : i32
        %shift_right_arithmetic3A_202 = arith.constant 4 : i32
        %shift_right_arithmetic3A_203 = arith.shrsi %add3A_200, %shift_right_arithmetic3A_202 : i32
        %and3A_204 = arith.constant 1 : i32
        %and3A_205 = arith.andi %shift_right_arithmetic3A_203, %and3A_204 : i32
        %and3A_206 = arith.constant 15 : i32
        %and3A_207 = arith.andi %add3A_200, %and3A_206 : i32
        %mul3A_208 = arith.constant 32 : i32
        %mul3A_209 = arith.muli %sub3A_201, %mul3A_208 : i32
        %dma_start3A_210 = arith.constant 0 : i32
        %dma_start3A_211 = tpu.memref_slice %arg16[%mul3A_209, %dma_start3A_210] : memref<64x128xf32, #tpu.memory_space<vmem>> -> memref<32x128xf32, #tpu.memory_space<vmem>>
        %dma_start3A_212 = arith.constant 0 : i32
        %dma_start3A_213 = tpu.memref_slice %arg14[%and3A_205, %and3A_207, %dma_start3A_212] : memref<2x16x32xi32, #tpu.memory_space<vmem>> -> memref<1x1x32xi32, #tpu.memory_space<vmem>>
        %dma_start3A_214 = tpu.memref_squeeze %dma_start3A_213 : memref<1x1x32xi32, #tpu.memory_space<vmem>> -> memref<32xi32, #tpu.memory_space<vmem>>
        %dma_start3A_215 = arith.constant 0 : i32
        %dma_start3A_216 = arith.constant 0 : i32
        %dma_start3A_217 = tpu.memref_slice %arg2[%dma_start3A_215, %dma_start3A_216] : memref<20480x128xf32, #tpu.memory_space<hbm>> -> memref<20480x128xf32, #tpu.memory_space<hbm>>
        tpu.enqueue_indirect_dma source(%dma_start3A_217 : memref<20480x128xf32, #tpu.memory_space<hbm>>) target(%dma_start3A_211 : memref<32x128xf32, #tpu.memory_space<vmem>>) offsets(%dma_start3A_214 : memref<32xi32, #tpu.memory_space<vmem>>) semaphore(%arg20 : memref<!tpu.dma_semaphore, #tpu.memory_space<semaphore_mem>>)
        %dma_start3A_218 = arith.constant 0 : i32
        %dma_start3A_219 = tpu.memref_slice %arg17[%mul3A_209, %dma_start3A_218] : memref<64x128xf32, #tpu.memory_space<vmem>> -> memref<32x128xf32, #tpu.memory_space<vmem>>
        %dma_start3A_220 = arith.constant 0 : i32
        %dma_start3A_221 = tpu.memref_slice %arg15[%and3A_205, %and3A_207, %dma_start3A_220] : memref<2x16x32xi32, #tpu.memory_space<vmem>> -> memref<1x1x32xi32, #tpu.memory_space<vmem>>
        %dma_start3A_222 = tpu.memref_squeeze %dma_start3A_221 : memref<1x1x32xi32, #tpu.memory_space<vmem>> -> memref<32xi32, #tpu.memory_space<vmem>>
        %dma_start3A_223 = arith.constant 0 : i32
        %dma_start3A_224 = arith.constant 0 : i32
        %dma_start3A_225 = tpu.memref_slice %arg3[%dma_start3A_223, %dma_start3A_224] : memref<20480x128xf32, #tpu.memory_space<hbm>> -> memref<20480x128xf32, #tpu.memory_space<hbm>>
        tpu.enqueue_indirect_dma source(%dma_start3A_225 : memref<20480x128xf32, #tpu.memory_space<hbm>>) target(%dma_start3A_219 : memref<32x128xf32, #tpu.memory_space<vmem>>) offsets(%dma_start3A_222 : memref<32xi32, #tpu.memory_space<vmem>>) semaphore(%arg20 : memref<!tpu.dma_semaphore, #tpu.memory_space<semaphore_mem>>)
        %dma_start3A_226 = arith.constant 0 : i32
        %dma_start3A_227 = tpu.memref_slice %arg18[%mul3A_209, %dma_start3A_226] : memref<64x128xf32, #tpu.memory_space<vmem>> -> memref<32x128xf32, #tpu.memory_space<vmem>>
        %dma_start3A_228 = arith.constant 0 : i32
        %dma_start3A_229 = tpu.memref_slice %arg14[%and3A_205, %and3A_207, %dma_start3A_228] : memref<2x16x32xi32, #tpu.memory_space<vmem>> -> memref<1x1x32xi32, #tpu.memory_space<vmem>>
        %dma_start3A_230 = tpu.memref_squeeze %dma_start3A_229 : memref<1x1x32xi32, #tpu.memory_space<vmem>> -> memref<32xi32, #tpu.memory_space<vmem>>
        %dma_start3A_231 = arith.constant 0 : i32
        %dma_start3A_232 = arith.constant 0 : i32
        %dma_start3A_233 = tpu.memref_slice %arg4[%dma_start3A_231, %dma_start3A_232] : memref<20480x128xf32, #tpu.memory_space<hbm>> -> memref<20480x128xf32, #tpu.memory_space<hbm>>
        tpu.enqueue_indirect_dma source(%dma_start3A_233 : memref<20480x128xf32, #tpu.memory_space<hbm>>) target(%dma_start3A_227 : memref<32x128xf32, #tpu.memory_space<vmem>>) offsets(%dma_start3A_230 : memref<32xi32, #tpu.memory_space<vmem>>) semaphore(%arg20 : memref<!tpu.dma_semaphore, #tpu.memory_space<semaphore_mem>>)
      } else {
      }
      %add3A_118 = arith.constant 0 : i32
      %add3A_119 = vector.broadcast %add3A_118 : i32 to vector<16xi32>
      %add3A_120 = arith.addi %iota3A, %add3A_119 : vector<16xi32>
      %add3A_121 = vector.broadcast %mul3A_74 : i32 to vector<16xi32>
      %add3A_122 = arith.addi %add3A_120, %add3A_121 : vector<16xi32>
      %scan3A_123 = arith.constant 0 : i32
      %scan3A_124 = arith.constant 32 : i32
      %scan3A_125 = arith.addi %scan3A_123, %scan3A_124 : i32
      %scan3A_126 = arith.constant 4 : i32
      %scan3A_127:4 = scf.for %scan3A_199 = %scan3A_123 to %scan3A_125 step %scan3A_126 iter_args(%scan3A_200 = %broadcast_in_dim3A_5, %scan3A_201 = %broadcast_in_dim3A_5, %scan3A_202 = %broadcast_in_dim3A_5, %scan3A_203 = %broadcast_in_dim3A_5) -> (vector<16xf32>, vector<16xf32>, vector<16xf32>, vector<16xf32>)  : i32 {
        %add3A_204 = vector.broadcast %scan3A_199 : i32 to vector<16xi32>
        %add3A_205 = arith.addi %add3A_204, %iota3A : vector<16xi32>
        %and3A_206 = arith.constant 31 : i32
        %and3A_207 = vector.broadcast %and3A_206 : i32 to vector<16xi32>
        %and3A_208 = arith.andi %add3A_205, %and3A_207 : vector<16xi32>
        %add3A_209 = arith.constant 0 : i32
        %add3A_210 = vector.broadcast %add3A_209 : i32 to vector<16xi32>
        %add3A_211 = arith.addi %add3A_210, %and3A_208 : vector<16xi32>
        %gather3A = tpu.vector_load_idx %arg16[%add3A_122, %add3A_211] : memref<64x128xf32, #tpu.memory_space<vmem>>[vector<16xi32>, vector<16xi32>], vector<16xf32>,
        %gather3A_212 = tpu.vector_load_idx %arg17[%add3A_122, %add3A_211] : memref<64x128xf32, #tpu.memory_space<vmem>>[vector<16xi32>, vector<16xi32>], vector<16xf32>,
        %mul3A_213 = arith.mulf %gather3A, %gather3A_212 : vector<16xf32>
        %add3A_214 = arith.addf %scan3A_200, %mul3A_213 : vector<16xf32>
        %add3A_215 = arith.constant 32 : i32
        %add3A_216 = vector.broadcast %add3A_215 : i32 to vector<16xi32>
        %add3A_217 = arith.addi %add3A_216, %and3A_208 : vector<16xi32>
        %gather3A_218 = tpu.vector_load_idx %arg16[%add3A_122, %add3A_217] : memref<64x128xf32, #tpu.memory_space<vmem>>[vector<16xi32>, vector<16xi32>], vector<16xf32>,
        %gather3A_219 = tpu.vector_load_idx %arg17[%add3A_122, %add3A_217] : memref<64x128xf32, #tpu.memory_space<vmem>>[vector<16xi32>, vector<16xi32>], vector<16xf32>,
        %mul3A_220 = arith.mulf %gather3A_218, %gather3A_219 : vector<16xf32>
        %add3A_221 = arith.addf %scan3A_201, %mul3A_220 : vector<16xf32>
        %add3A_222 = arith.constant 64 : i32
        %add3A_223 = vector.broadcast %add3A_222 : i32 to vector<16xi32>
        %add3A_224 = arith.addi %add3A_223, %and3A_208 : vector<16xi32>
        %gather3A_225 = tpu.vector_load_idx %arg16[%add3A_122, %add3A_224] : memref<64x128xf32, #tpu.memory_space<vmem>>[vector<16xi32>, vector<16xi32>], vector<16xf32>,
        %gather3A_226 = tpu.vector_load_idx %arg17[%add3A_122, %add3A_224] : memref<64x128xf32, #tpu.memory_space<vmem>>[vector<16xi32>, vector<16xi32>], vector<16xf32>,
        %mul3A_227 = arith.mulf %gather3A_225, %gather3A_226 : vector<16xf32>
        %add3A_228 = arith.addf %scan3A_202, %mul3A_227 : vector<16xf32>
        %add3A_229 = arith.constant 96 : i32
        %add3A_230 = vector.broadcast %add3A_229 : i32 to vector<16xi32>
        %add3A_231 = arith.addi %add3A_230, %and3A_208 : vector<16xi32>
        %gather3A_232 = tpu.vector_load_idx %arg16[%add3A_122, %add3A_231] : memref<64x128xf32, #tpu.memory_space<vmem>>[vector<16xi32>, vector<16xi32>], vector<16xf32>,
        %gather3A_233 = tpu.vector_load_idx %arg17[%add3A_122, %add3A_231] : memref<64x128xf32, #tpu.memory_space<vmem>>[vector<16xi32>, vector<16xi32>], vector<16xf32>,
        %mul3A_234 = arith.mulf %gather3A_232, %gather3A_233 : vector<16xf32>
        %add3A_235 = arith.addf %scan3A_203, %mul3A_234 : vector<16xf32>
        %scan3A_236 = arith.constant 1 : i32
        %scan3A_237 = arith.addi %scan3A_199, %scan3A_236 : i32
        %add3A_238 = vector.broadcast %scan3A_237 : i32 to vector<16xi32>
        %add3A_239 = arith.addi %add3A_238, %iota3A : vector<16xi32>
        %and3A_240 = arith.constant 31 : i32
        %and3A_241 = vector.broadcast %and3A_240 : i32 to vector<16xi32>
        %and3A_242 = arith.andi %add3A_239, %and3A_241 : vector<16xi32>
        %add3A_243 = arith.constant 0 : i32
        %add3A_244 = vector.broadcast %add3A_243 : i32 to vector<16xi32>
        %add3A_245 = arith.addi %add3A_244, %and3A_242 : vector<16xi32>
        %gather3A_246 = tpu.vector_load_idx %arg16[%add3A_122, %add3A_245] : memref<64x128xf32, #tpu.memory_space<vmem>>[vector<16xi32>, vector<16xi32>], vector<16xf32>,
        %gather3A_247 = tpu.vector_load_idx %arg17[%add3A_122, %add3A_245] : memref<64x128xf32, #tpu.memory_space<vmem>>[vector<16xi32>, vector<16xi32>], vector<16xf32>,
        %mul3A_248 = arith.mulf %gather3A_246, %gather3A_247 : vector<16xf32>
        %add3A_249 = arith.addf %add3A_214, %mul3A_248 : vector<16xf32>
        %add3A_250 = arith.constant 32 : i32
        %add3A_251 = vector.broadcast %add3A_250 : i32 to vector<16xi32>
        %add3A_252 = arith.addi %add3A_251, %and3A_242 : vector<16xi32>
        %gather3A_253 = tpu.vector_load_idx %arg16[%add3A_122, %add3A_252] : memref<64x128xf32, #tpu.memory_space<vmem>>[vector<16xi32>, vector<16xi32>], vector<16xf32>,
        %gather3A_254 = tpu.vector_load_idx %arg17[%add3A_122, %add3A_252] : memref<64x128xf32, #tpu.memory_space<vmem>>[vector<16xi32>, vector<16xi32>], vector<16xf32>,
        %mul3A_255 = arith.mulf %gather3A_253, %gather3A_254 : vector<16xf32>
        %add3A_256 = arith.addf %add3A_221, %mul3A_255 : vector<16xf32>
        %add3A_257 = arith.constant 64 : i32
        %add3A_258 = vector.broadcast %add3A_257 : i32 to vector<16xi32>
        %add3A_259 = arith.addi %add3A_258, %and3A_242 : vector<16xi32>
        %gather3A_260 = tpu.vector_load_idx %arg16[%add3A_122, %add3A_259] : memref<64x128xf32, #tpu.memory_space<vmem>>[vector<16xi32>, vector<16xi32>], vector<16xf32>,
        %gather3A_261 = tpu.vector_load_idx %arg17[%add3A_122, %add3A_259] : memref<64x128xf32, #tpu.memory_space<vmem>>[vector<16xi32>, vector<16xi32>], vector<16xf32>,
        %mul3A_262 = arith.mulf %gather3A_260, %gather3A_261 : vector<16xf32>
        %add3A_263 = arith.addf %add3A_228, %mul3A_262 : vector<16xf32>
        %add3A_264 = arith.constant 96 : i32
        %add3A_265 = vector.broadcast %add3A_264 : i32 to vector<16xi32>
        %add3A_266 = arith.addi %add3A_265, %and3A_242 : vector<16xi32>
        %gather3A_267 = tpu.vector_load_idx %arg16[%add3A_122, %add3A_266] : memref<64x128xf32, #tpu.memory_space<vmem>>[vector<16xi32>, vector<16xi32>], vector<16xf32>,
        %gather3A_268 = tpu.vector_load_idx %arg17[%add3A_122, %add3A_266] : memref<64x128xf32, #tpu.memory_space<vmem>>[vector<16xi32>, vector<16xi32>], vector<16xf32>,
        %mul3A_269 = arith.mulf %gather3A_267, %gather3A_268 : vector<16xf32>
        %add3A_270 = arith.addf %add3A_235, %mul3A_269 : vector<16xf32>
        %scan3A_271 = arith.constant 2 : i32
        %scan3A_272 = arith.addi %scan3A_199, %scan3A_271 : i32
        %add3A_273 = vector.broadcast %scan3A_272 : i32 to vector<16xi32>
        %add3A_274 = arith.addi %add3A_273, %iota3A : vector<16xi32>
        %and3A_275 = arith.constant 31 : i32
        %and3A_276 = vector.broadcast %and3A_275 : i32 to vector<16xi32>
        %and3A_277 = arith.andi %add3A_274, %and3A_276 : vector<16xi32>
        %add3A_278 = arith.constant 0 : i32
        %add3A_279 = vector.broadcast %add3A_278 : i32 to vector<16xi32>
        %add3A_280 = arith.addi %add3A_279, %and3A_277 : vector<16xi32>
        %gather3A_281 = tpu.vector_load_idx %arg16[%add3A_122, %add3A_280] : memref<64x128xf32, #tpu.memory_space<vmem>>[vector<16xi32>, vector<16xi32>], vector<16xf32>,
        %gather3A_282 = tpu.vector_load_idx %arg17[%add3A_122, %add3A_280] : memref<64x128xf32, #tpu.memory_space<vmem>>[vector<16xi32>, vector<16xi32>], vector<16xf32>,
        %mul3A_283 = arith.mulf %gather3A_281, %gather3A_282 : vector<16xf32>
        %add3A_284 = arith.addf %add3A_249, %mul3A_283 : vector<16xf32>
        %add3A_285 = arith.constant 32 : i32
        %add3A_286 = vector.broadcast %add3A_285 : i32 to vector<16xi32>
        %add3A_287 = arith.addi %add3A_286, %and3A_277 : vector<16xi32>
        %gather3A_288 = tpu.vector_load_idx %arg16[%add3A_122, %add3A_287] : memref<64x128xf32, #tpu.memory_space<vmem>>[vector<16xi32>, vector<16xi32>], vector<16xf32>,
        %gather3A_289 = tpu.vector_load_idx %arg17[%add3A_122, %add3A_287] : memref<64x128xf32, #tpu.memory_space<vmem>>[vector<16xi32>, vector<16xi32>], vector<16xf32>,
        %mul3A_290 = arith.mulf %gather3A_288, %gather3A_289 : vector<16xf32>
        %add3A_291 = arith.addf %add3A_256, %mul3A_290 : vector<16xf32>
        %add3A_292 = arith.constant 64 : i32
        %add3A_293 = vector.broadcast %add3A_292 : i32 to vector<16xi32>
        %add3A_294 = arith.addi %add3A_293, %and3A_277 : vector<16xi32>
        %gather3A_295 = tpu.vector_load_idx %arg16[%add3A_122, %add3A_294] : memref<64x128xf32, #tpu.memory_space<vmem>>[vector<16xi32>, vector<16xi32>], vector<16xf32>,
        %gather3A_296 = tpu.vector_load_idx %arg17[%add3A_122, %add3A_294] : memref<64x128xf32, #tpu.memory_space<vmem>>[vector<16xi32>, vector<16xi32>], vector<16xf32>,
        %mul3A_297 = arith.mulf %gather3A_295, %gather3A_296 : vector<16xf32>
        %add3A_298 = arith.addf %add3A_263, %mul3A_297 : vector<16xf32>
        %add3A_299 = arith.constant 96 : i32
        %add3A_300 = vector.broadcast %add3A_299 : i32 to vector<16xi32>
        %add3A_301 = arith.addi %add3A_300, %and3A_277 : vector<16xi32>
        %gather3A_302 = tpu.vector_load_idx %arg16[%add3A_122, %add3A_301] : memref<64x128xf32, #tpu.memory_space<vmem>>[vector<16xi32>, vector<16xi32>], vector<16xf32>,
        %gather3A_303 = tpu.vector_load_idx %arg17[%add3A_122, %add3A_301] : memref<64x128xf32, #tpu.memory_space<vmem>>[vector<16xi32>, vector<16xi32>], vector<16xf32>,
        %mul3A_304 = arith.mulf %gather3A_302, %gather3A_303 : vector<16xf32>
        %add3A_305 = arith.addf %add3A_270, %mul3A_304 : vector<16xf32>
        %scan3A_306 = arith.constant 3 : i32
        %scan3A_307 = arith.addi %scan3A_199, %scan3A_306 : i32
        %add3A_308 = vector.broadcast %scan3A_307 : i32 to vector<16xi32>
        %add3A_309 = arith.addi %add3A_308, %iota3A : vector<16xi32>
        %and3A_310 = arith.constant 31 : i32
        %and3A_311 = vector.broadcast %and3A_310 : i32 to vector<16xi32>
        %and3A_312 = arith.andi %add3A_309, %and3A_311 : vector<16xi32>
        %add3A_313 = arith.constant 0 : i32
        %add3A_314 = vector.broadcast %add3A_313 : i32 to vector<16xi32>
        %add3A_315 = arith.addi %add3A_314, %and3A_312 : vector<16xi32>
        %gather3A_316 = tpu.vector_load_idx %arg16[%add3A_122, %add3A_315] : memref<64x128xf32, #tpu.memory_space<vmem>>[vector<16xi32>, vector<16xi32>], vector<16xf32>,
        %gather3A_317 = tpu.vector_load_idx %arg17[%add3A_122, %add3A_315] : memref<64x128xf32, #tpu.memory_space<vmem>>[vector<16xi32>, vector<16xi32>], vector<16xf32>,
        %mul3A_318 = arith.mulf %gather3A_316, %gather3A_317 : vector<16xf32>
        %add3A_319 = arith.addf %add3A_284, %mul3A_318 : vector<16xf32>
        %add3A_320 = arith.constant 32 : i32
        %add3A_321 = vector.broadcast %add3A_320 : i32 to vector<16xi32>
        %add3A_322 = arith.addi %add3A_321, %and3A_312 : vector<16xi32>
        %gather3A_323 = tpu.vector_load_idx %arg16[%add3A_122, %add3A_322] : memref<64x128xf32, #tpu.memory_space<vmem>>[vector<16xi32>, vector<16xi32>], vector<16xf32>,
        %gather3A_324 = tpu.vector_load_idx %arg17[%add3A_122, %add3A_322] : memref<64x128xf32, #tpu.memory_space<vmem>>[vector<16xi32>, vector<16xi32>], vector<16xf32>,
        %mul3A_325 = arith.mulf %gather3A_323, %gather3A_324 : vector<16xf32>
        %add3A_326 = arith.addf %add3A_291, %mul3A_325 : vector<16xf32>
        %add3A_327 = arith.constant 64 : i32
        %add3A_328 = vector.broadcast %add3A_327 : i32 to vector<16xi32>
        %add3A_329 = arith.addi %add3A_328, %and3A_312 : vector<16xi32>
        %gather3A_330 = tpu.vector_load_idx %arg16[%add3A_122, %add3A_329] : memref<64x128xf32, #tpu.memory_space<vmem>>[vector<16xi32>, vector<16xi32>], vector<16xf32>,
        %gather3A_331 = tpu.vector_load_idx %arg17[%add3A_122, %add3A_329] : memref<64x128xf32, #tpu.memory_space<vmem>>[vector<16xi32>, vector<16xi32>], vector<16xf32>,
        %mul3A_332 = arith.mulf %gather3A_330, %gather3A_331 : vector<16xf32>
        %add3A_333 = arith.addf %add3A_298, %mul3A_332 : vector<16xf32>
        %add3A_334 = arith.constant 96 : i32
        %add3A_335 = vector.broadcast %add3A_334 : i32 to vector<16xi32>
        %add3A_336 = arith.addi %add3A_335, %and3A_312 : vector<16xi32>
        %gather3A_337 = tpu.vector_load_idx %arg16[%add3A_122, %add3A_336] : memref<64x128xf32, #tpu.memory_space<vmem>>[vector<16xi32>, vector<16xi32>], vector<16xf32>,
        %gather3A_338 = tpu.vector_load_idx %arg17[%add3A_122, %add3A_336] : memref<64x128xf32, #tpu.memory_space<vmem>>[vector<16xi32>, vector<16xi32>], vector<16xf32>,
        %mul3A_339 = arith.mulf %gather3A_337, %gather3A_338 : vector<16xf32>
        %add3A_340 = arith.addf %add3A_305, %mul3A_339 : vector<16xf32>
        scf.yield %add3A_319, %add3A_326, %add3A_333, %add3A_340 : vector<16xf32>, vector<16xf32>, vector<16xf32>, vector<16xf32>
      }
      %scan3A_128 = arith.constant 32 : i32
      %mul3A_129 = arith.constant 6.250000e-02 : f32
      %mul3A_130 = vector.broadcast %mul3A_129 : f32 to vector<16xf32>
      %mul3A_131 = arith.mulf %scan3A_127#0, %mul3A_130 : vector<16xf32>
      %exp3A = math.exp %mul3A_131 : vector<16xf32>
      %broadcast_in_dim3A_132 = arith.constant 0 : i32
      %broadcast_in_dim3A_133 = vector.broadcast %broadcast_in_dim3A_132 : i32 to vector<16xi32>
      tpu.vector_store_idx %arg19[%add3A_122, %broadcast_in_dim3A_133], %exp3A : memref<64x16xf32, #tpu.memory_space<vmem>>[vector<16xi32>, vector<16xi32>], vector<16xf32>,
      %mul3A_134 = arith.constant 6.250000e-02 : f32
      %mul3A_135 = vector.broadcast %mul3A_134 : f32 to vector<16xf32>
      %mul3A_136 = arith.mulf %scan3A_127#1, %mul3A_135 : vector<16xf32>
      %exp3A_137 = math.exp %mul3A_136 : vector<16xf32>
      %broadcast_in_dim3A_138 = arith.constant 1 : i32
      %broadcast_in_dim3A_139 = vector.broadcast %broadcast_in_dim3A_138 : i32 to vector<16xi32>
      tpu.vector_store_idx %arg19[%add3A_122, %broadcast_in_dim3A_139], %exp3A_137 : memref<64x16xf32, #tpu.memory_space<vmem>>[vector<16xi32>, vector<16xi32>], vector<16xf32>,
      %mul3A_140 = arith.constant 6.250000e-02 : f32
      %mul3A_141 = vector.broadcast %mul3A_140 : f32 to vector<16xf32>
      %mul3A_142 = arith.mulf %scan3A_127#2, %mul3A_141 : vector<16xf32>
      %exp3A_143 = math.exp %mul3A_142 : vector<16xf32>
      %broadcast_in_dim3A_144 = arith.constant 2 : i32
      %broadcast_in_dim3A_145 = vector.broadcast %broadcast_in_dim3A_144 : i32 to vector<16xi32>
      tpu.vector_store_idx %arg19[%add3A_122, %broadcast_in_dim3A_145], %exp3A_143 : memref<64x16xf32, #tpu.memory_space<vmem>>[vector<16xi32>, vector<16xi32>], vector<16xf32>,
      %mul3A_146 = arith.constant 6.250000e-02 : f32
      %mul3A_147 = vector.broadcast %mul3A_146 : f32 to vector<16xf32>
      %mul3A_148 = arith.mulf %scan3A_127#3, %mul3A_147 : vector<16xf32>
      %exp3A_149 = math.exp %mul3A_148 : vector<16xf32>
      %broadcast_in_dim3A_150 = arith.constant 3 : i32
      %broadcast_in_dim3A_151 = vector.broadcast %broadcast_in_dim3A_150 : i32 to vector<16xi32>
      tpu.vector_store_idx %arg19[%add3A_122, %broadcast_in_dim3A_151], %exp3A_149 : memref<64x16xf32, #tpu.memory_space<vmem>>[vector<16xi32>, vector<16xi32>], vector<16xf32>,
      %scan3A_152 = arith.constant 0 : i32
      %scan3A_153 = arith.constant 0 : i32
      %scan3A_154 = arith.constant 32 : i32
      %scan3A_155 = arith.addi %scan3A_153, %scan3A_154 : i32
      %scan3A_156 = arith.constant 4 : i32
      scf.for %scan3A_199 = %scan3A_153 to %scan3A_155 step %scan3A_156  : i32 {
        %add3A_200 = vector.broadcast %scan3A_199 : i32 to vector<16xi32>
        %add3A_201 = arith.addi %add3A_200, %iota3A : vector<16xi32>
        %and3A_202 = arith.constant 31 : i32
        %and3A_203 = vector.broadcast %and3A_202 : i32 to vector<16xi32>
        %and3A_204 = arith.andi %add3A_201, %and3A_203 : vector<16xi32>
        %add3A_205 = arith.constant 0 : i32
        %add3A_206 = vector.broadcast %add3A_205 : i32 to vector<16xi32>
        %add3A_207 = arith.addi %add3A_206, %and3A_204 : vector<16xi32>
        %gather3A = tpu.vector_load_idx %arg18[%add3A_122, %add3A_207] : memref<64x128xf32, #tpu.memory_space<vmem>>[vector<16xi32>, vector<16xi32>], vector<16xf32>,
        %mul3A_208 = arith.mulf %gather3A, %exp3A : vector<16xf32>
        tpu.vector_store_idx %arg17[%add3A_122, %add3A_207], %mul3A_208 : memref<64x128xf32, #tpu.memory_space<vmem>>[vector<16xi32>, vector<16xi32>], vector<16xf32>,
        %add3A_209 = arith.constant 32 : i32
        %add3A_210 = vector.broadcast %add3A_209 : i32 to vector<16xi32>
        %add3A_211 = arith.addi %add3A_210, %and3A_204 : vector<16xi32>
        %gather3A_212 = tpu.vector_load_idx %arg18[%add3A_122, %add3A_211] : memref<64x128xf32, #tpu.memory_space<vmem>>[vector<16xi32>, vector<16xi32>], vector<16xf32>,
        %mul3A_213 = arith.mulf %gather3A_212, %exp3A_137 : vector<16xf32>
        tpu.vector_store_idx %arg17[%add3A_122, %add3A_211], %mul3A_213 : memref<64x128xf32, #tpu.memory_space<vmem>>[vector<16xi32>, vector<16xi32>], vector<16xf32>,
        %add3A_214 = arith.constant 64 : i32
        %add3A_215 = vector.broadcast %add3A_214 : i32 to vector<16xi32>
        %add3A_216 = arith.addi %add3A_215, %and3A_204 : vector<16xi32>
        %gather3A_217 = tpu.vector_load_idx %arg18[%add3A_122, %add3A_216] : memref<64x128xf32, #tpu.memory_space<vmem>>[vector<16xi32>, vector<16xi32>], vector<16xf32>,
        %mul3A_218 = arith.mulf %gather3A_217, %exp3A_143 : vector<16xf32>
        tpu.vector_store_idx %arg17[%add3A_122, %add3A_216], %mul3A_218 : memref<64x128xf32, #tpu.memory_space<vmem>>[vector<16xi32>, vector<16xi32>], vector<16xf32>,
        %add3A_219 = arith.constant 96 : i32
        %add3A_220 = vector.broadcast %add3A_219 : i32 to vector<16xi32>
        %add3A_221 = arith.addi %add3A_220, %and3A_204 : vector<16xi32>
        %gather3A_222 = tpu.vector_load_idx %arg18[%add3A_122, %add3A_221] : memref<64x128xf32, #tpu.memory_space<vmem>>[vector<16xi32>, vector<16xi32>], vector<16xf32>,
        %mul3A_223 = arith.mulf %gather3A_222, %exp3A_149 : vector<16xf32>
        tpu.vector_store_idx %arg17[%add3A_122, %add3A_221], %mul3A_223 : memref<64x128xf32, #tpu.memory_space<vmem>>[vector<16xi32>, vector<16xi32>], vector<16xf32>,
        %scan3A_224 = arith.constant 1 : i32
        %scan3A_225 = arith.addi %scan3A_199, %scan3A_224 : i32
        %add3A_226 = vector.broadcast %scan3A_225 : i32 to vector<16xi32>
        %add3A_227 = arith.addi %add3A_226, %iota3A : vector<16xi32>
        %and3A_228 = arith.constant 31 : i32
        %and3A_229 = vector.broadcast %and3A_228 : i32 to vector<16xi32>
        %and3A_230 = arith.andi %add3A_227, %and3A_229 : vector<16xi32>
        %add3A_231 = arith.constant 0 : i32
        %add3A_232 = vector.broadcast %add3A_231 : i32 to vector<16xi32>
        %add3A_233 = arith.addi %add3A_232, %and3A_230 : vector<16xi32>
        %gather3A_234 = tpu.vector_load_idx %arg18[%add3A_122, %add3A_233] : memref<64x128xf32, #tpu.memory_space<vmem>>[vector<16xi32>, vector<16xi32>], vector<16xf32>,
        %mul3A_235 = arith.mulf %gather3A_234, %exp3A : vector<16xf32>
        tpu.vector_store_idx %arg17[%add3A_122, %add3A_233], %mul3A_235 : memref<64x128xf32, #tpu.memory_space<vmem>>[vector<16xi32>, vector<16xi32>], vector<16xf32>,
        %add3A_236 = arith.constant 32 : i32
        %add3A_237 = vector.broadcast %add3A_236 : i32 to vector<16xi32>
        %add3A_238 = arith.addi %add3A_237, %and3A_230 : vector<16xi32>
        %gather3A_239 = tpu.vector_load_idx %arg18[%add3A_122, %add3A_238] : memref<64x128xf32, #tpu.memory_space<vmem>>[vector<16xi32>, vector<16xi32>], vector<16xf32>,
        %mul3A_240 = arith.mulf %gather3A_239, %exp3A_137 : vector<16xf32>
        tpu.vector_store_idx %arg17[%add3A_122, %add3A_238], %mul3A_240 : memref<64x128xf32, #tpu.memory_space<vmem>>[vector<16xi32>, vector<16xi32>], vector<16xf32>,
        %add3A_241 = arith.constant 64 : i32
        %add3A_242 = vector.broadcast %add3A_241 : i32 to vector<16xi32>
        %add3A_243 = arith.addi %add3A_242, %and3A_230 : vector<16xi32>
        %gather3A_244 = tpu.vector_load_idx %arg18[%add3A_122, %add3A_243] : memref<64x128xf32, #tpu.memory_space<vmem>>[vector<16xi32>, vector<16xi32>], vector<16xf32>,
        %mul3A_245 = arith.mulf %gather3A_244, %exp3A_143 : vector<16xf32>
        tpu.vector_store_idx %arg17[%add3A_122, %add3A_243], %mul3A_245 : memref<64x128xf32, #tpu.memory_space<vmem>>[vector<16xi32>, vector<16xi32>], vector<16xf32>,
        %add3A_246 = arith.constant 96 : i32
        %add3A_247 = vector.broadcast %add3A_246 : i32 to vector<16xi32>
        %add3A_248 = arith.addi %add3A_247, %and3A_230 : vector<16xi32>
        %gather3A_249 = tpu.vector_load_idx %arg18[%add3A_122, %add3A_248] : memref<64x128xf32, #tpu.memory_space<vmem>>[vector<16xi32>, vector<16xi32>], vector<16xf32>,
        %mul3A_250 = arith.mulf %gather3A_249, %exp3A_149 : vector<16xf32>
        tpu.vector_store_idx %arg17[%add3A_122, %add3A_248], %mul3A_250 : memref<64x128xf32, #tpu.memory_space<vmem>>[vector<16xi32>, vector<16xi32>], vector<16xf32>,
        %scan3A_251 = arith.constant 2 : i32
        %scan3A_252 = arith.addi %scan3A_199, %scan3A_251 : i32
        %add3A_253 = vector.broadcast %scan3A_252 : i32 to vector<16xi32>
        %add3A_254 = arith.addi %add3A_253, %iota3A : vector<16xi32>
        %and3A_255 = arith.constant 31 : i32
        %and3A_256 = vector.broadcast %and3A_255 : i32 to vector<16xi32>
        %and3A_257 = arith.andi %add3A_254, %and3A_256 : vector<16xi32>
        %add3A_258 = arith.constant 0 : i32
        %add3A_259 = vector.broadcast %add3A_258 : i32 to vector<16xi32>
        %add3A_260 = arith.addi %add3A_259, %and3A_257 : vector<16xi32>
        %gather3A_261 = tpu.vector_load_idx %arg18[%add3A_122, %add3A_260] : memref<64x128xf32, #tpu.memory_space<vmem>>[vector<16xi32>, vector<16xi32>], vector<16xf32>,
        %mul3A_262 = arith.mulf %gather3A_261, %exp3A : vector<16xf32>
        tpu.vector_store_idx %arg17[%add3A_122, %add3A_260], %mul3A_262 : memref<64x128xf32, #tpu.memory_space<vmem>>[vector<16xi32>, vector<16xi32>], vector<16xf32>,
        %add3A_263 = arith.constant 32 : i32
        %add3A_264 = vector.broadcast %add3A_263 : i32 to vector<16xi32>
        %add3A_265 = arith.addi %add3A_264, %and3A_257 : vector<16xi32>
        %gather3A_266 = tpu.vector_load_idx %arg18[%add3A_122, %add3A_265] : memref<64x128xf32, #tpu.memory_space<vmem>>[vector<16xi32>, vector<16xi32>], vector<16xf32>,
        %mul3A_267 = arith.mulf %gather3A_266, %exp3A_137 : vector<16xf32>
        tpu.vector_store_idx %arg17[%add3A_122, %add3A_265], %mul3A_267 : memref<64x128xf32, #tpu.memory_space<vmem>>[vector<16xi32>, vector<16xi32>], vector<16xf32>,
        %add3A_268 = arith.constant 64 : i32
        %add3A_269 = vector.broadcast %add3A_268 : i32 to vector<16xi32>
        %add3A_270 = arith.addi %add3A_269, %and3A_257 : vector<16xi32>
        %gather3A_271 = tpu.vector_load_idx %arg18[%add3A_122, %add3A_270] : memref<64x128xf32, #tpu.memory_space<vmem>>[vector<16xi32>, vector<16xi32>], vector<16xf32>,
        %mul3A_272 = arith.mulf %gather3A_271, %exp3A_143 : vector<16xf32>
        tpu.vector_store_idx %arg17[%add3A_122, %add3A_270], %mul3A_272 : memref<64x128xf32, #tpu.memory_space<vmem>>[vector<16xi32>, vector<16xi32>], vector<16xf32>,
        %add3A_273 = arith.constant 96 : i32
        %add3A_274 = vector.broadcast %add3A_273 : i32 to vector<16xi32>
        %add3A_275 = arith.addi %add3A_274, %and3A_257 : vector<16xi32>
        %gather3A_276 = tpu.vector_load_idx %arg18[%add3A_122, %add3A_275] : memref<64x128xf32, #tpu.memory_space<vmem>>[vector<16xi32>, vector<16xi32>], vector<16xf32>,
        %mul3A_277 = arith.mulf %gather3A_276, %exp3A_149 : vector<16xf32>
        tpu.vector_store_idx %arg17[%add3A_122, %add3A_275], %mul3A_277 : memref<64x128xf32, #tpu.memory_space<vmem>>[vector<16xi32>, vector<16xi32>], vector<16xf32>,
        %scan3A_278 = arith.constant 3 : i32
        %scan3A_279 = arith.addi %scan3A_199, %scan3A_278 : i32
        %add3A_280 = vector.broadcast %scan3A_279 : i32 to vector<16xi32>
        %add3A_281 = arith.addi %add3A_280, %iota3A : vector<16xi32>
        %and3A_282 = arith.constant 31 : i32
        %and3A_283 = vector.broadcast %and3A_282 : i32 to vector<16xi32>
        %and3A_284 = arith.andi %add3A_281, %and3A_283 : vector<16xi32>
        %add3A_285 = arith.constant 0 : i32
        %add3A_286 = vector.broadcast %add3A_285 : i32 to vector<16xi32>
        %add3A_287 = arith.addi %add3A_286, %and3A_284 : vector<16xi32>
        %gather3A_288 = tpu.vector_load_idx %arg18[%add3A_122, %add3A_287] : memref<64x128xf32, #tpu.memory_space<vmem>>[vector<16xi32>, vector<16xi32>], vector<16xf32>,
        %mul3A_289 = arith.mulf %gather3A_288, %exp3A : vector<16xf32>
        tpu.vector_store_idx %arg17[%add3A_122, %add3A_287], %mul3A_289 : memref<64x128xf32, #tpu.memory_space<vmem>>[vector<16xi32>, vector<16xi32>], vector<16xf32>,
        %add3A_290 = arith.constant 32 : i32
        %add3A_291 = vector.broadcast %add3A_290 : i32 to vector<16xi32>
        %add3A_292 = arith.addi %add3A_291, %and3A_284 : vector<16xi32>
        %gather3A_293 = tpu.vector_load_idx %arg18[%add3A_122, %add3A_292] : memref<64x128xf32, #tpu.memory_space<vmem>>[vector<16xi32>, vector<16xi32>], vector<16xf32>,
        %mul3A_294 = arith.mulf %gather3A_293, %exp3A_137 : vector<16xf32>
        tpu.vector_store_idx %arg17[%add3A_122, %add3A_292], %mul3A_294 : memref<64x128xf32, #tpu.memory_space<vmem>>[vector<16xi32>, vector<16xi32>], vector<16xf32>,
        %add3A_295 = arith.constant 64 : i32
        %add3A_296 = vector.broadcast %add3A_295 : i32 to vector<16xi32>
        %add3A_297 = arith.addi %add3A_296, %and3A_284 : vector<16xi32>
        %gather3A_298 = tpu.vector_load_idx %arg18[%add3A_122, %add3A_297] : memref<64x128xf32, #tpu.memory_space<vmem>>[vector<16xi32>, vector<16xi32>], vector<16xf32>,
        %mul3A_299 = arith.mulf %gather3A_298, %exp3A_143 : vector<16xf32>
        tpu.vector_store_idx %arg17[%add3A_122, %add3A_297], %mul3A_299 : memref<64x128xf32, #tpu.memory_space<vmem>>[vector<16xi32>, vector<16xi32>], vector<16xf32>,
        %add3A_300 = arith.constant 96 : i32
        %add3A_301 = vector.broadcast %add3A_300 : i32 to vector<16xi32>
        %add3A_302 = arith.addi %add3A_301, %and3A_284 : vector<16xi32>
        %gather3A_303 = tpu.vector_load_idx %arg18[%add3A_122, %add3A_302] : memref<64x128xf32, #tpu.memory_space<vmem>>[vector<16xi32>, vector<16xi32>], vector<16xf32>,
        %mul3A_304 = arith.mulf %gather3A_303, %exp3A_149 : vector<16xf32>
        tpu.vector_store_idx %arg17[%add3A_122, %add3A_302], %mul3A_304 : memref<64x128xf32, #tpu.memory_space<vmem>>[vector<16xi32>, vector<16xi32>], vector<16xf32>,
      }
      %scan3A_157 = arith.constant 32 : i32
      %add3A_158 = arith.constant 16 : i32
      %add3A_159 = vector.broadcast %add3A_158 : i32 to vector<16xi32>
      %add3A_160 = arith.addi %iota3A, %add3A_159 : vector<16xi32>
      %add3A_161 = vector.broadcast %mul3A_74 : i32 to vector<16xi32>
      %add3A_162 = arith.addi %add3A_160, %add3A_161 : vector<16xi32>
      %scan3A_163 = arith.constant 0 : i32
      %scan3A_164 = arith.constant 32 : i32
      %scan3A_165 = arith.addi %scan3A_163, %scan3A_164 : i32
      %scan3A_166 = arith.constant 4 : i32
      %scan3A_167:4 = scf.for %scan3A_199 = %scan3A_163 to %scan3A_165 step %scan3A_166 iter_args(%scan3A_200 = %broadcast_in_dim3A_5, %scan3A_201 = %broadcast_in_dim3A_5, %scan3A_202 = %broadcast_in_dim3A_5, %scan3A_203 = %broadcast_in_dim3A_5) -> (vector<16xf32>, vector<16xf32>, vector<16xf32>, vector<16xf32>)  : i32 {
        %add3A_204 = vector.broadcast %scan3A_199 : i32 to vector<16xi32>
        %add3A_205 = arith.addi %add3A_204, %iota3A : vector<16xi32>
        %and3A_206 = arith.constant 31 : i32
        %and3A_207 = vector.broadcast %and3A_206 : i32 to vector<16xi32>
        %and3A_208 = arith.andi %add3A_205, %and3A_207 : vector<16xi32>
        %add3A_209 = arith.constant 0 : i32
        %add3A_210 = vector.broadcast %add3A_209 : i32 to vector<16xi32>
        %add3A_211 = arith.addi %add3A_210, %and3A_208 : vector<16xi32>
        %gather3A = tpu.vector_load_idx %arg16[%add3A_162, %add3A_211] : memref<64x128xf32, #tpu.memory_space<vmem>>[vector<16xi32>, vector<16xi32>], vector<16xf32>,
        %gather3A_212 = tpu.vector_load_idx %arg17[%add3A_162, %add3A_211] : memref<64x128xf32, #tpu.memory_space<vmem>>[vector<16xi32>, vector<16xi32>], vector<16xf32>,
        %mul3A_213 = arith.mulf %gather3A, %gather3A_212 : vector<16xf32>
        %add3A_214 = arith.addf %scan3A_200, %mul3A_213 : vector<16xf32>
        %add3A_215 = arith.constant 32 : i32
        %add3A_216 = vector.broadcast %add3A_215 : i32 to vector<16xi32>
        %add3A_217 = arith.addi %add3A_216, %and3A_208 : vector<16xi32>
        %gather3A_218 = tpu.vector_load_idx %arg16[%add3A_162, %add3A_217] : memref<64x128xf32, #tpu.memory_space<vmem>>[vector<16xi32>, vector<16xi32>], vector<16xf32>,
        %gather3A_219 = tpu.vector_load_idx %arg17[%add3A_162, %add3A_217] : memref<64x128xf32, #tpu.memory_space<vmem>>[vector<16xi32>, vector<16xi32>], vector<16xf32>,
        %mul3A_220 = arith.mulf %gather3A_218, %gather3A_219 : vector<16xf32>
        %add3A_221 = arith.addf %scan3A_201, %mul3A_220 : vector<16xf32>
        %add3A_222 = arith.constant 64 : i32
        %add3A_223 = vector.broadcast %add3A_222 : i32 to vector<16xi32>
        %add3A_224 = arith.addi %add3A_223, %and3A_208 : vector<16xi32>
        %gather3A_225 = tpu.vector_load_idx %arg16[%add3A_162, %add3A_224] : memref<64x128xf32, #tpu.memory_space<vmem>>[vector<16xi32>, vector<16xi32>], vector<16xf32>,
        %gather3A_226 = tpu.vector_load_idx %arg17[%add3A_162, %add3A_224] : memref<64x128xf32, #tpu.memory_space<vmem>>[vector<16xi32>, vector<16xi32>], vector<16xf32>,
        %mul3A_227 = arith.mulf %gather3A_225, %gather3A_226 : vector<16xf32>
        %add3A_228 = arith.addf %scan3A_202, %mul3A_227 : vector<16xf32>
        %add3A_229 = arith.constant 96 : i32
        %add3A_230 = vector.broadcast %add3A_229 : i32 to vector<16xi32>
        %add3A_231 = arith.addi %add3A_230, %and3A_208 : vector<16xi32>
        %gather3A_232 = tpu.vector_load_idx %arg16[%add3A_162, %add3A_231] : memref<64x128xf32, #tpu.memory_space<vmem>>[vector<16xi32>, vector<16xi32>], vector<16xf32>,
        %gather3A_233 = tpu.vector_load_idx %arg17[%add3A_162, %add3A_231] : memref<64x128xf32, #tpu.memory_space<vmem>>[vector<16xi32>, vector<16xi32>], vector<16xf32>,
        %mul3A_234 = arith.mulf %gather3A_232, %gather3A_233 : vector<16xf32>
        %add3A_235 = arith.addf %scan3A_203, %mul3A_234 : vector<16xf32>
        %scan3A_236 = arith.constant 1 : i32
        %scan3A_237 = arith.addi %scan3A_199, %scan3A_236 : i32
        %add3A_238 = vector.broadcast %scan3A_237 : i32 to vector<16xi32>
        %add3A_239 = arith.addi %add3A_238, %iota3A : vector<16xi32>
        %and3A_240 = arith.constant 31 : i32
        %and3A_241 = vector.broadcast %and3A_240 : i32 to vector<16xi32>
        %and3A_242 = arith.andi %add3A_239, %and3A_241 : vector<16xi32>
        %add3A_243 = arith.constant 0 : i32
        %add3A_244 = vector.broadcast %add3A_243 : i32 to vector<16xi32>
        %add3A_245 = arith.addi %add3A_244, %and3A_242 : vector<16xi32>
        %gather3A_246 = tpu.vector_load_idx %arg16[%add3A_162, %add3A_245] : memref<64x128xf32, #tpu.memory_space<vmem>>[vector<16xi32>, vector<16xi32>], vector<16xf32>,
        %gather3A_247 = tpu.vector_load_idx %arg17[%add3A_162, %add3A_245] : memref<64x128xf32, #tpu.memory_space<vmem>>[vector<16xi32>, vector<16xi32>], vector<16xf32>,
        %mul3A_248 = arith.mulf %gather3A_246, %gather3A_247 : vector<16xf32>
        %add3A_249 = arith.addf %add3A_214, %mul3A_248 : vector<16xf32>
        %add3A_250 = arith.constant 32 : i32
        %add3A_251 = vector.broadcast %add3A_250 : i32 to vector<16xi32>
        %add3A_252 = arith.addi %add3A_251, %and3A_242 : vector<16xi32>
        %gather3A_253 = tpu.vector_load_idx %arg16[%add3A_162, %add3A_252] : memref<64x128xf32, #tpu.memory_space<vmem>>[vector<16xi32>, vector<16xi32>], vector<16xf32>,
        %gather3A_254 = tpu.vector_load_idx %arg17[%add3A_162, %add3A_252] : memref<64x128xf32, #tpu.memory_space<vmem>>[vector<16xi32>, vector<16xi32>], vector<16xf32>,
        %mul3A_255 = arith.mulf %gather3A_253, %gather3A_254 : vector<16xf32>
        %add3A_256 = arith.addf %add3A_221, %mul3A_255 : vector<16xf32>
        %add3A_257 = arith.constant 64 : i32
        %add3A_258 = vector.broadcast %add3A_257 : i32 to vector<16xi32>
        %add3A_259 = arith.addi %add3A_258, %and3A_242 : vector<16xi32>
        %gather3A_260 = tpu.vector_load_idx %arg16[%add3A_162, %add3A_259] : memref<64x128xf32, #tpu.memory_space<vmem>>[vector<16xi32>, vector<16xi32>], vector<16xf32>,
        %gather3A_261 = tpu.vector_load_idx %arg17[%add3A_162, %add3A_259] : memref<64x128xf32, #tpu.memory_space<vmem>>[vector<16xi32>, vector<16xi32>], vector<16xf32>,
        %mul3A_262 = arith.mulf %gather3A_260, %gather3A_261 : vector<16xf32>
        %add3A_263 = arith.addf %add3A_228, %mul3A_262 : vector<16xf32>
        %add3A_264 = arith.constant 96 : i32
        %add3A_265 = vector.broadcast %add3A_264 : i32 to vector<16xi32>
        %add3A_266 = arith.addi %add3A_265, %and3A_242 : vector<16xi32>
        %gather3A_267 = tpu.vector_load_idx %arg16[%add3A_162, %add3A_266] : memref<64x128xf32, #tpu.memory_space<vmem>>[vector<16xi32>, vector<16xi32>], vector<16xf32>,
        %gather3A_268 = tpu.vector_load_idx %arg17[%add3A_162, %add3A_266] : memref<64x128xf32, #tpu.memory_space<vmem>>[vector<16xi32>, vector<16xi32>], vector<16xf32>,
        %mul3A_269 = arith.mulf %gather3A_267, %gather3A_268 : vector<16xf32>
        %add3A_270 = arith.addf %add3A_235, %mul3A_269 : vector<16xf32>
        %scan3A_271 = arith.constant 2 : i32
        %scan3A_272 = arith.addi %scan3A_199, %scan3A_271 : i32
        %add3A_273 = vector.broadcast %scan3A_272 : i32 to vector<16xi32>
        %add3A_274 = arith.addi %add3A_273, %iota3A : vector<16xi32>
        %and3A_275 = arith.constant 31 : i32
        %and3A_276 = vector.broadcast %and3A_275 : i32 to vector<16xi32>
        %and3A_277 = arith.andi %add3A_274, %and3A_276 : vector<16xi32>
        %add3A_278 = arith.constant 0 : i32
        %add3A_279 = vector.broadcast %add3A_278 : i32 to vector<16xi32>
        %add3A_280 = arith.addi %add3A_279, %and3A_277 : vector<16xi32>
        %gather3A_281 = tpu.vector_load_idx %arg16[%add3A_162, %add3A_280] : memref<64x128xf32, #tpu.memory_space<vmem>>[vector<16xi32>, vector<16xi32>], vector<16xf32>,
        %gather3A_282 = tpu.vector_load_idx %arg17[%add3A_162, %add3A_280] : memref<64x128xf32, #tpu.memory_space<vmem>>[vector<16xi32>, vector<16xi32>], vector<16xf32>,
        %mul3A_283 = arith.mulf %gather3A_281, %gather3A_282 : vector<16xf32>
        %add3A_284 = arith.addf %add3A_249, %mul3A_283 : vector<16xf32>
        %add3A_285 = arith.constant 32 : i32
        %add3A_286 = vector.broadcast %add3A_285 : i32 to vector<16xi32>
        %add3A_287 = arith.addi %add3A_286, %and3A_277 : vector<16xi32>
        %gather3A_288 = tpu.vector_load_idx %arg16[%add3A_162, %add3A_287] : memref<64x128xf32, #tpu.memory_space<vmem>>[vector<16xi32>, vector<16xi32>], vector<16xf32>,
        %gather3A_289 = tpu.vector_load_idx %arg17[%add3A_162, %add3A_287] : memref<64x128xf32, #tpu.memory_space<vmem>>[vector<16xi32>, vector<16xi32>], vector<16xf32>,
        %mul3A_290 = arith.mulf %gather3A_288, %gather3A_289 : vector<16xf32>
        %add3A_291 = arith.addf %add3A_256, %mul3A_290 : vector<16xf32>
        %add3A_292 = arith.constant 64 : i32
        %add3A_293 = vector.broadcast %add3A_292 : i32 to vector<16xi32>
        %add3A_294 = arith.addi %add3A_293, %and3A_277 : vector<16xi32>
        %gather3A_295 = tpu.vector_load_idx %arg16[%add3A_162, %add3A_294] : memref<64x128xf32, #tpu.memory_space<vmem>>[vector<16xi32>, vector<16xi32>], vector<16xf32>,
        %gather3A_296 = tpu.vector_load_idx %arg17[%add3A_162, %add3A_294] : memref<64x128xf32, #tpu.memory_space<vmem>>[vector<16xi32>, vector<16xi32>], vector<16xf32>,
        %mul3A_297 = arith.mulf %gather3A_295, %gather3A_296 : vector<16xf32>
        %add3A_298 = arith.addf %add3A_263, %mul3A_297 : vector<16xf32>
        %add3A_299 = arith.constant 96 : i32
        %add3A_300 = vector.broadcast %add3A_299 : i32 to vector<16xi32>
        %add3A_301 = arith.addi %add3A_300, %and3A_277 : vector<16xi32>
        %gather3A_302 = tpu.vector_load_idx %arg16[%add3A_162, %add3A_301] : memref<64x128xf32, #tpu.memory_space<vmem>>[vector<16xi32>, vector<16xi32>], vector<16xf32>,
        %gather3A_303 = tpu.vector_load_idx %arg17[%add3A_162, %add3A_301] : memref<64x128xf32, #tpu.memory_space<vmem>>[vector<16xi32>, vector<16xi32>], vector<16xf32>,
        %mul3A_304 = arith.mulf %gather3A_302, %gather3A_303 : vector<16xf32>
        %add3A_305 = arith.addf %add3A_270, %mul3A_304 : vector<16xf32>
        %scan3A_306 = arith.constant 3 : i32
        %scan3A_307 = arith.addi %scan3A_199, %scan3A_306 : i32
        %add3A_308 = vector.broadcast %scan3A_307 : i32 to vector<16xi32>
        %add3A_309 = arith.addi %add3A_308, %iota3A : vector<16xi32>
        %and3A_310 = arith.constant 31 : i32
        %and3A_311 = vector.broadcast %and3A_310 : i32 to vector<16xi32>
        %and3A_312 = arith.andi %add3A_309, %and3A_311 : vector<16xi32>
        %add3A_313 = arith.constant 0 : i32
        %add3A_314 = vector.broadcast %add3A_313 : i32 to vector<16xi32>
        %add3A_315 = arith.addi %add3A_314, %and3A_312 : vector<16xi32>
        %gather3A_316 = tpu.vector_load_idx %arg16[%add3A_162, %add3A_315] : memref<64x128xf32, #tpu.memory_space<vmem>>[vector<16xi32>, vector<16xi32>], vector<16xf32>,
        %gather3A_317 = tpu.vector_load_idx %arg17[%add3A_162, %add3A_315] : memref<64x128xf32, #tpu.memory_space<vmem>>[vector<16xi32>, vector<16xi32>], vector<16xf32>,
        %mul3A_318 = arith.mulf %gather3A_316, %gather3A_317 : vector<16xf32>
        %add3A_319 = arith.addf %add3A_284, %mul3A_318 : vector<16xf32>
        %add3A_320 = arith.constant 32 : i32
        %add3A_321 = vector.broadcast %add3A_320 : i32 to vector<16xi32>
        %add3A_322 = arith.addi %add3A_321, %and3A_312 : vector<16xi32>
        %gather3A_323 = tpu.vector_load_idx %arg16[%add3A_162, %add3A_322] : memref<64x128xf32, #tpu.memory_space<vmem>>[vector<16xi32>, vector<16xi32>], vector<16xf32>,
        %gather3A_324 = tpu.vector_load_idx %arg17[%add3A_162, %add3A_322] : memref<64x128xf32, #tpu.memory_space<vmem>>[vector<16xi32>, vector<16xi32>], vector<16xf32>,
        %mul3A_325 = arith.mulf %gather3A_323, %gather3A_324 : vector<16xf32>
        %add3A_326 = arith.addf %add3A_291, %mul3A_325 : vector<16xf32>
        %add3A_327 = arith.constant 64 : i32
        %add3A_328 = vector.broadcast %add3A_327 : i32 to vector<16xi32>
        %add3A_329 = arith.addi %add3A_328, %and3A_312 : vector<16xi32>
        %gather3A_330 = tpu.vector_load_idx %arg16[%add3A_162, %add3A_329] : memref<64x128xf32, #tpu.memory_space<vmem>>[vector<16xi32>, vector<16xi32>], vector<16xf32>,
        %gather3A_331 = tpu.vector_load_idx %arg17[%add3A_162, %add3A_329] : memref<64x128xf32, #tpu.memory_space<vmem>>[vector<16xi32>, vector<16xi32>], vector<16xf32>,
        %mul3A_332 = arith.mulf %gather3A_330, %gather3A_331 : vector<16xf32>
        %add3A_333 = arith.addf %add3A_298, %mul3A_332 : vector<16xf32>
        %add3A_334 = arith.constant 96 : i32
        %add3A_335 = vector.broadcast %add3A_334 : i32 to vector<16xi32>
        %add3A_336 = arith.addi %add3A_335, %and3A_312 : vector<16xi32>
        %gather3A_337 = tpu.vector_load_idx %arg16[%add3A_162, %add3A_336] : memref<64x128xf32, #tpu.memory_space<vmem>>[vector<16xi32>, vector<16xi32>], vector<16xf32>,
        %gather3A_338 = tpu.vector_load_idx %arg17[%add3A_162, %add3A_336] : memref<64x128xf32, #tpu.memory_space<vmem>>[vector<16xi32>, vector<16xi32>], vector<16xf32>,
        %mul3A_339 = arith.mulf %gather3A_337, %gather3A_338 : vector<16xf32>
        %add3A_340 = arith.addf %add3A_305, %mul3A_339 : vector<16xf32>
        scf.yield %add3A_319, %add3A_326, %add3A_333, %add3A_340 : vector<16xf32>, vector<16xf32>, vector<16xf32>, vector<16xf32>
      }
      %scan3A_168 = arith.constant 32 : i32
      %mul3A_169 = arith.constant 6.250000e-02 : f32
      %mul3A_170 = vector.broadcast %mul3A_169 : f32 to vector<16xf32>
      %mul3A_171 = arith.mulf %scan3A_167#0, %mul3A_170 : vector<16xf32>
      %exp3A_172 = math.exp %mul3A_171 : vector<16xf32>
      %broadcast_in_dim3A_173 = arith.constant 0 : i32
      %broadcast_in_dim3A_174 = vector.broadcast %broadcast_in_dim3A_173 : i32 to vector<16xi32>
      tpu.vector_store_idx %arg19[%add3A_162, %broadcast_in_dim3A_174], %exp3A_172 : memref<64x16xf32, #tpu.memory_space<vmem>>[vector<16xi32>, vector<16xi32>], vector<16xf32>,
      %mul3A_175 = arith.constant 6.250000e-02 : f32
      %mul3A_176 = vector.broadcast %mul3A_175 : f32 to vector<16xf32>
      %mul3A_177 = arith.mulf %scan3A_167#1, %mul3A_176 : vector<16xf32>
      %exp3A_178 = math.exp %mul3A_177 : vector<16xf32>
      %broadcast_in_dim3A_179 = arith.constant 1 : i32
      %broadcast_in_dim3A_180 = vector.broadcast %broadcast_in_dim3A_179 : i32 to vector<16xi32>
      tpu.vector_store_idx %arg19[%add3A_162, %broadcast_in_dim3A_180], %exp3A_178 : memref<64x16xf32, #tpu.memory_space<vmem>>[vector<16xi32>, vector<16xi32>], vector<16xf32>,
      %mul3A_181 = arith.constant 6.250000e-02 : f32
      %mul3A_182 = vector.broadcast %mul3A_181 : f32 to vector<16xf32>
      %mul3A_183 = arith.mulf %scan3A_167#2, %mul3A_182 : vector<16xf32>
      %exp3A_184 = math.exp %mul3A_183 : vector<16xf32>
      %broadcast_in_dim3A_185 = arith.constant 2 : i32
      %broadcast_in_dim3A_186 = vector.broadcast %broadcast_in_dim3A_185 : i32 to vector<16xi32>
      tpu.vector_store_idx %arg19[%add3A_162, %broadcast_in_dim3A_186], %exp3A_184 : memref<64x16xf32, #tpu.memory_space<vmem>>[vector<16xi32>, vector<16xi32>], vector<16xf32>,
      %mul3A_187 = arith.constant 6.250000e-02 : f32
      %mul3A_188 = vector.broadcast %mul3A_187 : f32 to vector<16xf32>
      %mul3A_189 = arith.mulf %scan3A_167#3, %mul3A_188 : vector<16xf32>
      %exp3A_190 = math.exp %mul3A_189 : vector<16xf32>
      %broadcast_in_dim3A_191 = arith.constant 3 : i32
      %broadcast_in_dim3A_192 = vector.broadcast %broadcast_in_dim3A_191 : i32 to vector<16xi32>
      tpu.vector_store_idx %arg19[%add3A_162, %broadcast_in_dim3A_192], %exp3A_190 : memref<64x16xf32, #tpu.memory_space<vmem>>[vector<16xi32>, vector<16xi32>], vector<16xf32>,
      %scan3A_193 = arith.constant 0 : i32
      %scan3A_194 = arith.constant 0 : i32
      %scan3A_195 = arith.constant 32 : i32
      %scan3A_196 = arith.addi %scan3A_194, %scan3A_195 : i32
      %scan3A_197 = arith.constant 4 : i32
      scf.for %scan3A_199 = %scan3A_194 to %scan3A_196 step %scan3A_197  : i32 {
        %add3A_200 = vector.broadcast %scan3A_199 : i32 to vector<16xi32>
        %add3A_201 = arith.addi %add3A_200, %iota3A : vector<16xi32>
        %and3A_202 = arith.constant 31 : i32
        %and3A_203 = vector.broadcast %and3A_202 : i32 to vector<16xi32>
        %and3A_204 = arith.andi %add3A_201, %and3A_203 : vector<16xi32>
        %add3A_205 = arith.constant 0 : i32
        %add3A_206 = vector.broadcast %add3A_205 : i32 to vector<16xi32>
        %add3A_207 = arith.addi %add3A_206, %and3A_204 : vector<16xi32>
        %gather3A = tpu.vector_load_idx %arg18[%add3A_162, %add3A_207] : memref<64x128xf32, #tpu.memory_space<vmem>>[vector<16xi32>, vector<16xi32>], vector<16xf32>,
        %mul3A_208 = arith.mulf %gather3A, %exp3A_172 : vector<16xf32>
        tpu.vector_store_idx %arg17[%add3A_162, %add3A_207], %mul3A_208 : memref<64x128xf32, #tpu.memory_space<vmem>>[vector<16xi32>, vector<16xi32>], vector<16xf32>,
        %add3A_209 = arith.constant 32 : i32
        %add3A_210 = vector.broadcast %add3A_209 : i32 to vector<16xi32>
        %add3A_211 = arith.addi %add3A_210, %and3A_204 : vector<16xi32>
        %gather3A_212 = tpu.vector_load_idx %arg18[%add3A_162, %add3A_211] : memref<64x128xf32, #tpu.memory_space<vmem>>[vector<16xi32>, vector<16xi32>], vector<16xf32>,
        %mul3A_213 = arith.mulf %gather3A_212, %exp3A_178 : vector<16xf32>
        tpu.vector_store_idx %arg17[%add3A_162, %add3A_211], %mul3A_213 : memref<64x128xf32, #tpu.memory_space<vmem>>[vector<16xi32>, vector<16xi32>], vector<16xf32>,
        %add3A_214 = arith.constant 64 : i32
        %add3A_215 = vector.broadcast %add3A_214 : i32 to vector<16xi32>
        %add3A_216 = arith.addi %add3A_215, %and3A_204 : vector<16xi32>
        %gather3A_217 = tpu.vector_load_idx %arg18[%add3A_162, %add3A_216] : memref<64x128xf32, #tpu.memory_space<vmem>>[vector<16xi32>, vector<16xi32>], vector<16xf32>,
        %mul3A_218 = arith.mulf %gather3A_217, %exp3A_184 : vector<16xf32>
        tpu.vector_store_idx %arg17[%add3A_162, %add3A_216], %mul3A_218 : memref<64x128xf32, #tpu.memory_space<vmem>>[vector<16xi32>, vector<16xi32>], vector<16xf32>,
        %add3A_219 = arith.constant 96 : i32
        %add3A_220 = vector.broadcast %add3A_219 : i32 to vector<16xi32>
        %add3A_221 = arith.addi %add3A_220, %and3A_204 : vector<16xi32>
        %gather3A_222 = tpu.vector_load_idx %arg18[%add3A_162, %add3A_221] : memref<64x128xf32, #tpu.memory_space<vmem>>[vector<16xi32>, vector<16xi32>], vector<16xf32>,
        %mul3A_223 = arith.mulf %gather3A_222, %exp3A_190 : vector<16xf32>
        tpu.vector_store_idx %arg17[%add3A_162, %add3A_221], %mul3A_223 : memref<64x128xf32, #tpu.memory_space<vmem>>[vector<16xi32>, vector<16xi32>], vector<16xf32>,
        %scan3A_224 = arith.constant 1 : i32
        %scan3A_225 = arith.addi %scan3A_199, %scan3A_224 : i32
        %add3A_226 = vector.broadcast %scan3A_225 : i32 to vector<16xi32>
        %add3A_227 = arith.addi %add3A_226, %iota3A : vector<16xi32>
        %and3A_228 = arith.constant 31 : i32
        %and3A_229 = vector.broadcast %and3A_228 : i32 to vector<16xi32>
        %and3A_230 = arith.andi %add3A_227, %and3A_229 : vector<16xi32>
        %add3A_231 = arith.constant 0 : i32
        %add3A_232 = vector.broadcast %add3A_231 : i32 to vector<16xi32>
        %add3A_233 = arith.addi %add3A_232, %and3A_230 : vector<16xi32>
        %gather3A_234 = tpu.vector_load_idx %arg18[%add3A_162, %add3A_233] : memref<64x128xf32, #tpu.memory_space<vmem>>[vector<16xi32>, vector<16xi32>], vector<16xf32>,
        %mul3A_235 = arith.mulf %gather3A_234, %exp3A_172 : vector<16xf32>
        tpu.vector_store_idx %arg17[%add3A_162, %add3A_233], %mul3A_235 : memref<64x128xf32, #tpu.memory_space<vmem>>[vector<16xi32>, vector<16xi32>], vector<16xf32>,
        %add3A_236 = arith.constant 32 : i32
        %add3A_237 = vector.broadcast %add3A_236 : i32 to vector<16xi32>
        %add3A_238 = arith.addi %add3A_237, %and3A_230 : vector<16xi32>
        %gather3A_239 = tpu.vector_load_idx %arg18[%add3A_162, %add3A_238] : memref<64x128xf32, #tpu.memory_space<vmem>>[vector<16xi32>, vector<16xi32>], vector<16xf32>,
        %mul3A_240 = arith.mulf %gather3A_239, %exp3A_178 : vector<16xf32>
        tpu.vector_store_idx %arg17[%add3A_162, %add3A_238], %mul3A_240 : memref<64x128xf32, #tpu.memory_space<vmem>>[vector<16xi32>, vector<16xi32>], vector<16xf32>,
        %add3A_241 = arith.constant 64 : i32
        %add3A_242 = vector.broadcast %add3A_241 : i32 to vector<16xi32>
        %add3A_243 = arith.addi %add3A_242, %and3A_230 : vector<16xi32>
        %gather3A_244 = tpu.vector_load_idx %arg18[%add3A_162, %add3A_243] : memref<64x128xf32, #tpu.memory_space<vmem>>[vector<16xi32>, vector<16xi32>], vector<16xf32>,
        %mul3A_245 = arith.mulf %gather3A_244, %exp3A_184 : vector<16xf32>
        tpu.vector_store_idx %arg17[%add3A_162, %add3A_243], %mul3A_245 : memref<64x128xf32, #tpu.memory_space<vmem>>[vector<16xi32>, vector<16xi32>], vector<16xf32>,
        %add3A_246 = arith.constant 96 : i32
        %add3A_247 = vector.broadcast %add3A_246 : i32 to vector<16xi32>
        %add3A_248 = arith.addi %add3A_247, %and3A_230 : vector<16xi32>
        %gather3A_249 = tpu.vector_load_idx %arg18[%add3A_162, %add3A_248] : memref<64x128xf32, #tpu.memory_space<vmem>>[vector<16xi32>, vector<16xi32>], vector<16xf32>,
        %mul3A_250 = arith.mulf %gather3A_249, %exp3A_190 : vector<16xf32>
        tpu.vector_store_idx %arg17[%add3A_162, %add3A_248], %mul3A_250 : memref<64x128xf32, #tpu.memory_space<vmem>>[vector<16xi32>, vector<16xi32>], vector<16xf32>,
        %scan3A_251 = arith.constant 2 : i32
        %scan3A_252 = arith.addi %scan3A_199, %scan3A_251 : i32
        %add3A_253 = vector.broadcast %scan3A_252 : i32 to vector<16xi32>
        %add3A_254 = arith.addi %add3A_253, %iota3A : vector<16xi32>
        %and3A_255 = arith.constant 31 : i32
        %and3A_256 = vector.broadcast %and3A_255 : i32 to vector<16xi32>
        %and3A_257 = arith.andi %add3A_254, %and3A_256 : vector<16xi32>
        %add3A_258 = arith.constant 0 : i32
        %add3A_259 = vector.broadcast %add3A_258 : i32 to vector<16xi32>
        %add3A_260 = arith.addi %add3A_259, %and3A_257 : vector<16xi32>
        %gather3A_261 = tpu.vector_load_idx %arg18[%add3A_162, %add3A_260] : memref<64x128xf32, #tpu.memory_space<vmem>>[vector<16xi32>, vector<16xi32>], vector<16xf32>,
        %mul3A_262 = arith.mulf %gather3A_261, %exp3A_172 : vector<16xf32>
        tpu.vector_store_idx %arg17[%add3A_162, %add3A_260], %mul3A_262 : memref<64x128xf32, #tpu.memory_space<vmem>>[vector<16xi32>, vector<16xi32>], vector<16xf32>,
        %add3A_263 = arith.constant 32 : i32
        %add3A_264 = vector.broadcast %add3A_263 : i32 to vector<16xi32>
        %add3A_265 = arith.addi %add3A_264, %and3A_257 : vector<16xi32>
        %gather3A_266 = tpu.vector_load_idx %arg18[%add3A_162, %add3A_265] : memref<64x128xf32, #tpu.memory_space<vmem>>[vector<16xi32>, vector<16xi32>], vector<16xf32>,
        %mul3A_267 = arith.mulf %gather3A_266, %exp3A_178 : vector<16xf32>
        tpu.vector_store_idx %arg17[%add3A_162, %add3A_265], %mul3A_267 : memref<64x128xf32, #tpu.memory_space<vmem>>[vector<16xi32>, vector<16xi32>], vector<16xf32>,
        %add3A_268 = arith.constant 64 : i32
        %add3A_269 = vector.broadcast %add3A_268 : i32 to vector<16xi32>
        %add3A_270 = arith.addi %add3A_269, %and3A_257 : vector<16xi32>
        %gather3A_271 = tpu.vector_load_idx %arg18[%add3A_162, %add3A_270] : memref<64x128xf32, #tpu.memory_space<vmem>>[vector<16xi32>, vector<16xi32>], vector<16xf32>,
        %mul3A_272 = arith.mulf %gather3A_271, %exp3A_184 : vector<16xf32>
        tpu.vector_store_idx %arg17[%add3A_162, %add3A_270], %mul3A_272 : memref<64x128xf32, #tpu.memory_space<vmem>>[vector<16xi32>, vector<16xi32>], vector<16xf32>,
        %add3A_273 = arith.constant 96 : i32
        %add3A_274 = vector.broadcast %add3A_273 : i32 to vector<16xi32>
        %add3A_275 = arith.addi %add3A_274, %and3A_257 : vector<16xi32>
        %gather3A_276 = tpu.vector_load_idx %arg18[%add3A_162, %add3A_275] : memref<64x128xf32, #tpu.memory_space<vmem>>[vector<16xi32>, vector<16xi32>], vector<16xf32>,
        %mul3A_277 = arith.mulf %gather3A_276, %exp3A_190 : vector<16xf32>
        tpu.vector_store_idx %arg17[%add3A_162, %add3A_275], %mul3A_277 : memref<64x128xf32, #tpu.memory_space<vmem>>[vector<16xi32>, vector<16xi32>], vector<16xf32>,
        %scan3A_278 = arith.constant 3 : i32
        %scan3A_279 = arith.addi %scan3A_199, %scan3A_278 : i32
        %add3A_280 = vector.broadcast %scan3A_279 : i32 to vector<16xi32>
        %add3A_281 = arith.addi %add3A_280, %iota3A : vector<16xi32>
        %and3A_282 = arith.constant 31 : i32
        %and3A_283 = vector.broadcast %and3A_282 : i32 to vector<16xi32>
        %and3A_284 = arith.andi %add3A_281, %and3A_283 : vector<16xi32>
        %add3A_285 = arith.constant 0 : i32
        %add3A_286 = vector.broadcast %add3A_285 : i32 to vector<16xi32>
        %add3A_287 = arith.addi %add3A_286, %and3A_284 : vector<16xi32>
        %gather3A_288 = tpu.vector_load_idx %arg18[%add3A_162, %add3A_287] : memref<64x128xf32, #tpu.memory_space<vmem>>[vector<16xi32>, vector<16xi32>], vector<16xf32>,
        %mul3A_289 = arith.mulf %gather3A_288, %exp3A_172 : vector<16xf32>
        tpu.vector_store_idx %arg17[%add3A_162, %add3A_287], %mul3A_289 : memref<64x128xf32, #tpu.memory_space<vmem>>[vector<16xi32>, vector<16xi32>], vector<16xf32>,
        %add3A_290 = arith.constant 32 : i32
        %add3A_291 = vector.broadcast %add3A_290 : i32 to vector<16xi32>
        %add3A_292 = arith.addi %add3A_291, %and3A_284 : vector<16xi32>
        %gather3A_293 = tpu.vector_load_idx %arg18[%add3A_162, %add3A_292] : memref<64x128xf32, #tpu.memory_space<vmem>>[vector<16xi32>, vector<16xi32>], vector<16xf32>,
        %mul3A_294 = arith.mulf %gather3A_293, %exp3A_178 : vector<16xf32>
        tpu.vector_store_idx %arg17[%add3A_162, %add3A_292], %mul3A_294 : memref<64x128xf32, #tpu.memory_space<vmem>>[vector<16xi32>, vector<16xi32>], vector<16xf32>,
        %add3A_295 = arith.constant 64 : i32
        %add3A_296 = vector.broadcast %add3A_295 : i32 to vector<16xi32>
        %add3A_297 = arith.addi %add3A_296, %and3A_284 : vector<16xi32>
        %gather3A_298 = tpu.vector_load_idx %arg18[%add3A_162, %add3A_297] : memref<64x128xf32, #tpu.memory_space<vmem>>[vector<16xi32>, vector<16xi32>], vector<16xf32>,
        %mul3A_299 = arith.mulf %gather3A_298, %exp3A_184 : vector<16xf32>
        tpu.vector_store_idx %arg17[%add3A_162, %add3A_297], %mul3A_299 : memref<64x128xf32, #tpu.memory_space<vmem>>[vector<16xi32>, vector<16xi32>], vector<16xf32>,
        %add3A_300 = arith.constant 96 : i32
        %add3A_301 = vector.broadcast %add3A_300 : i32 to vector<16xi32>
        %add3A_302 = arith.addi %add3A_301, %and3A_284 : vector<16xi32>
        %gather3A_303 = tpu.vector_load_idx %arg18[%add3A_162, %add3A_302] : memref<64x128xf32, #tpu.memory_space<vmem>>[vector<16xi32>, vector<16xi32>], vector<16xf32>,
        %mul3A_304 = arith.mulf %gather3A_303, %exp3A_190 : vector<16xf32>
        tpu.vector_store_idx %arg17[%add3A_162, %add3A_302], %mul3A_304 : memref<64x128xf32, #tpu.memory_space<vmem>>[vector<16xi32>, vector<16xi32>], vector<16xf32>,
      }
      %scan3A_198 = arith.constant 32 : i32
      "tpu.region"() ({
        %run_scoped3A = tpu.sem_alloc : memref<!tpu.dma_semaphore, #tpu.memory_space<semaphore_mem>>
        %dma_start3A_199 = arith.constant 0 : i32
        %dma_start3A_200 = tpu.memref_slice %arg17[%mul3A_74, %dma_start3A_199] : memref<64x128xf32, #tpu.memory_space<vmem>> -> memref<32x128xf32, #tpu.memory_space<vmem>>
        %dma_start3A_201 = arith.constant 0 : i32
        %dma_start3A_202 = tpu.memref_slice %arg13[%and3A_78, %and3A_80, %dma_start3A_201] : memref<2x16x32xi32, #tpu.memory_space<vmem>> -> memref<1x1x32xi32, #tpu.memory_space<vmem>>
        %dma_start3A_203 = tpu.memref_squeeze %dma_start3A_202 : memref<1x1x32xi32, #tpu.memory_space<vmem>> -> memref<32xi32, #tpu.memory_space<vmem>>
        %dma_start3A_204 = arith.constant 0 : i32
        %dma_start3A_205 = arith.constant 0 : i32
        %dma_start3A_206 = tpu.memref_slice %arg10[%dma_start3A_204, %dma_start3A_205] : memref<10240x128xf32, #tpu.memory_space<vmem_shared>> -> memref<10240x128xf32, #tpu.memory_space<vmem_shared>>
        tpu.enqueue_indirect_dma source(%dma_start3A_200 : memref<32x128xf32, #tpu.memory_space<vmem>>) target(%dma_start3A_206 : memref<10240x128xf32, #tpu.memory_space<vmem_shared>>) offsets(%dma_start3A_203 : memref<32xi32, #tpu.memory_space<vmem>>) semaphore(%run_scoped3A : memref<!tpu.dma_semaphore, #tpu.memory_space<semaphore_mem>>) {add = true}
        %dma_wait3A_207 = arith.constant 0 : i32
        %dma_wait3A_208 = tpu.memref_slice %arg17[%mul3A_74, %dma_wait3A_207] : memref<64x128xf32, #tpu.memory_space<vmem>> -> memref<32x128xf32, #tpu.memory_space<vmem>>
        %dma_wait3A_209 = arith.constant 0 : i32
        %dma_wait3A_210 = tpu.memref_slice %arg13[%and3A_78, %and3A_80, %dma_wait3A_209] : memref<2x16x32xi32, #tpu.memory_space<vmem>> -> memref<1x1x32xi32, #tpu.memory_space<vmem>>
        %dma_wait3A_211 = tpu.memref_squeeze %dma_wait3A_210 : memref<1x1x32xi32, #tpu.memory_space<vmem>> -> memref<32xi32, #tpu.memory_space<vmem>>
        %dma_wait3A_212 = arith.constant 0 : i32
        %dma_wait3A_213 = arith.constant 0 : i32
        %dma_wait3A_214 = tpu.memref_slice %arg10[%dma_wait3A_212, %dma_wait3A_213] : memref<10240x128xf32, #tpu.memory_space<vmem_shared>> -> memref<10240x128xf32, #tpu.memory_space<vmem_shared>>
        tpu.wait_indirect_dma semaphore(%run_scoped3A : memref<!tpu.dma_semaphore, #tpu.memory_space<semaphore_mem>>) src(%dma_wait3A_208 : memref<32x128xf32, #tpu.memory_space<vmem>>) dst(%dma_wait3A_214 : memref<10240x128xf32, #tpu.memory_space<vmem_shared>>)
        tpu.yield
      }) : () -> ()
      "tpu.region"() ({
        %run_scoped3A = tpu.sem_alloc : memref<!tpu.dma_semaphore, #tpu.memory_space<semaphore_mem>>
        %dma_start3A_199 = arith.constant 0 : i32
        %dma_start3A_200 = tpu.memref_slice %arg19[%mul3A_74, %dma_start3A_199] : memref<64x16xf32, #tpu.memory_space<vmem>> -> memref<32x16xf32, #tpu.memory_space<vmem>>
        %dma_start3A_201 = arith.constant 0 : i32
        %dma_start3A_202 = tpu.memref_slice %arg13[%and3A_78, %and3A_80, %dma_start3A_201] : memref<2x16x32xi32, #tpu.memory_space<vmem>> -> memref<1x1x32xi32, #tpu.memory_space<vmem>>
        %dma_start3A_203 = tpu.memref_squeeze %dma_start3A_202 : memref<1x1x32xi32, #tpu.memory_space<vmem>> -> memref<32xi32, #tpu.memory_space<vmem>>
        %dma_start3A_204 = arith.constant 0 : i32
        %dma_start3A_205 = arith.constant 0 : i32
        %dma_start3A_206 = tpu.memref_slice %arg11[%dma_start3A_204, %dma_start3A_205] : memref<10240x16xf32, #tpu.memory_space<vmem_shared>> -> memref<10240x16xf32, #tpu.memory_space<vmem_shared>>
        tpu.enqueue_indirect_dma source(%dma_start3A_200 : memref<32x16xf32, #tpu.memory_space<vmem>>) target(%dma_start3A_206 : memref<10240x16xf32, #tpu.memory_space<vmem_shared>>) offsets(%dma_start3A_203 : memref<32xi32, #tpu.memory_space<vmem>>) semaphore(%run_scoped3A : memref<!tpu.dma_semaphore, #tpu.memory_space<semaphore_mem>>) {add = true}
        %dma_wait3A_207 = arith.constant 0 : i32
        %dma_wait3A_208 = tpu.memref_slice %arg19[%mul3A_74, %dma_wait3A_207] : memref<64x16xf32, #tpu.memory_space<vmem>> -> memref<32x16xf32, #tpu.memory_space<vmem>>
        %dma_wait3A_209 = arith.constant 0 : i32
        %dma_wait3A_210 = tpu.memref_slice %arg13[%and3A_78, %and3A_80, %dma_wait3A_209] : memref<2x16x32xi32, #tpu.memory_space<vmem>> -> memref<1x1x32xi32, #tpu.memory_space<vmem>>
        %dma_wait3A_211 = tpu.memref_squeeze %dma_wait3A_210 : memref<1x1x32xi32, #tpu.memory_space<vmem>> -> memref<32xi32, #tpu.memory_space<vmem>>
        %dma_wait3A_212 = arith.constant 0 : i32
        %dma_wait3A_213 = arith.constant 0 : i32
        %dma_wait3A_214 = tpu.memref_slice %arg11[%dma_wait3A_212, %dma_wait3A_213] : memref<10240x16xf32, #tpu.memory_space<vmem_shared>> -> memref<10240x16xf32, #tpu.memory_space<vmem_shared>>
        tpu.wait_indirect_dma semaphore(%run_scoped3A : memref<!tpu.dma_semaphore, #tpu.memory_space<semaphore_mem>>) src(%dma_wait3A_208 : memref<32x16xf32, #tpu.memory_space<vmem>>) dst(%dma_wait3A_214 : memref<10240x16xf32, #tpu.memory_space<vmem_shared>>)
        tpu.yield
      }) : () -> ()
    }
    %scan3A_62 = arith.constant 314 : i32
    %barrier3A_63 = arith.constant 0 : index
    tpu.barrier barrier_id(%barrier3A_63)
    %scan3A_64 = arith.constant 0 : i32
    %scan3A_65 = arith.constant 0 : i32
    %scan3A_66 = arith.constant 10 : i32
    %scan3A_67 = arith.addi %scan3A_65, %scan3A_66 : i32
    %scan3A_68 = arith.constant 1 : i32
    scf.for %scan3A_70 = %scan3A_65 to %scan3A_67 step %scan3A_68  : i32 {
      %mul3A_71 = arith.constant 640 : i32
      %mul3A_72 = arith.muli %arg1, %mul3A_71 : i32
      %mul3A_73 = arith.constant 64 : i32
      %mul3A_74 = arith.muli %scan3A_70, %mul3A_73 : i32
      %add3A_75 = arith.addi %mul3A_72, %mul3A_74 : i32
      "tpu.region"() ({
        %run_scoped3A = tpu.sem_alloc : memref<!tpu.dma_semaphore, #tpu.memory_space<semaphore_mem>>
        %dma_start3A_83 = arith.constant 0 : i32
        %dma_start3A_84 = tpu.memref_slice %arg10[%add3A_75, %dma_start3A_83] : memref<10240x128xf32, #tpu.memory_space<vmem_shared>> -> memref<64x128xf32, #tpu.memory_space<vmem_shared>>
        %dma_start3A_85 = arith.constant 0 : i32
        %dma_start3A_86 = tpu.memref_slice %arg10[%add3A_75, %dma_start3A_85] : memref<10240x128xf32, #tpu.memory_space<vmem_shared>> -> memref<64x128xf32, #tpu.memory_space<vmem_shared>>
        tpu.enqueue_dma source(%dma_start3A_86 : memref<64x128xf32, #tpu.memory_space<vmem_shared>>) target(%arg16 : memref<64x128xf32, #tpu.memory_space<vmem>>) target_semaphore(%run_scoped3A : memref<!tpu.dma_semaphore, #tpu.memory_space<semaphore_mem>>)
        %dma_wait3A = arith.constant 0 : i32
        %dma_wait3A_87 = tpu.memref_slice %arg10[%add3A_75, %dma_wait3A] : memref<10240x128xf32, #tpu.memory_space<vmem_shared>> -> memref<64x128xf32, #tpu.memory_space<vmem_shared>>
        %dma_wait3A_88 = arith.constant 0 : i32
        %dma_wait3A_89 = tpu.memref_slice %arg10[%add3A_75, %dma_wait3A_88] : memref<10240x128xf32, #tpu.memory_space<vmem_shared>> -> memref<64x128xf32, #tpu.memory_space<vmem_shared>>
        tpu.wait_dma2 semaphore(%run_scoped3A : memref<!tpu.dma_semaphore, #tpu.memory_space<semaphore_mem>>) src(%dma_wait3A_89 : memref<64x128xf32, #tpu.memory_space<vmem_shared>>) dst(%arg16 : memref<64x128xf32, #tpu.memory_space<vmem>>)
        tpu.yield
      }) : () -> ()
      "tpu.region"() ({
        %run_scoped3A = tpu.sem_alloc : memref<!tpu.dma_semaphore, #tpu.memory_space<semaphore_mem>>
        %dma_start3A_83 = arith.constant 0 : i32
        %dma_start3A_84 = tpu.memref_slice %arg11[%add3A_75, %dma_start3A_83] : memref<10240x16xf32, #tpu.memory_space<vmem_shared>> -> memref<64x16xf32, #tpu.memory_space<vmem_shared>>
        %dma_start3A_85 = arith.constant 0 : i32
        %dma_start3A_86 = tpu.memref_slice %arg11[%add3A_75, %dma_start3A_85] : memref<10240x16xf32, #tpu.memory_space<vmem_shared>> -> memref<64x16xf32, #tpu.memory_space<vmem_shared>>
        tpu.enqueue_dma source(%dma_start3A_86 : memref<64x16xf32, #tpu.memory_space<vmem_shared>>) target(%arg19 : memref<64x16xf32, #tpu.memory_space<vmem>>) target_semaphore(%run_scoped3A : memref<!tpu.dma_semaphore, #tpu.memory_space<semaphore_mem>>)
        %dma_wait3A = arith.constant 0 : i32
        %dma_wait3A_87 = tpu.memref_slice %arg11[%add3A_75, %dma_wait3A] : memref<10240x16xf32, #tpu.memory_space<vmem_shared>> -> memref<64x16xf32, #tpu.memory_space<vmem_shared>>
        %dma_wait3A_88 = arith.constant 0 : i32
        %dma_wait3A_89 = tpu.memref_slice %arg11[%add3A_75, %dma_wait3A_88] : memref<10240x16xf32, #tpu.memory_space<vmem_shared>> -> memref<64x16xf32, #tpu.memory_space<vmem_shared>>
        tpu.wait_dma2 semaphore(%run_scoped3A : memref<!tpu.dma_semaphore, #tpu.memory_space<semaphore_mem>>) src(%dma_wait3A_89 : memref<64x16xf32, #tpu.memory_space<vmem_shared>>) dst(%arg19 : memref<64x16xf32, #tpu.memory_space<vmem>>)
        tpu.yield
      }) : () -> ()
      %scan3A_76 = arith.constant 0 : i32
      %scan3A_77 = arith.constant 0 : i32
      %scan3A_78 = arith.constant 64 : i32
      %scan3A_79 = arith.addi %scan3A_77, %scan3A_78 : i32
      %scan3A_80 = arith.constant 1 : i32
      scf.for %scan3A_83 = %scan3A_77 to %scan3A_79 step %scan3A_80  : i32 {
        %get3A = arith.index_cast %scan3A_83 : i32 to index
        %get3A_84 = arith.constant 0 : index
        %get3A_85 = tpu.vector_load %arg19[%get3A, %get3A_84] {strides = array<i32>} : memref<64x16xf32, #tpu.memory_space<vmem>>, vector<16xf32>,
        %max3A = arith.constant 9.99999968E-21 : f32
        %max3A_86 = vector.broadcast %max3A : f32 to vector<16xf32>
        %max3A_87 = arith.maximumf %get3A_85, %max3A_86 : vector<16xf32>
        %div3A = arith.constant 1.000000e+00 : f32
        %div3A_88 = vector.broadcast %div3A : f32 to vector<16xf32>
        %div3A_89 = arith.divf %div3A_88, %max3A_87 : vector<16xf32>
        %slice3A = vector.extract_strided_slice %div3A_89 {offsets = [0], sizes = [1], strides = [1]} : vector<16xf32> to vector<1xf32>
        %squeeze3A = vector.extract %slice3A[0] : f32 from vector<1xf32>
        %broadcast_in_dim3A_90 = vector.broadcast %squeeze3A : f32 to vector<16xf32>
        %get3A_91 = arith.index_cast %scan3A_83 : i32 to index
        %get3A_92 = arith.constant 0 : index
        %get3A_93 = tpu.vector_load %arg16[%get3A_91, %get3A_92] {strides = array<i32>} : memref<64x128xf32, #tpu.memory_space<vmem>>, vector<16xf32>,
        %mul3A_94 = arith.mulf %get3A_93, %broadcast_in_dim3A_90 : vector<16xf32>
        %swap3A = arith.index_cast %scan3A_83 : i32 to index
        %swap3A_95 = arith.constant 0 : index
        %swap3A_96 = tpu.vector_load %arg16[%swap3A, %swap3A_95] {strides = array<i32>} : memref<64x128xf32, #tpu.memory_space<vmem>>, vector<16xf32>,
        tpu.vector_store %arg16[%swap3A, %swap3A_95], %mul3A_94 {strides = array<i32>} : memref<64x128xf32, #tpu.memory_space<vmem>>, vector<16xf32>,
        %get3A_97 = arith.index_cast %scan3A_83 : i32 to index
        %get3A_98 = arith.constant 16 : index
        %get3A_99 = tpu.vector_load %arg16[%get3A_97, %get3A_98] {strides = array<i32>} : memref<64x128xf32, #tpu.memory_space<vmem>>, vector<16xf32>,
        %mul3A_100 = arith.mulf %get3A_99, %broadcast_in_dim3A_90 : vector<16xf32>
        %swap3A_101 = arith.index_cast %scan3A_83 : i32 to index
        %swap3A_102 = arith.constant 16 : index
        %swap3A_103 = tpu.vector_load %arg16[%swap3A_101, %swap3A_102] {strides = array<i32>} : memref<64x128xf32, #tpu.memory_space<vmem>>, vector<16xf32>,
        tpu.vector_store %arg16[%swap3A_101, %swap3A_102], %mul3A_100 {strides = array<i32>} : memref<64x128xf32, #tpu.memory_space<vmem>>, vector<16xf32>,
        %slice3A_104 = vector.extract_strided_slice %div3A_89 {offsets = [1], sizes = [1], strides = [1]} : vector<16xf32> to vector<1xf32>
        %squeeze3A_105 = vector.extract %slice3A_104[0] : f32 from vector<1xf32>
        %broadcast_in_dim3A_106 = vector.broadcast %squeeze3A_105 : f32 to vector<16xf32>
        %get3A_107 = arith.index_cast %scan3A_83 : i32 to index
        %get3A_108 = arith.constant 32 : index
        %get3A_109 = tpu.vector_load %arg16[%get3A_107, %get3A_108] {strides = array<i32>} : memref<64x128xf32, #tpu.memory_space<vmem>>, vector<16xf32>,
        %mul3A_110 = arith.mulf %get3A_109, %broadcast_in_dim3A_106 : vector<16xf32>
        %swap3A_111 = arith.index_cast %scan3A_83 : i32 to index
        %swap3A_112 = arith.constant 32 : index
        %swap3A_113 = tpu.vector_load %arg16[%swap3A_111, %swap3A_112] {strides = array<i32>} : memref<64x128xf32, #tpu.memory_space<vmem>>, vector<16xf32>,
        tpu.vector_store %arg16[%swap3A_111, %swap3A_112], %mul3A_110 {strides = array<i32>} : memref<64x128xf32, #tpu.memory_space<vmem>>, vector<16xf32>,
        %get3A_114 = arith.index_cast %scan3A_83 : i32 to index
        %get3A_115 = arith.constant 48 : index
        %get3A_116 = tpu.vector_load %arg16[%get3A_114, %get3A_115] {strides = array<i32>} : memref<64x128xf32, #tpu.memory_space<vmem>>, vector<16xf32>,
        %mul3A_117 = arith.mulf %get3A_116, %broadcast_in_dim3A_106 : vector<16xf32>
        %swap3A_118 = arith.index_cast %scan3A_83 : i32 to index
        %swap3A_119 = arith.constant 48 : index
        %swap3A_120 = tpu.vector_load %arg16[%swap3A_118, %swap3A_119] {strides = array<i32>} : memref<64x128xf32, #tpu.memory_space<vmem>>, vector<16xf32>,
        tpu.vector_store %arg16[%swap3A_118, %swap3A_119], %mul3A_117 {strides = array<i32>} : memref<64x128xf32, #tpu.memory_space<vmem>>, vector<16xf32>,
        %slice3A_121 = vector.extract_strided_slice %div3A_89 {offsets = [2], sizes = [1], strides = [1]} : vector<16xf32> to vector<1xf32>
        %squeeze3A_122 = vector.extract %slice3A_121[0] : f32 from vector<1xf32>
        %broadcast_in_dim3A_123 = vector.broadcast %squeeze3A_122 : f32 to vector<16xf32>
        %get3A_124 = arith.index_cast %scan3A_83 : i32 to index
        %get3A_125 = arith.constant 64 : index
        %get3A_126 = tpu.vector_load %arg16[%get3A_124, %get3A_125] {strides = array<i32>} : memref<64x128xf32, #tpu.memory_space<vmem>>, vector<16xf32>,
        %mul3A_127 = arith.mulf %get3A_126, %broadcast_in_dim3A_123 : vector<16xf32>
        %swap3A_128 = arith.index_cast %scan3A_83 : i32 to index
        %swap3A_129 = arith.constant 64 : index
        %swap3A_130 = tpu.vector_load %arg16[%swap3A_128, %swap3A_129] {strides = array<i32>} : memref<64x128xf32, #tpu.memory_space<vmem>>, vector<16xf32>,
        tpu.vector_store %arg16[%swap3A_128, %swap3A_129], %mul3A_127 {strides = array<i32>} : memref<64x128xf32, #tpu.memory_space<vmem>>, vector<16xf32>,
        %get3A_131 = arith.index_cast %scan3A_83 : i32 to index
        %get3A_132 = arith.constant 80 : index
        %get3A_133 = tpu.vector_load %arg16[%get3A_131, %get3A_132] {strides = array<i32>} : memref<64x128xf32, #tpu.memory_space<vmem>>, vector<16xf32>,
        %mul3A_134 = arith.mulf %get3A_133, %broadcast_in_dim3A_123 : vector<16xf32>
        %swap3A_135 = arith.index_cast %scan3A_83 : i32 to index
        %swap3A_136 = arith.constant 80 : index
        %swap3A_137 = tpu.vector_load %arg16[%swap3A_135, %swap3A_136] {strides = array<i32>} : memref<64x128xf32, #tpu.memory_space<vmem>>, vector<16xf32>,
        tpu.vector_store %arg16[%swap3A_135, %swap3A_136], %mul3A_134 {strides = array<i32>} : memref<64x128xf32, #tpu.memory_space<vmem>>, vector<16xf32>,
        %slice3A_138 = vector.extract_strided_slice %div3A_89 {offsets = [3], sizes = [1], strides = [1]} : vector<16xf32> to vector<1xf32>
        %squeeze3A_139 = vector.extract %slice3A_138[0] : f32 from vector<1xf32>
        %broadcast_in_dim3A_140 = vector.broadcast %squeeze3A_139 : f32 to vector<16xf32>
        %get3A_141 = arith.index_cast %scan3A_83 : i32 to index
        %get3A_142 = arith.constant 96 : index
        %get3A_143 = tpu.vector_load %arg16[%get3A_141, %get3A_142] {strides = array<i32>} : memref<64x128xf32, #tpu.memory_space<vmem>>, vector<16xf32>,
        %mul3A_144 = arith.mulf %get3A_143, %broadcast_in_dim3A_140 : vector<16xf32>
        %swap3A_145 = arith.index_cast %scan3A_83 : i32 to index
        %swap3A_146 = arith.constant 96 : index
        %swap3A_147 = tpu.vector_load %arg16[%swap3A_145, %swap3A_146] {strides = array<i32>} : memref<64x128xf32, #tpu.memory_space<vmem>>, vector<16xf32>,
        tpu.vector_store %arg16[%swap3A_145, %swap3A_146], %mul3A_144 {strides = array<i32>} : memref<64x128xf32, #tpu.memory_space<vmem>>, vector<16xf32>,
        %get3A_148 = arith.index_cast %scan3A_83 : i32 to index
        %get3A_149 = arith.constant 112 : index
        %get3A_150 = tpu.vector_load %arg16[%get3A_148, %get3A_149] {strides = array<i32>} : memref<64x128xf32, #tpu.memory_space<vmem>>, vector<16xf32>,
        %mul3A_151 = arith.mulf %get3A_150, %broadcast_in_dim3A_140 : vector<16xf32>
        %swap3A_152 = arith.index_cast %scan3A_83 : i32 to index
        %swap3A_153 = arith.constant 112 : index
        %swap3A_154 = tpu.vector_load %arg16[%swap3A_152, %swap3A_153] {strides = array<i32>} : memref<64x128xf32, #tpu.memory_space<vmem>>, vector<16xf32>,
        tpu.vector_store %arg16[%swap3A_152, %swap3A_153], %mul3A_151 {strides = array<i32>} : memref<64x128xf32, #tpu.memory_space<vmem>>, vector<16xf32>,
      }
      %scan3A_81 = arith.constant 64 : i32
      %add3A_82 = arith.addi %mul3A_0, %add3A_75 : i32
      "tpu.region"() ({
        %run_scoped3A = tpu.sem_alloc : memref<!tpu.dma_semaphore, #tpu.memory_space<semaphore_mem>>
        %dma_start3A_83 = arith.constant 0 : i32
        %dma_start3A_84 = tpu.memref_slice %arg9[%add3A_82, %dma_start3A_83] : memref<20480x128xf32, #tpu.memory_space<hbm>> -> memref<64x128xf32, #tpu.memory_space<hbm>>
        %dma_start3A_85 = arith.constant 0 : i32
        %dma_start3A_86 = tpu.memref_slice %arg9[%add3A_82, %dma_start3A_85] : memref<20480x128xf32, #tpu.memory_space<hbm>> -> memref<64x128xf32, #tpu.memory_space<hbm>>
        tpu.enqueue_dma source(%arg16 : memref<64x128xf32, #tpu.memory_space<vmem>>) target(%dma_start3A_86 : memref<64x128xf32, #tpu.memory_space<hbm>>) target_semaphore(%run_scoped3A : memref<!tpu.dma_semaphore, #tpu.memory_space<semaphore_mem>>)
        %dma_wait3A = arith.constant 0 : i32
        %dma_wait3A_87 = tpu.memref_slice %arg9[%add3A_82, %dma_wait3A] : memref<20480x128xf32, #tpu.memory_space<hbm>> -> memref<64x128xf32, #tpu.memory_space<hbm>>
        %dma_wait3A_88 = arith.constant 0 : i32
        %dma_wait3A_89 = tpu.memref_slice %arg9[%add3A_82, %dma_wait3A_88] : memref<20480x128xf32, #tpu.memory_space<hbm>> -> memref<64x128xf32, #tpu.memory_space<hbm>>
        tpu.wait_dma2 semaphore(%run_scoped3A : memref<!tpu.dma_semaphore, #tpu.memory_space<semaphore_mem>>) src(%arg16 : memref<64x128xf32, #tpu.memory_space<vmem>>) dst(%dma_wait3A_89 : memref<64x128xf32, #tpu.memory_space<hbm>>)
        tpu.yield
      }) : () -> ()
    }
    %scan3A_69 = arith.constant 10 : i32
    return
  }
}

module attributes {stable_mosaic.version = 14 : i64} {
  func.func @_qkv_body(%arg0: i32, %arg1: memref<400x256xf32, #tpu.memory_space<vmem>>, %arg2: memref<256x256xf32, #tpu.memory_space<vmem>>, %arg3: memref<256x256xf32, #tpu.memory_space<vmem>>, %arg4: memref<256x256xf32, #tpu.memory_space<vmem>>, %arg5: memref<2x400x128xf32, #tpu.memory_space<vmem>>, %arg6: memref<2x400x128xf32, #tpu.memory_space<vmem>>, %arg7: memref<2x400x128xf32, #tpu.memory_space<vmem>>) attributes {dimension_semantics = [#tpu.dimension_semantics<arbitrary>], iteration_bounds = array<i64: 25>, scalar_prefetch = 0 : i64, scratch_operands = 0 : i64, tpu.core_type = #tpu.core_type<tc>, window_params = [{transform_indices = @transform_0, window_bounds = array<i64: 400, 256>}, {pipeline_mode = #tpu.pipeline_mode<synchronous>, transform_indices = @transform_1, window_bounds = array<i64: 256, 256>}, {pipeline_mode = #tpu.pipeline_mode<synchronous>, transform_indices = @transform_2, window_bounds = array<i64: 256, 256>}, {pipeline_mode = #tpu.pipeline_mode<synchronous>, transform_indices = @transform_3, window_bounds = array<i64: 256, 256>}, {transform_indices = @transform_4, window_bounds = array<i64: 2, 400, 128>}, {transform_indices = @transform_5, window_bounds = array<i64: 2, 400, 128>}, {transform_indices = @transform_6, window_bounds = array<i64: 2, 400, 128>}]} {
    %get3A = arith.constant 0 : index
    %get3A_0 = arith.constant 0 : index
    %get3A_1 = vector.load %arg1[%get3A, %get3A_0] : memref<400x256xf32, #tpu.memory_space<vmem>>, vector<400x256xf32>
    %get3A_2 = arith.constant 0 : index
    %get3A_3 = arith.constant 0 : index
    %get3A_4 = vector.load %arg2[%get3A_2, %get3A_3] : memref<256x256xf32, #tpu.memory_space<vmem>>, vector<256x256xf32>
    %dot_general3A = arith.constant dense<0.000000e+00> : vector<400x256xf32>
    %dot_general3A_5 = tpu.matmul %get3A_1, %get3A_4, %dot_general3A {dimension_numbers = #tpu.dot_dimension_numbers<[1], [0], [0], [1], [0, 0, 1, 1], [], []>, transpose_lhs_hint = false} : vector<400x256xf32>, vector<256x256xf32>, vector<400x256xf32> -> vector<400x256xf32>
    %slice3A = vector.extract_strided_slice %dot_general3A_5 {offsets = [0, 0], sizes = [400, 128], strides = [1, 1]} : vector<400x256xf32> to vector<400x128xf32>
    %swap3A = arith.constant 0 : index
    %swap3A_6 = arith.constant 0 : index
    %swap3A_7 = arith.constant 0 : index
    %swap3A_8 = vector.load %arg5[%swap3A, %swap3A_6, %swap3A_7] : memref<2x400x128xf32, #tpu.memory_space<vmem>>, vector<1x400x128xf32>
    %swap3A_9 = vector.shape_cast %swap3A_8 : vector<1x400x128xf32> to vector<400x128xf32>
    %swap3A_10 = vector.shape_cast %slice3A : vector<400x128xf32> to vector<1x400x128xf32>
    tpu.vector_store %arg5[%swap3A, %swap3A_6, %swap3A_7], %swap3A_10 {strides = array<i32>} : memref<2x400x128xf32, #tpu.memory_space<vmem>>, vector<1x400x128xf32>,
    %slice3A_11 = vector.extract_strided_slice %dot_general3A_5 {offsets = [0, 128], sizes = [400, 128], strides = [1, 1]} : vector<400x256xf32> to vector<400x128xf32>
    %swap3A_12 = arith.constant 1 : index
    %swap3A_13 = arith.constant 0 : index
    %swap3A_14 = arith.constant 0 : index
    %swap3A_15 = vector.load %arg5[%swap3A_12, %swap3A_13, %swap3A_14] : memref<2x400x128xf32, #tpu.memory_space<vmem>>, vector<1x400x128xf32>
    %swap3A_16 = vector.shape_cast %swap3A_15 : vector<1x400x128xf32> to vector<400x128xf32>
    %swap3A_17 = vector.shape_cast %slice3A_11 : vector<400x128xf32> to vector<1x400x128xf32>
    tpu.vector_store %arg5[%swap3A_12, %swap3A_13, %swap3A_14], %swap3A_17 {strides = array<i32>} : memref<2x400x128xf32, #tpu.memory_space<vmem>>, vector<1x400x128xf32>,
    %get3A_18 = arith.constant 0 : index
    %get3A_19 = arith.constant 0 : index
    %get3A_20 = vector.load %arg3[%get3A_18, %get3A_19] : memref<256x256xf32, #tpu.memory_space<vmem>>, vector<256x256xf32>
    %dot_general3A_21 = arith.constant dense<0.000000e+00> : vector<400x256xf32>
    %dot_general3A_22 = tpu.matmul %get3A_1, %get3A_20, %dot_general3A_21 {dimension_numbers = #tpu.dot_dimension_numbers<[1], [0], [0], [1], [0, 0, 1, 1], [], []>, transpose_lhs_hint = false} : vector<400x256xf32>, vector<256x256xf32>, vector<400x256xf32> -> vector<400x256xf32>
    %slice3A_23 = vector.extract_strided_slice %dot_general3A_22 {offsets = [0, 0], sizes = [400, 128], strides = [1, 1]} : vector<400x256xf32> to vector<400x128xf32>
    %swap3A_24 = arith.constant 0 : index
    %swap3A_25 = arith.constant 0 : index
    %swap3A_26 = arith.constant 0 : index
    %swap3A_27 = vector.load %arg6[%swap3A_24, %swap3A_25, %swap3A_26] : memref<2x400x128xf32, #tpu.memory_space<vmem>>, vector<1x400x128xf32>
    %swap3A_28 = vector.shape_cast %swap3A_27 : vector<1x400x128xf32> to vector<400x128xf32>
    %swap3A_29 = vector.shape_cast %slice3A_23 : vector<400x128xf32> to vector<1x400x128xf32>
    tpu.vector_store %arg6[%swap3A_24, %swap3A_25, %swap3A_26], %swap3A_29 {strides = array<i32>} : memref<2x400x128xf32, #tpu.memory_space<vmem>>, vector<1x400x128xf32>,
    %slice3A_30 = vector.extract_strided_slice %dot_general3A_22 {offsets = [0, 128], sizes = [400, 128], strides = [1, 1]} : vector<400x256xf32> to vector<400x128xf32>
    %swap3A_31 = arith.constant 1 : index
    %swap3A_32 = arith.constant 0 : index
    %swap3A_33 = arith.constant 0 : index
    %swap3A_34 = vector.load %arg6[%swap3A_31, %swap3A_32, %swap3A_33] : memref<2x400x128xf32, #tpu.memory_space<vmem>>, vector<1x400x128xf32>
    %swap3A_35 = vector.shape_cast %swap3A_34 : vector<1x400x128xf32> to vector<400x128xf32>
    %swap3A_36 = vector.shape_cast %slice3A_30 : vector<400x128xf32> to vector<1x400x128xf32>
    tpu.vector_store %arg6[%swap3A_31, %swap3A_32, %swap3A_33], %swap3A_36 {strides = array<i32>} : memref<2x400x128xf32, #tpu.memory_space<vmem>>, vector<1x400x128xf32>,
    %get3A_37 = arith.constant 0 : index
    %get3A_38 = arith.constant 0 : index
    %get3A_39 = vector.load %arg4[%get3A_37, %get3A_38] : memref<256x256xf32, #tpu.memory_space<vmem>>, vector<256x256xf32>
    %dot_general3A_40 = arith.constant dense<0.000000e+00> : vector<400x256xf32>
    %dot_general3A_41 = tpu.matmul %get3A_1, %get3A_39, %dot_general3A_40 {dimension_numbers = #tpu.dot_dimension_numbers<[1], [0], [0], [1], [0, 0, 1, 1], [], []>, transpose_lhs_hint = false} : vector<400x256xf32>, vector<256x256xf32>, vector<400x256xf32> -> vector<400x256xf32>
    %slice3A_42 = vector.extract_strided_slice %dot_general3A_41 {offsets = [0, 0], sizes = [400, 128], strides = [1, 1]} : vector<400x256xf32> to vector<400x128xf32>
    %swap3A_43 = arith.constant 0 : index
    %swap3A_44 = arith.constant 0 : index
    %swap3A_45 = arith.constant 0 : index
    %swap3A_46 = vector.load %arg7[%swap3A_43, %swap3A_44, %swap3A_45] : memref<2x400x128xf32, #tpu.memory_space<vmem>>, vector<1x400x128xf32>
    %swap3A_47 = vector.shape_cast %swap3A_46 : vector<1x400x128xf32> to vector<400x128xf32>
    %swap3A_48 = vector.shape_cast %slice3A_42 : vector<400x128xf32> to vector<1x400x128xf32>
    tpu.vector_store %arg7[%swap3A_43, %swap3A_44, %swap3A_45], %swap3A_48 {strides = array<i32>} : memref<2x400x128xf32, #tpu.memory_space<vmem>>, vector<1x400x128xf32>,
    %slice3A_49 = vector.extract_strided_slice %dot_general3A_41 {offsets = [0, 128], sizes = [400, 128], strides = [1, 1]} : vector<400x256xf32> to vector<400x128xf32>
    %swap3A_50 = arith.constant 1 : index
    %swap3A_51 = arith.constant 0 : index
    %swap3A_52 = arith.constant 0 : index
    %swap3A_53 = vector.load %arg7[%swap3A_50, %swap3A_51, %swap3A_52] : memref<2x400x128xf32, #tpu.memory_space<vmem>>, vector<1x400x128xf32>
    %swap3A_54 = vector.shape_cast %swap3A_53 : vector<1x400x128xf32> to vector<400x128xf32>
    %swap3A_55 = vector.shape_cast %slice3A_49 : vector<400x128xf32> to vector<1x400x128xf32>
    tpu.vector_store %arg7[%swap3A_50, %swap3A_51, %swap3A_52], %swap3A_55 {strides = array<i32>} : memref<2x400x128xf32, #tpu.memory_space<vmem>>, vector<1x400x128xf32>,
    return
  }
  func.func @transform_0(%arg0: i32) -> (i32, i32) {
    %c0_i32 = arith.constant 0 : i32
    %c0_i32_0 = arith.constant 0 : i32
    return %arg0, %c0_i32 : i32, i32
  }
  func.func @transform_1(%arg0: i32) -> (i32, i32) {
    %c0_i32 = arith.constant 0 : i32
    %c0_i32_0 = arith.constant 0 : i32
    %c0_i32_1 = arith.constant 0 : i32
    return %c0_i32, %c0_i32_0 : i32, i32
  }
  func.func @transform_2(%arg0: i32) -> (i32, i32) {
    %c0_i32 = arith.constant 0 : i32
    %c0_i32_0 = arith.constant 0 : i32
    %c0_i32_1 = arith.constant 0 : i32
    return %c0_i32, %c0_i32_0 : i32, i32
  }
  func.func @transform_3(%arg0: i32) -> (i32, i32) {
    %c0_i32 = arith.constant 0 : i32
    %c0_i32_0 = arith.constant 0 : i32
    %c0_i32_1 = arith.constant 0 : i32
    return %c0_i32, %c0_i32_0 : i32, i32
  }
  func.func @transform_4(%arg0: i32) -> (i32, i32, i32) {
    %c0_i32 = arith.constant 0 : i32
    %c0_i32_0 = arith.constant 0 : i32
    %c0_i32_1 = arith.constant 0 : i32
    return %c0_i32, %arg0, %c0_i32_0 : i32, i32, i32
  }
  func.func @transform_5(%arg0: i32) -> (i32, i32, i32) {
    %c0_i32 = arith.constant 0 : i32
    %c0_i32_0 = arith.constant 0 : i32
    %c0_i32_1 = arith.constant 0 : i32
    return %c0_i32, %arg0, %c0_i32_0 : i32, i32, i32
  }
  func.func @transform_6(%arg0: i32) -> (i32, i32, i32) {
    %c0_i32 = arith.constant 0 : i32
    %c0_i32_0 = arith.constant 0 : i32
    %c0_i32_1 = arith.constant 0 : i32
    return %c0_i32, %arg0, %c0_i32_0 : i32, i32, i32
  }
}

module attributes {stable_mosaic.version = 14 : i64} {
  func.func @_post_body(%arg0: i32, %arg1: memref<2x400x128xf32, #tpu.memory_space<vmem>>, %arg2: memref<400x256xf32, #tpu.memory_space<vmem>>, %arg3: memref<1x256xf32, #tpu.memory_space<vmem>>, %arg4: memref<1x256xf32, #tpu.memory_space<vmem>>, %arg5: memref<256x1024xf32, #tpu.memory_space<vmem>>, %arg6: memref<1x1024xf32, #tpu.memory_space<vmem>>, %arg7: memref<1x1024xf32, #tpu.memory_space<vmem>>, %arg8: memref<1024x256xf32, #tpu.memory_space<vmem>>, %arg9: memref<1x256xf32, #tpu.memory_space<vmem>>, %arg10: memref<400x256xf32, #tpu.memory_space<vmem>>) attributes {dimension_semantics = [#tpu.dimension_semantics<arbitrary>], iteration_bounds = array<i64: 25>, scalar_prefetch = 0 : i64, scratch_operands = 0 : i64, tpu.core_type = #tpu.core_type<tc>, window_params = [{transform_indices = @transform_0, window_bounds = array<i64: 2, 400, 128>}, {transform_indices = @transform_1, window_bounds = array<i64: 400, 256>}, {pipeline_mode = #tpu.pipeline_mode<synchronous>, transform_indices = @transform_2, window_bounds = array<i64: 1, 256>}, {pipeline_mode = #tpu.pipeline_mode<synchronous>, transform_indices = @transform_3, window_bounds = array<i64: 1, 256>}, {pipeline_mode = #tpu.pipeline_mode<synchronous>, transform_indices = @transform_4, window_bounds = array<i64: 256, 1024>}, {pipeline_mode = #tpu.pipeline_mode<synchronous>, transform_indices = @transform_5, window_bounds = array<i64: 1, 1024>}, {pipeline_mode = #tpu.pipeline_mode<synchronous>, transform_indices = @transform_6, window_bounds = array<i64: 1, 1024>}, {pipeline_mode = #tpu.pipeline_mode<synchronous>, transform_indices = @transform_7, window_bounds = array<i64: 1024, 256>}, {pipeline_mode = #tpu.pipeline_mode<synchronous>, transform_indices = @transform_8, window_bounds = array<i64: 1, 256>}, {transform_indices = @transform_9, window_bounds = array<i64: 400, 256>}]} {
    %get3A = arith.constant 0 : index
    %get3A_0 = arith.constant 0 : index
    %get3A_1 = vector.load %arg3[%get3A, %get3A_0] : memref<1x256xf32, #tpu.memory_space<vmem>>, vector<1x256xf32>
    %get3A_2 = arith.constant 0 : index
    %get3A_3 = arith.constant 0 : index
    %get3A_4 = vector.load %arg4[%get3A_2, %get3A_3] : memref<1x256xf32, #tpu.memory_space<vmem>>, vector<1x256xf32>
    %get3A_5 = arith.constant 0 : index
    %get3A_6 = arith.constant 0 : index
    %get3A_7 = arith.constant 0 : index
    %get3A_8 = vector.load %arg1[%get3A_5, %get3A_6, %get3A_7] : memref<2x400x128xf32, #tpu.memory_space<vmem>>, vector<1x400x128xf32>
    %get3A_9 = vector.shape_cast %get3A_8 : vector<1x400x128xf32> to vector<400x128xf32>
    %get3A_10 = arith.constant 1 : index
    %get3A_11 = arith.constant 0 : index
    %get3A_12 = arith.constant 0 : index
    %get3A_13 = vector.load %arg1[%get3A_10, %get3A_11, %get3A_12] : memref<2x400x128xf32, #tpu.memory_space<vmem>>, vector<1x400x128xf32>
    %get3A_14 = vector.shape_cast %get3A_13 : vector<1x400x128xf32> to vector<400x128xf32>
    %concatenate3A = tpu.concatenate %get3A_9, %get3A_14 in 1 : vector<400x128xf32>, vector<400x128xf32> -> vector<400x256xf32>
    %get3A_15 = arith.constant 0 : index
    %get3A_16 = arith.constant 0 : index
    %get3A_17 = vector.load %arg2[%get3A_15, %get3A_16] : memref<400x256xf32, #tpu.memory_space<vmem>>, vector<400x256xf32>
    %add3A = arith.addf %concatenate3A, %get3A_17 : vector<400x256xf32>
    %reduce_sum3A = arith.constant dense<0.000000e+00> : vector<400xf32>
    %reduce_sum3A_18 = vector.multi_reduction <add>, %add3A, %reduce_sum3A [1] : vector<400x256xf32> to vector<400xf32>
    %broadcast_in_dim3A = vector.shape_cast %reduce_sum3A_18 : vector<400xf32> to vector<400x1xf32>
    %div3A = arith.constant 2.560000e+02 : f32
    %div3A_19 = vector.broadcast %div3A : f32 to vector<400x1xf32>
    %div3A_20 = arith.divf %broadcast_in_dim3A, %div3A_19 : vector<400x1xf32>
    %sub3A = vector.broadcast %div3A_20 : vector<400x1xf32> to vector<400x256xf32>
    %sub3A_21 = arith.subf %add3A, %sub3A : vector<400x256xf32>
    %integer_pow3A = arith.mulf %sub3A_21, %sub3A_21 : vector<400x256xf32>
    %reduce_sum3A_22 = arith.constant dense<0.000000e+00> : vector<400xf32>
    %reduce_sum3A_23 = vector.multi_reduction <add>, %integer_pow3A, %reduce_sum3A_22 [1] : vector<400x256xf32> to vector<400xf32>
    %broadcast_in_dim3A_24 = vector.shape_cast %reduce_sum3A_23 : vector<400xf32> to vector<400x1xf32>
    %div3A_25 = arith.constant 2.560000e+02 : f32
    %div3A_26 = vector.broadcast %div3A_25 : f32 to vector<400x1xf32>
    %div3A_27 = arith.divf %broadcast_in_dim3A_24, %div3A_26 : vector<400x1xf32>
    %sub3A_28 = vector.broadcast %div3A_20 : vector<400x1xf32> to vector<400x256xf32>
    %sub3A_29 = arith.subf %add3A, %sub3A_28 : vector<400x256xf32>
    %add3A_30 = arith.constant 9.99999974E-6 : f32
    %add3A_31 = vector.broadcast %add3A_30 : f32 to vector<400x1xf32>
    %add3A_32 = arith.addf %div3A_27, %add3A_31 : vector<400x1xf32>
    %sqrt3A = math.sqrt %add3A_32 : vector<400x1xf32>
    %div3A_33 = vector.broadcast %sqrt3A : vector<400x1xf32> to vector<400x256xf32>
    %div3A_34 = arith.divf %sub3A_29, %div3A_33 : vector<400x256xf32>
    %mul3A = vector.broadcast %get3A_1 : vector<1x256xf32> to vector<400x256xf32>
    %mul3A_35 = arith.mulf %div3A_34, %mul3A : vector<400x256xf32>
    %add3A_36 = vector.broadcast %get3A_4 : vector<1x256xf32> to vector<400x256xf32>
    %add3A_37 = arith.addf %mul3A_35, %add3A_36 : vector<400x256xf32>
    %get3A_38 = arith.constant 0 : index
    %get3A_39 = arith.constant 0 : index
    %get3A_40 = vector.load %arg5[%get3A_38, %get3A_39] : memref<256x1024xf32, #tpu.memory_space<vmem>>, vector<256x1024xf32>
    %dot_general3A = arith.constant dense<0.000000e+00> : vector<400x1024xf32>
    %dot_general3A_41 = tpu.matmul %add3A_37, %get3A_40, %dot_general3A {dimension_numbers = #tpu.dot_dimension_numbers<[1], [0], [0], [1], [0, 0, 1, 1], [], []>, transpose_lhs_hint = false} : vector<400x256xf32>, vector<256x1024xf32>, vector<400x1024xf32> -> vector<400x1024xf32>
    %get3A_42 = arith.constant 0 : index
    %get3A_43 = arith.constant 0 : index
    %get3A_44 = vector.load %arg6[%get3A_42, %get3A_43] : memref<1x1024xf32, #tpu.memory_space<vmem>>, vector<1x1024xf32>
    %add3A_45 = vector.broadcast %get3A_44 : vector<1x1024xf32> to vector<400x1024xf32>
    %add3A_46 = arith.addf %dot_general3A_41, %add3A_45 : vector<400x1024xf32>
    %gt3A = arith.constant 0.000000e+00 : f32
    %gt3A_47 = vector.broadcast %gt3A : f32 to vector<400x1024xf32>
    %gt3A_48 = arith.cmpf ogt, %add3A_46, %gt3A_47 : vector<400x1024xf32>
    %get3A_49 = arith.constant 0 : index
    %get3A_50 = arith.constant 0 : index
    %get3A_51 = vector.load %arg7[%get3A_49, %get3A_50] : memref<1x1024xf32, #tpu.memory_space<vmem>>, vector<1x1024xf32>
    %mul3A_52 = vector.broadcast %get3A_51 : vector<1x1024xf32> to vector<400x1024xf32>
    %mul3A_53 = arith.mulf %mul3A_52, %add3A_46 : vector<400x1024xf32>
    %select_n3A = arith.select %gt3A_48, %add3A_46, %mul3A_53 : vector<400x1024xi1>, vector<400x1024xf32>
    %get3A_54 = arith.constant 0 : index
    %get3A_55 = arith.constant 0 : index
    %get3A_56 = vector.load %arg8[%get3A_54, %get3A_55] : memref<1024x256xf32, #tpu.memory_space<vmem>>, vector<1024x256xf32>
    %dot_general3A_57 = arith.constant dense<0.000000e+00> : vector<400x256xf32>
    %dot_general3A_58 = tpu.matmul %select_n3A, %get3A_56, %dot_general3A_57 {dimension_numbers = #tpu.dot_dimension_numbers<[1], [0], [0], [1], [0, 0, 1, 1], [], []>, transpose_lhs_hint = false} : vector<400x1024xf32>, vector<1024x256xf32>, vector<400x256xf32> -> vector<400x256xf32>
    %get3A_59 = arith.constant 0 : index
    %get3A_60 = arith.constant 0 : index
    %get3A_61 = vector.load %arg9[%get3A_59, %get3A_60] : memref<1x256xf32, #tpu.memory_space<vmem>>, vector<1x256xf32>
    %add3A_62 = vector.broadcast %get3A_61 : vector<1x256xf32> to vector<400x256xf32>
    %add3A_63 = arith.addf %dot_general3A_58, %add3A_62 : vector<400x256xf32>
    %add3A_64 = arith.addf %add3A_37, %add3A_63 : vector<400x256xf32>
    %reduce_sum3A_65 = arith.constant dense<0.000000e+00> : vector<400xf32>
    %reduce_sum3A_66 = vector.multi_reduction <add>, %add3A_64, %reduce_sum3A_65 [1] : vector<400x256xf32> to vector<400xf32>
    %broadcast_in_dim3A_67 = vector.shape_cast %reduce_sum3A_66 : vector<400xf32> to vector<400x1xf32>
    %div3A_68 = arith.constant 2.560000e+02 : f32
    %div3A_69 = vector.broadcast %div3A_68 : f32 to vector<400x1xf32>
    %div3A_70 = arith.divf %broadcast_in_dim3A_67, %div3A_69 : vector<400x1xf32>
    %sub3A_71 = vector.broadcast %div3A_70 : vector<400x1xf32> to vector<400x256xf32>
    %sub3A_72 = arith.subf %add3A_64, %sub3A_71 : vector<400x256xf32>
    %integer_pow3A_73 = arith.mulf %sub3A_72, %sub3A_72 : vector<400x256xf32>
    %reduce_sum3A_74 = arith.constant dense<0.000000e+00> : vector<400xf32>
    %reduce_sum3A_75 = vector.multi_reduction <add>, %integer_pow3A_73, %reduce_sum3A_74 [1] : vector<400x256xf32> to vector<400xf32>
    %broadcast_in_dim3A_76 = vector.shape_cast %reduce_sum3A_75 : vector<400xf32> to vector<400x1xf32>
    %div3A_77 = arith.constant 2.560000e+02 : f32
    %div3A_78 = vector.broadcast %div3A_77 : f32 to vector<400x1xf32>
    %div3A_79 = arith.divf %broadcast_in_dim3A_76, %div3A_78 : vector<400x1xf32>
    %sub3A_80 = vector.broadcast %div3A_70 : vector<400x1xf32> to vector<400x256xf32>
    %sub3A_81 = arith.subf %add3A_64, %sub3A_80 : vector<400x256xf32>
    %add3A_82 = arith.constant 9.99999974E-6 : f32
    %add3A_83 = vector.broadcast %add3A_82 : f32 to vector<400x1xf32>
    %add3A_84 = arith.addf %div3A_79, %add3A_83 : vector<400x1xf32>
    %sqrt3A_85 = math.sqrt %add3A_84 : vector<400x1xf32>
    %div3A_86 = vector.broadcast %sqrt3A_85 : vector<400x1xf32> to vector<400x256xf32>
    %div3A_87 = arith.divf %sub3A_81, %div3A_86 : vector<400x256xf32>
    %mul3A_88 = vector.broadcast %get3A_1 : vector<1x256xf32> to vector<400x256xf32>
    %mul3A_89 = arith.mulf %div3A_87, %mul3A_88 : vector<400x256xf32>
    %add3A_90 = vector.broadcast %get3A_4 : vector<1x256xf32> to vector<400x256xf32>
    %add3A_91 = arith.addf %mul3A_89, %add3A_90 : vector<400x256xf32>
    %swap3A = arith.constant 0 : index
    %swap3A_92 = arith.constant 0 : index
    %swap3A_93 = vector.load %arg10[%swap3A, %swap3A_92] : memref<400x256xf32, #tpu.memory_space<vmem>>, vector<400x256xf32>
    tpu.vector_store %arg10[%swap3A, %swap3A_92], %add3A_91 {strides = array<i32>} : memref<400x256xf32, #tpu.memory_space<vmem>>, vector<400x256xf32>,
    return
  }
  func.func @transform_0(%arg0: i32) -> (i32, i32, i32) {
    %c0_i32 = arith.constant 0 : i32
    %c0_i32_0 = arith.constant 0 : i32
    %c0_i32_1 = arith.constant 0 : i32
    return %c0_i32, %arg0, %c0_i32_0 : i32, i32, i32
  }
  func.func @transform_1(%arg0: i32) -> (i32, i32) {
    %c0_i32 = arith.constant 0 : i32
    %c0_i32_0 = arith.constant 0 : i32
    return %arg0, %c0_i32 : i32, i32
  }
  func.func @transform_2(%arg0: i32) -> (i32, i32) {
    %c0_i32 = arith.constant 0 : i32
    %c0_i32_0 = arith.constant 0 : i32
    %c0_i32_1 = arith.constant 0 : i32
    return %c0_i32, %c0_i32_0 : i32, i32
  }
  func.func @transform_3(%arg0: i32) -> (i32, i32) {
    %c0_i32 = arith.constant 0 : i32
    %c0_i32_0 = arith.constant 0 : i32
    %c0_i32_1 = arith.constant 0 : i32
    return %c0_i32, %c0_i32_0 : i32, i32
  }
  func.func @transform_4(%arg0: i32) -> (i32, i32) {
    %c0_i32 = arith.constant 0 : i32
    %c0_i32_0 = arith.constant 0 : i32
    %c0_i32_1 = arith.constant 0 : i32
    return %c0_i32, %c0_i32_0 : i32, i32
  }
  func.func @transform_5(%arg0: i32) -> (i32, i32) {
    %c0_i32 = arith.constant 0 : i32
    %c0_i32_0 = arith.constant 0 : i32
    %c0_i32_1 = arith.constant 0 : i32
    return %c0_i32, %c0_i32_0 : i32, i32
  }
  func.func @transform_6(%arg0: i32) -> (i32, i32) {
    %c0_i32 = arith.constant 0 : i32
    %c0_i32_0 = arith.constant 0 : i32
    %c0_i32_1 = arith.constant 0 : i32
    return %c0_i32, %c0_i32_0 : i32, i32
  }
  func.func @transform_7(%arg0: i32) -> (i32, i32) {
    %c0_i32 = arith.constant 0 : i32
    %c0_i32_0 = arith.constant 0 : i32
    %c0_i32_1 = arith.constant 0 : i32
    return %c0_i32, %c0_i32_0 : i32, i32
  }
  func.func @transform_8(%arg0: i32) -> (i32, i32) {
    %c0_i32 = arith.constant 0 : i32
    %c0_i32_0 = arith.constant 0 : i32
    %c0_i32_1 = arith.constant 0 : i32
    return %c0_i32, %c0_i32_0 : i32, i32
  }
  func.func @transform_9(%arg0: i32) -> (i32, i32) {
    %c0_i32 = arith.constant 0 : i32
    %c0_i32_0 = arith.constant 0 : i32
    return %arg0, %c0_i32 : i32, i32
  }
}

module attributes {stable_mosaic.version = 14 : i64} {
  func.func @_post_body(%arg0: i32, %arg1: memref<2x400x128xf32, #tpu.memory_space<vmem>>, %arg2: memref<400x256xf32, #tpu.memory_space<vmem>>, %arg3: memref<1x256xf32, #tpu.memory_space<vmem>>, %arg4: memref<1x256xf32, #tpu.memory_space<vmem>>, %arg5: memref<256x1024xf32, #tpu.memory_space<vmem>>, %arg6: memref<1x1024xf32, #tpu.memory_space<vmem>>, %arg7: memref<1x1024xf32, #tpu.memory_space<vmem>>, %arg8: memref<1024x256xf32, #tpu.memory_space<vmem>>, %arg9: memref<1x256xf32, #tpu.memory_space<vmem>>, %arg10: memref<400x256xf32, #tpu.memory_space<vmem>>) attributes {dimension_semantics = [#tpu.dimension_semantics<arbitrary>], iteration_bounds = array<i64: 25>, scalar_prefetch = 0 : i64, scratch_operands = 0 : i64, tpu.core_type = #tpu.core_type<tc>, window_params = [{transform_indices = @transform_0, window_bounds = array<i64: 2, 400, 128>}, {transform_indices = @transform_1, window_bounds = array<i64: 400, 256>}, {pipeline_mode = #tpu.pipeline_mode<synchronous>, transform_indices = @transform_2, window_bounds = array<i64: 1, 256>}, {pipeline_mode = #tpu.pipeline_mode<synchronous>, transform_indices = @transform_3, window_bounds = array<i64: 1, 256>}, {pipeline_mode = #tpu.pipeline_mode<synchronous>, transform_indices = @transform_4, window_bounds = array<i64: 256, 1024>}, {pipeline_mode = #tpu.pipeline_mode<synchronous>, transform_indices = @transform_5, window_bounds = array<i64: 1, 1024>}, {pipeline_mode = #tpu.pipeline_mode<synchronous>, transform_indices = @transform_6, window_bounds = array<i64: 1, 1024>}, {pipeline_mode = #tpu.pipeline_mode<synchronous>, transform_indices = @transform_7, window_bounds = array<i64: 1024, 256>}, {pipeline_mode = #tpu.pipeline_mode<synchronous>, transform_indices = @transform_8, window_bounds = array<i64: 1, 256>}, {transform_indices = @transform_9, window_bounds = array<i64: 400, 256>}]} {
    %get3A = arith.constant 0 : index
    %get3A_0 = arith.constant 0 : index
    %get3A_1 = vector.load %arg3[%get3A, %get3A_0] : memref<1x256xf32, #tpu.memory_space<vmem>>, vector<1x256xf32>
    %get3A_2 = arith.constant 0 : index
    %get3A_3 = arith.constant 0 : index
    %get3A_4 = vector.load %arg4[%get3A_2, %get3A_3] : memref<1x256xf32, #tpu.memory_space<vmem>>, vector<1x256xf32>
    %get3A_5 = arith.constant 0 : index
    %get3A_6 = arith.constant 0 : index
    %get3A_7 = arith.constant 0 : index
    %get3A_8 = vector.load %arg1[%get3A_5, %get3A_6, %get3A_7] : memref<2x400x128xf32, #tpu.memory_space<vmem>>, vector<1x400x128xf32>
    %get3A_9 = vector.shape_cast %get3A_8 : vector<1x400x128xf32> to vector<400x128xf32>
    %get3A_10 = arith.constant 1 : index
    %get3A_11 = arith.constant 0 : index
    %get3A_12 = arith.constant 0 : index
    %get3A_13 = vector.load %arg1[%get3A_10, %get3A_11, %get3A_12] : memref<2x400x128xf32, #tpu.memory_space<vmem>>, vector<1x400x128xf32>
    %get3A_14 = vector.shape_cast %get3A_13 : vector<1x400x128xf32> to vector<400x128xf32>
    %concatenate3A = tpu.concatenate %get3A_9, %get3A_14 in 1 : vector<400x128xf32>, vector<400x128xf32> -> vector<400x256xf32>
    %get3A_15 = arith.constant 0 : index
    %get3A_16 = arith.constant 0 : index
    %get3A_17 = vector.load %arg2[%get3A_15, %get3A_16] : memref<400x256xf32, #tpu.memory_space<vmem>>, vector<400x256xf32>
    %add3A = arith.addf %concatenate3A, %get3A_17 : vector<400x256xf32>
    %reduce_sum3A = arith.constant dense<0.000000e+00> : vector<400xf32>
    %reduce_sum3A_18 = vector.multi_reduction <add>, %add3A, %reduce_sum3A [1] : vector<400x256xf32> to vector<400xf32>
    %broadcast_in_dim3A = vector.shape_cast %reduce_sum3A_18 : vector<400xf32> to vector<400x1xf32>
    %div3A = arith.constant 2.560000e+02 : f32
    %div3A_19 = vector.broadcast %div3A : f32 to vector<400x1xf32>
    %div3A_20 = arith.divf %broadcast_in_dim3A, %div3A_19 : vector<400x1xf32>
    %sub3A = vector.broadcast %div3A_20 : vector<400x1xf32> to vector<400x256xf32>
    %sub3A_21 = arith.subf %add3A, %sub3A : vector<400x256xf32>
    %integer_pow3A = arith.mulf %sub3A_21, %sub3A_21 : vector<400x256xf32>
    %reduce_sum3A_22 = arith.constant dense<0.000000e+00> : vector<400xf32>
    %reduce_sum3A_23 = vector.multi_reduction <add>, %integer_pow3A, %reduce_sum3A_22 [1] : vector<400x256xf32> to vector<400xf32>
    %broadcast_in_dim3A_24 = vector.shape_cast %reduce_sum3A_23 : vector<400xf32> to vector<400x1xf32>
    %div3A_25 = arith.constant 2.560000e+02 : f32
    %div3A_26 = vector.broadcast %div3A_25 : f32 to vector<400x1xf32>
    %div3A_27 = arith.divf %broadcast_in_dim3A_24, %div3A_26 : vector<400x1xf32>
    %sub3A_28 = vector.broadcast %div3A_20 : vector<400x1xf32> to vector<400x256xf32>
    %sub3A_29 = arith.subf %add3A, %sub3A_28 : vector<400x256xf32>
    %add3A_30 = arith.constant 9.99999974E-6 : f32
    %add3A_31 = vector.broadcast %add3A_30 : f32 to vector<400x1xf32>
    %add3A_32 = arith.addf %div3A_27, %add3A_31 : vector<400x1xf32>
    %sqrt3A = math.sqrt %add3A_32 : vector<400x1xf32>
    %div3A_33 = vector.broadcast %sqrt3A : vector<400x1xf32> to vector<400x256xf32>
    %div3A_34 = arith.divf %sub3A_29, %div3A_33 : vector<400x256xf32>
    %mul3A = vector.broadcast %get3A_1 : vector<1x256xf32> to vector<400x256xf32>
    %mul3A_35 = arith.mulf %div3A_34, %mul3A : vector<400x256xf32>
    %add3A_36 = vector.broadcast %get3A_4 : vector<1x256xf32> to vector<400x256xf32>
    %add3A_37 = arith.addf %mul3A_35, %add3A_36 : vector<400x256xf32>
    %get3A_38 = arith.constant 0 : index
    %get3A_39 = arith.constant 0 : index
    %get3A_40 = vector.load %arg5[%get3A_38, %get3A_39] : memref<256x1024xf32, #tpu.memory_space<vmem>>, vector<256x1024xf32>
    %dot_general3A = arith.constant dense<0.000000e+00> : vector<400x1024xf32>
    %dot_general3A_41 = tpu.matmul %add3A_37, %get3A_40, %dot_general3A {dimension_numbers = #tpu.dot_dimension_numbers<[1], [0], [0], [1], [0, 0, 1, 1], [], []>, transpose_lhs_hint = false} : vector<400x256xf32>, vector<256x1024xf32>, vector<400x1024xf32> -> vector<400x1024xf32>
    %get3A_42 = arith.constant 0 : index
    %get3A_43 = arith.constant 0 : index
    %get3A_44 = vector.load %arg6[%get3A_42, %get3A_43] : memref<1x1024xf32, #tpu.memory_space<vmem>>, vector<1x1024xf32>
    %add3A_45 = vector.broadcast %get3A_44 : vector<1x1024xf32> to vector<400x1024xf32>
    %add3A_46 = arith.addf %dot_general3A_41, %add3A_45 : vector<400x1024xf32>
    %gt3A = arith.constant 0.000000e+00 : f32
    %gt3A_47 = vector.broadcast %gt3A : f32 to vector<400x1024xf32>
    %gt3A_48 = arith.cmpf ogt, %add3A_46, %gt3A_47 : vector<400x1024xf32>
    %get3A_49 = arith.constant 0 : index
    %get3A_50 = arith.constant 0 : index
    %get3A_51 = vector.load %arg7[%get3A_49, %get3A_50] : memref<1x1024xf32, #tpu.memory_space<vmem>>, vector<1x1024xf32>
    %mul3A_52 = vector.broadcast %get3A_51 : vector<1x1024xf32> to vector<400x1024xf32>
    %mul3A_53 = arith.mulf %mul3A_52, %add3A_46 : vector<400x1024xf32>
    %select_n3A = arith.select %gt3A_48, %add3A_46, %mul3A_53 : vector<400x1024xi1>, vector<400x1024xf32>
    %get3A_54 = arith.constant 0 : index
    %get3A_55 = arith.constant 0 : index
    %get3A_56 = vector.load %arg8[%get3A_54, %get3A_55] : memref<1024x256xf32, #tpu.memory_space<vmem>>, vector<1024x256xf32>
    %dot_general3A_57 = arith.constant dense<0.000000e+00> : vector<400x256xf32>
    %dot_general3A_58 = tpu.matmul %select_n3A, %get3A_56, %dot_general3A_57 {dimension_numbers = #tpu.dot_dimension_numbers<[1], [0], [0], [1], [0, 0, 1, 1], [], []>, transpose_lhs_hint = false} : vector<400x1024xf32>, vector<1024x256xf32>, vector<400x256xf32> -> vector<400x256xf32>
    %get3A_59 = arith.constant 0 : index
    %get3A_60 = arith.constant 0 : index
    %get3A_61 = vector.load %arg9[%get3A_59, %get3A_60] : memref<1x256xf32, #tpu.memory_space<vmem>>, vector<1x256xf32>
    %add3A_62 = vector.broadcast %get3A_61 : vector<1x256xf32> to vector<400x256xf32>
    %add3A_63 = arith.addf %dot_general3A_58, %add3A_62 : vector<400x256xf32>
    %add3A_64 = arith.addf %add3A_37, %add3A_63 : vector<400x256xf32>
    %reduce_sum3A_65 = arith.constant dense<0.000000e+00> : vector<400xf32>
    %reduce_sum3A_66 = vector.multi_reduction <add>, %add3A_64, %reduce_sum3A_65 [1] : vector<400x256xf32> to vector<400xf32>
    %broadcast_in_dim3A_67 = vector.shape_cast %reduce_sum3A_66 : vector<400xf32> to vector<400x1xf32>
    %div3A_68 = arith.constant 2.560000e+02 : f32
    %div3A_69 = vector.broadcast %div3A_68 : f32 to vector<400x1xf32>
    %div3A_70 = arith.divf %broadcast_in_dim3A_67, %div3A_69 : vector<400x1xf32>
    %sub3A_71 = vector.broadcast %div3A_70 : vector<400x1xf32> to vector<400x256xf32>
    %sub3A_72 = arith.subf %add3A_64, %sub3A_71 : vector<400x256xf32>
    %integer_pow3A_73 = arith.mulf %sub3A_72, %sub3A_72 : vector<400x256xf32>
    %reduce_sum3A_74 = arith.constant dense<0.000000e+00> : vector<400xf32>
    %reduce_sum3A_75 = vector.multi_reduction <add>, %integer_pow3A_73, %reduce_sum3A_74 [1] : vector<400x256xf32> to vector<400xf32>
    %broadcast_in_dim3A_76 = vector.shape_cast %reduce_sum3A_75 : vector<400xf32> to vector<400x1xf32>
    %div3A_77 = arith.constant 2.560000e+02 : f32
    %div3A_78 = vector.broadcast %div3A_77 : f32 to vector<400x1xf32>
    %div3A_79 = arith.divf %broadcast_in_dim3A_76, %div3A_78 : vector<400x1xf32>
    %sub3A_80 = vector.broadcast %div3A_70 : vector<400x1xf32> to vector<400x256xf32>
    %sub3A_81 = arith.subf %add3A_64, %sub3A_80 : vector<400x256xf32>
    %add3A_82 = arith.constant 9.99999974E-6 : f32
    %add3A_83 = vector.broadcast %add3A_82 : f32 to vector<400x1xf32>
    %add3A_84 = arith.addf %div3A_79, %add3A_83 : vector<400x1xf32>
    %sqrt3A_85 = math.sqrt %add3A_84 : vector<400x1xf32>
    %div3A_86 = vector.broadcast %sqrt3A_85 : vector<400x1xf32> to vector<400x256xf32>
    %div3A_87 = arith.divf %sub3A_81, %div3A_86 : vector<400x256xf32>
    %mul3A_88 = vector.broadcast %get3A_1 : vector<1x256xf32> to vector<400x256xf32>
    %mul3A_89 = arith.mulf %div3A_87, %mul3A_88 : vector<400x256xf32>
    %add3A_90 = vector.broadcast %get3A_4 : vector<1x256xf32> to vector<400x256xf32>
    %add3A_91 = arith.addf %mul3A_89, %add3A_90 : vector<400x256xf32>
    %swap3A = arith.constant 0 : index
    %swap3A_92 = arith.constant 0 : index
    %swap3A_93 = vector.load %arg10[%swap3A, %swap3A_92] : memref<400x256xf32, #tpu.memory_space<vmem>>, vector<400x256xf32>
    tpu.vector_store %arg10[%swap3A, %swap3A_92], %add3A_91 {strides = array<i32>} : memref<400x256xf32, #tpu.memory_space<vmem>>, vector<400x256xf32>,
    return
  }
  func.func @transform_0(%arg0: i32) -> (i32, i32, i32) {
    %c0_i32 = arith.constant 0 : i32
    %c0_i32_0 = arith.constant 0 : i32
    %c0_i32_1 = arith.constant 0 : i32
    return %c0_i32, %arg0, %c0_i32_0 : i32, i32, i32
  }
  func.func @transform_1(%arg0: i32) -> (i32, i32) {
    %c0_i32 = arith.constant 0 : i32
    %c0_i32_0 = arith.constant 0 : i32
    return %arg0, %c0_i32 : i32, i32
  }
  func.func @transform_2(%arg0: i32) -> (i32, i32) {
    %c0_i32 = arith.constant 0 : i32
    %c0_i32_0 = arith.constant 0 : i32
    %c0_i32_1 = arith.constant 0 : i32
    return %c0_i32, %c0_i32_0 : i32, i32
  }
  func.func @transform_3(%arg0: i32) -> (i32, i32) {
    %c0_i32 = arith.constant 0 : i32
    %c0_i32_0 = arith.constant 0 : i32
    %c0_i32_1 = arith.constant 0 : i32
    return %c0_i32, %c0_i32_0 : i32, i32
  }
  func.func @transform_4(%arg0: i32) -> (i32, i32) {
    %c0_i32 = arith.constant 0 : i32
    %c0_i32_0 = arith.constant 0 : i32
    %c0_i32_1 = arith.constant 0 : i32
    return %c0_i32, %c0_i32_0 : i32, i32
  }
  func.func @transform_5(%arg0: i32) -> (i32, i32) {
    %c0_i32 = arith.constant 0 : i32
    %c0_i32_0 = arith.constant 0 : i32
    %c0_i32_1 = arith.constant 0 : i32
    return %c0_i32, %c0_i32_0 : i32, i32
  }
  func.func @transform_6(%arg0: i32) -> (i32, i32) {
    %c0_i32 = arith.constant 0 : i32
    %c0_i32_0 = arith.constant 0 : i32
    %c0_i32_1 = arith.constant 0 : i32
    return %c0_i32, %c0_i32_0 : i32, i32
  }
  func.func @transform_7(%arg0: i32) -> (i32, i32) {
    %c0_i32 = arith.constant 0 : i32
    %c0_i32_0 = arith.constant 0 : i32
    %c0_i32_1 = arith.constant 0 : i32
    return %c0_i32, %c0_i32_0 : i32, i32
  }
  func.func @transform_8(%arg0: i32) -> (i32, i32) {
    %c0_i32 = arith.constant 0 : i32
    %c0_i32_0 = arith.constant 0 : i32
    %c0_i32_1 = arith.constant 0 : i32
    return %c0_i32, %c0_i32_0 : i32, i32
  }
  func.func @transform_9(%arg0: i32) -> (i32, i32) {
    %c0_i32 = arith.constant 0 : i32
    %c0_i32_0 = arith.constant 0 : i32
    return %arg0, %c0_i32 : i32, i32
  }
}

</mosaic_0001>

<sc_bundles>
// kernel: kernel.11.cloned.1.call-start
scs
__scs_entry_jumppad:
0x0: {  	(pc) =	sbr.rel $0x88, $3  }
0x1: {  	(tag) =	ssettag $0x0;
	lr =	simm.s32 $0x1  }
0x2: {  	[smem:$0x3F8B] =	sst lr;
	_ =	strace $0xD0000000  }
0x3: {  	_ = 	snop  }
0x4: {  	_ = 	snop  }
0x5: {  	_ = 	snop  }
0x6: {  	_ = 	snop  }
0x7: {  	_ = 	snop  }
__scs_overlays_trampoline_lowered:
0x8: {  	[smem:$0x3F9A] =	sst s0  }
0x9: {  	[smem:$0x3F9B] =	sst s1  }
0xa: {  	[smem:$0x3F9C] =	sst s2  }
0xb: {  	[smem:$0x3F9D] =	sst s3  }
0xc: {  	[smem:$0x3F9E] =	sst s4  }
0xd: {  	[smem:$0x3F9F] =	sst s5  }
0xe: {  	[smem:$0x3FA0] =	sst s6  }
0xf: {  	[smem:$0x3FA1] =	sst s7  }
0x10: {  	[smem:$0x3FA2] =	sst s8  }
0x11: {  	[smem:$0x3FA3] =	sst s9;
	s0 =	simm.s32 @!p0 $0x0  }
0x12: {  	s1 =	sld [smem:$0x3F89];
	s0 =	simm.s32 @p0 $0x1  }
0x13: {  	[smem:$0x3FA4] =	sst s0;
	s0 =	simm.s32 @!p1 $0x0  }
0x14: {  	s2 =	sld [smem:$0x3F88];
	s0 =	simm.s32 @p1 $0x1  }
0x15: {  	[smem:$0x3FA5] =	sst s0;
	s0 =	simm.s32 @!p2 $0x0  }
0x16: {  	s3 =	sld [smem:$0x3FDB];
	s0 =	simm.s32 @p2 $0x1  }
0x17: {  	s4 =	simm.s32 $0x1BF5;
	[smem:$0x3FA7] =	sst s0  }
0x18: {  	s0 =	sld [smem:$0x3F8A];
	_ =	swait.ge [sflag:s4], $0x0  }
0x19: {  	s7 =	sld [smem:$0x3F8B]  }
0x1a: {  	s8 =	sadd.s32 $0xFFFFE003, lr  }
0x1b: {  	s9 =	sadd.s32 $0xFFFFFEF7, lr;
	s5 =	simm.s32 $0xFFFFFFFF;
	p2 =	slt.u32 s8, $0xFFFFF086  }
0x1c: {  	p1 =	slt.u32 s9, $0xF7A;
	s5 =	simm.s32 @!p2 $0x0  }
0x1d: {  	s5 =	simm.s32 @p1 $0x1;
	p0 =	seq.s32 s7, s2  }
0x1e: {  	s7 =	smul.u32 @!p0 $0xF7A, s2;
	p2 =	seq.s32 @!p0 s5, $0x0  }
0x1f: {  	s9 =	smul.u32 $0xF7A, s1;
	s8 =	simm.s32 @!p0 $0x1BF5;
	p2 =	por !p2, p0  }
0x20: {  	[sflag:s8] =	ssyncset.s32 @!p0 $0xFFFFF086;
	s6 =	sadd.s32 @!p0 s3, s7;
	s7 =	simm.s32 @!p0 $0x108  }
0x21: {  	s3 =	sadd.s32 s3, s9;
	s6 =	sadd.s32 @!p0 $0x88, s6;
	s7 =	simm.s32 @p2 $0x1082  }
0x22: {  	[simem:s7], [sflag:s8] =	dma.local @!p0 [hbm:s6], $0xF7A  }
0x23: {  	s9 =	sor.u32 $0xD0000000, s2;
	s6 =	simm.s32 $0x108;
	_ =	swait.ge @!p0 [sflag:s8], $0x0  }
0x24: {  	s3 =	sadd.s32 $0x88, s3;
	s6 =	simm.s32 @!p1 $0x1082;
	[sflag:s4] =	ssyncset.s32 $0xFFFFF086  }
0x25: {  	[simem:s6], [sflag:s4] =	dma.local [hbm:s3], $0xF7A  }
0x26: {  	[smem:$0x3F8B] =	sst s1;
	(tag) =	ssettag s2;
	_ =	strace s9  }
0x27: {  	s1 =	sld [smem:$0x3F9B]  }
0x28: {  	s2 =	sld [smem:$0x3F9C]  }
0x29: {  	s4 =	sld [smem:$0x3F9E]  }
0x2a: {  	p0 =	seq.s32 s5, $0x0;
	s5 =	sld [smem:$0x3F9F]  }
0x2b: {  	s6 =	sld [smem:$0x3FA0]  }
0x2c: {  	s7 =	sld [smem:$0x3FA1]  }
0x2d: {  	s3 =	simm.s32 $0x108;
	s8 =	sld [smem:$0x3FA2]  }
0x2e: {  	s3 =	simm.s32 @!p0 $0x1082;
	s9 =	sld [smem:$0x3FA3]  }
0x2f: {  	lr =	sadd.s32 s0, s3;
	s0 =	sld [smem:$0x3F9A]  }
0x30: {  	s3 =	sld [smem:$0x3F9D]  }
0x31: {  	[smem:$0x3FA6] =	sst s10  }
0x32: {  	s10 =	sld [smem:$0x3FA4];
	_ =	sdelay $0x3  }
0x33: {  	p0 =	seq.s32 s10, $0x1;
	s10 =	sld [smem:$0x3FA6];
	_ =	sdelay $0x3  }
0x34: {  	[smem:$0x3FA6] =	sst s10  }
0x35: {  	s10 =	sld [smem:$0x3FA5];
	_ =	sdelay $0x3  }
0x36: {  	p1 =	seq.s32 s10, $0x1;
	s10 =	sld [smem:$0x3FA6];
	_ =	sdelay $0x3  }
0x37: {  	[smem:$0x3FA6] =	sst s10  }
0x38: {  	s10 =	sld [smem:$0x3FA7]  }
0x39: {  	_ = 	snop;
	(pc) =	sbr.ind lr, $3  }
0x3a: {  	_ = 	snop  }
0x3b: {  	_ = 	snop  }
0x3c: {  	p2 =	seq.s32 s10, $0x1;
	s10 =	sld [smem:$0x3FA6]  }
0x3d: {  	_ =	shalt  }
0x3e: {  	_ =	shalt  }
0x3f: {  	_ =	shalt  }
0x40: {  	_ =	shalt  }
0x41: {  	_ =	shalt  }
0x42: {  	_ =	shalt  }
0x43: {  	_ =	shalt  }
0x44: {  	_ =	shalt  }
0x45: {  	_ =	shalt  }
0x46: {  	_ =	shalt  }
0x47: {  	_ =	shalt  }
0x48: {  	_ =	shalt  }
0x49: {  	_ =	shalt  }
0x4a: {  	_ =	shalt  }
0x4b: {  	_ =	shalt  }
0x4c: {  	_ =	shalt  }
0x4d: {  	_ =	shalt  }
0x4e: {  	_ =	shalt  }
0x4f: {  	_ =	shalt  }
0x50: {  	_ =	shalt  }
0x51: {  	_ =	shalt  }
0x52: {  	_ =	shalt  }
0x53: {  	_ =	shalt  }
0x54: {  	_ =	shalt  }
0x55: {  	_ =	shalt  }
0x56: {  	_ =	shalt  }
0x57: {  	_ =	shalt  }
0x58: {  	_ =	shalt  }
0x59: {  	_ =	shalt  }
0x5a: {  	_ =	shalt  }
0x5b: {  	_ =	shalt  }
0x5c: {  	_ =	shalt  }
0x5d: {  	_ =	shalt  }
0x5e: {  	_ =	shalt  }
0x5f: {  	_ =	shalt  }
0x60: {  	_ =	shalt  }
0x61: {  	_ =	shalt  }
0x62: {  	_ =	shalt  }
0x63: {  	_ =	shalt  }
0x64: {  	_ =	shalt  }
0x65: {  	_ =	shalt  }
0x66: {  	_ =	shalt  }
0x67: {  	_ =	shalt  }
0x68: {  	_ =	shalt  }
0x69: {  	_ =	shalt  }
0x6a: {  	_ =	shalt  }
0x6b: {  	_ =	shalt  }
0x6c: {  	_ =	shalt  }
0x6d: {  	_ =	shalt  }
0x6e: {  	_ =	shalt  }
0x6f: {  	_ =	shalt  }
0x70: {  	_ =	shalt  }
0x71: {  	_ =	shalt  }
0x72: {  	_ =	shalt  }
0x73: {  	_ =	shalt  }
0x74: {  	_ =	shalt  }
0x75: {  	_ =	shalt  }
0x76: {  	_ =	shalt  }
0x77: {  	_ =	shalt  }
0x78: {  	_ =	shalt  }
0x79: {  	_ =	shalt  }
0x7a: {  	_ =	shalt  }
0x7b: {  	_ =	shalt  }
0x7c: {  	_ =	shalt  }
0x7d: {  	_ =	shalt  }
0x7e: {  	_ =	shalt  }
0x7f: {  	_ =	shalt  }
0x80: {  	_ =	shalt  }
0x81: {  	_ =	shalt  }
0x82: {  	_ =	shalt  }
0x83: {  	_ =	shalt  }
0x84: {  	_ =	shalt  }
0x85: {  	_ =	shalt  }
0x86: {  	_ =	shalt  }
0x87: {  	_ =	shalt  }
.Lfunc_end0:
.L_simem_size_0:
called_computation.1_lowered:
.L_overlay_start_0:
0x88: {  	s2 =	sld [smem:$0x3FD9]  }
0x89: {  	s3 =	sld [smem:$0x3FFE];
	_ =	sdelay $0x1  }
0x8a: {  	s1 =	srdreg.scid  }
0x8b: {  	s0 =	sand.u32 $0x1, s1  }
0x8c: {  	s17 =	sshll.u32 s0, $0xA;
	s2 =	sadd.s32 s3, s2  }
0x8d: {  	s2 =	sadd.s32 s2, s17  }
0x8e: {  	[smem:$0x3FB2] =	sst s2  }
0x8f: {  	_ = 	snop  }
0x90: {  	s2 =	sld [smem:$0x3FD0];
	(tm) =	ssettm $0x1  }
0x91: {  	s18 =	sld [smem:$0x3FFB];
	_ =	sdelay $0x3  }
0x92: {  	_ =	strace s18  }
0x93: {  	s3 =	sld [smem:$0x3FFC];
	_ =	sdelay $0x3  }
0x94: {  	_ =	strace s3  }
0x95: {  	s3 =	sld [smem:$0x3FFD];
	_ =	sdelay $0x3  }
0x96: {  	_ =	strace s3  }
0x97: {  	_ =	strace $0x8FFFFFFF  }
0x98: {  	s19 =	sld [smem:$0x3FDB];
	_ =	sdelay $0x1  }
0x99: {  	s4 =	simm.s32 $_scs_section_size  }
0x9a: {  	s5 =	simm.s32 $_size__tile_overlayer_lowered;
	s6 =	simm.s32 $_tile_overlayer_lowered  }
0x9b: {  	s22 =	simm.s32 $0x1BFF;
	s21 =	sshll.u32 s6, $0x1;
	s3 =	sadd.s32 s4, s19  }
0x9c: {  	s7 =	simm.s32 $0x0;
	s20 =	sshll.u32 s5, $0x1;
	s5 =	sadd.s32 s21, s3  }
0x9d: {  	[timem:s7], [sflag:s22] =	dma.local [hbm:s5], s20  }
0x9e: {  	_ =	swait.ge [sflag:s22], s20  }
0x9f: {  	s4 =	ssub.s32 $0x0, s20;
	[sflag:s22] =	ssyncset.done $0x0  }
0xa0: {  	[sflag:s22] =	ssyncadd.s32 s4;
	_ =	sdelay $0x1  }
0xa1: {  	s23 =	simm.s32 $0x1B8B  }
0xa2: {  	_ =	swait.ge [sflag:s23], $0x1  }
0xa3: {  	[sflag:s23] =	ssyncset.done $0x0  }
0xa4: {  	s25 =	simm.s32 $0x1B8E;
	s24 =	sld [smem:$0x3FFE];
	[sflag:s23] =	ssyncadd.s32 $0xFFFFFFFF  }
0xa5: {  	s26 =	simm.s32 $execute0_lowered;
	[smem:$0x3FD2] =	sst s25  }
0xa6: {  	s5 =	sshll.u32 s26, $0x1;
	_ =	strace $0x80000049;
	[dreg:$0x1] =	wrdreg $0xFFFFFFFF  }
0xa7: {  	s28 =	simm.s32 $_size_execute0_lowered;
	s3 =	sadd.s32 s3, s5;
	[dreg:$0x0] =	wrdreg $0x0  }
0xa8: {  	s5 =	sshll.u32 s28, $0x1;
	[dreg:$0x2] =	wrdreg s3  }
0xa9: {  	[dreg:$0x3] =	wrdreg s5  }
0xaa: {  	[dreg:$0x4] =	wrdreg $0xC0  }
0xab: {  	_ =	task [dreg:s7], $0x5FFFF  }
0xac: {  	[dreg:$0x1] =	wrdreg $0xFFFFFFFF  }
0xad: {  	[dreg:$0x0] =	wrdreg $0x60  }
0xae: {  	[dreg:$0x2] =	wrdreg s24  }
0xaf: {  	[dreg:$0x3] =	wrdreg s2  }
0xb0: {  	[dreg:$0x4] =	wrdreg $0x0  }
0xb1: {  	[dreg:$0x5] =	wrdreg $0x140000  }
0xb2: {  	[dreg:$0x6] =	wrdreg $0x9  }
0xb3: {  	_ =	task.clear_ibuf [dreg:s7], $0x7FFFF;
	_ =	strace $0x90000049  }
0xb4: {  	s29 =	simm.s32 $0x9;
	_ =	strace $0x8000004B  }
0xb5: {  	_ =	swait.ge [sflag:s29], $0x1  }
0xb6: {  	[sflag:s29] =	ssyncadd.s32 $0xFFFFFFFF  }
0xb7: {  	_ =	strace $0x9000004B  }
0xb8: {  	_ =	sfence  }
0xb9: {  	s30 =	sld [smem:$0x0];
	_ =	sdelay $0x2  }
0xba: {  	s31 =	sshll.u32 s1, $0xD;
	s1 =	sshrl.u32 s1, $0x2  }
0xbb: {  	s3 =	sand.u32 $0x4000, s31;
	s1 =	sadd.s32 s1, s30  }
0xbc: {  	s0 =	sor.u32 s3, s0;
	s1 =	sshll.u32 s1, $0x11  }
0xbd: {  	s0 =	sor.u32 s1, s0  }
0xbe: {  	s0 =	sadd.s32 $0x8F2B, s0  }
0xbf: {  	[sflag:s0] =	ssyncadd.remote.s32 $0x1  }
0xc0: {  	_ =	sfence.sel $0xFFFF  }
0xc1: {  	[dreg:$0x0] =	wrdreg $0xFFFFFFFF;
	(pc) =	sbr.abs _section_cstart, $3  }
0xc2: {  	[dreg:$0x1] =	wrdreg $0xFFFFFFFF  }
0xc3: {  	_ =	task.clear_ibuf [dreg:s7], $0x2FFFF;
	_ =	strace $0x9FFFFFFF  }
0xc4: {  	(tm) =	ssettm $0x7FFFFFFF  }
0xc5: {  	_ =	shalt  }
tec
execute0_lowered:
.L_overlay_start_1:
0x0: {  	(tag) =	ssettag $0x1  }
0x1: {  	s0 =	rddreg [dreg:$0x0]  }
0x2: {  	s3 =	rddreg [dreg:$0x1]  }
0x3: {  	s1 =	rddreg [dreg:$0x2]  }
0x4: {  	s2 =	rddreg [dreg:$0x3]  }
0x5: {  	s4 =	simm.s32 $0x0;
	s18 =	stileid.u32;
	s9 =	srdreg.scid  }
0x6: {  	s28 =	simm.s32 $0x17800;
	s30 =	simm.s32 $0x19800;
	s31 =	simm.s32 $0x1B800  }
0x7: {  	[smem:$0x7FF] =	sst s4;
	s5 =	sadd.s32 $0xE000, s0;
	s6 =	sadd.s32 $0xAE000, s0  }
0x8: {  	s13 =	smul.u32 $0x2800, s18;
	s7 =	sadd.s32 $0x5E000, s0;
	s8 =	sadd.s32 $0x9000, s0  }
0x9: {  	s11 =	sand.u32 $0x1, s9;
	s9 =	sadd.s32 $0x4000, s0;
	s16 =	smul.u32 $0x14000, s18  }
0xa: {  	s20 =	sshll.u32 s18, $0x6;
	s21 =	smul.u32 $0x4E8, s18;
	_ =	strace $0x8000004A  }
0xb: {  	s12 =	ssub.s32 $0x2, s11;
	s11 =	smul.u32 $0x2800, s11;
	s10 =	sshrl.u32 s13, $0x3  }
0xc: {  	s14 =	sshrl.u32 s12, $0x1;
	s17 =	sadd.s32 s16, s1;
	s24 =	sadd.s32 s8, s21  }
0xd: {  	s19 =	sshrl.u32 s16, $0x3;
	s25 =	sadd.s32 s9, s21;
	[dreg:$0x8] =	wrdreg s24  }
0xe: {  	s22 =	sadd.s32 s13, s2;
	s3 =	sadd.s32 s3, s19;
	[dreg:$0x9] =	wrdreg s25  }
0xf: {  	s21 =	simm.s32 $0x2;
	s26 =	sshrl.u32 s17, $0x3;
	[dreg:$0x5] =	wrdreg s3  }
0x10: {  	s15 =	sadd.s32 s10, s0;
	s3 =	sor.u32 $0x1C02, s20;
	[dreg:$0xb] =	wrdreg s26  }
0x11: {  	s29 =	ssub.s32 s12, s14;
	s23 =	sadd.s32 $0xFE000, s15;
	[dreg:$0x6] =	wrdreg s3  }
0x12: {  	s10 =	sadd.s32 $0x103000, s0;
	s0 =	smax.u32 s29, $0x1;
	[dreg:$0x7] =	wrdreg s23  }
0x13: {  	s12 =	smul.u32 $0x280, s18;
	s29 =	sshrl.u32 s22, $0x3;
	[dreg:$0xa] =	wrdreg s0  }
0x14: {  	s18 =	smul.u32 $0x2740, s18;
	s25 =	simm.s32 $0x20;
	[dreg:$0xc] =	wrdreg s29  }
0x15: {  	v1 =	vimm.f32 $0.0e+00;
	v2 =	vlaneseq.u32;
	v0 =	vmov s11;
	s0 =	simm.s32 $0x1;
	s3 =	simm.s32 $0x1D800;
	s23 =	simm.s32 $0x0  }
.LBB2_1:
0x16: {  	s13 =	rddreg [dreg:$0x5]  }
0x17: {  	s14 =	rddreg [dreg:$0x6]  }
0x18: {  	s15 =	rddreg [dreg:$0xb]  }
0x19: {  	[spmem:s15], [sflag:s14] =	dma.local [hbm:s13], $0x2800  }
0x1a: {  	_ =	swait.ge [sflag:s21], $0x2800  }
0x1b: {  	[sflag:s21] =	ssyncset.done $0x0;
	s26 =	rddreg [dreg:$0x7]  }
0x1c: {  	s29 =	rddreg [dreg:$0xc];
	[sflag:s21] =	ssyncadd.s32 $0xFFFFD800  }
0x1d: {  	[spmem:s29], [sflag:s14] =	dma.local [hbm:s26], $0x500  }
0x1e: {  	_ =	swait.ge [sflag:s21], $0x500  }
0x1f: {  	[sflag:s21] =	ssyncset.done $0x0  }
0x20: {  	[sflag:s21] =	ssyncadd.s32 $0xFFFFFB00  }
0x21: {  	s13 =	simm.s32 $0x40;
	s15 =	simm.s32 $0x0;
	[bflag:$0x0] =	sbarrier.arrive $0xFFFF  }
.LBB2_2:
0x22: {  	p0 =	sne.s32 s13, $0xFC0;
	[tilespmem:s15+$0x1D800] =	vst v1;
	s15 =	smov.u32 s13;
	s13 =	sadd.s32 $0x40, s13  }
.Ltmp0:
0x23: {  	(pc) =	sbr.rel @p0 .LBB2_2-.Ltmp0, $2  }
0x24: {  	_ =	sdelay $0x2  }
0x25: {  	s15 =	sshra.s32 s15, $0x2  }
0x26: {  	[tilespmem:s15+$0x1D800] =	vst v1;
	s13 =	simm.s32 $0x0;
	s14 =	rddreg [dreg:$0x8];
	s24 =	simm.s32 $0x16800  }
0x27: {  	[tilespmem:s24], [sflag:$0x2] =	stream.linear.gather [hbm4b:s14+s13], $0x200, $0x38;
	[tilespmem:$0x1DC00] =	vst v63  }
0x28: {  	_ =	swait.ge [sflag:s21], $0x200  }
0x29: {  	[sflag:s21] =	ssyncset.done $0x0  }
0x2a: {  	s29 =	simm.s32 $0x16C00;
	s26 =	rddreg [dreg:$0x9];
	[sflag:s21] =	ssyncadd.s32 $0xFFFFFE00  }
0x2b: {  	[tilespmem:s29], [sflag:$0x2] =	stream.linear.gather [hbm4b:s26+s13], $0x200, $0x38;
	[tilespmem:$0x1DC00] =	vst v63  }
0x2c: {  	_ =	swait.ge [sflag:s21], $0x200  }
0x2d: {  	[sflag:s21] =	ssyncset.done $0x0  }
0x2e: {  	s13 =	simm.s32 $0x0;
	[sflag:s21] =	ssyncadd.s32 $0xFFFFFE00  }
0x2f: {  	v5 =	vld [tilespmem:s13+$0x16C10]  }
0x30: {  	v6 =	vld [tilespmem:s13+$0x16800]  }
0x31: {  	v3 =	vld [tilespmem:s13+$0x16C00]  }
0x32: {  	s15 =	simm.s32 $0x80;
	v4 =	vld [tilespmem:s13+$0x16810]  }
.LBB2_4:
0x33: {  	p0 =	sne.s32 s15, $0x780  }
.Ltmp1:
0x34: {  	s16 =	sshra.s32 s15, $0x2;
	s15 =	sadd.s32 $0x80, s15;
	v7 =	vadd.s32 v0, v5;
	(pc) =	sbr.rel @p0 .LBB2_4-.Ltmp1, $4  }
0x35: {  	v5 =	vld [tilespmem:s16+$0x16C10];
	v8 =	vadd.s32 v0, v6;
	[tilespmem:s13+$0x17410] =	vst v7  }
0x36: {  	v6 =	vld [tilespmem:s16+$0x16800];
	[tilespmem:s13+$0x17000] =	vst v8;
	v7 =	vadd.s32 v0, v3  }
0x37: {  	v3 =	vld [tilespmem:s16+$0x16C00];
	[tilespmem:s13+$0x17400] =	vst v7;
	v7 =	vadd.s32 v0, v4  }
0x38: {  	v4 =	vld [tilespmem:s16+$0x16810];
	[tilespmem:s13+$0x17010] =	vst v7;
	s13 =	smov.u32 s16  }
0x39: {  	_ = 	snop  }
0x3a: {  	v5 =	vadd.s32 v0, v5  }
0x3b: {  	v6 =	vadd.s32 v0, v6;
	[tilespmem:s13+$0x17410] =	vst v5  }
0x3c: {  	[tilespmem:s13+$0x17000] =	vst v6;
	v3 =	vadd.s32 v0, v3  }
0x3d: {  	[tilespmem:s13+$0x17400] =	vst v3;
	v3 =	vadd.s32 v0, v4  }
0x3e: {  	s29 =	simm.s32 $0x17000;
	[tilespmem:s13+$0x17010] =	vst v3  }
0x3f: {  	[tilespmem:s28], [sflag:$0x1] =	stream.indirect.gather [hbm4b:s5+s25], $0x80, s29, s25, $0xb8;
	[tilespmem:$0x1DC00] =	vst v63  }
0x40: {  	s14 =	simm.s32 $0x17400  }
0x41: {  	[tilespmem:s30], [sflag:$0x1] =	stream.indirect.gather [hbm4b:s6+s25], $0x80, s14, s25, $0xb8;
	[tilespmem:$0x1DC00] =	vst v63  }
0x42: {  	s26 =	simm.s32 $0x0  }
0x43: {  	[tilespmem:s31], [sflag:$0x1] =	stream.indirect.gather [hbm4b:s7+s25], $0x80, s29, s25, $0xb8;
	[tilespmem:$0x1DC00] =	vst v63  }
.LBB2_6:
0x44: {  	_ =	swait.ge [sflag:s0], $0x1000  }
0x45: {  	[sflag:s0] =	ssyncset.done $0x0  }
0x46: {  	s24 =	sand.u32 $0xF, s26;
	[sflag:s0] =	ssyncadd.s32 $0xFFFFF000  }
0x47: {  	p0 =	sne.s32 s24, $0x0;
	_ =	swait.ge [sflag:s0], $0x1000  }
.Ltmp2:
0x48: {  	[sflag:s0] =	ssyncset.done $0x0;
	(pc) =	sbr.rel @p0 .LBB2_10-.Ltmp2, $4  }
0x49: {  	[sflag:s0] =	ssyncadd.s32 $0xFFFFF000  }
0x4a: {  	_ =	swait.ge [sflag:s0], $0x1000  }
0x4b: {  	s13 =	sshrl.u32 s26, $0x4;
	[sflag:s0] =	ssyncset.done $0x0  }
0x4c: {  	s29 =	sshll.u32 s13, $0x9;
	[sflag:s0] =	ssyncadd.s32 $0xFFFFF000  }
0x4d: {  	s13 =	sadd.s32 $0x200, s29  }
0x4e: {  	s15 =	sxor.u32 $0xFFFFFFFF, s26;
	s16 =	sadd.s32 s18, s13  }
0x4f: {  	s20 =	simm.s32 $0x0;
	s13 =	sand.u32 $0x200, s13;
	s16 =	sshrl.u32 s16, $0x3  }
0x50: {  	s15 =	sshll.u32 s15, $0x5;
	s17 =	sor.u32 $0x16800, s13;
	s19 =	sadd.s32 s8, s16  }
0x51: {  	[tilespmem:s17], [sflag:$0x2] =	stream.linear.gather [hbm4b:s19+s20], $0x200, $0x38;
	[tilespmem:$0x1DC00] =	vst v63  }
0x52: {  	s15 =	sand.u32 $0x200, s15;
	_ =	swait.ge [sflag:s21], $0x200  }
0x53: {  	s19 =	sor.u32 $0x16800, s15;
	[sflag:s21] =	ssyncset.done $0x0  }
0x54: {  	s13 =	sor.u32 $0x16C00, s13;
	s16 =	sadd.s32 s9, s16;
	v3 =	vmov s19;
	[sflag:s21] =	ssyncadd.s32 $0xFFFFFE00  }
0x55: {  	[tilespmem:s13], [sflag:$0x2] =	stream.linear.gather [hbm4b:s16+s20], $0x200, $0x38;
	[tilespmem:$0x1DC00] =	vst v63  }
0x56: {  	_ =	swait.ge [sflag:s21], $0x200  }
0x57: {  	[sflag:s21] =	ssyncset.done $0x0  }
0x58: {  	s13 =	simm.s32 $0x0;
	[sflag:s21] =	ssyncadd.s32 $0xFFFFFE00  }
0x59: {  	s20 =	sor.u32 $0x17000, s15;
	v6 =	vld.idx.msk [tilespmem:v3+s13+$0x0 ss:$0x1], $0xffff  }
0x5a: {  	s22 =	sor.u32 $0x16C00, s15;
	v4 =	vmov s20  }
0x5b: {  	v5 =	vmov s22;
	_ =	sdelay $0x2  }
0x5c: {  	v6 =	vadd.s32 v0, v6  }
0x5d: {  	[tilespmem:v4+s13+$0x0 ss:$0x1] =	vst.idx.msk $0xffff, v6  }
0x5e: {  	s15 =	sor.u32 $0x17400, s15;
	v7 =	vld.idx.msk [tilespmem:v5+s13+$0x0 ss:$0x1], $0xffff  }
0x5f: {  	v6 =	vmov s15;
	_ =	sdelay $0x3  }
0x60: {  	v7 =	vadd.s32 v0, v7  }
0x61: {  	[tilespmem:v6+s13+$0x0 ss:$0x1] =	vst.idx.msk $0xffff, v7  }
0x62: {  	v7 =	vld.idx.msk [tilespmem:v3+s13+$0x10 ss:$0x1], $0xffff;
	_ =	sdelay $0x4  }
0x63: {  	v7 =	vadd.s32 v0, v7  }
0x64: {  	[tilespmem:v4+s13+$0x10 ss:$0x1] =	vst.idx.msk $0xffff, v7  }
0x65: {  	v7 =	vld.idx.msk [tilespmem:v5+s13+$0x10 ss:$0x1], $0xffff;
	_ =	sdelay $0x4  }
0x66: {  	s16 =	simm.s32 $0x100;
	s15 =	simm.s32 $0x80;
	v7 =	vadd.s32 v0, v7  }
.LBB2_8:
0x67: {  	p0 =	sne.s32 s16, $0x780  }
0x68: {  	[tilespmem:v6+s13+$0x10 ss:$0x1] =	vst.idx.msk $0xffff, v7;
	s13 =	sshra.s32 s15, $0x2;
	s15 =	smov.u32 s16;
	s16 =	sadd.s32 $0x80, s16  }
0x69: {  	v7 =	vld.idx.msk [tilespmem:v3+s13+$0x0 ss:$0x1], $0xffff;
	_ =	sdelay $0x5  }
0x6a: {  	v7 =	vadd.s32 v0, v7  }
0x6b: {  	[tilespmem:v4+s13+$0x0 ss:$0x1] =	vst.idx.msk $0xffff, v7  }
0x6c: {  	v7 =	vld.idx.msk [tilespmem:v5+s13+$0x0 ss:$0x1], $0xffff;
	_ =	sdelay $0x5  }
0x6d: {  	v7 =	vadd.s32 v0, v7  }
0x6e: {  	[tilespmem:v6+s13+$0x0 ss:$0x1] =	vst.idx.msk $0xffff, v7  }
0x6f: {  	v7 =	vld.idx.msk [tilespmem:v3+s13+$0x10 ss:$0x1], $0xffff;
	_ =	sdelay $0x5  }
0x70: {  	v7 =	vadd.s32 v0, v7  }
0x71: {  	[tilespmem:v4+s13+$0x10 ss:$0x1] =	vst.idx.msk $0xffff, v7  }
0x72: {  	v7 =	vld.idx.msk [tilespmem:v5+s13+$0x10 ss:$0x1], $0xffff;
	_ =	sdelay $0x1  }
.Ltmp3:
0x73: {  	(pc) =	sbr.rel @p0 .LBB2_8-.Ltmp3, $2  }
0x74: {  	_ =	sdelay $0x2  }
0x75: {  	v7 =	vadd.s32 v0, v7  }
0x76: {  	_ =	sdelay $0x3  }
0x77: {  	s15 =	sshra.s32 s15, $0x2;
	[tilespmem:v6+s13+$0x10 ss:$0x1] =	vst.idx.msk $0xffff, v7  }
0x78: {  	v7 =	vld.idx.msk [tilespmem:v3+s15+$0x0 ss:$0x1], $0xffff;
	_ =	sdelay $0x4  }
0x79: {  	v7 =	vadd.s32 v0, v7  }
0x7a: {  	[tilespmem:v4+s15+$0x0 ss:$0x1] =	vst.idx.msk $0xffff, v7  }
0x7b: {  	v7 =	vld.idx.msk [tilespmem:v5+s15+$0x0 ss:$0x1], $0xffff;
	_ =	sdelay $0x4  }
0x7c: {  	v7 =	vadd.s32 v0, v7  }
0x7d: {  	[tilespmem:v6+s15+$0x0 ss:$0x1] =	vst.idx.msk $0xffff, v7  }
0x7e: {  	v3 =	vld.idx.msk [tilespmem:v3+s15+$0x10 ss:$0x1], $0xffff;
	_ =	sdelay $0x4  }
0x7f: {  	v3 =	vadd.s32 v0, v3  }
0x80: {  	[tilespmem:v4+s15+$0x10 ss:$0x1] =	vst.idx.msk $0xffff, v3  }
0x81: {  	v3 =	vld.idx.msk [tilespmem:v5+s15+$0x10 ss:$0x1], $0xffff;
	_ =	sdelay $0x4  }
0x82: {  	v3 =	vadd.s32 v0, v3  }
0x83: {  	[tilespmem:v6+s15+$0x10 ss:$0x1] =	vst.idx.msk $0xffff, v3  }
.LBB2_10:
0x84: {  	s13 =	sand.u32 $0x1, s26  }
0x85: {  	p0 =	seq.s32 s26, $0x139;
	s26 =	sadd.s32 $0x1, s26;
	s16 =	sshll.u32 s13, $0x5  }
0x86: {  	s15 =	sshll.u32 @!p0 s13, $0xC;
	s17 =	sshll.u32 @!p0 s26, $0x5;
	v8 =	vor.u32 s16, v2  }
0x87: {  	s14 =	simm.s32 $0x0;
	s15 =	sxor.u32 @!p0 $0x1000, s15;
	s17 =	sand.u32 @!p0 $0x3E0, s17;
	v5 =	vshll.u32 v8, $0x7  }
0x88: {  	s22 =	simm.s32 @!p0 $0x20;
	v6 =	vadd.s32 s14, v2;
	s19 =	sadd.s32 @!p0 $0x17800, s15;
	s20 =	sor.u32 @!p0 $0x17000, s17;
	v4 =	vor.u32 $0x20, v5  }
0x89: {  	[tilespmem:s19], [sflag:$0x1] =	stream.indirect.gather @!p0 [hbm4b:s5+s22], $0x80, s20, s22, $0xb8;
	v7 =	vor.u32 v6, v4;
	[tilespmem:$0x1DC00] =	vst v63  }
0x8a: {  	s14 =	sadd.s32 @!p0 $0x19800, s15;
	s17 =	sor.u32 @!p0 $0x17400, s17;
	v3 =	vor.u32 $0x60, v5;
	s19 =	simm.s32 $0x2  }
0x8b: {  	v10 =	vor.u32 v6, v3;
	[tilespmem:s14], [sflag:$0x1] =	stream.indirect.gather @!p0 [hbm4b:s6+s22], $0x80, s17, s22, $0xb8;
	[tilespmem:$0x1DC00] =	vst v63  }
0x8c: {  	s15 =	sadd.s32 @!p0 $0x1B800, s15;
	v21 =	vadd.s32 s19, v2  }
0x8d: {  	v19 =	vor.u32 v21, v3;
	[tilespmem:s15], [sflag:$0x1] =	stream.indirect.gather @!p0 [hbm4b:s7+s22], $0x80, s20, s22, $0xb8;
	[tilespmem:$0x1DC00] =	vst v63  }
0x8e: {  	v6 =	vand.u32 $0x1F, v6;
	s17 =	simm.s32 $0x3;
	v9 =	vld.idx.msk [tilespmem:v7+s28+$0x0], $0xffff  }
0x8f: {  	v30 =	vor.u32 v5, v6;
	v20 =	vadd.s32 s17, v2;
	v11 =	vld.idx.msk [tilespmem:v7+s30+$0x0], $0xffff  }
0x90: {  	v13 =	vor.u32 v20, v4;
	v12 =	vld.idx.msk [tilespmem:v10+s28+$0x0], $0xffff  }
0x91: {  	v15 =	vld.idx.msk [tilespmem:v10+s30+$0x0], $0xffff  }
0x92: {  	v17 =	vor.u32 v20, v3;
	v18 =	vld.idx.msk [tilespmem:v19+s28+$0x0], $0xffff  }
0x93: {  	v19 =	vld.idx.msk [tilespmem:v19+s30+$0x0], $0xffff  }
0x94: {  	v7 =	vor.u32 v21, v4;
	v29 =	vld.idx.msk [tilespmem:v30+s28+$0x0], $0xffff  }
0x95: {  	s20 =	simm.s32 $0x1;
	v14 =	vld.idx.msk [tilespmem:v13+s28+$0x0], $0xffff  }
0x96: {  	v22 =	vadd.s32 s20, v2;
	v16 =	vld.idx.msk [tilespmem:v13+s30+$0x0], $0xffff  }
0x97: {  	v24 =	vor.u32 v22, v4;
	v10 =	vld.idx.msk [tilespmem:v17+s28+$0x0], $0xffff  }
0x98: {  	v13 =	vld.idx.msk [tilespmem:v17+s30+$0x0], $0xffff  }
0x99: {  	v17 =	vor.u32 v22, v3;
	v23 =	vld.idx.msk [tilespmem:v7+s28+$0x0], $0xffff  }
0x9a: {  	v25 =	vld.idx.msk [tilespmem:v7+s30+$0x0], $0xffff;
	v7 =	vor.u32 $0x40, v5  }
0x9b: {  	v31 =	vld.idx.msk [tilespmem:v30+s30+$0x0], $0xffff;
	v33 =	vor.u32 v6, v7  }
0x9c: {  	v32 =	vand.u32 $0x1F, v20;
	v27 =	vld.idx.msk [tilespmem:v24+s28+$0x0], $0xffff  }
0x9d: {  	v34 =	vand.u32 $0x1F, v21;
	v36 =	vor.u32 v5, v32;
	v28 =	vld.idx.msk [tilespmem:v24+s30+$0x0], $0xffff  }
0x9e: {  	v35 =	vor.u32 v5, v34;
	v24 =	vld.idx.msk [tilespmem:v17+s28+$0x0], $0xffff  }
0x9f: {  	s22 =	sshll.u32 s13, $0xC;
	v20 =	vimm.f32 $0.0e+00;
	v37 =	vand.u32 $0x1F, v22;
	v21 =	vimm.f32 $0.0e+00;
	v26 =	vld.idx.msk [tilespmem:v17+s30+$0x0], $0xffff  }
0xa0: {  	s15 =	sadd.s32 $0x19800, s22;
	v22 =	vimm.f32 $0.0e+00;
	v6 =	vmov s16;
	s16 =	simm.s32 $0x4;
	v17 =	vimm.f32 $0.0e+00;
	v30 =	vld.idx.msk [tilespmem:v33+s28+$0x0], $0xffff  }
.LBB2_11:
0xa1: {  	p0 =	slt.u32 s16, $0x1C;
	v33 =	vld.idx.msk [tilespmem:v33+s30+$0x0], $0xffff;
	v38 =	vor.u32 v5, v37  }
0xa2: {  	v39 =	vld.idx.msk [tilespmem:v36+s28+$0x0], $0xffff  }
0xa3: {  	v37 =	vor.u32 v37, v7;
	v36 =	vld.idx.msk [tilespmem:v36+s30+$0x0], $0xffff  }
0xa4: {  	v40 =	vld.idx.msk [tilespmem:v35+s28+$0x0], $0xffff  }
0xa5: {  	v34 =	vor.u32 v34, v7;
	v35 =	vld.idx.msk [tilespmem:v35+s30+$0x0], $0xffff  }
0xa6: {  	v41 =	vld.idx.msk [tilespmem:v38+s28+$0x0], $0xffff  }
0xa7: {  	v42 =	vadd.s32 s16, v2;
	s14 =	sadd.s32 $0x2, s16;
	s17 =	sadd.s32 $0x3, s16;
	v32 =	vor.u32 v32, v7;
	v38 =	vld.idx.msk [tilespmem:v38+s30+$0x0], $0xffff  }
0xa8: {  	v43 =	vor.u32 v42, v4;
	v44 =	vadd.s32 s14, v2;
	v45 =	vadd.s32 s17, v2;
	v46 =	vld.idx.msk [tilespmem:v37+s28+$0x0], $0xffff  }
0xa9: {  	v11 =	vmul.f32 v11, v9;
	v12 =	vmul.f32 v15, v12;
	v47 =	vor.u32 v42, v3;
	v15 =	vld.idx.msk [tilespmem:v37+s30+$0x0], $0xffff  }
0xaa: {  	v49 =	vmul.f32 v16, v14;
	v50 =	vmul.f32 v13, v10;
	v37 =	vor.u32 v45, v4;
	v48 =	vld.idx.msk [tilespmem:v34+s28+$0x0], $0xffff  }
0xab: {  	v10 =	vmul.f32 v25, v23;
	v18 =	vmul.f32 v19, v18;
	v13 =	vor.u32 v45, v3;
	v14 =	vld.idx.msk [tilespmem:v34+s30+$0x0], $0xffff  }
0xac: {  	v23 =	vmul.f32 v28, v27;
	v19 =	vor.u32 v44, v4;
	v16 =	vmul.f32 v31, v29;
	v25 =	vld.idx.msk [tilespmem:v32+s28+$0x0], $0xffff  }
0xad: {  	v24 =	vmul.f32 v26, v24;
	v27 =	vor.u32 v44, v3;
	v28 =	vmul.f32 v33, v30;
	v26 =	vld.idx.msk [tilespmem:v32+s30+$0x0], $0xffff  }
0xae: {  	v16 =	vadd.f32 v16, v17;
	v17 =	vadd.f32 v11, v21;
	v21 =	vmul.f32 v38, v41;
	v9 =	vld.idx.msk [tilespmem:v43+s28+$0x0], $0xffff  }
0xaf: {  	v20 =	vadd.f32 v12, v20;
	v22 =	vadd.f32 v28, v22;
	v28 =	vmul.f32 v15, v46;
	v11 =	vld.idx.msk [tilespmem:v43+s30+$0x0], $0xffff  }
0xb0: {  	v17 =	vadd.f32 v23, v17;
	v16 =	vadd.f32 v21, v16;
	v21 =	vmul.f32 v35, v40;
	v12 =	vld.idx.msk [tilespmem:v47+s28+$0x0], $0xffff  }
0xb1: {  	v20 =	vadd.f32 v24, v20;
	v22 =	vadd.f32 v28, v22;
	v23 =	vmul.f32 v14, v48;
	v15 =	vld.idx.msk [tilespmem:v47+s30+$0x0], $0xffff  }
0xb2: {  	v24 =	vadd.f32 v10, v17;
	v17 =	vmul.f32 v36, v39;
	v21 =	vadd.f32 v21, v16;
	v14 =	vld.idx.msk [tilespmem:v37+s28+$0x0], $0xffff  }
0xb3: {  	s14 =	sadd.s32 $0x1, s16;
	v18 =	vadd.f32 v18, v20;
	v22 =	vadd.f32 v23, v22;
	v20 =	vmul.f32 v26, v25;
	v16 =	vld.idx.msk [tilespmem:v37+s30+$0x0], $0xffff  }
0xb4: {  	v17 =	vadd.f32 v17, v21;
	v21 =	vadd.f32 v49, v24;
	v37 =	vadd.s32 s14, v2;
	v10 =	vld.idx.msk [tilespmem:v13+s28+$0x0], $0xffff  }
0xb5: {  	v24 =	vor.u32 v37, v4;
	v22 =	vadd.f32 v20, v22;
	v20 =	vadd.f32 v50, v18;
	v13 =	vld.idx.msk [tilespmem:v13+s30+$0x0], $0xffff  }
0xb6: {  	v23 =	vld.idx.msk [tilespmem:v19+s28+$0x0], $0xffff  }
0xb7: {  	v26 =	vor.u32 v37, v3;
	v25 =	vld.idx.msk [tilespmem:v19+s30+$0x0], $0xffff  }
0xb8: {  	v28 =	vand.u32 $0x1F, v42;
	v18 =	vld.idx.msk [tilespmem:v27+s28+$0x0], $0xffff  }
0xb9: {  	v30 =	vor.u32 v5, v28;
	v19 =	vld.idx.msk [tilespmem:v27+s30+$0x0], $0xffff  }
0xba: {  	v27 =	vld.idx.msk [tilespmem:v24+s28+$0x0], $0xffff  }
0xbb: {  	v33 =	vor.u32 v28, v7;
	v28 =	vld.idx.msk [tilespmem:v24+s30+$0x0], $0xffff  }
.Ltmp4:
0xbc: {  	v32 =	vand.u32 $0x1F, v45;
	v24 =	vld.idx.msk [tilespmem:v26+s28+$0x0], $0xffff;
	(pc) =	sbr.rel @p0 .LBB2_11-.Ltmp4, $4  }
0xbd: {  	v36 =	vor.u32 v5, v32;
	v26 =	vld.idx.msk [tilespmem:v26+s30+$0x0], $0xffff  }
0xbe: {  	v34 =	vand.u32 $0x1F, v44;
	v29 =	vld.idx.msk [tilespmem:v30+s28+$0x0], $0xffff  }
0xbf: {  	v35 =	vor.u32 v5, v34;
	v31 =	vld.idx.msk [tilespmem:v30+s30+$0x0], $0xffff  }
0xc0: {  	s16 =	sadd.s32 $0x4, s16;
	v37 =	vand.u32 $0x1F, v37;
	v30 =	vld.idx.msk [tilespmem:v33+s28+$0x0], $0xffff  }
0xc1: {  	_ =	sdelay $0x2  }
0xc2: {  	v38 =	vor.u32 v5, v37  }
0xc3: {  	v33 =	vld.idx.msk [tilespmem:v33+s30+$0x0], $0xffff  }
0xc4: {  	v39 =	vld.idx.msk [tilespmem:v36+s28+$0x0], $0xffff;
	v54 =	vor.u32 v37, v7  }
0xc5: {  	v40 =	vld.idx.msk [tilespmem:v35+s28+$0x0], $0xffff  }
0xc6: {  	v34 =	vor.u32 v34, v7;
	v56 =	vld.idx.msk [tilespmem:v35+s30+$0x0], $0xffff  }
0xc7: {  	v41 =	vld.idx.msk [tilespmem:v38+s28+$0x0], $0xffff  }
0xc8: {  	v38 =	vld.idx.msk [tilespmem:v38+s30+$0x0], $0xffff  }
0xc9: {  	v32 =	vor.u32 v32, v7;
	v42 =	vld.idx.msk [tilespmem:v54+s28+$0x0], $0xffff  }
0xca: {  	v37 =	vld.idx.msk [tilespmem:v54+s30+$0x0], $0xffff  }
0xcb: {  	v9 =	vmul.f32 v11, v9;
	v11 =	vmul.f32 v15, v12;
	v12 =	vld.idx.msk [tilespmem:v34+s28+$0x0], $0xffff  }
0xcc: {  	v14 =	vmul.f32 v16, v14;
	v15 =	vmul.f32 v31, v29;
	v57 =	vld.idx.msk [tilespmem:v34+s30+$0x0], $0xffff  }
0xcd: {  	v55 =	vld.idx.msk [tilespmem:v36+s30+$0x0], $0xffff;
	v16 =	vmul.f32 v25, v23;
	v58 =	vmul.f32 v33, v30  }
0xce: {  	v27 =	vmul.f32 v28, v27;
	v59 =	vld.idx.msk [tilespmem:v32+s28+$0x0], $0xffff;
	v15 =	vadd.f32 v15, v17;
	v17 =	vmul.f32 v38, v41  }
0xcf: {  	v63 =	vmul.f32 v26, v24;
	v9 =	vadd.f32 v9, v21;
	v60 =	vld.idx.msk [tilespmem:v32+s30+$0x0], $0xffff;
	v61 =	vadd.f32 v58, v22  }
0xd0: {  	v62 =	vmul.f32 v37, v42;
	v15 =	vadd.f32 v17, v15;
	v17 =	vmul.f32 v56, v40  }
0xd1: {  	v11 =	vadd.f32 v11, v20;
	v9 =	vadd.f32 v27, v9;
	v12 =	vmul.f32 v57, v12  }
0xd2: {  	v21 =	vadd.f32 v62, v61;
	v15 =	vadd.f32 v17, v15;
	v17 =	vmul.f32 v55, v39  }
0xd3: {  	v18 =	vmul.f32 v19, v18;
	v11 =	vadd.f32 v63, v11;
	v9 =	vadd.f32 v16, v9  }
0xd4: {  	v16 =	vmul.f32 v60, v59;
	v12 =	vadd.f32 v12, v21;
	v15 =	vadd.f32 v17, v15  }
0xd5: {  	v10 =	vmul.f32 v13, v10;
	v11 =	vadd.f32 v18, v11;
	v9 =	vadd.f32 v14, v9  }
0xd6: {  	v12 =	vadd.f32 v16, v12;
	v13 =	vmul.f32 $6.250000000e-02, v15  }
0xd7: {  	v10 =	vadd.f32 v10, v11;
	v9 =	vmul.f32 $6.250000000e-02, v9  }
0xd8: {  	v12 =	vmul.f32 $6.250000000e-02, v12;
	v11 =	vmul.f32 $1.442695020e+00, v13  }
0xd9: {  	v10 =	vmul.f32 $6.250000000e-02, v10;
	v9 =	vmul.f32 $1.442695020e+00, v9  }
0xda: {  	(erf) = vpow2.f32 v11;
	v11 =	vmul.f32 $1.442695020e+00, v12  }
0xdb: {  	(erf) = vpow2.f32 v9;
	v9 =	vmul.f32 $1.442695020e+00, v10  }
0xdc: {  	(erf) = vpow2.f32 v11  }
0xdd: {  	(erf) = vpow2.f32 v9;
	_ =	sdelay $0x1  }
0xde: {  	v8 =	vshll.u32 v8, $0x4  }
0xdf: {  	s14 =	simm.s32 $0x0;
	v12 =	vor.u32 $0x1, v8  }
0xe0: {  	v14 =	vadd.s32 s14, v2;
	v13 =	vor.u32 $0x2, v8  }
0xe1: {  	v16 =	vand.u32 $0x1F, v14;
	v15 =	vor.u32 $0x3, v8  }
0xe2: {  	v17 =	vor.u32 v5, v16;
	v11 =	vpop (erf)  }
0xe3: {  	v10 =	vpop (erf);
	[tilespmem:v8+s3+$0x0] =	vst.idx.msk $0xffff, v11  }
0xe4: {  	v9 =	vpop (erf);
	[tilespmem:v12+s3+$0x0] =	vst.idx.msk $0xffff, v10  }
0xe5: {  	[tilespmem:v13+s3+$0x0] =	vst.idx.msk $0xffff, v9;
	v8 =	vpop (erf)  }
0xe6: {  	[tilespmem:v15+s3+$0x0] =	vst.idx.msk $0xffff, v8  }
0xe7: {  	v12 =	vld.idx.msk [tilespmem:v17+s31+$0x0], $0xffff;
	_ =	sdelay $0x2  }
0xe8: {  	v13 =	vor.u32 v14, v4;
	_ =	sdelay $0x1  }
0xe9: {  	v12 =	vmul.f32 v12, v11;
	_ =	sdelay $0x1  }
0xea: {  	[tilespmem:v17+s30+$0x0] =	vst.idx.msk $0xffff, v12  }
0xeb: {  	v12 =	vld.idx.msk [tilespmem:v13+s31+$0x0], $0xffff;
	_ =	sdelay $0x2  }
0xec: {  	v15 =	vor.u32 v16, v7;
	_ =	sdelay $0x1  }
0xed: {  	v12 =	vmul.f32 v12, v10;
	_ =	sdelay $0x1  }
0xee: {  	[tilespmem:v13+s30+$0x0] =	vst.idx.msk $0xffff, v12  }
0xef: {  	v12 =	vld.idx.msk [tilespmem:v15+s31+$0x0], $0xffff;
	_ =	sdelay $0x2  }
0xf0: {  	v13 =	vor.u32 v14, v3;
	_ =	sdelay $0x1  }
0xf1: {  	v12 =	vmul.f32 v12, v9;
	_ =	sdelay $0x1  }
0xf2: {  	[tilespmem:v15+s30+$0x0] =	vst.idx.msk $0xffff, v12  }
0xf3: {  	s19 =	simm.s32 $0x1;
	v12 =	vld.idx.msk [tilespmem:v13+s31+$0x0], $0xffff  }
0xf4: {  	v14 =	vadd.s32 s19, v2  }
0xf5: {  	v15 =	vand.u32 $0x1F, v14  }
0xf6: {  	v16 =	vor.u32 v5, v15;
	_ =	sdelay $0x1  }
0xf7: {  	v12 =	vmul.f32 v12, v8;
	_ =	sdelay $0x1  }
0xf8: {  	[tilespmem:v13+s30+$0x0] =	vst.idx.msk $0xffff, v12  }
0xf9: {  	v12 =	vld.idx.msk [tilespmem:v16+s31+$0x0], $0xffff;
	_ =	sdelay $0x2  }
0xfa: {  	v13 =	vor.u32 v14, v4;
	_ =	sdelay $0x1  }
0xfb: {  	v12 =	vmul.f32 v12, v11;
	_ =	sdelay $0x1  }
0xfc: {  	[tilespmem:v16+s30+$0x0] =	vst.idx.msk $0xffff, v12  }
0xfd: {  	v12 =	vld.idx.msk [tilespmem:v13+s31+$0x0], $0xffff;
	_ =	sdelay $0x2  }
0xfe: {  	v15 =	vor.u32 v15, v7;
	_ =	sdelay $0x1  }
0xff: {  	v12 =	vmul.f32 v12, v10;
	_ =	sdelay $0x1  }
0x100: {  	[tilespmem:v13+s30+$0x0] =	vst.idx.msk $0xffff, v12  }
0x101: {  	v12 =	vld.idx.msk [tilespmem:v15+s31+$0x0], $0xffff;
	_ =	sdelay $0x2  }
0x102: {  	v13 =	vor.u32 v14, v3;
	_ =	sdelay $0x1  }
0x103: {  	v12 =	vmul.f32 v12, v9;
	_ =	sdelay $0x1  }
0x104: {  	[tilespmem:v15+s30+$0x0] =	vst.idx.msk $0xffff, v12  }
0x105: {  	s20 =	simm.s32 $0x2;
	v12 =	vld.idx.msk [tilespmem:v13+s31+$0x0], $0xffff  }
0x106: {  	v14 =	vadd.s32 s20, v2  }
0x107: {  	v15 =	vand.u32 $0x1F, v14  }
0x108: {  	v16 =	vor.u32 v5, v15;
	_ =	sdelay $0x1  }
0x109: {  	v12 =	vmul.f32 v12, v8;
	_ =	sdelay $0x1  }
0x10a: {  	[tilespmem:v13+s30+$0x0] =	vst.idx.msk $0xffff, v12  }
0x10b: {  	v12 =	vld.idx.msk [tilespmem:v16+s31+$0x0], $0xffff;
	_ =	sdelay $0x2  }
0x10c: {  	v13 =	vor.u32 v14, v4;
	_ =	sdelay $0x1  }
0x10d: {  	v12 =	vmul.f32 v12, v11;
	_ =	sdelay $0x1  }
0x10e: {  	[tilespmem:v16+s30+$0x0] =	vst.idx.msk $0xffff, v12  }
0x10f: {  	v12 =	vld.idx.msk [tilespmem:v13+s31+$0x0], $0xffff;
	_ =	sdelay $0x2  }
0x110: {  	v15 =	vor.u32 v15, v7;
	_ =	sdelay $0x1  }
0x111: {  	v12 =	vmul.f32 v12, v10;
	_ =	sdelay $0x1  }
0x112: {  	[tilespmem:v13+s30+$0x0] =	vst.idx.msk $0xffff, v12  }
0x113: {  	v12 =	vld.idx.msk [tilespmem:v15+s31+$0x0], $0xffff;
	_ =	sdelay $0x2  }
0x114: {  	v13 =	vor.u32 v14, v3;
	_ =	sdelay $0x1  }
0x115: {  	v12 =	vmul.f32 v12, v9;
	_ =	sdelay $0x1  }
0x116: {  	[tilespmem:v15+s30+$0x0] =	vst.idx.msk $0xffff, v12  }
0x117: {  	s22 =	simm.s32 $0x3;
	v12 =	vld.idx.msk [tilespmem:v13+s31+$0x0], $0xffff  }
0x118: {  	v14 =	vadd.s32 s22, v2  }
0x119: {  	v15 =	vand.u32 $0x1F, v14  }
0x11a: {  	v16 =	vor.u32 v5, v15;
	_ =	sdelay $0x1  }
0x11b: {  	v12 =	vmul.f32 v12, v8;
	_ =	sdelay $0x1  }
0x11c: {  	[tilespmem:v13+s30+$0x0] =	vst.idx.msk $0xffff, v12  }
0x11d: {  	v12 =	vld.idx.msk [tilespmem:v16+s31+$0x0], $0xffff;
	_ =	sdelay $0x2  }
0x11e: {  	v13 =	vor.u32 v14, v4;
	_ =	sdelay $0x1  }
0x11f: {  	v12 =	vmul.f32 v12, v11;
	_ =	sdelay $0x1  }
0x120: {  	[tilespmem:v16+s30+$0x0] =	vst.idx.msk $0xffff, v12  }
0x121: {  	v12 =	vld.idx.msk [tilespmem:v13+s31+$0x0], $0xffff;
	_ =	sdelay $0x2  }
0x122: {  	v15 =	vor.u32 v15, v7;
	_ =	sdelay $0x1  }
0x123: {  	v12 =	vmul.f32 v12, v10;
	_ =	sdelay $0x1  }
0x124: {  	[tilespmem:v13+s30+$0x0] =	vst.idx.msk $0xffff, v12  }
0x125: {  	v12 =	vld.idx.msk [tilespmem:v15+s31+$0x0], $0xffff;
	_ =	sdelay $0x2  }
0x126: {  	v14 =	vor.u32 v14, v3;
	_ =	sdelay $0x1  }
0x127: {  	v12 =	vmul.f32 v12, v9;
	_ =	sdelay $0x1  }
0x128: {  	[tilespmem:v15+s30+$0x0] =	vst.idx.msk $0xffff, v12  }
0x129: {  	s16 =	simm.s32 $0x4;
	v16 =	vld.idx.msk [tilespmem:v14+s31+$0x0], $0xffff  }
0x12a: {  	v12 =	vadd.s32 s16, v2  }
0x12b: {  	v13 =	vand.u32 $0x1F, v12  }
0x12c: {  	v15 =	vor.u32 v5, v13;
	_ =	sdelay $0x1  }
0x12d: {  	s17 =	simm.s32 $0x8;
	v16 =	vmul.f32 v16, v8  }
.LBB2_13:
0x12e: {  	_ = 	snop  }
0x12f: {  	p0 =	slt.u32 s17, $0x1C;
	s19 =	smov.u32 s17;
	s17 =	sadd.s32 $0x4, s17;
	[tilespmem:v14+s30+$0x0] =	vst.idx.msk $0xffff, v16  }
0x130: {  	v14 =	vld.idx.msk [tilespmem:v15+s31+$0x0], $0xffff;
	_ =	sdelay $0x3  }
0x131: {  	v16 =	vor.u32 v12, v4;
	_ =	sdelay $0x1  }
0x132: {  	v14 =	vmul.f32 v14, v11;
	_ =	sdelay $0x1  }
0x133: {  	[tilespmem:v15+s30+$0x0] =	vst.idx.msk $0xffff, v14  }
0x134: {  	v14 =	vld.idx.msk [tilespmem:v16+s31+$0x0], $0xffff;
	_ =	sdelay $0x3  }
0x135: {  	v13 =	vor.u32 v13, v7;
	_ =	sdelay $0x1  }
0x136: {  	v14 =	vmul.f32 v14, v10;
	_ =	sdelay $0x1  }
0x137: {  	[tilespmem:v16+s30+$0x0] =	vst.idx.msk $0xffff, v14  }
0x138: {  	v14 =	vld.idx.msk [tilespmem:v13+s31+$0x0], $0xffff;
	_ =	sdelay $0x3  }
0x139: {  	v12 =	vor.u32 v12, v3;
	_ =	sdelay $0x1  }
0x13a: {  	v14 =	vmul.f32 v14, v9;
	_ =	sdelay $0x1  }
0x13b: {  	[tilespmem:v13+s30+$0x0] =	vst.idx.msk $0xffff, v14  }
0x13c: {  	v13 =	vld.idx.msk [tilespmem:v12+s31+$0x0], $0xffff  }
0x13d: {  	s14 =	sadd.s32 $0x1, s16  }
0x13e: {  	v14 =	vadd.s32 s14, v2  }
0x13f: {  	v15 =	vand.u32 $0x1F, v14  }
0x140: {  	v16 =	vor.u32 v5, v15;
	_ =	sdelay $0x1  }
0x141: {  	v13 =	vmul.f32 v13, v8;
	_ =	sdelay $0x1  }
0x142: {  	[tilespmem:v12+s30+$0x0] =	vst.idx.msk $0xffff, v13  }
0x143: {  	v12 =	vld.idx.msk [tilespmem:v16+s31+$0x0], $0xffff;
	_ =	sdelay $0x3  }
0x144: {  	v13 =	vor.u32 v14, v4;
	_ =	sdelay $0x1  }
0x145: {  	v12 =	vmul.f32 v12, v11;
	_ =	sdelay $0x1  }
0x146: {  	[tilespmem:v16+s30+$0x0] =	vst.idx.msk $0xffff, v12  }
0x147: {  	v12 =	vld.idx.msk [tilespmem:v13+s31+$0x0], $0xffff;
	_ =	sdelay $0x3  }
0x148: {  	v15 =	vor.u32 v15, v7;
	_ =	sdelay $0x1  }
0x149: {  	v12 =	vmul.f32 v12, v10;
	_ =	sdelay $0x1  }
0x14a: {  	[tilespmem:v13+s30+$0x0] =	vst.idx.msk $0xffff, v12  }
0x14b: {  	v12 =	vld.idx.msk [tilespmem:v15+s31+$0x0], $0xffff;
	_ =	sdelay $0x3  }
0x14c: {  	v13 =	vor.u32 v14, v3;
	_ =	sdelay $0x1  }
0x14d: {  	v12 =	vmul.f32 v12, v9;
	_ =	sdelay $0x1  }
0x14e: {  	[tilespmem:v15+s30+$0x0] =	vst.idx.msk $0xffff, v12  }
0x14f: {  	v12 =	vld.idx.msk [tilespmem:v13+s31+$0x0], $0xffff  }
0x150: {  	s14 =	sadd.s32 $0x2, s16  }
0x151: {  	v14 =	vadd.s32 s14, v2  }
0x152: {  	v15 =	vand.u32 $0x1F, v14  }
0x153: {  	v16 =	vor.u32 v5, v15;
	_ =	sdelay $0x1  }
0x154: {  	v12 =	vmul.f32 v12, v8;
	_ =	sdelay $0x1  }
0x155: {  	[tilespmem:v13+s30+$0x0] =	vst.idx.msk $0xffff, v12  }
0x156: {  	v12 =	vld.idx.msk [tilespmem:v16+s31+$0x0], $0xffff;
	_ =	sdelay $0x3  }
0x157: {  	v13 =	vor.u32 v14, v4;
	_ =	sdelay $0x1  }
0x158: {  	v12 =	vmul.f32 v12, v11;
	_ =	sdelay $0x1  }
0x159: {  	[tilespmem:v16+s30+$0x0] =	vst.idx.msk $0xffff, v12  }
0x15a: {  	v12 =	vld.idx.msk [tilespmem:v13+s31+$0x0], $0xffff;
	_ =	sdelay $0x3  }
0x15b: {  	v15 =	vor.u32 v15, v7;
	_ =	sdelay $0x1  }
0x15c: {  	v12 =	vmul.f32 v12, v10;
	_ =	sdelay $0x1  }
0x15d: {  	[tilespmem:v13+s30+$0x0] =	vst.idx.msk $0xffff, v12  }
0x15e: {  	v12 =	vld.idx.msk [tilespmem:v15+s31+$0x0], $0xffff;
	_ =	sdelay $0x3  }
0x15f: {  	v13 =	vor.u32 v14, v3;
	_ =	sdelay $0x1  }
0x160: {  	v12 =	vmul.f32 v12, v9;
	_ =	sdelay $0x1  }
0x161: {  	[tilespmem:v15+s30+$0x0] =	vst.idx.msk $0xffff, v12  }
0x162: {  	v12 =	vld.idx.msk [tilespmem:v13+s31+$0x0], $0xffff  }
0x163: {  	s14 =	sadd.s32 $0x3, s16;
	s16 =	smov.u32 s19  }
0x164: {  	v14 =	vadd.s32 s14, v2  }
0x165: {  	v15 =	vand.u32 $0x1F, v14  }
0x166: {  	v16 =	vor.u32 v5, v15;
	_ =	sdelay $0x1  }
0x167: {  	v12 =	vmul.f32 v12, v8;
	_ =	sdelay $0x1  }
0x168: {  	[tilespmem:v13+s30+$0x0] =	vst.idx.msk $0xffff, v12  }
0x169: {  	v12 =	vld.idx.msk [tilespmem:v16+s31+$0x0], $0xffff;
	_ =	sdelay $0x3  }
0x16a: {  	v13 =	vor.u32 v14, v4;
	_ =	sdelay $0x1  }
0x16b: {  	v12 =	vmul.f32 v12, v11;
	_ =	sdelay $0x1  }
0x16c: {  	[tilespmem:v16+s30+$0x0] =	vst.idx.msk $0xffff, v12  }
0x16d: {  	v12 =	vld.idx.msk [tilespmem:v13+s31+$0x0], $0xffff;
	_ =	sdelay $0x3  }
0x16e: {  	v15 =	vor.u32 v15, v7;
	_ =	sdelay $0x1  }
0x16f: {  	v12 =	vmul.f32 v12, v10;
	_ =	sdelay $0x1  }
0x170: {  	[tilespmem:v13+s30+$0x0] =	vst.idx.msk $0xffff, v12  }
0x171: {  	v12 =	vld.idx.msk [tilespmem:v15+s31+$0x0], $0xffff;
	_ =	sdelay $0x3  }
0x172: {  	v14 =	vor.u32 v14, v3;
	_ =	sdelay $0x1  }
0x173: {  	v12 =	vmul.f32 v12, v9;
	_ =	sdelay $0x1  }
0x174: {  	[tilespmem:v15+s30+$0x0] =	vst.idx.msk $0xffff, v12  }
0x175: {  	v16 =	vld.idx.msk [tilespmem:v14+s31+$0x0], $0xffff;
	_ =	sdelay $0x1  }
.Ltmp5:
0x176: {  	v12 =	vadd.s32 s16, v2;
	(pc) =	sbr.rel @p0 .LBB2_13-.Ltmp5, $3  }
0x177: {  	v13 =	vand.u32 $0x1F, v12  }
0x178: {  	v15 =	vor.u32 v5, v13;
	_ =	sdelay $0x1  }
0x179: {  	v16 =	vmul.f32 v16, v8  }
0x17a: {  	_ =	sdelay $0x3  }
0x17b: {  	[tilespmem:v14+s30+$0x0] =	vst.idx.msk $0xffff, v16  }
0x17c: {  	v14 =	vld.idx.msk [tilespmem:v15+s31+$0x0], $0xffff;
	_ =	sdelay $0x2  }
0x17d: {  	v16 =	vor.u32 v12, v4;
	_ =	sdelay $0x1  }
0x17e: {  	v14 =	vmul.f32 v14, v11;
	_ =	sdelay $0x1  }
0x17f: {  	[tilespmem:v15+s30+$0x0] =	vst.idx.msk $0xffff, v14  }
0x180: {  	v14 =	vld.idx.msk [tilespmem:v16+s31+$0x0], $0xffff;
	_ =	sdelay $0x2  }
0x181: {  	v13 =	vor.u32 v13, v7;
	_ =	sdelay $0x1  }
0x182: {  	v14 =	vmul.f32 v14, v10;
	_ =	sdelay $0x1  }
0x183: {  	[tilespmem:v16+s30+$0x0] =	vst.idx.msk $0xffff, v14  }
0x184: {  	v14 =	vld.idx.msk [tilespmem:v13+s31+$0x0], $0xffff;
	_ =	sdelay $0x2  }
0x185: {  	v12 =	vor.u32 v12, v3;
	_ =	sdelay $0x1  }
0x186: {  	v14 =	vmul.f32 v14, v9;
	_ =	sdelay $0x1  }
0x187: {  	[tilespmem:v13+s30+$0x0] =	vst.idx.msk $0xffff, v14  }
0x188: {  	s14 =	sadd.s32 $0x1, s16;
	v13 =	vld.idx.msk [tilespmem:v12+s31+$0x0], $0xffff  }
0x189: {  	v14 =	vadd.s32 s14, v2  }
0x18a: {  	v15 =	vand.u32 $0x1F, v14  }
0x18b: {  	v16 =	vor.u32 v5, v15;
	_ =	sdelay $0x1  }
0x18c: {  	v13 =	vmul.f32 v13, v8;
	_ =	sdelay $0x1  }
0x18d: {  	[tilespmem:v12+s30+$0x0] =	vst.idx.msk $0xffff, v13  }
0x18e: {  	v12 =	vld.idx.msk [tilespmem:v16+s31+$0x0], $0xffff;
	_ =	sdelay $0x2  }
0x18f: {  	v13 =	vor.u32 v14, v4;
	_ =	sdelay $0x1  }
0x190: {  	v12 =	vmul.f32 v12, v11;
	_ =	sdelay $0x1  }
0x191: {  	[tilespmem:v16+s30+$0x0] =	vst.idx.msk $0xffff, v12  }
0x192: {  	v12 =	vld.idx.msk [tilespmem:v13+s31+$0x0], $0xffff;
	_ =	sdelay $0x2  }
0x193: {  	v15 =	vor.u32 v15, v7;
	_ =	sdelay $0x1  }
0x194: {  	v12 =	vmul.f32 v12, v10;
	_ =	sdelay $0x1  }
0x195: {  	[tilespmem:v13+s30+$0x0] =	vst.idx.msk $0xffff, v12  }
0x196: {  	v12 =	vld.idx.msk [tilespmem:v15+s31+$0x0], $0xffff;
	_ =	sdelay $0x2  }
0x197: {  	v13 =	vor.u32 v14, v3;
	_ =	sdelay $0x1  }
0x198: {  	v12 =	vmul.f32 v12, v9;
	_ =	sdelay $0x1  }
0x199: {  	[tilespmem:v15+s30+$0x0] =	vst.idx.msk $0xffff, v12  }
0x19a: {  	s22 =	sadd.s32 $0x2, s16;
	v12 =	vld.idx.msk [tilespmem:v13+s31+$0x0], $0xffff  }
0x19b: {  	v14 =	vadd.s32 s22, v2  }
0x19c: {  	v15 =	vand.u32 $0x1F, v14  }
0x19d: {  	v16 =	vor.u32 v5, v15;
	_ =	sdelay $0x1  }
0x19e: {  	v12 =	vmul.f32 v12, v8;
	_ =	sdelay $0x1  }
0x19f: {  	[tilespmem:v13+s30+$0x0] =	vst.idx.msk $0xffff, v12  }
0x1a0: {  	v12 =	vld.idx.msk [tilespmem:v16+s31+$0x0], $0xffff;
	_ =	sdelay $0x2  }
0x1a1: {  	v13 =	vor.u32 v14, v4;
	_ =	sdelay $0x1  }
0x1a2: {  	v12 =	vmul.f32 v12, v11;
	_ =	sdelay $0x1  }
0x1a3: {  	[tilespmem:v16+s30+$0x0] =	vst.idx.msk $0xffff, v12  }
0x1a4: {  	v12 =	vld.idx.msk [tilespmem:v13+s31+$0x0], $0xffff;
	_ =	sdelay $0x2  }
0x1a5: {  	v15 =	vor.u32 v15, v7;
	_ =	sdelay $0x1  }
0x1a6: {  	v12 =	vmul.f32 v12, v10;
	_ =	sdelay $0x1  }
0x1a7: {  	[tilespmem:v13+s30+$0x0] =	vst.idx.msk $0xffff, v12  }
0x1a8: {  	v12 =	vld.idx.msk [tilespmem:v15+s31+$0x0], $0xffff;
	_ =	sdelay $0x2  }
0x1a9: {  	v13 =	vor.u32 v14, v3;
	_ =	sdelay $0x1  }
0x1aa: {  	v12 =	vmul.f32 v12, v9;
	_ =	sdelay $0x1  }
0x1ab: {  	[tilespmem:v15+s30+$0x0] =	vst.idx.msk $0xffff, v12  }
0x1ac: {  	s16 =	sadd.s32 $0x3, s16;
	v12 =	vld.idx.msk [tilespmem:v13+s31+$0x0], $0xffff  }
0x1ad: {  	v14 =	vadd.s32 s16, v2  }
0x1ae: {  	v15 =	vand.u32 $0x1F, v14  }
0x1af: {  	v5 =	vor.u32 v5, v15;
	_ =	sdelay $0x1  }
0x1b0: {  	v12 =	vmul.f32 v12, v8;
	_ =	sdelay $0x1  }
0x1b1: {  	[tilespmem:v13+s30+$0x0] =	vst.idx.msk $0xffff, v12  }
0x1b2: {  	v12 =	vld.idx.msk [tilespmem:v5+s31+$0x0], $0xffff;
	_ =	sdelay $0x2  }
0x1b3: {  	v4 =	vor.u32 v14, v4;
	_ =	sdelay $0x1  }
0x1b4: {  	v11 =	vmul.f32 v12, v11;
	_ =	sdelay $0x1  }
0x1b5: {  	[tilespmem:v5+s30+$0x0] =	vst.idx.msk $0xffff, v11  }
0x1b6: {  	v5 =	vld.idx.msk [tilespmem:v4+s31+$0x0], $0xffff;
	_ =	sdelay $0x2  }
0x1b7: {  	v7 =	vor.u32 v15, v7;
	_ =	sdelay $0x1  }
0x1b8: {  	v5 =	vmul.f32 v5, v10;
	_ =	sdelay $0x1  }
0x1b9: {  	[tilespmem:v4+s30+$0x0] =	vst.idx.msk $0xffff, v5  }
0x1ba: {  	v4 =	vld.idx.msk [tilespmem:v7+s31+$0x0], $0xffff;
	_ =	sdelay $0x2  }
0x1bb: {  	v10 =	vor.u32 v14, v3;
	_ =	sdelay $0x1  }
0x1bc: {  	v3 =	vmul.f32 v4, v9;
	_ =	sdelay $0x1  }
0x1bd: {  	[tilespmem:v7+s30+$0x0] =	vst.idx.msk $0xffff, v3;
	v3 =	vor.u32 $0x10, v2  }
0x1be: {  	v9 =	vld.idx.msk [tilespmem:v10+s31+$0x0], $0xffff;
	v7 =	vor.u32 v3, v6  }
0x1bf: {  	s17 =	simm.s32 $0x0;
	v5 =	vshll.u32 v7, $0x7  }
0x1c0: {  	v6 =	vadd.s32 s17, v2;
	v4 =	vor.u32 $0x20, v5  }
0x1c1: {  	s19 =	simm.s32 $0x3;
	v11 =	vor.u32 v6, v4  }
0x1c2: {  	v18 =	vadd.s32 s19, v2  }
0x1c3: {  	v12 =	vor.u32 v18, v4;
	v8 =	vmul.f32 v9, v8  }
0x1c4: {  	s20 =	simm.s32 $0x2;
	v3 =	vor.u32 $0x60, v5  }
0x1c5: {  	v19 =	vadd.s32 s20, v2;
	v15 =	vor.u32 v18, v3;
	[tilespmem:v10+s30+$0x0] =	vst.idx.msk $0xffff, v8  }
0x1c6: {  	v17 =	vor.u32 v19, v4;
	v8 =	vld.idx.msk [tilespmem:v11+s28+$0x0], $0xffff  }
0x1c7: {  	v10 =	vld.idx.msk [tilespmem:v11+s30+$0x0], $0xffff  }
0x1c8: {  	s22 =	simm.s32 $0x1;
	v20 =	vor.u32 v19, v3;
	v13 =	vld.idx.msk [tilespmem:v12+s28+$0x0], $0xffff  }
0x1c9: {  	v29 =	vadd.s32 s22, v2;
	v16 =	vld.idx.msk [tilespmem:v12+s30+$0x0], $0xffff  }
0x1ca: {  	v23 =	vor.u32 v29, v4;
	v12 =	vld.idx.msk [tilespmem:v15+s30+$0x0], $0xffff  }
0x1cb: {  	v9 =	vor.u32 v6, v3;
	v22 =	vld.idx.msk [tilespmem:v17+s28+$0x0], $0xffff  }
0x1cc: {  	v24 =	vld.idx.msk [tilespmem:v17+s30+$0x0], $0xffff  }
0x1cd: {  	v17 =	vld.idx.msk [tilespmem:v20+s28+$0x0], $0xffff  }
0x1ce: {  	v25 =	vand.u32 $0x1F, v6;
	v21 =	vld.idx.msk [tilespmem:v20+s30+$0x0], $0xffff  }
0x1cf: {  	v30 =	vor.u32 v5, v25;
	v26 =	vld.idx.msk [tilespmem:v23+s28+$0x0], $0xffff  }
0x1d0: {  	v6 =	vor.u32 $0x40, v5;
	v11 =	vld.idx.msk [tilespmem:v9+s28+$0x0], $0xffff  }
0x1d1: {  	v32 =	vor.u32 v25, v6;
	v14 =	vld.idx.msk [tilespmem:v9+s30+$0x0], $0xffff  }
0x1d2: {  	v9 =	vld.idx.msk [tilespmem:v15+s28+$0x0], $0xffff;
	v15 =	vor.u32 v29, v3  }
0x1d3: {  	v27 =	vld.idx.msk [tilespmem:v23+s30+$0x0], $0xffff  }
0x1d4: {  	v31 =	vand.u32 $0x1F, v18;
	v28 =	vld.idx.msk [tilespmem:v30+s28+$0x0], $0xffff  }
0x1d5: {  	v35 =	vor.u32 v5, v31;
	v30 =	vld.idx.msk [tilespmem:v30+s30+$0x0], $0xffff  }
0x1d6: {  	v33 =	vand.u32 $0x1F, v19;
	v36 =	vand.u32 $0x1F, v29;
	v29 =	vld.idx.msk [tilespmem:v32+s28+$0x0], $0xffff  }
0x1d7: {  	v34 =	vor.u32 v5, v33;
	v19 =	vimm.f32 $0.0e+00;
	v23 =	vld.idx.msk [tilespmem:v15+s28+$0x0], $0xffff  }
0x1d8: {  	s16 =	simm.s32 $0x4;
	v18 =	vimm.f32 $0.0e+00;
	v20 =	vimm.f32 $0.0e+00;
	v25 =	vld.idx.msk [tilespmem:v15+s30+$0x0], $0xffff;
	v15 =	vimm.f32 $0.0e+00  }
.LBB2_15:
0x1d9: {  	p0 =	slt.u32 s16, $0x1C;
	v32 =	vld.idx.msk [tilespmem:v32+s30+$0x0], $0xffff;
	v37 =	vor.u32 v5, v36  }
0x1da: {  	v38 =	vld.idx.msk [tilespmem:v35+s28+$0x0], $0xffff  }
0x1db: {  	v36 =	vor.u32 v36, v6;
	v35 =	vld.idx.msk [tilespmem:v35+s30+$0x0], $0xffff  }
0x1dc: {  	v39 =	vld.idx.msk [tilespmem:v34+s28+$0x0], $0xffff  }
0x1dd: {  	v33 =	vor.u32 v33, v6;
	v34 =	vld.idx.msk [tilespmem:v34+s30+$0x0], $0xffff  }
0x1de: {  	v40 =	vld.idx.msk [tilespmem:v37+s28+$0x0], $0xffff  }
0x1df: {  	v41 =	vadd.s32 s16, v2;
	s14 =	sadd.s32 $0x2, s16;
	s17 =	sadd.s32 $0x3, s16;
	v31 =	vor.u32 v31, v6;
	v37 =	vld.idx.msk [tilespmem:v37+s30+$0x0], $0xffff  }
0x1e0: {  	v42 =	vor.u32 v41, v4;
	v43 =	vadd.s32 s14, v2;
	v44 =	vadd.s32 s17, v2;
	v45 =	vld.idx.msk [tilespmem:v36+s28+$0x0], $0xffff  }
0x1e1: {  	v10 =	vmul.f32 v10, v8;
	v11 =	vmul.f32 v14, v11;
	v46 =	vor.u32 v41, v3;
	v14 =	vld.idx.msk [tilespmem:v36+s30+$0x0], $0xffff  }
0x1e2: {  	v48 =	vmul.f32 v16, v13;
	v49 =	vmul.f32 v12, v9;
	v36 =	vor.u32 v44, v4;
	v47 =	vld.idx.msk [tilespmem:v33+s28+$0x0], $0xffff  }
0x1e3: {  	v9 =	vmul.f32 v24, v22;
	v17 =	vmul.f32 v21, v17;
	v12 =	vor.u32 v44, v3;
	v13 =	vld.idx.msk [tilespmem:v33+s30+$0x0], $0xffff  }
0x1e4: {  	v22 =	vmul.f32 v27, v26;
	v21 =	vor.u32 v43, v4;
	v16 =	vmul.f32 v30, v28;
	v24 =	vld.idx.msk [tilespmem:v31+s28+$0x0], $0xffff  }
0x1e5: {  	v23 =	vmul.f32 v25, v23;
	v26 =	vor.u32 v43, v3;
	v27 =	vmul.f32 v32, v29;
	v25 =	vld.idx.msk [tilespmem:v31+s30+$0x0], $0xffff  }
0x1e6: {  	v15 =	vadd.f32 v16, v15;
	v16 =	vadd.f32 v10, v19;
	v19 =	vmul.f32 v37, v40;
	v8 =	vld.idx.msk [tilespmem:v42+s28+$0x0], $0xffff  }
0x1e7: {  	v18 =	vadd.f32 v11, v18;
	v20 =	vadd.f32 v27, v20;
	v27 =	vmul.f32 v14, v45;
	v10 =	vld.idx.msk [tilespmem:v42+s30+$0x0], $0xffff  }
0x1e8: {  	v16 =	vadd.f32 v22, v16;
	v15 =	vadd.f32 v19, v15;
	v19 =	vmul.f32 v34, v39;
	v11 =	vld.idx.msk [tilespmem:v46+s28+$0x0], $0xffff  }
0x1e9: {  	v18 =	vadd.f32 v23, v18;
	v20 =	vadd.f32 v27, v20;
	v22 =	vmul.f32 v13, v47;
	v14 =	vld.idx.msk [tilespmem:v46+s30+$0x0], $0xffff  }
0x1ea: {  	v23 =	vmul.f32 v35, v38;
	v15 =	vadd.f32 v19, v15;
	v19 =	vadd.f32 v9, v16;
	v13 =	vld.idx.msk [tilespmem:v36+s28+$0x0], $0xffff  }
0x1eb: {  	s14 =	sadd.s32 $0x1, s16;
	v17 =	vadd.f32 v17, v18;
	v20 =	vadd.f32 v22, v20;
	v18 =	vmul.f32 v25, v24;
	v16 =	vld.idx.msk [tilespmem:v36+s30+$0x0], $0xffff  }
0x1ec: {  	v15 =	vadd.f32 v23, v15;
	v19 =	vadd.f32 v48, v19;
	v36 =	vadd.s32 s14, v2;
	v9 =	vld.idx.msk [tilespmem:v12+s28+$0x0], $0xffff  }
0x1ed: {  	v23 =	vor.u32 v36, v4;
	v20 =	vadd.f32 v18, v20;
	v18 =	vadd.f32 v49, v17;
	v12 =	vld.idx.msk [tilespmem:v12+s30+$0x0], $0xffff  }
0x1ee: {  	v22 =	vld.idx.msk [tilespmem:v21+s28+$0x0], $0xffff  }
0x1ef: {  	v25 =	vor.u32 v36, v3;
	v24 =	vld.idx.msk [tilespmem:v21+s30+$0x0], $0xffff  }
0x1f0: {  	v27 =	vand.u32 $0x1F, v41;
	v17 =	vld.idx.msk [tilespmem:v26+s28+$0x0], $0xffff  }
0x1f1: {  	v29 =	vor.u32 v5, v27;
	v21 =	vld.idx.msk [tilespmem:v26+s30+$0x0], $0xffff  }
0x1f2: {  	v26 =	vld.idx.msk [tilespmem:v23+s28+$0x0], $0xffff  }
0x1f3: {  	v32 =	vor.u32 v27, v6;
	v27 =	vld.idx.msk [tilespmem:v23+s30+$0x0], $0xffff  }
.Ltmp6:
0x1f4: {  	v31 =	vand.u32 $0x1F, v44;
	v23 =	vld.idx.msk [tilespmem:v25+s28+$0x0], $0xffff;
	(pc) =	sbr.rel @p0 .LBB2_15-.Ltmp6, $4  }
0x1f5: {  	v35 =	vor.u32 v5, v31;
	v25 =	vld.idx.msk [tilespmem:v25+s30+$0x0], $0xffff  }
0x1f6: {  	v33 =	vand.u32 $0x1F, v43;
	v28 =	vld.idx.msk [tilespmem:v29+s28+$0x0], $0xffff  }
0x1f7: {  	v34 =	vor.u32 v5, v33;
	v30 =	vld.idx.msk [tilespmem:v29+s30+$0x0], $0xffff  }
0x1f8: {  	s16 =	sadd.s32 $0x4, s16;
	v36 =	vand.u32 $0x1F, v36;
	v29 =	vld.idx.msk [tilespmem:v32+s28+$0x0], $0xffff  }
0x1f9: {  	_ =	sdelay $0x2  }
0x1fa: {  	v37 =	vor.u32 v5, v36  }
0x1fb: {  	v32 =	vld.idx.msk [tilespmem:v32+s30+$0x0], $0xffff  }
0x1fc: {  	v38 =	vld.idx.msk [tilespmem:v35+s28+$0x0], $0xffff;
	v54 =	vor.u32 v36, v6  }
0x1fd: {  	v39 =	vld.idx.msk [tilespmem:v34+s28+$0x0], $0xffff  }
0x1fe: {  	v33 =	vor.u32 v33, v6;
	v56 =	vld.idx.msk [tilespmem:v34+s30+$0x0], $0xffff  }
0x1ff: {  	v40 =	vld.idx.msk [tilespmem:v37+s28+$0x0], $0xffff  }
0x200: {  	v37 =	vld.idx.msk [tilespmem:v37+s30+$0x0], $0xffff  }
0x201: {  	v31 =	vor.u32 v31, v6;
	v41 =	vld.idx.msk [tilespmem:v54+s28+$0x0], $0xffff  }
0x202: {  	v36 =	vld.idx.msk [tilespmem:v54+s30+$0x0], $0xffff  }
0x203: {  	v8 =	vmul.f32 v10, v8;
	v10 =	vmul.f32 v14, v11;
	v11 =	vld.idx.msk [tilespmem:v33+s28+$0x0], $0xffff  }
0x204: {  	v13 =	vmul.f32 v16, v13;
	v14 =	vmul.f32 v30, v28;
	v57 =	vld.idx.msk [tilespmem:v33+s30+$0x0], $0xffff  }
0x205: {  	v55 =	vld.idx.msk [tilespmem:v35+s30+$0x0], $0xffff;
	v16 =	vmul.f32 v24, v22;
	v58 =	vmul.f32 v32, v29  }
0x206: {  	v26 =	vmul.f32 v27, v26;
	v59 =	vld.idx.msk [tilespmem:v31+s28+$0x0], $0xffff;
	v14 =	vadd.f32 v14, v15;
	v15 =	vmul.f32 v37, v40  }
0x207: {  	v63 =	vmul.f32 v25, v23;
	v8 =	vadd.f32 v8, v19;
	v60 =	vld.idx.msk [tilespmem:v31+s30+$0x0], $0xffff;
	v61 =	vadd.f32 v58, v20  }
0x208: {  	v62 =	vmul.f32 v36, v41;
	v14 =	vadd.f32 v15, v14;
	v15 =	vmul.f32 v56, v39  }
0x209: {  	v10 =	vadd.f32 v10, v18;
	v8 =	vadd.f32 v26, v8;
	v11 =	vmul.f32 v57, v11  }
0x20a: {  	v19 =	vadd.f32 v62, v61;
	v14 =	vadd.f32 v15, v14;
	v15 =	vmul.f32 v55, v38  }
0x20b: {  	v17 =	vmul.f32 v21, v17;
	v10 =	vadd.f32 v63, v10;
	v8 =	vadd.f32 v16, v8  }
0x20c: {  	v16 =	vmul.f32 v60, v59;
	v11 =	vadd.f32 v11, v19;
	v14 =	vadd.f32 v15, v14  }
0x20d: {  	v9 =	vmul.f32 v12, v9;
	v10 =	vadd.f32 v17, v10;
	v8 =	vadd.f32 v13, v8  }
0x20e: {  	v11 =	vadd.f32 v16, v11;
	v12 =	vmul.f32 $6.250000000e-02, v14  }
0x20f: {  	v9 =	vadd.f32 v9, v10;
	v8 =	vmul.f32 $6.250000000e-02, v8  }
0x210: {  	v11 =	vmul.f32 $6.250000000e-02, v11;
	v10 =	vmul.f32 $1.442695020e+00, v12  }
0x211: {  	v9 =	vmul.f32 $6.250000000e-02, v9;
	v8 =	vmul.f32 $1.442695020e+00, v8  }
0x212: {  	(erf) = vpow2.f32 v10;
	v10 =	vmul.f32 $1.442695020e+00, v11  }
0x213: {  	(erf) = vpow2.f32 v8;
	v8 =	vmul.f32 $1.442695020e+00, v9  }
0x214: {  	(erf) = vpow2.f32 v10  }
0x215: {  	(erf) = vpow2.f32 v8;
	_ =	sdelay $0x1  }
0x216: {  	v7 =	vshll.u32 v7, $0x4  }
0x217: {  	s14 =	simm.s32 $0x0;
	v8 =	vor.u32 $0x1, v7  }
0x218: {  	v12 =	vadd.s32 s14, v2;
	v11 =	vor.u32 $0x2, v7  }
0x219: {  	v13 =	vor.u32 $0x3, v7;
	v14 =	vand.u32 $0x1F, v12  }
0x21a: {  	v15 =	vor.u32 v5, v14;
	v10 =	vpop (erf)  }
0x21b: {  	v9 =	vpop (erf);
	[tilespmem:v7+s3+$0x0] =	vst.idx.msk $0xffff, v10  }
0x21c: {  	v7 =	vpop (erf);
	[tilespmem:v8+s3+$0x0] =	vst.idx.msk $0xffff, v9  }
0x21d: {  	[tilespmem:v11+s3+$0x0] =	vst.idx.msk $0xffff, v7;
	v8 =	vpop (erf)  }
0x21e: {  	[tilespmem:v13+s3+$0x0] =	vst.idx.msk $0xffff, v8  }
0x21f: {  	v11 =	vld.idx.msk [tilespmem:v15+s31+$0x0], $0xffff;
	_ =	sdelay $0x2  }
0x220: {  	v13 =	vor.u32 v12, v4;
	_ =	sdelay $0x1  }
0x221: {  	v11 =	vmul.f32 v11, v10;
	_ =	sdelay $0x1  }
0x222: {  	[tilespmem:v15+s30+$0x0] =	vst.idx.msk $0xffff, v11  }
0x223: {  	v11 =	vld.idx.msk [tilespmem:v13+s31+$0x0], $0xffff;
	_ =	sdelay $0x2  }
0x224: {  	v14 =	vor.u32 v14, v6;
	_ =	sdelay $0x1  }
0x225: {  	v11 =	vmul.f32 v11, v9;
	_ =	sdelay $0x1  }
0x226: {  	[tilespmem:v13+s30+$0x0] =	vst.idx.msk $0xffff, v11  }
0x227: {  	v11 =	vld.idx.msk [tilespmem:v14+s31+$0x0], $0xffff;
	_ =	sdelay $0x2  }
0x228: {  	v12 =	vor.u32 v12, v3;
	_ =	sdelay $0x1  }
0x229: {  	v11 =	vmul.f32 v11, v7;
	_ =	sdelay $0x1  }
0x22a: {  	[tilespmem:v14+s30+$0x0] =	vst.idx.msk $0xffff, v11  }
0x22b: {  	s19 =	simm.s32 $0x1;
	v11 =	vld.idx.msk [tilespmem:v12+s31+$0x0], $0xffff  }
0x22c: {  	v13 =	vadd.s32 s19, v2  }
0x22d: {  	v14 =	vand.u32 $0x1F, v13  }
0x22e: {  	v15 =	vor.u32 v5, v14;
	_ =	sdelay $0x1  }
0x22f: {  	v11 =	vmul.f32 v11, v8;
	_ =	sdelay $0x1  }
0x230: {  	[tilespmem:v12+s30+$0x0] =	vst.idx.msk $0xffff, v11  }
0x231: {  	v11 =	vld.idx.msk [tilespmem:v15+s31+$0x0], $0xffff;
	_ =	sdelay $0x2  }
0x232: {  	v12 =	vor.u32 v13, v4;
	_ =	sdelay $0x1  }
0x233: {  	v11 =	vmul.f32 v11, v10;
	_ =	sdelay $0x1  }
0x234: {  	[tilespmem:v15+s30+$0x0] =	vst.idx.msk $0xffff, v11  }
0x235: {  	v11 =	vld.idx.msk [tilespmem:v12+s31+$0x0], $0xffff;
	_ =	sdelay $0x2  }
0x236: {  	v14 =	vor.u32 v14, v6;
	_ =	sdelay $0x1  }
0x237: {  	v11 =	vmul.f32 v11, v9;
	_ =	sdelay $0x1  }
0x238: {  	[tilespmem:v12+s30+$0x0] =	vst.idx.msk $0xffff, v11  }
0x239: {  	v11 =	vld.idx.msk [tilespmem:v14+s31+$0x0], $0xffff;
	_ =	sdelay $0x2  }
0x23a: {  	v12 =	vor.u32 v13, v3;
	_ =	sdelay $0x1  }
0x23b: {  	v11 =	vmul.f32 v11, v7;
	_ =	sdelay $0x1  }
0x23c: {  	[tilespmem:v14+s30+$0x0] =	vst.idx.msk $0xffff, v11  }
0x23d: {  	s20 =	simm.s32 $0x2;
	v11 =	vld.idx.msk [tilespmem:v12+s31+$0x0], $0xffff  }
0x23e: {  	v13 =	vadd.s32 s20, v2  }
0x23f: {  	v14 =	vand.u32 $0x1F, v13  }
0x240: {  	v15 =	vor.u32 v5, v14;
	_ =	sdelay $0x1  }
0x241: {  	v11 =	vmul.f32 v11, v8;
	_ =	sdelay $0x1  }
0x242: {  	[tilespmem:v12+s30+$0x0] =	vst.idx.msk $0xffff, v11  }
0x243: {  	v11 =	vld.idx.msk [tilespmem:v15+s31+$0x0], $0xffff;
	_ =	sdelay $0x2  }
0x244: {  	v12 =	vor.u32 v13, v4;
	_ =	sdelay $0x1  }
0x245: {  	v11 =	vmul.f32 v11, v10;
	_ =	sdelay $0x1  }
0x246: {  	[tilespmem:v15+s30+$0x0] =	vst.idx.msk $0xffff, v11  }
0x247: {  	v11 =	vld.idx.msk [tilespmem:v12+s31+$0x0], $0xffff;
	_ =	sdelay $0x2  }
0x248: {  	v14 =	vor.u32 v14, v6;
	_ =	sdelay $0x1  }
0x249: {  	v11 =	vmul.f32 v11, v9;
	_ =	sdelay $0x1  }
0x24a: {  	[tilespmem:v12+s30+$0x0] =	vst.idx.msk $0xffff, v11  }
0x24b: {  	v11 =	vld.idx.msk [tilespmem:v14+s31+$0x0], $0xffff;
	_ =	sdelay $0x2  }
0x24c: {  	v12 =	vor.u32 v13, v3;
	_ =	sdelay $0x1  }
0x24d: {  	v11 =	vmul.f32 v11, v7;
	_ =	sdelay $0x1  }
0x24e: {  	[tilespmem:v14+s30+$0x0] =	vst.idx.msk $0xffff, v11  }
0x24f: {  	s22 =	simm.s32 $0x3;
	v11 =	vld.idx.msk [tilespmem:v12+s31+$0x0], $0xffff  }
0x250: {  	v13 =	vadd.s32 s22, v2  }
0x251: {  	v14 =	vand.u32 $0x1F, v13  }
0x252: {  	v15 =	vor.u32 v5, v14;
	_ =	sdelay $0x1  }
0x253: {  	v11 =	vmul.f32 v11, v8;
	_ =	sdelay $0x1  }
0x254: {  	[tilespmem:v12+s30+$0x0] =	vst.idx.msk $0xffff, v11  }
0x255: {  	v11 =	vld.idx.msk [tilespmem:v15+s31+$0x0], $0xffff;
	_ =	sdelay $0x2  }
0x256: {  	v12 =	vor.u32 v13, v4;
	_ =	sdelay $0x1  }
0x257: {  	v11 =	vmul.f32 v11, v10;
	_ =	sdelay $0x1  }
0x258: {  	[tilespmem:v15+s30+$0x0] =	vst.idx.msk $0xffff, v11  }
0x259: {  	v11 =	vld.idx.msk [tilespmem:v12+s31+$0x0], $0xffff;
	_ =	sdelay $0x2  }
0x25a: {  	v14 =	vor.u32 v14, v6;
	_ =	sdelay $0x1  }
0x25b: {  	v11 =	vmul.f32 v11, v9;
	_ =	sdelay $0x1  }
0x25c: {  	[tilespmem:v12+s30+$0x0] =	vst.idx.msk $0xffff, v11  }
0x25d: {  	v11 =	vld.idx.msk [tilespmem:v14+s31+$0x0], $0xffff;
	_ =	sdelay $0x2  }
0x25e: {  	v13 =	vor.u32 v13, v3;
	_ =	sdelay $0x1  }
0x25f: {  	v11 =	vmul.f32 v11, v7;
	_ =	sdelay $0x1  }
0x260: {  	[tilespmem:v14+s30+$0x0] =	vst.idx.msk $0xffff, v11  }
0x261: {  	s16 =	simm.s32 $0x4;
	v15 =	vld.idx.msk [tilespmem:v13+s31+$0x0], $0xffff  }
0x262: {  	v11 =	vadd.s32 s16, v2  }
0x263: {  	v12 =	vand.u32 $0x1F, v11  }
0x264: {  	v14 =	vor.u32 v5, v12;
	_ =	sdelay $0x1  }
0x265: {  	s17 =	simm.s32 $0x8;
	v15 =	vmul.f32 v15, v8  }
.LBB2_17:
0x266: {  	_ = 	snop  }
0x267: {  	p0 =	slt.u32 s17, $0x1C;
	s19 =	smov.u32 s17;
	s17 =	sadd.s32 $0x4, s17;
	[tilespmem:v13+s30+$0x0] =	vst.idx.msk $0xffff, v15  }
0x268: {  	v13 =	vld.idx.msk [tilespmem:v14+s31+$0x0], $0xffff;
	_ =	sdelay $0x3  }
0x269: {  	v15 =	vor.u32 v11, v4;
	_ =	sdelay $0x1  }
0x26a: {  	v13 =	vmul.f32 v13, v10;
	_ =	sdelay $0x1  }
0x26b: {  	[tilespmem:v14+s30+$0x0] =	vst.idx.msk $0xffff, v13  }
0x26c: {  	v13 =	vld.idx.msk [tilespmem:v15+s31+$0x0], $0xffff;
	_ =	sdelay $0x3  }
0x26d: {  	v12 =	vor.u32 v12, v6;
	_ =	sdelay $0x1  }
0x26e: {  	v13 =	vmul.f32 v13, v9;
	_ =	sdelay $0x1  }
0x26f: {  	[tilespmem:v15+s30+$0x0] =	vst.idx.msk $0xffff, v13  }
0x270: {  	v13 =	vld.idx.msk [tilespmem:v12+s31+$0x0], $0xffff;
	_ =	sdelay $0x3  }
0x271: {  	v11 =	vor.u32 v11, v3;
	_ =	sdelay $0x1  }
0x272: {  	v13 =	vmul.f32 v13, v7;
	_ =	sdelay $0x1  }
0x273: {  	[tilespmem:v12+s30+$0x0] =	vst.idx.msk $0xffff, v13  }
0x274: {  	v12 =	vld.idx.msk [tilespmem:v11+s31+$0x0], $0xffff  }
0x275: {  	s14 =	sadd.s32 $0x1, s16  }
0x276: {  	v13 =	vadd.s32 s14, v2  }
0x277: {  	v14 =	vand.u32 $0x1F, v13  }
0x278: {  	v15 =	vor.u32 v5, v14;
	_ =	sdelay $0x1  }
0x279: {  	v12 =	vmul.f32 v12, v8;
	_ =	sdelay $0x1  }
0x27a: {  	[tilespmem:v11+s30+$0x0] =	vst.idx.msk $0xffff, v12  }
0x27b: {  	v11 =	vld.idx.msk [tilespmem:v15+s31+$0x0], $0xffff;
	_ =	sdelay $0x3  }
0x27c: {  	v12 =	vor.u32 v13, v4;
	_ =	sdelay $0x1  }
0x27d: {  	v11 =	vmul.f32 v11, v10;
	_ =	sdelay $0x1  }
0x27e: {  	[tilespmem:v15+s30+$0x0] =	vst.idx.msk $0xffff, v11  }
0x27f: {  	v11 =	vld.idx.msk [tilespmem:v12+s31+$0x0], $0xffff;
	_ =	sdelay $0x3  }
0x280: {  	v14 =	vor.u32 v14, v6;
	_ =	sdelay $0x1  }
0x281: {  	v11 =	vmul.f32 v11, v9;
	_ =	sdelay $0x1  }
0x282: {  	[tilespmem:v12+s30+$0x0] =	vst.idx.msk $0xffff, v11  }
0x283: {  	v11 =	vld.idx.msk [tilespmem:v14+s31+$0x0], $0xffff;
	_ =	sdelay $0x3  }
0x284: {  	v12 =	vor.u32 v13, v3;
	_ =	sdelay $0x1  }
0x285: {  	v11 =	vmul.f32 v11, v7;
	_ =	sdelay $0x1  }
0x286: {  	[tilespmem:v14+s30+$0x0] =	vst.idx.msk $0xffff, v11  }
0x287: {  	v11 =	vld.idx.msk [tilespmem:v12+s31+$0x0], $0xffff  }
0x288: {  	s14 =	sadd.s32 $0x2, s16  }
0x289: {  	v13 =	vadd.s32 s14, v2  }
0x28a: {  	v14 =	vand.u32 $0x1F, v13  }
0x28b: {  	v15 =	vor.u32 v5, v14;
	_ =	sdelay $0x1  }
0x28c: {  	v11 =	vmul.f32 v11, v8;
	_ =	sdelay $0x1  }
0x28d: {  	[tilespmem:v12+s30+$0x0] =	vst.idx.msk $0xffff, v11  }
0x28e: {  	v11 =	vld.idx.msk [tilespmem:v15+s31+$0x0], $0xffff;
	_ =	sdelay $0x3  }
0x28f: {  	v12 =	vor.u32 v13, v4;
	_ =	sdelay $0x1  }
0x290: {  	v11 =	vmul.f32 v11, v10;
	_ =	sdelay $0x1  }
0x291: {  	[tilespmem:v15+s30+$0x0] =	vst.idx.msk $0xffff, v11  }
0x292: {  	v11 =	vld.idx.msk [tilespmem:v12+s31+$0x0], $0xffff;
	_ =	sdelay $0x3  }
0x293: {  	v14 =	vor.u32 v14, v6;
	_ =	sdelay $0x1  }
0x294: {  	v11 =	vmul.f32 v11, v9;
	_ =	sdelay $0x1  }
0x295: {  	[tilespmem:v12+s30+$0x0] =	vst.idx.msk $0xffff, v11  }
0x296: {  	v11 =	vld.idx.msk [tilespmem:v14+s31+$0x0], $0xffff;
	_ =	sdelay $0x3  }
0x297: {  	v12 =	vor.u32 v13, v3;
	_ =	sdelay $0x1  }
0x298: {  	v11 =	vmul.f32 v11, v7;
	_ =	sdelay $0x1  }
0x299: {  	[tilespmem:v14+s30+$0x0] =	vst.idx.msk $0xffff, v11  }
0x29a: {  	v11 =	vld.idx.msk [tilespmem:v12+s31+$0x0], $0xffff  }
0x29b: {  	s14 =	sadd.s32 $0x3, s16;
	s16 =	smov.u32 s19  }
0x29c: {  	v13 =	vadd.s32 s14, v2  }
0x29d: {  	v14 =	vand.u32 $0x1F, v13  }
0x29e: {  	v15 =	vor.u32 v5, v14;
	_ =	sdelay $0x1  }
0x29f: {  	v11 =	vmul.f32 v11, v8;
	_ =	sdelay $0x1  }
0x2a0: {  	[tilespmem:v12+s30+$0x0] =	vst.idx.msk $0xffff, v11  }
0x2a1: {  	v11 =	vld.idx.msk [tilespmem:v15+s31+$0x0], $0xffff;
	_ =	sdelay $0x3  }
0x2a2: {  	v12 =	vor.u32 v13, v4;
	_ =	sdelay $0x1  }
0x2a3: {  	v11 =	vmul.f32 v11, v10;
	_ =	sdelay $0x1  }
0x2a4: {  	[tilespmem:v15+s30+$0x0] =	vst.idx.msk $0xffff, v11  }
0x2a5: {  	v11 =	vld.idx.msk [tilespmem:v12+s31+$0x0], $0xffff;
	_ =	sdelay $0x3  }
0x2a6: {  	v14 =	vor.u32 v14, v6;
	_ =	sdelay $0x1  }
0x2a7: {  	v11 =	vmul.f32 v11, v9;
	_ =	sdelay $0x1  }
0x2a8: {  	[tilespmem:v12+s30+$0x0] =	vst.idx.msk $0xffff, v11  }
0x2a9: {  	v11 =	vld.idx.msk [tilespmem:v14+s31+$0x0], $0xffff;
	_ =	sdelay $0x3  }
0x2aa: {  	v13 =	vor.u32 v13, v3;
	_ =	sdelay $0x1  }
0x2ab: {  	v11 =	vmul.f32 v11, v7;
	_ =	sdelay $0x1  }
0x2ac: {  	[tilespmem:v14+s30+$0x0] =	vst.idx.msk $0xffff, v11  }
0x2ad: {  	v15 =	vld.idx.msk [tilespmem:v13+s31+$0x0], $0xffff;
	_ =	sdelay $0x1  }
.Ltmp7:
0x2ae: {  	v11 =	vadd.s32 s16, v2;
	(pc) =	sbr.rel @p0 .LBB2_17-.Ltmp7, $3  }
0x2af: {  	v12 =	vand.u32 $0x1F, v11  }
0x2b0: {  	v14 =	vor.u32 v5, v12;
	_ =	sdelay $0x1  }
0x2b1: {  	v15 =	vmul.f32 v15, v8  }
0x2b2: {  	_ =	sdelay $0x3  }
0x2b3: {  	[tilespmem:v13+s30+$0x0] =	vst.idx.msk $0xffff, v15  }
0x2b4: {  	v13 =	vld.idx.msk [tilespmem:v14+s31+$0x0], $0xffff;
	_ =	sdelay $0x2  }
0x2b5: {  	v46 =	vor.u32 v11, v4;
	_ =	sdelay $0x1  }
0x2b6: {  	v13 =	vmul.f32 v13, v10;
	_ =	sdelay $0x1  }
0x2b7: {  	[tilespmem:v14+s30+$0x0] =	vst.idx.msk $0xffff, v13  }
0x2b8: {  	v13 =	vld.idx.msk [tilespmem:v46+s31+$0x0], $0xffff;
	_ =	sdelay $0x2  }
0x2b9: {  	v12 =	vor.u32 v12, v6;
	_ =	sdelay $0x1  }
0x2ba: {  	v13 =	vmul.f32 v13, v9;
	_ =	sdelay $0x1  }
0x2bb: {  	[tilespmem:v46+s30+$0x0] =	vst.idx.msk $0xffff, v13  }
0x2bc: {  	v13 =	vld.idx.msk [tilespmem:v12+s31+$0x0], $0xffff;
	_ =	sdelay $0x2  }
0x2bd: {  	v47 =	vor.u32 v11, v3;
	_ =	sdelay $0x1  }
0x2be: {  	v13 =	vmul.f32 v13, v7;
	_ =	sdelay $0x1  }
0x2bf: {  	[tilespmem:v12+s30+$0x0] =	vst.idx.msk $0xffff, v13  }
0x2c0: {  	s14 =	sadd.s32 $0x1, s16;
	v12 =	vld.idx.msk [tilespmem:v47+s31+$0x0], $0xffff  }
0x2c1: {  	v48 =	vadd.s32 s14, v2  }
0x2c2: {  	v49 =	vand.u32 $0x1F, v48  }
0x2c3: {  	v50 =	vor.u32 v5, v49;
	_ =	sdelay $0x1  }
0x2c4: {  	v12 =	vmul.f32 v12, v8;
	_ =	sdelay $0x1  }
0x2c5: {  	[tilespmem:v47+s30+$0x0] =	vst.idx.msk $0xffff, v12  }
0x2c6: {  	v11 =	vld.idx.msk [tilespmem:v50+s31+$0x0], $0xffff;
	_ =	sdelay $0x2  }
0x2c7: {  	v51 =	vor.u32 v48, v4;
	_ =	sdelay $0x1  }
0x2c8: {  	v11 =	vmul.f32 v11, v10;
	_ =	sdelay $0x1  }
0x2c9: {  	[tilespmem:v50+s30+$0x0] =	vst.idx.msk $0xffff, v11  }
0x2ca: {  	v11 =	vld.idx.msk [tilespmem:v51+s31+$0x0], $0xffff;
	_ =	sdelay $0x2  }
0x2cb: {  	v14 =	vor.u32 v49, v6;
	_ =	sdelay $0x1  }
0x2cc: {  	v11 =	vmul.f32 v11, v9;
	_ =	sdelay $0x1  }
0x2cd: {  	[tilespmem:v51+s30+$0x0] =	vst.idx.msk $0xffff, v11  }
0x2ce: {  	v11 =	vld.idx.msk [tilespmem:v14+s31+$0x0], $0xffff;
	_ =	sdelay $0x2  }
0x2cf: {  	v52 =	vor.u32 v48, v3;
	_ =	sdelay $0x1  }
0x2d0: {  	v11 =	vmul.f32 v11, v7;
	_ =	sdelay $0x1  }
0x2d1: {  	[tilespmem:v14+s30+$0x0] =	vst.idx.msk $0xffff, v11  }
0x2d2: {  	s19 =	sadd.s32 $0x2, s16;
	v11 =	vld.idx.msk [tilespmem:v52+s31+$0x0], $0xffff  }
0x2d3: {  	v53 =	vadd.s32 s19, v2  }
0x2d4: {  	v54 =	vand.u32 $0x1F, v53  }
0x2d5: {  	v55 =	vor.u32 v5, v54;
	_ =	sdelay $0x1  }
0x2d6: {  	v11 =	vmul.f32 v11, v8;
	_ =	sdelay $0x1  }
0x2d7: {  	[tilespmem:v52+s30+$0x0] =	vst.idx.msk $0xffff, v11  }
0x2d8: {  	v11 =	vld.idx.msk [tilespmem:v55+s31+$0x0], $0xffff;
	_ =	sdelay $0x2  }
0x2d9: {  	v56 =	vor.u32 v53, v4;
	_ =	sdelay $0x1  }
0x2da: {  	v11 =	vmul.f32 v11, v10;
	_ =	sdelay $0x1  }
0x2db: {  	[tilespmem:v55+s30+$0x0] =	vst.idx.msk $0xffff, v11  }
0x2dc: {  	v11 =	vld.idx.msk [tilespmem:v56+s31+$0x0], $0xffff;
	_ =	sdelay $0x2  }
0x2dd: {  	v14 =	vor.u32 v54, v6;
	_ =	sdelay $0x1  }
0x2de: {  	v11 =	vmul.f32 v11, v9;
	_ =	sdelay $0x1  }
0x2df: {  	[tilespmem:v56+s30+$0x0] =	vst.idx.msk $0xffff, v11  }
0x2e0: {  	v11 =	vld.idx.msk [tilespmem:v14+s31+$0x0], $0xffff;
	_ =	sdelay $0x2  }
0x2e1: {  	v57 =	vor.u32 v53, v3;
	_ =	sdelay $0x1  }
0x2e2: {  	v11 =	vmul.f32 v11, v7;
	_ =	sdelay $0x1  }
0x2e3: {  	[tilespmem:v14+s30+$0x0] =	vst.idx.msk $0xffff, v11  }
0x2e4: {  	s20 =	sadd.s32 $0x3, s16;
	v11 =	vld.idx.msk [tilespmem:v57+s31+$0x0], $0xffff  }
0x2e5: {  	v58 =	vadd.s32 s20, v2  }
0x2e6: {  	v59 =	vand.u32 $0x1F, v58  }
0x2e7: {  	v60 =	vor.u32 v5, v59;
	_ =	sdelay $0x1  }
0x2e8: {  	v11 =	vmul.f32 v11, v8;
	_ =	sdelay $0x1  }
0x2e9: {  	[tilespmem:v57+s30+$0x0] =	vst.idx.msk $0xffff, v11  }
0x2ea: {  	v11 =	vld.idx.msk [tilespmem:v60+s31+$0x0], $0xffff;
	_ =	sdelay $0x2  }
0x2eb: {  	v61 =	vor.u32 v58, v4;
	_ =	sdelay $0x1  }
0x2ec: {  	v62 =	vmul.f32 v11, v10;
	_ =	sdelay $0x1  }
0x2ed: {  	[tilespmem:v60+s30+$0x0] =	vst.idx.msk $0xffff, v62  }
0x2ee: {  	v5 =	vld.idx.msk [tilespmem:v61+s31+$0x0], $0xffff;
	_ =	sdelay $0x2  }
0x2ef: {  	v63 =	vor.u32 v59, v6;
	_ =	sdelay $0x1  }
0x2f0: {  	v5 =	vmul.f32 v5, v9;
	_ =	sdelay $0x1  }
0x2f1: {  	[tilespmem:v61+s30+$0x0] =	vst.idx.msk $0xffff, v5  }
0x2f2: {  	v4 =	vld.idx.msk [tilespmem:v63+s31+$0x0], $0xffff;
	_ =	sdelay $0x2  }
0x2f3: {  	v3 =	vor.u32 v58, v3;
	_ =	sdelay $0x1  }
0x2f4: {  	v4 =	vmul.f32 v4, v7;
	_ =	sdelay $0x1  }
0x2f5: {  	[tilespmem:v63+s30+$0x0] =	vst.idx.msk $0xffff, v4  }
0x2f6: {  	v4 =	vld.idx.msk [tilespmem:v3+s31+$0x0], $0xffff;
	_ =	sdelay $0x4  }
0x2f7: {  	s22 =	sand.u32 $0x200, s29;
	s29 =	sshll.u32 s24, $0x5;
	v4 =	vmul.f32 v4, v8  }
0x2f8: {  	s14 =	sor.u32 s29, s22  }
0x2f9: {  	s14 =	sor.u32 $0x16C00, s14;
	[tilespmem:v3+s30+$0x0] =	vst.idx.msk $0xffff, v4  }
0x2fa: {  	[spmem:s1] =	stream.indirect.scatter.add.f32 [tilespmem:s15], [sflag:$0x2], $0x80, s14, s25, $0xb8;
	[tilespmem:$0x1DC00] =	vst v63  }
0x2fb: {  	_ =	swait.ge [sflag:s21], $0x1000  }
0x2fc: {  	s13 =	sshll.u32 s13, $0x9;
	p0 =	sne.s32 s26, $0x13A;
	[sflag:s21] =	ssyncset.done $0x0  }
.Ltmp8:
0x2fd: {  	s13 =	sor.u32 $0x1D800, s13;
	[sflag:s21] =	ssyncadd.s32 $0xFFFFF000;
	(pc) =	sbr.rel @p0 .LBB2_6-.Ltmp8, $4  }
0x2fe: {  	[spmem:s2] =	stream.indirect.scatter.add.f32 [tilespmem:s13], [sflag:$0x2], $0x10, s14, s25, $0xb8;
	[tilespmem:$0x1DC00] =	vst v63  }
0x2ff: {  	_ =	swait.ge [sflag:s21], $0x200  }
0x300: {  	[sflag:s21] =	ssyncset.done $0x0  }
0x301: {  	[sflag:s21] =	ssyncadd.s32 $0xFFFFFE00  }
0x302: {  	[bflag:$0x0] =	sbarrier.arrive $0xFFFF;
	s13 =	simm.s32 $0x0  }
.LBB2_20:
0x303: {  	s14 =	sshll.u32 s13, $0x6  }
0x304: {  	s15 =	sadd.s32 s12, s14  }
0x305: {  	s14 =	sshll.u32 s15, $0x7  }
0x306: {  	s14 =	sand.u32 $0x3FFFFF80, s14  }
0x307: {  	s14 =	sadd.s32 s14, s1  }
0x308: {  	[tilespmem:s28], [sflag:$0x2] =	stream.linear.gather [spmem:s14], $0x2000, $0x38;
	[tilespmem:$0x1DC00] =	vst v63  }
0x309: {  	s26 =	sshll.u32 s15, $0x4;
	_ =	swait.ge [sflag:s21], $0x2000  }
0x30a: {  	s14 =	sand.u32 $0x3FFFFFF0, s26;
	[sflag:s21] =	ssyncset.done $0x0  }
0x30b: {  	s14 =	sadd.s32 s14, s2;
	[sflag:s21] =	ssyncadd.s32 $0xFFFFE000  }
0x30c: {  	[tilespmem:s3], [sflag:$0x2] =	stream.linear.gather [spmem:s14], $0x400, $0x38;
	[tilespmem:$0x1DC00] =	vst v63  }
0x30d: {  	_ =	swait.ge [sflag:s21], $0x400  }
0x30e: {  	[sflag:s21] =	ssyncset.done $0x0  }
0x30f: {  	s29 =	simm.s32 $0x0;
	[sflag:s21] =	ssyncadd.s32 $0xFFFFFC00  }
0x310: {  	v3 =	vld [tilespmem:s29+$0x1D800];
	_ =	sdelay $0x4  }
0x311: {  	v3 =	vmax.f32 v3, $9.999999680e-21  }
0x312: {  	(erf) = vrcp.f32 v3;
	_ =	sdelay $0x5  }
0x313: {  	s16 =	simm.s32 $0x17840  }
0x314: {  	v3 =	vld [tilespmem:s16+$0xFFFFFFC0]  }
0x315: {  	v4 =	vld [tilespmem:s16+$0xFFFFFFD0]  }
0x316: {  	v5 =	vld [tilespmem:s16+$0xFFFFFFE0];
	v6 =	vpop (erf)  }
0x317: {  	v9 =	vld [tilespmem:s16+$0x0];
	v8 =	vbroadcast v6, $0x0  }
0x318: {  	v10 =	vld [tilespmem:s16+$0x10]  }
0x319: {  	v7 =	vld [tilespmem:s16+$0xFFFFFFF0];
	v11 =	vbroadcast v6, $0x1;
	v3 =	vmul.f32 v8, v3  }
0x31a: {  	v60 =	vld [tilespmem:s16+$0x30];
	v13 =	vbroadcast v6, $0x2;
	v4 =	vmul.f32 v8, v4  }
0x31b: {  	v12 =	vld [tilespmem:s16+$0x20];
	v5 =	vmul.f32 v5, v11;
	[tilespmem:s16+$0xFFFFFFC0] =	vst v3  }
0x31c: {  	v62 =	vmul.f32 v9, v13;
	[tilespmem:s16+$0xFFFFFFD0] =	vst v4  }
0x31d: {  	v61 =	vbroadcast v6, $0x3;
	v63 =	vmul.f32 v10, v13;
	[tilespmem:s16+$0xFFFFFFE0] =	vst v5  }
0x31e: {  	v3 =	vmul.f32 v7, v11;
	[tilespmem:s16+$0x0] =	vst v62  }
0x31f: {  	v4 =	vmul.f32 v60, v61;
	[tilespmem:s16+$0x10] =	vst v63  }
0x320: {  	[tilespmem:s16+$0xFFFFFFF0] =	vst v3;
	v3 =	vmul.f32 v12, v61  }
0x321: {  	[tilespmem:s16+$0x30] =	vst v4  }
0x322: {  	s19 =	simm.s32 $0x10;
	s17 =	simm.s32 $0x80;
	[tilespmem:s16+$0x20] =	vst v3  }
.LBB2_21:
0x323: {  	p0 =	sne.s32 s17, $0xFC0;
	v3 =	vld [tilespmem:s19+$0x1D800];
	_ =	sdelay $0x4  }
0x324: {  	v3 =	vmax.f32 v3, $9.999999680e-21  }
0x325: {  	(erf) = vrcp.f32 v3;
	_ =	sdelay $0x1  }
0x326: {  	s16 =	sadd.s32 $0x80, s16  }
0x327: {  	v3 =	vld [tilespmem:s16+$0xFFFFFFF0]  }
0x328: {  	v4 =	vld [tilespmem:s16+$0x30]  }
0x329: {  	v5 =	vld [tilespmem:s16+$0x10]  }
0x32a: {  	v6 =	vld [tilespmem:s16+$0xFFFFFFD0]  }
0x32b: {  	v7 =	vld [tilespmem:s16+$0xFFFFFFC0]  }
0x32c: {  	v8 =	vld [tilespmem:s16+$0xFFFFFFE0]  }
0x32d: {  	v9 =	vld [tilespmem:s16+$0x0];
	v10 =	vpop (erf)  }
0x32e: {  	v11 =	vbroadcast v10, $0x0;
	v12 =	vbroadcast v10, $0x1;
	v13 =	vld [tilespmem:s16+$0x20]  }
0x32f: {  	v14 =	vbroadcast v10, $0x2;
	v10 =	vbroadcast v10, $0x3  }
0x330: {  	v7 =	vmul.f32 v11, v7;
	v6 =	vmul.f32 v11, v6  }
0x331: {  	v3 =	vmul.f32 v3, v12;
	v8 =	vmul.f32 v8, v12  }
0x332: {  	v5 =	vmul.f32 v5, v14;
	[tilespmem:s16+$0xFFFFFFC0] =	vst v7;
	v7 =	vmul.f32 v9, v14  }
0x333: {  	v4 =	vmul.f32 v4, v10;
	[tilespmem:s16+$0xFFFFFFD0] =	vst v6;
	v6 =	vmul.f32 v13, v10  }
0x334: {  	[tilespmem:s16+$0xFFFFFFE0] =	vst v8  }
.Ltmp9:
0x335: {  	[tilespmem:s16+$0xFFFFFFF0] =	vst v3;
	(pc) =	sbr.rel @p0 .LBB2_21-.Ltmp9, $4  }
0x336: {  	[tilespmem:s16+$0x0] =	vst v7  }
0x337: {  	[tilespmem:s16+$0x10] =	vst v5  }
0x338: {  	[tilespmem:s16+$0x20] =	vst v6  }
0x339: {  	s19 =	sshra.s32 s17, $0x2;
	s17 =	sadd.s32 $0x40, s17;
	[tilespmem:s16+$0x30] =	vst v4  }
0x33a: {  	v3 =	vld [tilespmem:s19+$0x1D800];
	_ =	sdelay $0x4  }
0x33b: {  	v3 =	vmax.f32 v3, $9.999999680e-21  }
0x33c: {  	(erf) = vrcp.f32 v3;
	_ =	sdelay $0x5  }
0x33d: {  	s14 =	sadd.s32 $0x80, s16  }
0x33e: {  	v3 =	vld [tilespmem:s14+$0xFFFFFFC0]  }
0x33f: {  	v4 =	vld [tilespmem:s14+$0xFFFFFFD0]  }
0x340: {  	v5 =	vld [tilespmem:s14+$0xFFFFFFE0];
	v6 =	vpop (erf)  }
0x341: {  	v9 =	vld [tilespmem:s14+$0x0];
	v8 =	vbroadcast v6, $0x0  }
0x342: {  	v10 =	vld [tilespmem:s14+$0x10]  }
0x343: {  	v7 =	vld [tilespmem:s14+$0xFFFFFFF0];
	v11 =	vbroadcast v6, $0x1;
	v3 =	vmul.f32 v8, v3  }
0x344: {  	v60 =	vld [tilespmem:s14+$0x30];
	v13 =	vbroadcast v6, $0x2;
	v4 =	vmul.f32 v8, v4  }
0x345: {  	v12 =	vld [tilespmem:s14+$0x20];
	v5 =	vmul.f32 v5, v11;
	[tilespmem:s14+$0xFFFFFFC0] =	vst v3  }
0x346: {  	v62 =	vmul.f32 v9, v13;
	[tilespmem:s14+$0xFFFFFFD0] =	vst v4  }
0x347: {  	v61 =	vbroadcast v6, $0x3;
	v63 =	vmul.f32 v10, v13;
	[tilespmem:s14+$0xFFFFFFE0] =	vst v5  }
0x348: {  	v3 =	vmul.f32 v7, v11;
	[tilespmem:s14+$0x0] =	vst v62  }
0x349: {  	v4 =	vmul.f32 v60, v61;
	[tilespmem:s14+$0x10] =	vst v63  }
0x34a: {  	s15 =	sadd.s32 s11, s15;
	s13 =	sadd.s32 $0x1, s13;
	[tilespmem:s14+$0xFFFFFFF0] =	vst v3;
	v3 =	vmul.f32 v12, v61  }
0x34b: {  	s15 =	sshll.u32 s15, $0x4;
	p0 =	sne.s32 s13, $0xA;
	[tilespmem:s14+$0x30] =	vst v4  }
.Ltmp10:
0x34c: {  	s29 =	sadd.s32 s10, s15;
	[tilespmem:s14+$0x20] =	vst v3;
	(pc) =	sbr.rel @p0 .LBB2_20-.Ltmp10, $4  }
0x34d: {  	[hbm4b:s29+s4] =	stream.linear.scatter [tilespmem:s28], [sflag:$0x2], $0x2000, $0x38;
	[tilespmem:$0x1DC00] =	vst v63  }
0x34e: {  	_ =	swait.ge [sflag:s21], $0x2000  }
0x34f: {  	[sflag:s21] =	ssyncset.done $0x0  }
0x350: {  	[sflag:s21] =	ssyncadd.s32 $0xFFFFE000  }
0x351: {  	s23 =	sadd.s32 $0x1, s23;
	s13 =	rddreg [dreg:$0xa]  }
0x352: {  	p0 =	sne.s32 s23, s13  }
.Ltmp11:
0x353: {  	_ = 	snop;
	(pc) =	sbr.rel @p0 .LBB2_1-.Ltmp11, $1  }
0x354: {  	_ =	sdelay $0x3  }
0x355: {  	_ =	sfence.sel $0x180000  }
0x356: {  	[bflag:$0x0] =	sbarrier.arrive $0xFFFF  }
0x357: {  	_ =	strace $0x9000004A  }
0x358: {  	s0 =	stileid.u32;
	[bflag:$0x2] =	sbarrier.arrive $0xFFFF  }
0x359: {  	p0 =	sne.s32 s0, $0x0;
	s0 =	rddreg [dreg:$0x4]  }
0x35a: {  	s0 =	sadd.s32 @!p0 $0x100000, s0  }
0x35b: {  	[sflag:s0] =	ssyncadd.tile.s32 @!p0 $0x1;
	_ =	shalt  }
.Lfunc_end2:
_tile_overlayer_lowered:
.L_overlay_start_2:
0x35c: {  	(tag) =	ssettag $0x2  }
0x35d: {  	s0 =	rddreg [dreg:$0x0];
	s2 =	stileid.u32  }
0x35e: {  	s1 =	rddreg [dreg:$0x1];
	p0 =	sne.s32 s2, $0x0  }
0x35f: {  	s3 =	rddreg [dreg:$0x2];
	[bflag:$0x3] =	sbarrier.arrive $0xFFFF;
	s2 =	simm.s32 @!p0 $0x1C02  }
0x360: {  	[timem:s3], [sflag:s2] =	dma.local @!p0 [hbm:s0], s1  }
0x361: {  	s0 =	simm.s32 @!p0 $0x2  }
0x362: {  	_ =	swait.ge @!p0 [sflag:s0], s1  }
0x363: {  	s1 =	ssub.s32 @!p0 $0x0, s1;
	[sflag:s0] =	ssyncset.done @!p0 $0x0  }
0x364: {  	[sflag:s0] =	ssyncadd.s32 @!p0 s1  }
0x365: {  	[bflag:$0x3] =	sbarrier.arrive $0xFFFF  }
0x366: {  	_ =	shalt  }

// kernel: kernel.8.cloned.1.call-start
scs
__scs_entry_jumppad:
0x0: {  	(pc) =	sbr.rel $0x88, $3  }
0x1: {  	(tag) =	ssettag $0x0;
	lr =	simm.s32 $0x1  }
0x2: {  	[smem:$0x3F8B] =	sst lr;
	_ =	strace $0xD0000000  }
0x3: {  	_ = 	snop  }
0x4: {  	_ = 	snop  }
0x5: {  	_ = 	snop  }
0x6: {  	_ = 	snop  }
0x7: {  	_ = 	snop  }
__scs_overlays_trampoline_lowered:
0x8: {  	[smem:$0x3F9A] =	sst s0  }
0x9: {  	[smem:$0x3F9B] =	sst s1  }
0xa: {  	[smem:$0x3F9C] =	sst s2  }
0xb: {  	[smem:$0x3F9D] =	sst s3  }
0xc: {  	[smem:$0x3F9E] =	sst s4  }
0xd: {  	[smem:$0x3F9F] =	sst s5  }
0xe: {  	[smem:$0x3FA0] =	sst s6  }
0xf: {  	[smem:$0x3FA1] =	sst s7  }
0x10: {  	[smem:$0x3FA2] =	sst s8  }
0x11: {  	[smem:$0x3FA3] =	sst s9;
	s0 =	simm.s32 @!p0 $0x0  }
0x12: {  	s1 =	sld [smem:$0x3F89];
	s0 =	simm.s32 @p0 $0x1  }
0x13: {  	[smem:$0x3FA4] =	sst s0;
	s0 =	simm.s32 @!p1 $0x0  }
0x14: {  	s2 =	sld [smem:$0x3F88];
	s0 =	simm.s32 @p1 $0x1  }
0x15: {  	[smem:$0x3FA5] =	sst s0;
	s0 =	simm.s32 @!p2 $0x0  }
0x16: {  	s3 =	sld [smem:$0x3FDB];
	s0 =	simm.s32 @p2 $0x1  }
0x17: {  	s4 =	simm.s32 $0x1BF5;
	[smem:$0x3FA7] =	sst s0  }
0x18: {  	s0 =	sld [smem:$0x3F8A];
	_ =	swait.ge [sflag:s4], $0x0  }
0x19: {  	s7 =	sld [smem:$0x3F8B]  }
0x1a: {  	s8 =	sadd.s32 $0xFFFFE003, lr  }
0x1b: {  	s9 =	sadd.s32 $0xFFFFFEF7, lr;
	s5 =	simm.s32 $0xFFFFFFFF;
	p2 =	slt.u32 s8, $0xFFFFF086  }
0x1c: {  	p1 =	slt.u32 s9, $0xF7A;
	s5 =	simm.s32 @!p2 $0x0  }
0x1d: {  	s5 =	simm.s32 @p1 $0x1;
	p0 =	seq.s32 s7, s2  }
0x1e: {  	s7 =	smul.u32 @!p0 $0xF7A, s2;
	p2 =	seq.s32 @!p0 s5, $0x0  }
0x1f: {  	s9 =	smul.u32 $0xF7A, s1;
	s8 =	simm.s32 @!p0 $0x1BF5;
	p2 =	por !p2, p0  }
0x20: {  	[sflag:s8] =	ssyncset.s32 @!p0 $0xFFFFF086;
	s6 =	sadd.s32 @!p0 s3, s7;
	s7 =	simm.s32 @!p0 $0x108  }
0x21: {  	s3 =	sadd.s32 s3, s9;
	s6 =	sadd.s32 @!p0 $0x88, s6;
	s7 =	simm.s32 @p2 $0x1082  }
0x22: {  	[simem:s7], [sflag:s8] =	dma.local @!p0 [hbm:s6], $0xF7A  }
0x23: {  	s9 =	sor.u32 $0xD0000000, s2;
	s6 =	simm.s32 $0x108;
	_ =	swait.ge @!p0 [sflag:s8], $0x0  }
0x24: {  	s3 =	sadd.s32 $0x88, s3;
	s6 =	simm.s32 @!p1 $0x1082;
	[sflag:s4] =	ssyncset.s32 $0xFFFFF086  }
0x25: {  	[simem:s6], [sflag:s4] =	dma.local [hbm:s3], $0xF7A  }
0x26: {  	[smem:$0x3F8B] =	sst s1;
	(tag) =	ssettag s2;
	_ =	strace s9  }
0x27: {  	s1 =	sld [smem:$0x3F9B]  }
0x28: {  	s2 =	sld [smem:$0x3F9C]  }
0x29: {  	s4 =	sld [smem:$0x3F9E]  }
0x2a: {  	p0 =	seq.s32 s5, $0x0;
	s5 =	sld [smem:$0x3F9F]  }
0x2b: {  	s6 =	sld [smem:$0x3FA0]  }
0x2c: {  	s7 =	sld [smem:$0x3FA1]  }
0x2d: {  	s3 =	simm.s32 $0x108;
	s8 =	sld [smem:$0x3FA2]  }
0x2e: {  	s3 =	simm.s32 @!p0 $0x1082;
	s9 =	sld [smem:$0x3FA3]  }
0x2f: {  	lr =	sadd.s32 s0, s3;
	s0 =	sld [smem:$0x3F9A]  }
0x30: {  	s3 =	sld [smem:$0x3F9D]  }
0x31: {  	[smem:$0x3FA6] =	sst s10  }
0x32: {  	s10 =	sld [smem:$0x3FA4];
	_ =	sdelay $0x3  }
0x33: {  	p0 =	seq.s32 s10, $0x1;
	s10 =	sld [smem:$0x3FA6];
	_ =	sdelay $0x3  }
0x34: {  	[smem:$0x3FA6] =	sst s10  }
0x35: {  	s10 =	sld [smem:$0x3FA5];
	_ =	sdelay $0x3  }
0x36: {  	p1 =	seq.s32 s10, $0x1;
	s10 =	sld [smem:$0x3FA6];
	_ =	sdelay $0x3  }
0x37: {  	[smem:$0x3FA6] =	sst s10  }
0x38: {  	s10 =	sld [smem:$0x3FA7]  }
0x39: {  	_ = 	snop;
	(pc) =	sbr.ind lr, $3  }
0x3a: {  	_ = 	snop  }
0x3b: {  	_ = 	snop  }
0x3c: {  	p2 =	seq.s32 s10, $0x1;
	s10 =	sld [smem:$0x3FA6]  }
0x3d: {  	_ =	shalt  }
0x3e: {  	_ =	shalt  }
0x3f: {  	_ =	shalt  }
0x40: {  	_ =	shalt  }
0x41: {  	_ =	shalt  }
0x42: {  	_ =	shalt  }
0x43: {  	_ =	shalt  }
0x44: {  	_ =	shalt  }
0x45: {  	_ =	shalt  }
0x46: {  	_ =	shalt  }
0x47: {  	_ =	shalt  }
0x48: {  	_ =	shalt  }
0x49: {  	_ =	shalt  }
0x4a: {  	_ =	shalt  }
0x4b: {  	_ =	shalt  }
0x4c: {  	_ =	shalt  }
0x4d: {  	_ =	shalt  }
0x4e: {  	_ =	shalt  }
0x4f: {  	_ =	shalt  }
0x50: {  	_ =	shalt  }
0x51: {  	_ =	shalt  }
0x52: {  	_ =	shalt  }
0x53: {  	_ =	shalt  }
0x54: {  	_ =	shalt  }
0x55: {  	_ =	shalt  }
0x56: {  	_ =	shalt  }
0x57: {  	_ =	shalt  }
0x58: {  	_ =	shalt  }
0x59: {  	_ =	shalt  }
0x5a: {  	_ =	shalt  }
0x5b: {  	_ =	shalt  }
0x5c: {  	_ =	shalt  }
0x5d: {  	_ =	shalt  }
0x5e: {  	_ =	shalt  }
0x5f: {  	_ =	shalt  }
0x60: {  	_ =	shalt  }
0x61: {  	_ =	shalt  }
0x62: {  	_ =	shalt  }
0x63: {  	_ =	shalt  }
0x64: {  	_ =	shalt  }
0x65: {  	_ =	shalt  }
0x66: {  	_ =	shalt  }
0x67: {  	_ =	shalt  }
0x68: {  	_ =	shalt  }
0x69: {  	_ =	shalt  }
0x6a: {  	_ =	shalt  }
0x6b: {  	_ =	shalt  }
0x6c: {  	_ =	shalt  }
0x6d: {  	_ =	shalt  }
0x6e: {  	_ =	shalt  }
0x6f: {  	_ =	shalt  }
0x70: {  	_ =	shalt  }
0x71: {  	_ =	shalt  }
0x72: {  	_ =	shalt  }
0x73: {  	_ =	shalt  }
0x74: {  	_ =	shalt  }
0x75: {  	_ =	shalt  }
0x76: {  	_ =	shalt  }
0x77: {  	_ =	shalt  }
0x78: {  	_ =	shalt  }
0x79: {  	_ =	shalt  }
0x7a: {  	_ =	shalt  }
0x7b: {  	_ =	shalt  }
0x7c: {  	_ =	shalt  }
0x7d: {  	_ =	shalt  }
0x7e: {  	_ =	shalt  }
0x7f: {  	_ =	shalt  }
0x80: {  	_ =	shalt  }
0x81: {  	_ =	shalt  }
0x82: {  	_ =	shalt  }
0x83: {  	_ =	shalt  }
0x84: {  	_ =	shalt  }
0x85: {  	_ =	shalt  }
0x86: {  	_ =	shalt  }
0x87: {  	_ =	shalt  }
.Lfunc_end0:
.L_simem_size_0:
called_computation_lowered:
.L_overlay_start_0:
0x88: {  	s2 =	sld [smem:$0x3FD9]  }
0x89: {  	s3 =	sld [smem:$0x3FFE];
	_ =	sdelay $0x1  }
0x8a: {  	s1 =	srdreg.scid  }
0x8b: {  	s0 =	sand.u32 $0x1, s1  }
0x8c: {  	s17 =	sshll.u32 s0, $0xA;
	s2 =	sadd.s32 s3, s2  }
0x8d: {  	s2 =	sadd.s32 s2, s17  }
0x8e: {  	[smem:$0x3FB2] =	sst s2  }
0x8f: {  	_ = 	snop  }
0x90: {  	s2 =	sld [smem:$0x3FD0];
	(tm) =	ssettm $0x1  }
0x91: {  	s18 =	sld [smem:$0x3FFB];
	_ =	sdelay $0x3  }
0x92: {  	_ =	strace s18  }
0x93: {  	s3 =	sld [smem:$0x3FFC];
	_ =	sdelay $0x3  }
0x94: {  	_ =	strace s3  }
0x95: {  	s3 =	sld [smem:$0x3FFD];
	_ =	sdelay $0x3  }
0x96: {  	_ =	strace s3  }
0x97: {  	_ =	strace $0x8FFFFFFF  }
0x98: {  	s19 =	sld [smem:$0x3FDB];
	_ =	sdelay $0x1  }
0x99: {  	s4 =	simm.s32 $_scs_section_size  }
0x9a: {  	s5 =	simm.s32 $_size__tile_overlayer_lowered;
	s6 =	simm.s32 $_tile_overlayer_lowered  }
0x9b: {  	s22 =	simm.s32 $0x1BFF;
	s21 =	sshll.u32 s6, $0x1;
	s3 =	sadd.s32 s4, s19  }
0x9c: {  	s7 =	simm.s32 $0x0;
	s20 =	sshll.u32 s5, $0x1;
	s5 =	sadd.s32 s21, s3  }
0x9d: {  	[timem:s7], [sflag:s22] =	dma.local [hbm:s5], s20  }
0x9e: {  	_ =	swait.ge [sflag:s22], s20  }
0x9f: {  	s4 =	ssub.s32 $0x0, s20;
	[sflag:s22] =	ssyncset.done $0x0  }
0xa0: {  	[sflag:s22] =	ssyncadd.s32 s4;
	_ =	sdelay $0x1  }
0xa1: {  	s23 =	simm.s32 $0x1B8B  }
0xa2: {  	_ =	swait.ge [sflag:s23], $0x1  }
0xa3: {  	[sflag:s23] =	ssyncset.done $0x0  }
0xa4: {  	s25 =	simm.s32 $0x1B8E;
	s24 =	sld [smem:$0x3FFE];
	[sflag:s23] =	ssyncadd.s32 $0xFFFFFFFF  }
0xa5: {  	s26 =	simm.s32 $execute0_lowered;
	[smem:$0x3FD2] =	sst s25  }
0xa6: {  	s5 =	sshll.u32 s26, $0x1;
	_ =	strace $0x80000046;
	[dreg:$0x1] =	wrdreg $0xFFFFFFFF  }
0xa7: {  	s28 =	simm.s32 $_size_execute0_lowered;
	s3 =	sadd.s32 s3, s5;
	[dreg:$0x0] =	wrdreg $0x0  }
0xa8: {  	s5 =	sshll.u32 s28, $0x1;
	[dreg:$0x2] =	wrdreg s3  }
0xa9: {  	[dreg:$0x3] =	wrdreg s5  }
0xaa: {  	[dreg:$0x4] =	wrdreg $0xC0  }
0xab: {  	_ =	task [dreg:s7], $0x5FFFF  }
0xac: {  	[dreg:$0x1] =	wrdreg $0xFFFFFFFF  }
0xad: {  	[dreg:$0x0] =	wrdreg $0x60  }
0xae: {  	[dreg:$0x2] =	wrdreg s24  }
0xaf: {  	[dreg:$0x3] =	wrdreg s2  }
0xb0: {  	[dreg:$0x4] =	wrdreg $0x0  }
0xb1: {  	[dreg:$0x5] =	wrdreg $0x140000  }
0xb2: {  	[dreg:$0x6] =	wrdreg $0x9  }
0xb3: {  	_ =	task.clear_ibuf [dreg:s7], $0x7FFFF;
	_ =	strace $0x90000046  }
0xb4: {  	s29 =	simm.s32 $0x9;
	_ =	strace $0x80000048  }
0xb5: {  	_ =	swait.ge [sflag:s29], $0x1  }
0xb6: {  	[sflag:s29] =	ssyncadd.s32 $0xFFFFFFFF  }
0xb7: {  	_ =	strace $0x90000048  }
0xb8: {  	_ =	sfence  }
0xb9: {  	s30 =	sld [smem:$0x0];
	_ =	sdelay $0x2  }
0xba: {  	s31 =	sshll.u32 s1, $0xD;
	s1 =	sshrl.u32 s1, $0x2  }
0xbb: {  	s3 =	sand.u32 $0x4000, s31;
	s1 =	sadd.s32 s1, s30  }
0xbc: {  	s0 =	sor.u32 s3, s0;
	s1 =	sshll.u32 s1, $0x11  }
0xbd: {  	s0 =	sor.u32 s1, s0  }
0xbe: {  	s0 =	sadd.s32 $0x8F2B, s0  }
0xbf: {  	[sflag:s0] =	ssyncadd.remote.s32 $0x1  }
0xc0: {  	_ =	sfence.sel $0xFFFF  }
0xc1: {  	[dreg:$0x0] =	wrdreg $0xFFFFFFFF;
	(pc) =	sbr.abs _section_cstart, $3  }
0xc2: {  	[dreg:$0x1] =	wrdreg $0xFFFFFFFF  }
0xc3: {  	_ =	task.clear_ibuf [dreg:s7], $0x2FFFF;
	_ =	strace $0x9FFFFFFF  }
0xc4: {  	(tm) =	ssettm $0x7FFFFFFF  }
0xc5: {  	_ =	shalt  }
tec
execute0_lowered:
.L_overlay_start_1:
0x0: {  	(tag) =	ssettag $0x1  }
0x1: {  	s0 =	rddreg [dreg:$0x0]  }
0x2: {  	s3 =	rddreg [dreg:$0x1]  }
0x3: {  	s1 =	rddreg [dreg:$0x2]  }
0x4: {  	s2 =	rddreg [dreg:$0x3]  }
0x5: {  	s4 =	simm.s32 $0x0;
	s18 =	stileid.u32;
	s9 =	srdreg.scid  }
0x6: {  	s28 =	simm.s32 $0x17800;
	s30 =	simm.s32 $0x19800;
	s31 =	simm.s32 $0x1B800  }
0x7: {  	[smem:$0x7FF] =	sst s4;
	s5 =	sadd.s32 $0xE000, s0;
	s6 =	sadd.s32 $0xAE000, s0  }
0x8: {  	s13 =	smul.u32 $0x2800, s18;
	s7 =	sadd.s32 $0x5E000, s0;
	s8 =	sadd.s32 $0x9000, s0  }
0x9: {  	s11 =	sand.u32 $0x1, s9;
	s9 =	sadd.s32 $0x4000, s0;
	s16 =	smul.u32 $0x14000, s18  }
0xa: {  	s20 =	sshll.u32 s18, $0x6;
	s21 =	smul.u32 $0x4E8, s18;
	_ =	strace $0x80000047  }
0xb: {  	s12 =	ssub.s32 $0x2, s11;
	s11 =	smul.u32 $0x2800, s11;
	s10 =	sshrl.u32 s13, $0x3  }
0xc: {  	s14 =	sshrl.u32 s12, $0x1;
	s17 =	sadd.s32 s16, s1;
	s24 =	sadd.s32 s8, s21  }
0xd: {  	s19 =	sshrl.u32 s16, $0x3;
	s25 =	sadd.s32 s9, s21;
	[dreg:$0x8] =	wrdreg s24  }
0xe: {  	s22 =	sadd.s32 s13, s2;
	s3 =	sadd.s32 s3, s19;
	[dreg:$0x9] =	wrdreg s25  }
0xf: {  	s21 =	simm.s32 $0x2;
	s26 =	sshrl.u32 s17, $0x3;
	[dreg:$0x5] =	wrdreg s3  }
0x10: {  	s15 =	sadd.s32 s10, s0;
	s3 =	sor.u32 $0x1C02, s20;
	[dreg:$0xb] =	wrdreg s26  }
0x11: {  	s29 =	ssub.s32 s12, s14;
	s23 =	sadd.s32 $0xFE000, s15;
	[dreg:$0x6] =	wrdreg s3  }
0x12: {  	s10 =	sadd.s32 $0x103000, s0;
	s0 =	smax.u32 s29, $0x1;
	[dreg:$0x7] =	wrdreg s23  }
0x13: {  	s12 =	smul.u32 $0x280, s18;
	s29 =	sshrl.u32 s22, $0x3;
	[dreg:$0xa] =	wrdreg s0  }
0x14: {  	s18 =	smul.u32 $0x2740, s18;
	s25 =	simm.s32 $0x20;
	[dreg:$0xc] =	wrdreg s29  }
0x15: {  	v1 =	vimm.f32 $0.0e+00;
	v2 =	vlaneseq.u32;
	v0 =	vmov s11;
	s0 =	simm.s32 $0x1;
	s3 =	simm.s32 $0x1D800;
	s23 =	simm.s32 $0x0  }
.LBB2_1:
0x16: {  	s13 =	rddreg [dreg:$0x5]  }
0x17: {  	s14 =	rddreg [dreg:$0x6]  }
0x18: {  	s15 =	rddreg [dreg:$0xb]  }
0x19: {  	[spmem:s15], [sflag:s14] =	dma.local [hbm:s13], $0x2800  }
0x1a: {  	_ =	swait.ge [sflag:s21], $0x2800  }
0x1b: {  	[sflag:s21] =	ssyncset.done $0x0;
	s26 =	rddreg [dreg:$0x7]  }
0x1c: {  	s29 =	rddreg [dreg:$0xc];
	[sflag:s21] =	ssyncadd.s32 $0xFFFFD800  }
0x1d: {  	[spmem:s29], [sflag:s14] =	dma.local [hbm:s26], $0x500  }
0x1e: {  	_ =	swait.ge [sflag:s21], $0x500  }
0x1f: {  	[sflag:s21] =	ssyncset.done $0x0  }
0x20: {  	[sflag:s21] =	ssyncadd.s32 $0xFFFFFB00  }
0x21: {  	s13 =	simm.s32 $0x40;
	s15 =	simm.s32 $0x0;
	[bflag:$0x0] =	sbarrier.arrive $0xFFFF  }
.LBB2_2:
0x22: {  	p0 =	sne.s32 s13, $0xFC0;
	[tilespmem:s15+$0x1D800] =	vst v1;
	s15 =	smov.u32 s13;
	s13 =	sadd.s32 $0x40, s13  }
.Ltmp0:
0x23: {  	(pc) =	sbr.rel @p0 .LBB2_2-.Ltmp0, $2  }
0x24: {  	_ =	sdelay $0x2  }
0x25: {  	s15 =	sshra.s32 s15, $0x2  }
0x26: {  	[tilespmem:s15+$0x1D800] =	vst v1;
	s13 =	simm.s32 $0x0;
	s14 =	rddreg [dreg:$0x8];
	s24 =	simm.s32 $0x16800  }
0x27: {  	[tilespmem:s24], [sflag:$0x2] =	stream.linear.gather [hbm4b:s14+s13], $0x200, $0x38;
	[tilespmem:$0x1DC00] =	vst v63  }
0x28: {  	_ =	swait.ge [sflag:s21], $0x200  }
0x29: {  	[sflag:s21] =	ssyncset.done $0x0  }
0x2a: {  	s29 =	simm.s32 $0x16C00;
	s26 =	rddreg [dreg:$0x9];
	[sflag:s21] =	ssyncadd.s32 $0xFFFFFE00  }
0x2b: {  	[tilespmem:s29], [sflag:$0x2] =	stream.linear.gather [hbm4b:s26+s13], $0x200, $0x38;
	[tilespmem:$0x1DC00] =	vst v63  }
0x2c: {  	_ =	swait.ge [sflag:s21], $0x200  }
0x2d: {  	[sflag:s21] =	ssyncset.done $0x0  }
0x2e: {  	s13 =	simm.s32 $0x0;
	[sflag:s21] =	ssyncadd.s32 $0xFFFFFE00  }
0x2f: {  	v5 =	vld [tilespmem:s13+$0x16C10]  }
0x30: {  	v6 =	vld [tilespmem:s13+$0x16800]  }
0x31: {  	v3 =	vld [tilespmem:s13+$0x16C00]  }
0x32: {  	s15 =	simm.s32 $0x80;
	v4 =	vld [tilespmem:s13+$0x16810]  }
.LBB2_4:
0x33: {  	p0 =	sne.s32 s15, $0x780  }
.Ltmp1:
0x34: {  	s16 =	sshra.s32 s15, $0x2;
	s15 =	sadd.s32 $0x80, s15;
	v7 =	vadd.s32 v0, v5;
	(pc) =	sbr.rel @p0 .LBB2_4-.Ltmp1, $4  }
0x35: {  	v5 =	vld [tilespmem:s16+$0x16C10];
	v8 =	vadd.s32 v0, v6;
	[tilespmem:s13+$0x17410] =	vst v7  }
0x36: {  	v6 =	vld [tilespmem:s16+$0x16800];
	[tilespmem:s13+$0x17000] =	vst v8;
	v7 =	vadd.s32 v0, v3  }
0x37: {  	v3 =	vld [tilespmem:s16+$0x16C00];
	[tilespmem:s13+$0x17400] =	vst v7;
	v7 =	vadd.s32 v0, v4  }
0x38: {  	v4 =	vld [tilespmem:s16+$0x16810];
	[tilespmem:s13+$0x17010] =	vst v7;
	s13 =	smov.u32 s16  }
0x39: {  	_ = 	snop  }
0x3a: {  	v5 =	vadd.s32 v0, v5  }
0x3b: {  	v6 =	vadd.s32 v0, v6;
	[tilespmem:s13+$0x17410] =	vst v5  }
0x3c: {  	[tilespmem:s13+$0x17000] =	vst v6;
	v3 =	vadd.s32 v0, v3  }
0x3d: {  	[tilespmem:s13+$0x17400] =	vst v3;
	v3 =	vadd.s32 v0, v4  }
0x3e: {  	s29 =	simm.s32 $0x17000;
	[tilespmem:s13+$0x17010] =	vst v3  }
0x3f: {  	[tilespmem:s28], [sflag:$0x1] =	stream.indirect.gather [hbm4b:s5+s25], $0x80, s29, s25, $0xb8;
	[tilespmem:$0x1DC00] =	vst v63  }
0x40: {  	s14 =	simm.s32 $0x17400  }
0x41: {  	[tilespmem:s30], [sflag:$0x1] =	stream.indirect.gather [hbm4b:s6+s25], $0x80, s14, s25, $0xb8;
	[tilespmem:$0x1DC00] =	vst v63  }
0x42: {  	s26 =	simm.s32 $0x0  }
0x43: {  	[tilespmem:s31], [sflag:$0x1] =	stream.indirect.gather [hbm4b:s7+s25], $0x80, s29, s25, $0xb8;
	[tilespmem:$0x1DC00] =	vst v63  }
.LBB2_6:
0x44: {  	_ =	swait.ge [sflag:s0], $0x1000  }
0x45: {  	[sflag:s0] =	ssyncset.done $0x0  }
0x46: {  	s24 =	sand.u32 $0xF, s26;
	[sflag:s0] =	ssyncadd.s32 $0xFFFFF000  }
0x47: {  	p0 =	sne.s32 s24, $0x0;
	_ =	swait.ge [sflag:s0], $0x1000  }
.Ltmp2:
0x48: {  	[sflag:s0] =	ssyncset.done $0x0;
	(pc) =	sbr.rel @p0 .LBB2_10-.Ltmp2, $4  }
0x49: {  	[sflag:s0] =	ssyncadd.s32 $0xFFFFF000  }
0x4a: {  	_ =	swait.ge [sflag:s0], $0x1000  }
0x4b: {  	s13 =	sshrl.u32 s26, $0x4;
	[sflag:s0] =	ssyncset.done $0x0  }
0x4c: {  	s29 =	sshll.u32 s13, $0x9;
	[sflag:s0] =	ssyncadd.s32 $0xFFFFF000  }
0x4d: {  	s13 =	sadd.s32 $0x200, s29  }
0x4e: {  	s15 =	sxor.u32 $0xFFFFFFFF, s26;
	s16 =	sadd.s32 s18, s13  }
0x4f: {  	s20 =	simm.s32 $0x0;
	s13 =	sand.u32 $0x200, s13;
	s16 =	sshrl.u32 s16, $0x3  }
0x50: {  	s15 =	sshll.u32 s15, $0x5;
	s17 =	sor.u32 $0x16800, s13;
	s19 =	sadd.s32 s8, s16  }
0x51: {  	[tilespmem:s17], [sflag:$0x2] =	stream.linear.gather [hbm4b:s19+s20], $0x200, $0x38;
	[tilespmem:$0x1DC00] =	vst v63  }
0x52: {  	s15 =	sand.u32 $0x200, s15;
	_ =	swait.ge [sflag:s21], $0x200  }
0x53: {  	s19 =	sor.u32 $0x16800, s15;
	[sflag:s21] =	ssyncset.done $0x0  }
0x54: {  	s13 =	sor.u32 $0x16C00, s13;
	s16 =	sadd.s32 s9, s16;
	v3 =	vmov s19;
	[sflag:s21] =	ssyncadd.s32 $0xFFFFFE00  }
0x55: {  	[tilespmem:s13], [sflag:$0x2] =	stream.linear.gather [hbm4b:s16+s20], $0x200, $0x38;
	[tilespmem:$0x1DC00] =	vst v63  }
0x56: {  	_ =	swait.ge [sflag:s21], $0x200  }
0x57: {  	[sflag:s21] =	ssyncset.done $0x0  }
0x58: {  	s13 =	simm.s32 $0x0;
	[sflag:s21] =	ssyncadd.s32 $0xFFFFFE00  }
0x59: {  	s20 =	sor.u32 $0x17000, s15;
	v6 =	vld.idx.msk [tilespmem:v3+s13+$0x0 ss:$0x1], $0xffff  }
0x5a: {  	s22 =	sor.u32 $0x16C00, s15;
	v4 =	vmov s20  }
0x5b: {  	v5 =	vmov s22;
	_ =	sdelay $0x2  }
0x5c: {  	v6 =	vadd.s32 v0, v6  }
0x5d: {  	[tilespmem:v4+s13+$0x0 ss:$0x1] =	vst.idx.msk $0xffff, v6  }
0x5e: {  	s15 =	sor.u32 $0x17400, s15;
	v7 =	vld.idx.msk [tilespmem:v5+s13+$0x0 ss:$0x1], $0xffff  }
0x5f: {  	v6 =	vmov s15;
	_ =	sdelay $0x3  }
0x60: {  	v7 =	vadd.s32 v0, v7  }
0x61: {  	[tilespmem:v6+s13+$0x0 ss:$0x1] =	vst.idx.msk $0xffff, v7  }
0x62: {  	v7 =	vld.idx.msk [tilespmem:v3+s13+$0x10 ss:$0x1], $0xffff;
	_ =	sdelay $0x4  }
0x63: {  	v7 =	vadd.s32 v0, v7  }
0x64: {  	[tilespmem:v4+s13+$0x10 ss:$0x1] =	vst.idx.msk $0xffff, v7  }
0x65: {  	v7 =	vld.idx.msk [tilespmem:v5+s13+$0x10 ss:$0x1], $0xffff;
	_ =	sdelay $0x4  }
0x66: {  	s16 =	simm.s32 $0x100;
	s15 =	simm.s32 $0x80;
	v7 =	vadd.s32 v0, v7  }
.LBB2_8:
0x67: {  	p0 =	sne.s32 s16, $0x780  }
0x68: {  	[tilespmem:v6+s13+$0x10 ss:$0x1] =	vst.idx.msk $0xffff, v7;
	s13 =	sshra.s32 s15, $0x2;
	s15 =	smov.u32 s16;
	s16 =	sadd.s32 $0x80, s16  }
0x69: {  	v7 =	vld.idx.msk [tilespmem:v3+s13+$0x0 ss:$0x1], $0xffff;
	_ =	sdelay $0x5  }
0x6a: {  	v7 =	vadd.s32 v0, v7  }
0x6b: {  	[tilespmem:v4+s13+$0x0 ss:$0x1] =	vst.idx.msk $0xffff, v7  }
0x6c: {  	v7 =	vld.idx.msk [tilespmem:v5+s13+$0x0 ss:$0x1], $0xffff;
	_ =	sdelay $0x5  }
0x6d: {  	v7 =	vadd.s32 v0, v7  }
0x6e: {  	[tilespmem:v6+s13+$0x0 ss:$0x1] =	vst.idx.msk $0xffff, v7  }
0x6f: {  	v7 =	vld.idx.msk [tilespmem:v3+s13+$0x10 ss:$0x1], $0xffff;
	_ =	sdelay $0x5  }
0x70: {  	v7 =	vadd.s32 v0, v7  }
0x71: {  	[tilespmem:v4+s13+$0x10 ss:$0x1] =	vst.idx.msk $0xffff, v7  }
0x72: {  	v7 =	vld.idx.msk [tilespmem:v5+s13+$0x10 ss:$0x1], $0xffff;
	_ =	sdelay $0x1  }
.Ltmp3:
0x73: {  	(pc) =	sbr.rel @p0 .LBB2_8-.Ltmp3, $2  }
0x74: {  	_ =	sdelay $0x2  }
0x75: {  	v7 =	vadd.s32 v0, v7  }
0x76: {  	_ =	sdelay $0x3  }
0x77: {  	s15 =	sshra.s32 s15, $0x2;
	[tilespmem:v6+s13+$0x10 ss:$0x1] =	vst.idx.msk $0xffff, v7  }
0x78: {  	v7 =	vld.idx.msk [tilespmem:v3+s15+$0x0 ss:$0x1], $0xffff;
	_ =	sdelay $0x4  }
0x79: {  	v7 =	vadd.s32 v0, v7  }
0x7a: {  	[tilespmem:v4+s15+$0x0 ss:$0x1] =	vst.idx.msk $0xffff, v7  }
0x7b: {  	v7 =	vld.idx.msk [tilespmem:v5+s15+$0x0 ss:$0x1], $0xffff;
	_ =	sdelay $0x4  }
0x7c: {  	v7 =	vadd.s32 v0, v7  }
0x7d: {  	[tilespmem:v6+s15+$0x0 ss:$0x1] =	vst.idx.msk $0xffff, v7  }
0x7e: {  	v3 =	vld.idx.msk [tilespmem:v3+s15+$0x10 ss:$0x1], $0xffff;
	_ =	sdelay $0x4  }
0x7f: {  	v3 =	vadd.s32 v0, v3  }
0x80: {  	[tilespmem:v4+s15+$0x10 ss:$0x1] =	vst.idx.msk $0xffff, v3  }
0x81: {  	v3 =	vld.idx.msk [tilespmem:v5+s15+$0x10 ss:$0x1], $0xffff;
	_ =	sdelay $0x4  }
0x82: {  	v3 =	vadd.s32 v0, v3  }
0x83: {  	[tilespmem:v6+s15+$0x10 ss:$0x1] =	vst.idx.msk $0xffff, v3  }
.LBB2_10:
0x84: {  	s13 =	sand.u32 $0x1, s26  }
0x85: {  	p0 =	seq.s32 s26, $0x139;
	s26 =	sadd.s32 $0x1, s26;
	s16 =	sshll.u32 s13, $0x5  }
0x86: {  	s15 =	sshll.u32 @!p0 s13, $0xC;
	s17 =	sshll.u32 @!p0 s26, $0x5;
	v8 =	vor.u32 s16, v2  }
0x87: {  	s14 =	simm.s32 $0x0;
	s15 =	sxor.u32 @!p0 $0x1000, s15;
	s17 =	sand.u32 @!p0 $0x3E0, s17;
	v5 =	vshll.u32 v8, $0x7  }
0x88: {  	s22 =	simm.s32 @!p0 $0x20;
	v6 =	vadd.s32 s14, v2;
	s19 =	sadd.s32 @!p0 $0x17800, s15;
	s20 =	sor.u32 @!p0 $0x17000, s17;
	v4 =	vor.u32 $0x20, v5  }
0x89: {  	[tilespmem:s19], [sflag:$0x1] =	stream.indirect.gather @!p0 [hbm4b:s5+s22], $0x80, s20, s22, $0xb8;
	v7 =	vor.u32 v6, v4;
	[tilespmem:$0x1DC00] =	vst v63  }
0x8a: {  	s14 =	sadd.s32 @!p0 $0x19800, s15;
	s17 =	sor.u32 @!p0 $0x17400, s17;
	v3 =	vor.u32 $0x60, v5;
	s19 =	simm.s32 $0x2  }
0x8b: {  	v10 =	vor.u32 v6, v3;
	[tilespmem:s14], [sflag:$0x1] =	stream.indirect.gather @!p0 [hbm4b:s6+s22], $0x80, s17, s22, $0xb8;
	[tilespmem:$0x1DC00] =	vst v63  }
0x8c: {  	s15 =	sadd.s32 @!p0 $0x1B800, s15;
	v21 =	vadd.s32 s19, v2  }
0x8d: {  	v19 =	vor.u32 v21, v3;
	[tilespmem:s15], [sflag:$0x1] =	stream.indirect.gather @!p0 [hbm4b:s7+s22], $0x80, s20, s22, $0xb8;
	[tilespmem:$0x1DC00] =	vst v63  }
0x8e: {  	v6 =	vand.u32 $0x1F, v6;
	s17 =	simm.s32 $0x3;
	v9 =	vld.idx.msk [tilespmem:v7+s28+$0x0], $0xffff  }
0x8f: {  	v30 =	vor.u32 v5, v6;
	v20 =	vadd.s32 s17, v2;
	v11 =	vld.idx.msk [tilespmem:v7+s30+$0x0], $0xffff  }
0x90: {  	v13 =	vor.u32 v20, v4;
	v12 =	vld.idx.msk [tilespmem:v10+s28+$0x0], $0xffff  }
0x91: {  	v15 =	vld.idx.msk [tilespmem:v10+s30+$0x0], $0xffff  }
0x92: {  	v17 =	vor.u32 v20, v3;
	v18 =	vld.idx.msk [tilespmem:v19+s28+$0x0], $0xffff  }
0x93: {  	v19 =	vld.idx.msk [tilespmem:v19+s30+$0x0], $0xffff  }
0x94: {  	v7 =	vor.u32 v21, v4;
	v29 =	vld.idx.msk [tilespmem:v30+s28+$0x0], $0xffff  }
0x95: {  	s20 =	simm.s32 $0x1;
	v14 =	vld.idx.msk [tilespmem:v13+s28+$0x0], $0xffff  }
0x96: {  	v22 =	vadd.s32 s20, v2;
	v16 =	vld.idx.msk [tilespmem:v13+s30+$0x0], $0xffff  }
0x97: {  	v24 =	vor.u32 v22, v4;
	v10 =	vld.idx.msk [tilespmem:v17+s28+$0x0], $0xffff  }
0x98: {  	v13 =	vld.idx.msk [tilespmem:v17+s30+$0x0], $0xffff  }
0x99: {  	v17 =	vor.u32 v22, v3;
	v23 =	vld.idx.msk [tilespmem:v7+s28+$0x0], $0xffff  }
0x9a: {  	v25 =	vld.idx.msk [tilespmem:v7+s30+$0x0], $0xffff;
	v7 =	vor.u32 $0x40, v5  }
0x9b: {  	v31 =	vld.idx.msk [tilespmem:v30+s30+$0x0], $0xffff;
	v33 =	vor.u32 v6, v7  }
0x9c: {  	v32 =	vand.u32 $0x1F, v20;
	v27 =	vld.idx.msk [tilespmem:v24+s28+$0x0], $0xffff  }
0x9d: {  	v34 =	vand.u32 $0x1F, v21;
	v36 =	vor.u32 v5, v32;
	v28 =	vld.idx.msk [tilespmem:v24+s30+$0x0], $0xffff  }
0x9e: {  	v35 =	vor.u32 v5, v34;
	v24 =	vld.idx.msk [tilespmem:v17+s28+$0x0], $0xffff  }
0x9f: {  	s22 =	sshll.u32 s13, $0xC;
	v20 =	vimm.f32 $0.0e+00;
	v37 =	vand.u32 $0x1F, v22;
	v21 =	vimm.f32 $0.0e+00;
	v26 =	vld.idx.msk [tilespmem:v17+s30+$0x0], $0xffff  }
0xa0: {  	s15 =	sadd.s32 $0x19800, s22;
	v22 =	vimm.f32 $0.0e+00;
	v6 =	vmov s16;
	s16 =	simm.s32 $0x4;
	v17 =	vimm.f32 $0.0e+00;
	v30 =	vld.idx.msk [tilespmem:v33+s28+$0x0], $0xffff  }
.LBB2_11:
0xa1: {  	p0 =	slt.u32 s16, $0x1C;
	v33 =	vld.idx.msk [tilespmem:v33+s30+$0x0], $0xffff;
	v38 =	vor.u32 v5, v37  }
0xa2: {  	v39 =	vld.idx.msk [tilespmem:v36+s28+$0x0], $0xffff  }
0xa3: {  	v37 =	vor.u32 v37, v7;
	v36 =	vld.idx.msk [tilespmem:v36+s30+$0x0], $0xffff  }
0xa4: {  	v40 =	vld.idx.msk [tilespmem:v35+s28+$0x0], $0xffff  }
0xa5: {  	v34 =	vor.u32 v34, v7;
	v35 =	vld.idx.msk [tilespmem:v35+s30+$0x0], $0xffff  }
0xa6: {  	v41 =	vld.idx.msk [tilespmem:v38+s28+$0x0], $0xffff  }
0xa7: {  	v42 =	vadd.s32 s16, v2;
	s14 =	sadd.s32 $0x2, s16;
	s17 =	sadd.s32 $0x3, s16;
	v32 =	vor.u32 v32, v7;
	v38 =	vld.idx.msk [tilespmem:v38+s30+$0x0], $0xffff  }
0xa8: {  	v43 =	vor.u32 v42, v4;
	v44 =	vadd.s32 s14, v2;
	v45 =	vadd.s32 s17, v2;
	v46 =	vld.idx.msk [tilespmem:v37+s28+$0x0], $0xffff  }
0xa9: {  	v11 =	vmul.f32 v11, v9;
	v12 =	vmul.f32 v15, v12;
	v47 =	vor.u32 v42, v3;
	v15 =	vld.idx.msk [tilespmem:v37+s30+$0x0], $0xffff  }
0xaa: {  	v49 =	vmul.f32 v16, v14;
	v50 =	vmul.f32 v13, v10;
	v37 =	vor.u32 v45, v4;
	v48 =	vld.idx.msk [tilespmem:v34+s28+$0x0], $0xffff  }
0xab: {  	v10 =	vmul.f32 v25, v23;
	v18 =	vmul.f32 v19, v18;
	v13 =	vor.u32 v45, v3;
	v14 =	vld.idx.msk [tilespmem:v34+s30+$0x0], $0xffff  }
0xac: {  	v23 =	vmul.f32 v28, v27;
	v19 =	vor.u32 v44, v4;
	v16 =	vmul.f32 v31, v29;
	v25 =	vld.idx.msk [tilespmem:v32+s28+$0x0], $0xffff  }
0xad: {  	v24 =	vmul.f32 v26, v24;
	v27 =	vor.u32 v44, v3;
	v28 =	vmul.f32 v33, v30;
	v26 =	vld.idx.msk [tilespmem:v32+s30+$0x0], $0xffff  }
0xae: {  	v16 =	vadd.f32 v16, v17;
	v17 =	vadd.f32 v11, v21;
	v21 =	vmul.f32 v38, v41;
	v9 =	vld.idx.msk [tilespmem:v43+s28+$0x0], $0xffff  }
0xaf: {  	v20 =	vadd.f32 v12, v20;
	v22 =	vadd.f32 v28, v22;
	v28 =	vmul.f32 v15, v46;
	v11 =	vld.idx.msk [tilespmem:v43+s30+$0x0], $0xffff  }
0xb0: {  	v17 =	vadd.f32 v23, v17;
	v16 =	vadd.f32 v21, v16;
	v21 =	vmul.f32 v35, v40;
	v12 =	vld.idx.msk [tilespmem:v47+s28+$0x0], $0xffff  }
0xb1: {  	v20 =	vadd.f32 v24, v20;
	v22 =	vadd.f32 v28, v22;
	v23 =	vmul.f32 v14, v48;
	v15 =	vld.idx.msk [tilespmem:v47+s30+$0x0], $0xffff  }
0xb2: {  	v24 =	vadd.f32 v10, v17;
	v17 =	vmul.f32 v36, v39;
	v21 =	vadd.f32 v21, v16;
	v14 =	vld.idx.msk [tilespmem:v37+s28+$0x0], $0xffff  }
0xb3: {  	s14 =	sadd.s32 $0x1, s16;
	v18 =	vadd.f32 v18, v20;
	v22 =	vadd.f32 v23, v22;
	v20 =	vmul.f32 v26, v25;
	v16 =	vld.idx.msk [tilespmem:v37+s30+$0x0], $0xffff  }
0xb4: {  	v17 =	vadd.f32 v17, v21;
	v21 =	vadd.f32 v49, v24;
	v37 =	vadd.s32 s14, v2;
	v10 =	vld.idx.msk [tilespmem:v13+s28+$0x0], $0xffff  }
0xb5: {  	v24 =	vor.u32 v37, v4;
	v22 =	vadd.f32 v20, v22;
	v20 =	vadd.f32 v50, v18;
	v13 =	vld.idx.msk [tilespmem:v13+s30+$0x0], $0xffff  }
0xb6: {  	v23 =	vld.idx.msk [tilespmem:v19+s28+$0x0], $0xffff  }
0xb7: {  	v26 =	vor.u32 v37, v3;
	v25 =	vld.idx.msk [tilespmem:v19+s30+$0x0], $0xffff  }
0xb8: {  	v28 =	vand.u32 $0x1F, v42;
	v18 =	vld.idx.msk [tilespmem:v27+s28+$0x0], $0xffff  }
0xb9: {  	v30 =	vor.u32 v5, v28;
	v19 =	vld.idx.msk [tilespmem:v27+s30+$0x0], $0xffff  }
0xba: {  	v27 =	vld.idx.msk [tilespmem:v24+s28+$0x0], $0xffff  }
0xbb: {  	v33 =	vor.u32 v28, v7;
	v28 =	vld.idx.msk [tilespmem:v24+s30+$0x0], $0xffff  }
.Ltmp4:
0xbc: {  	v32 =	vand.u32 $0x1F, v45;
	v24 =	vld.idx.msk [tilespmem:v26+s28+$0x0], $0xffff;
	(pc) =	sbr.rel @p0 .LBB2_11-.Ltmp4, $4  }
0xbd: {  	v36 =	vor.u32 v5, v32;
	v26 =	vld.idx.msk [tilespmem:v26+s30+$0x0], $0xffff  }
0xbe: {  	v34 =	vand.u32 $0x1F, v44;
	v29 =	vld.idx.msk [tilespmem:v30+s28+$0x0], $0xffff  }
0xbf: {  	v35 =	vor.u32 v5, v34;
	v31 =	vld.idx.msk [tilespmem:v30+s30+$0x0], $0xffff  }
0xc0: {  	s16 =	sadd.s32 $0x4, s16;
	v37 =	vand.u32 $0x1F, v37;
	v30 =	vld.idx.msk [tilespmem:v33+s28+$0x0], $0xffff  }
0xc1: {  	_ =	sdelay $0x2  }
0xc2: {  	v38 =	vor.u32 v5, v37  }
0xc3: {  	v33 =	vld.idx.msk [tilespmem:v33+s30+$0x0], $0xffff  }
0xc4: {  	v39 =	vld.idx.msk [tilespmem:v36+s28+$0x0], $0xffff;
	v54 =	vor.u32 v37, v7  }
0xc5: {  	v40 =	vld.idx.msk [tilespmem:v35+s28+$0x0], $0xffff  }
0xc6: {  	v34 =	vor.u32 v34, v7;
	v56 =	vld.idx.msk [tilespmem:v35+s30+$0x0], $0xffff  }
0xc7: {  	v41 =	vld.idx.msk [tilespmem:v38+s28+$0x0], $0xffff  }
0xc8: {  	v38 =	vld.idx.msk [tilespmem:v38+s30+$0x0], $0xffff  }
0xc9: {  	v32 =	vor.u32 v32, v7;
	v42 =	vld.idx.msk [tilespmem:v54+s28+$0x0], $0xffff  }
0xca: {  	v37 =	vld.idx.msk [tilespmem:v54+s30+$0x0], $0xffff  }
0xcb: {  	v9 =	vmul.f32 v11, v9;
	v11 =	vmul.f32 v15, v12;
	v12 =	vld.idx.msk [tilespmem:v34+s28+$0x0], $0xffff  }
0xcc: {  	v14 =	vmul.f32 v16, v14;
	v15 =	vmul.f32 v31, v29;
	v57 =	vld.idx.msk [tilespmem:v34+s30+$0x0], $0xffff  }
0xcd: {  	v55 =	vld.idx.msk [tilespmem:v36+s30+$0x0], $0xffff;
	v16 =	vmul.f32 v25, v23;
	v58 =	vmul.f32 v33, v30  }
0xce: {  	v27 =	vmul.f32 v28, v27;
	v59 =	vld.idx.msk [tilespmem:v32+s28+$0x0], $0xffff;
	v15 =	vadd.f32 v15, v17;
	v17 =	vmul.f32 v38, v41  }
0xcf: {  	v63 =	vmul.f32 v26, v24;
	v9 =	vadd.f32 v9, v21;
	v60 =	vld.idx.msk [tilespmem:v32+s30+$0x0], $0xffff;
	v61 =	vadd.f32 v58, v22  }
0xd0: {  	v62 =	vmul.f32 v37, v42;
	v15 =	vadd.f32 v17, v15;
	v17 =	vmul.f32 v56, v40  }
0xd1: {  	v11 =	vadd.f32 v11, v20;
	v9 =	vadd.f32 v27, v9;
	v12 =	vmul.f32 v57, v12  }
0xd2: {  	v21 =	vadd.f32 v62, v61;
	v15 =	vadd.f32 v17, v15;
	v17 =	vmul.f32 v55, v39  }
0xd3: {  	v18 =	vmul.f32 v19, v18;
	v11 =	vadd.f32 v63, v11;
	v9 =	vadd.f32 v16, v9  }
0xd4: {  	v16 =	vmul.f32 v60, v59;
	v12 =	vadd.f32 v12, v21;
	v15 =	vadd.f32 v17, v15  }
0xd5: {  	v10 =	vmul.f32 v13, v10;
	v11 =	vadd.f32 v18, v11;
	v9 =	vadd.f32 v14, v9  }
0xd6: {  	v12 =	vadd.f32 v16, v12;
	v13 =	vmul.f32 $6.250000000e-02, v15  }
0xd7: {  	v10 =	vadd.f32 v10, v11;
	v9 =	vmul.f32 $6.250000000e-02, v9  }
0xd8: {  	v12 =	vmul.f32 $6.250000000e-02, v12;
	v11 =	vmul.f32 $1.442695020e+00, v13  }
0xd9: {  	v10 =	vmul.f32 $6.250000000e-02, v10;
	v9 =	vmul.f32 $1.442695020e+00, v9  }
0xda: {  	(erf) = vpow2.f32 v11;
	v11 =	vmul.f32 $1.442695020e+00, v12  }
0xdb: {  	(erf) = vpow2.f32 v9;
	v9 =	vmul.f32 $1.442695020e+00, v10  }
0xdc: {  	(erf) = vpow2.f32 v11  }
0xdd: {  	(erf) = vpow2.f32 v9;
	_ =	sdelay $0x1  }
0xde: {  	v8 =	vshll.u32 v8, $0x4  }
0xdf: {  	s14 =	simm.s32 $0x0;
	v12 =	vor.u32 $0x1, v8  }
0xe0: {  	v14 =	vadd.s32 s14, v2;
	v13 =	vor.u32 $0x2, v8  }
0xe1: {  	v16 =	vand.u32 $0x1F, v14;
	v15 =	vor.u32 $0x3, v8  }
0xe2: {  	v17 =	vor.u32 v5, v16;
	v11 =	vpop (erf)  }
0xe3: {  	v10 =	vpop (erf);
	[tilespmem:v8+s3+$0x0] =	vst.idx.msk $0xffff, v11  }
0xe4: {  	v9 =	vpop (erf);
	[tilespmem:v12+s3+$0x0] =	vst.idx.msk $0xffff, v10  }
0xe5: {  	[tilespmem:v13+s3+$0x0] =	vst.idx.msk $0xffff, v9;
	v8 =	vpop (erf)  }
0xe6: {  	[tilespmem:v15+s3+$0x0] =	vst.idx.msk $0xffff, v8  }
0xe7: {  	v12 =	vld.idx.msk [tilespmem:v17+s31+$0x0], $0xffff;
	_ =	sdelay $0x2  }
0xe8: {  	v13 =	vor.u32 v14, v4;
	_ =	sdelay $0x1  }
0xe9: {  	v12 =	vmul.f32 v12, v11;
	_ =	sdelay $0x1  }
0xea: {  	[tilespmem:v17+s30+$0x0] =	vst.idx.msk $0xffff, v12  }
0xeb: {  	v12 =	vld.idx.msk [tilespmem:v13+s31+$0x0], $0xffff;
	_ =	sdelay $0x2  }
0xec: {  	v15 =	vor.u32 v16, v7;
	_ =	sdelay $0x1  }
0xed: {  	v12 =	vmul.f32 v12, v10;
	_ =	sdelay $0x1  }
0xee: {  	[tilespmem:v13+s30+$0x0] =	vst.idx.msk $0xffff, v12  }
0xef: {  	v12 =	vld.idx.msk [tilespmem:v15+s31+$0x0], $0xffff;
	_ =	sdelay $0x2  }
0xf0: {  	v13 =	vor.u32 v14, v3;
	_ =	sdelay $0x1  }
0xf1: {  	v12 =	vmul.f32 v12, v9;
	_ =	sdelay $0x1  }
0xf2: {  	[tilespmem:v15+s30+$0x0] =	vst.idx.msk $0xffff, v12  }
0xf3: {  	s19 =	simm.s32 $0x1;
	v12 =	vld.idx.msk [tilespmem:v13+s31+$0x0], $0xffff  }
0xf4: {  	v14 =	vadd.s32 s19, v2  }
0xf5: {  	v15 =	vand.u32 $0x1F, v14  }
0xf6: {  	v16 =	vor.u32 v5, v15;
	_ =	sdelay $0x1  }
0xf7: {  	v12 =	vmul.f32 v12, v8;
	_ =	sdelay $0x1  }
0xf8: {  	[tilespmem:v13+s30+$0x0] =	vst.idx.msk $0xffff, v12  }
0xf9: {  	v12 =	vld.idx.msk [tilespmem:v16+s31+$0x0], $0xffff;
	_ =	sdelay $0x2  }
0xfa: {  	v13 =	vor.u32 v14, v4;
	_ =	sdelay $0x1  }
0xfb: {  	v12 =	vmul.f32 v12, v11;
	_ =	sdelay $0x1  }
0xfc: {  	[tilespmem:v16+s30+$0x0] =	vst.idx.msk $0xffff, v12  }
0xfd: {  	v12 =	vld.idx.msk [tilespmem:v13+s31+$0x0], $0xffff;
	_ =	sdelay $0x2  }
0xfe: {  	v15 =	vor.u32 v15, v7;
	_ =	sdelay $0x1  }
0xff: {  	v12 =	vmul.f32 v12, v10;
	_ =	sdelay $0x1  }
0x100: {  	[tilespmem:v13+s30+$0x0] =	vst.idx.msk $0xffff, v12  }
0x101: {  	v12 =	vld.idx.msk [tilespmem:v15+s31+$0x0], $0xffff;
	_ =	sdelay $0x2  }
0x102: {  	v13 =	vor.u32 v14, v3;
	_ =	sdelay $0x1  }
0x103: {  	v12 =	vmul.f32 v12, v9;
	_ =	sdelay $0x1  }
0x104: {  	[tilespmem:v15+s30+$0x0] =	vst.idx.msk $0xffff, v12  }
0x105: {  	s20 =	simm.s32 $0x2;
	v12 =	vld.idx.msk [tilespmem:v13+s31+$0x0], $0xffff  }
0x106: {  	v14 =	vadd.s32 s20, v2  }
0x107: {  	v15 =	vand.u32 $0x1F, v14  }
0x108: {  	v16 =	vor.u32 v5, v15;
	_ =	sdelay $0x1  }
0x109: {  	v12 =	vmul.f32 v12, v8;
	_ =	sdelay $0x1  }
0x10a: {  	[tilespmem:v13+s30+$0x0] =	vst.idx.msk $0xffff, v12  }
0x10b: {  	v12 =	vld.idx.msk [tilespmem:v16+s31+$0x0], $0xffff;
	_ =	sdelay $0x2  }
0x10c: {  	v13 =	vor.u32 v14, v4;
	_ =	sdelay $0x1  }
0x10d: {  	v12 =	vmul.f32 v12, v11;
	_ =	sdelay $0x1  }
0x10e: {  	[tilespmem:v16+s30+$0x0] =	vst.idx.msk $0xffff, v12  }
0x10f: {  	v12 =	vld.idx.msk [tilespmem:v13+s31+$0x0], $0xffff;
	_ =	sdelay $0x2  }
0x110: {  	v15 =	vor.u32 v15, v7;
	_ =	sdelay $0x1  }
0x111: {  	v12 =	vmul.f32 v12, v10;
	_ =	sdelay $0x1  }
0x112: {  	[tilespmem:v13+s30+$0x0] =	vst.idx.msk $0xffff, v12  }
0x113: {  	v12 =	vld.idx.msk [tilespmem:v15+s31+$0x0], $0xffff;
	_ =	sdelay $0x2  }
0x114: {  	v13 =	vor.u32 v14, v3;
	_ =	sdelay $0x1  }
0x115: {  	v12 =	vmul.f32 v12, v9;
	_ =	sdelay $0x1  }
0x116: {  	[tilespmem:v15+s30+$0x0] =	vst.idx.msk $0xffff, v12  }
0x117: {  	s22 =	simm.s32 $0x3;
	v12 =	vld.idx.msk [tilespmem:v13+s31+$0x0], $0xffff  }
0x118: {  	v14 =	vadd.s32 s22, v2  }
0x119: {  	v15 =	vand.u32 $0x1F, v14  }
0x11a: {  	v16 =	vor.u32 v5, v15;
	_ =	sdelay $0x1  }
0x11b: {  	v12 =	vmul.f32 v12, v8;
	_ =	sdelay $0x1  }
0x11c: {  	[tilespmem:v13+s30+$0x0] =	vst.idx.msk $0xffff, v12  }
0x11d: {  	v12 =	vld.idx.msk [tilespmem:v16+s31+$0x0], $0xffff;
	_ =	sdelay $0x2  }
0x11e: {  	v13 =	vor.u32 v14, v4;
	_ =	sdelay $0x1  }
0x11f: {  	v12 =	vmul.f32 v12, v11;
	_ =	sdelay $0x1  }
0x120: {  	[tilespmem:v16+s30+$0x0] =	vst.idx.msk $0xffff, v12  }
0x121: {  	v12 =	vld.idx.msk [tilespmem:v13+s31+$0x0], $0xffff;
	_ =	sdelay $0x2  }
0x122: {  	v15 =	vor.u32 v15, v7;
	_ =	sdelay $0x1  }
0x123: {  	v12 =	vmul.f32 v12, v10;
	_ =	sdelay $0x1  }
0x124: {  	[tilespmem:v13+s30+$0x0] =	vst.idx.msk $0xffff, v12  }
0x125: {  	v12 =	vld.idx.msk [tilespmem:v15+s31+$0x0], $0xffff;
	_ =	sdelay $0x2  }
0x126: {  	v14 =	vor.u32 v14, v3;
	_ =	sdelay $0x1  }
0x127: {  	v12 =	vmul.f32 v12, v9;
	_ =	sdelay $0x1  }
0x128: {  	[tilespmem:v15+s30+$0x0] =	vst.idx.msk $0xffff, v12  }
0x129: {  	s16 =	simm.s32 $0x4;
	v16 =	vld.idx.msk [tilespmem:v14+s31+$0x0], $0xffff  }
0x12a: {  	v12 =	vadd.s32 s16, v2  }
0x12b: {  	v13 =	vand.u32 $0x1F, v12  }
0x12c: {  	v15 =	vor.u32 v5, v13;
	_ =	sdelay $0x1  }
0x12d: {  	s17 =	simm.s32 $0x8;
	v16 =	vmul.f32 v16, v8  }
.LBB2_13:
0x12e: {  	_ = 	snop  }
0x12f: {  	p0 =	slt.u32 s17, $0x1C;
	s19 =	smov.u32 s17;
	s17 =	sadd.s32 $0x4, s17;
	[tilespmem:v14+s30+$0x0] =	vst.idx.msk $0xffff, v16  }
0x130: {  	v14 =	vld.idx.msk [tilespmem:v15+s31+$0x0], $0xffff;
	_ =	sdelay $0x3  }
0x131: {  	v16 =	vor.u32 v12, v4;
	_ =	sdelay $0x1  }
0x132: {  	v14 =	vmul.f32 v14, v11;
	_ =	sdelay $0x1  }
0x133: {  	[tilespmem:v15+s30+$0x0] =	vst.idx.msk $0xffff, v14  }
0x134: {  	v14 =	vld.idx.msk [tilespmem:v16+s31+$0x0], $0xffff;
	_ =	sdelay $0x3  }
0x135: {  	v13 =	vor.u32 v13, v7;
	_ =	sdelay $0x1  }
0x136: {  	v14 =	vmul.f32 v14, v10;
	_ =	sdelay $0x1  }
0x137: {  	[tilespmem:v16+s30+$0x0] =	vst.idx.msk $0xffff, v14  }
0x138: {  	v14 =	vld.idx.msk [tilespmem:v13+s31+$0x0], $0xffff;
	_ =	sdelay $0x3  }
0x139: {  	v12 =	vor.u32 v12, v3;
	_ =	sdelay $0x1  }
0x13a: {  	v14 =	vmul.f32 v14, v9;
	_ =	sdelay $0x1  }
0x13b: {  	[tilespmem:v13+s30+$0x0] =	vst.idx.msk $0xffff, v14  }
0x13c: {  	v13 =	vld.idx.msk [tilespmem:v12+s31+$0x0], $0xffff  }
0x13d: {  	s14 =	sadd.s32 $0x1, s16  }
0x13e: {  	v14 =	vadd.s32 s14, v2  }
0x13f: {  	v15 =	vand.u32 $0x1F, v14  }
0x140: {  	v16 =	vor.u32 v5, v15;
	_ =	sdelay $0x1  }
0x141: {  	v13 =	vmul.f32 v13, v8;
	_ =	sdelay $0x1  }
0x142: {  	[tilespmem:v12+s30+$0x0] =	vst.idx.msk $0xffff, v13  }
0x143: {  	v12 =	vld.idx.msk [tilespmem:v16+s31+$0x0], $0xffff;
	_ =	sdelay $0x3  }
0x144: {  	v13 =	vor.u32 v14, v4;
	_ =	sdelay $0x1  }
0x145: {  	v12 =	vmul.f32 v12, v11;
	_ =	sdelay $0x1  }
0x146: {  	[tilespmem:v16+s30+$0x0] =	vst.idx.msk $0xffff, v12  }
0x147: {  	v12 =	vld.idx.msk [tilespmem:v13+s31+$0x0], $0xffff;
	_ =	sdelay $0x3  }
0x148: {  	v15 =	vor.u32 v15, v7;
	_ =	sdelay $0x1  }
0x149: {  	v12 =	vmul.f32 v12, v10;
	_ =	sdelay $0x1  }
0x14a: {  	[tilespmem:v13+s30+$0x0] =	vst.idx.msk $0xffff, v12  }
0x14b: {  	v12 =	vld.idx.msk [tilespmem:v15+s31+$0x0], $0xffff;
	_ =	sdelay $0x3  }
0x14c: {  	v13 =	vor.u32 v14, v3;
	_ =	sdelay $0x1  }
0x14d: {  	v12 =	vmul.f32 v12, v9;
	_ =	sdelay $0x1  }
0x14e: {  	[tilespmem:v15+s30+$0x0] =	vst.idx.msk $0xffff, v12  }
0x14f: {  	v12 =	vld.idx.msk [tilespmem:v13+s31+$0x0], $0xffff  }
0x150: {  	s14 =	sadd.s32 $0x2, s16  }
0x151: {  	v14 =	vadd.s32 s14, v2  }
0x152: {  	v15 =	vand.u32 $0x1F, v14  }
0x153: {  	v16 =	vor.u32 v5, v15;
	_ =	sdelay $0x1  }
0x154: {  	v12 =	vmul.f32 v12, v8;
	_ =	sdelay $0x1  }
0x155: {  	[tilespmem:v13+s30+$0x0] =	vst.idx.msk $0xffff, v12  }
0x156: {  	v12 =	vld.idx.msk [tilespmem:v16+s31+$0x0], $0xffff;
	_ =	sdelay $0x3  }
0x157: {  	v13 =	vor.u32 v14, v4;
	_ =	sdelay $0x1  }
0x158: {  	v12 =	vmul.f32 v12, v11;
	_ =	sdelay $0x1  }
0x159: {  	[tilespmem:v16+s30+$0x0] =	vst.idx.msk $0xffff, v12  }
0x15a: {  	v12 =	vld.idx.msk [tilespmem:v13+s31+$0x0], $0xffff;
	_ =	sdelay $0x3  }
0x15b: {  	v15 =	vor.u32 v15, v7;
	_ =	sdelay $0x1  }
0x15c: {  	v12 =	vmul.f32 v12, v10;
	_ =	sdelay $0x1  }
0x15d: {  	[tilespmem:v13+s30+$0x0] =	vst.idx.msk $0xffff, v12  }
0x15e: {  	v12 =	vld.idx.msk [tilespmem:v15+s31+$0x0], $0xffff;
	_ =	sdelay $0x3  }
0x15f: {  	v13 =	vor.u32 v14, v3;
	_ =	sdelay $0x1  }
0x160: {  	v12 =	vmul.f32 v12, v9;
	_ =	sdelay $0x1  }
0x161: {  	[tilespmem:v15+s30+$0x0] =	vst.idx.msk $0xffff, v12  }
0x162: {  	v12 =	vld.idx.msk [tilespmem:v13+s31+$0x0], $0xffff  }
0x163: {  	s14 =	sadd.s32 $0x3, s16;
	s16 =	smov.u32 s19  }
0x164: {  	v14 =	vadd.s32 s14, v2  }
0x165: {  	v15 =	vand.u32 $0x1F, v14  }
0x166: {  	v16 =	vor.u32 v5, v15;
	_ =	sdelay $0x1  }
0x167: {  	v12 =	vmul.f32 v12, v8;
	_ =	sdelay $0x1  }
0x168: {  	[tilespmem:v13+s30+$0x0] =	vst.idx.msk $0xffff, v12  }
0x169: {  	v12 =	vld.idx.msk [tilespmem:v16+s31+$0x0], $0xffff;
	_ =	sdelay $0x3  }
0x16a: {  	v13 =	vor.u32 v14, v4;
	_ =	sdelay $0x1  }
0x16b: {  	v12 =	vmul.f32 v12, v11;
	_ =	sdelay $0x1  }
0x16c: {  	[tilespmem:v16+s30+$0x0] =	vst.idx.msk $0xffff, v12  }
0x16d: {  	v12 =	vld.idx.msk [tilespmem:v13+s31+$0x0], $0xffff;
	_ =	sdelay $0x3  }
0x16e: {  	v15 =	vor.u32 v15, v7;
	_ =	sdelay $0x1  }
0x16f: {  	v12 =	vmul.f32 v12, v10;
	_ =	sdelay $0x1  }
0x170: {  	[tilespmem:v13+s30+$0x0] =	vst.idx.msk $0xffff, v12  }
0x171: {  	v12 =	vld.idx.msk [tilespmem:v15+s31+$0x0], $0xffff;
	_ =	sdelay $0x3  }
0x172: {  	v14 =	vor.u32 v14, v3;
	_ =	sdelay $0x1  }
0x173: {  	v12 =	vmul.f32 v12, v9;
	_ =	sdelay $0x1  }
0x174: {  	[tilespmem:v15+s30+$0x0] =	vst.idx.msk $0xffff, v12  }
0x175: {  	v16 =	vld.idx.msk [tilespmem:v14+s31+$0x0], $0xffff;
	_ =	sdelay $0x1  }
.Ltmp5:
0x176: {  	v12 =	vadd.s32 s16, v2;
	(pc) =	sbr.rel @p0 .LBB2_13-.Ltmp5, $3  }
0x177: {  	v13 =	vand.u32 $0x1F, v12  }
0x178: {  	v15 =	vor.u32 v5, v13;
	_ =	sdelay $0x1  }
0x179: {  	v16 =	vmul.f32 v16, v8  }
0x17a: {  	_ =	sdelay $0x3  }
0x17b: {  	[tilespmem:v14+s30+$0x0] =	vst.idx.msk $0xffff, v16  }
0x17c: {  	v14 =	vld.idx.msk [tilespmem:v15+s31+$0x0], $0xffff;
	_ =	sdelay $0x2  }
0x17d: {  	v16 =	vor.u32 v12, v4;
	_ =	sdelay $0x1  }
0x17e: {  	v14 =	vmul.f32 v14, v11;
	_ =	sdelay $0x1  }
0x17f: {  	[tilespmem:v15+s30+$0x0] =	vst.idx.msk $0xffff, v14  }
0x180: {  	v14 =	vld.idx.msk [tilespmem:v16+s31+$0x0], $0xffff;
	_ =	sdelay $0x2  }
0x181: {  	v13 =	vor.u32 v13, v7;
	_ =	sdelay $0x1  }
0x182: {  	v14 =	vmul.f32 v14, v10;
	_ =	sdelay $0x1  }
0x183: {  	[tilespmem:v16+s30+$0x0] =	vst.idx.msk $0xffff, v14  }
0x184: {  	v14 =	vld.idx.msk [tilespmem:v13+s31+$0x0], $0xffff;
	_ =	sdelay $0x2  }
0x185: {  	v12 =	vor.u32 v12, v3;
	_ =	sdelay $0x1  }
0x186: {  	v14 =	vmul.f32 v14, v9;
	_ =	sdelay $0x1  }
0x187: {  	[tilespmem:v13+s30+$0x0] =	vst.idx.msk $0xffff, v14  }
0x188: {  	s14 =	sadd.s32 $0x1, s16;
	v13 =	vld.idx.msk [tilespmem:v12+s31+$0x0], $0xffff  }
0x189: {  	v14 =	vadd.s32 s14, v2  }
0x18a: {  	v15 =	vand.u32 $0x1F, v14  }
0x18b: {  	v16 =	vor.u32 v5, v15;
	_ =	sdelay $0x1  }
0x18c: {  	v13 =	vmul.f32 v13, v8;
	_ =	sdelay $0x1  }
0x18d: {  	[tilespmem:v12+s30+$0x0] =	vst.idx.msk $0xffff, v13  }
0x18e: {  	v12 =	vld.idx.msk [tilespmem:v16+s31+$0x0], $0xffff;
	_ =	sdelay $0x2  }
0x18f: {  	v13 =	vor.u32 v14, v4;
	_ =	sdelay $0x1  }
0x190: {  	v12 =	vmul.f32 v12, v11;
	_ =	sdelay $0x1  }
0x191: {  	[tilespmem:v16+s30+$0x0] =	vst.idx.msk $0xffff, v12  }
0x192: {  	v12 =	vld.idx.msk [tilespmem:v13+s31+$0x0], $0xffff;
	_ =	sdelay $0x2  }
0x193: {  	v15 =	vor.u32 v15, v7;
	_ =	sdelay $0x1  }
0x194: {  	v12 =	vmul.f32 v12, v10;
	_ =	sdelay $0x1  }
0x195: {  	[tilespmem:v13+s30+$0x0] =	vst.idx.msk $0xffff, v12  }
0x196: {  	v12 =	vld.idx.msk [tilespmem:v15+s31+$0x0], $0xffff;
	_ =	sdelay $0x2  }
0x197: {  	v13 =	vor.u32 v14, v3;
	_ =	sdelay $0x1  }
0x198: {  	v12 =	vmul.f32 v12, v9;
	_ =	sdelay $0x1  }
0x199: {  	[tilespmem:v15+s30+$0x0] =	vst.idx.msk $0xffff, v12  }
0x19a: {  	s22 =	sadd.s32 $0x2, s16;
	v12 =	vld.idx.msk [tilespmem:v13+s31+$0x0], $0xffff  }
0x19b: {  	v14 =	vadd.s32 s22, v2  }
0x19c: {  	v15 =	vand.u32 $0x1F, v14  }
0x19d: {  	v16 =	vor.u32 v5, v15;
	_ =	sdelay $0x1  }
0x19e: {  	v12 =	vmul.f32 v12, v8;
	_ =	sdelay $0x1  }
0x19f: {  	[tilespmem:v13+s30+$0x0] =	vst.idx.msk $0xffff, v12  }
0x1a0: {  	v12 =	vld.idx.msk [tilespmem:v16+s31+$0x0], $0xffff;
	_ =	sdelay $0x2  }
0x1a1: {  	v13 =	vor.u32 v14, v4;
	_ =	sdelay $0x1  }
0x1a2: {  	v12 =	vmul.f32 v12, v11;
	_ =	sdelay $0x1  }
0x1a3: {  	[tilespmem:v16+s30+$0x0] =	vst.idx.msk $0xffff, v12  }
0x1a4: {  	v12 =	vld.idx.msk [tilespmem:v13+s31+$0x0], $0xffff;
	_ =	sdelay $0x2  }
0x1a5: {  	v15 =	vor.u32 v15, v7;
	_ =	sdelay $0x1  }
0x1a6: {  	v12 =	vmul.f32 v12, v10;
	_ =	sdelay $0x1  }
0x1a7: {  	[tilespmem:v13+s30+$0x0] =	vst.idx.msk $0xffff, v12  }
0x1a8: {  	v12 =	vld.idx.msk [tilespmem:v15+s31+$0x0], $0xffff;
	_ =	sdelay $0x2  }
0x1a9: {  	v13 =	vor.u32 v14, v3;
	_ =	sdelay $0x1  }
0x1aa: {  	v12 =	vmul.f32 v12, v9;
	_ =	sdelay $0x1  }
0x1ab: {  	[tilespmem:v15+s30+$0x0] =	vst.idx.msk $0xffff, v12  }
0x1ac: {  	s16 =	sadd.s32 $0x3, s16;
	v12 =	vld.idx.msk [tilespmem:v13+s31+$0x0], $0xffff  }
0x1ad: {  	v14 =	vadd.s32 s16, v2  }
0x1ae: {  	v15 =	vand.u32 $0x1F, v14  }
0x1af: {  	v5 =	vor.u32 v5, v15;
	_ =	sdelay $0x1  }
0x1b0: {  	v12 =	vmul.f32 v12, v8;
	_ =	sdelay $0x1  }
0x1b1: {  	[tilespmem:v13+s30+$0x0] =	vst.idx.msk $0xffff, v12  }
0x1b2: {  	v12 =	vld.idx.msk [tilespmem:v5+s31+$0x0], $0xffff;
	_ =	sdelay $0x2  }
0x1b3: {  	v4 =	vor.u32 v14, v4;
	_ =	sdelay $0x1  }
0x1b4: {  	v11 =	vmul.f32 v12, v11;
	_ =	sdelay $0x1  }
0x1b5: {  	[tilespmem:v5+s30+$0x0] =	vst.idx.msk $0xffff, v11  }
0x1b6: {  	v5 =	vld.idx.msk [tilespmem:v4+s31+$0x0], $0xffff;
	_ =	sdelay $0x2  }
0x1b7: {  	v7 =	vor.u32 v15, v7;
	_ =	sdelay $0x1  }
0x1b8: {  	v5 =	vmul.f32 v5, v10;
	_ =	sdelay $0x1  }
0x1b9: {  	[tilespmem:v4+s30+$0x0] =	vst.idx.msk $0xffff, v5  }
0x1ba: {  	v4 =	vld.idx.msk [tilespmem:v7+s31+$0x0], $0xffff;
	_ =	sdelay $0x2  }
0x1bb: {  	v10 =	vor.u32 v14, v3;
	_ =	sdelay $0x1  }
0x1bc: {  	v3 =	vmul.f32 v4, v9;
	_ =	sdelay $0x1  }
0x1bd: {  	[tilespmem:v7+s30+$0x0] =	vst.idx.msk $0xffff, v3;
	v3 =	vor.u32 $0x10, v2  }
0x1be: {  	v9 =	vld.idx.msk [tilespmem:v10+s31+$0x0], $0xffff;
	v7 =	vor.u32 v3, v6  }
0x1bf: {  	s17 =	simm.s32 $0x0;
	v5 =	vshll.u32 v7, $0x7  }
0x1c0: {  	v6 =	vadd.s32 s17, v2;
	v4 =	vor.u32 $0x20, v5  }
0x1c1: {  	s19 =	simm.s32 $0x3;
	v11 =	vor.u32 v6, v4  }
0x1c2: {  	v18 =	vadd.s32 s19, v2  }
0x1c3: {  	v12 =	vor.u32 v18, v4;
	v8 =	vmul.f32 v9, v8  }
0x1c4: {  	s20 =	simm.s32 $0x2;
	v3 =	vor.u32 $0x60, v5  }
0x1c5: {  	v19 =	vadd.s32 s20, v2;
	v15 =	vor.u32 v18, v3;
	[tilespmem:v10+s30+$0x0] =	vst.idx.msk $0xffff, v8  }
0x1c6: {  	v17 =	vor.u32 v19, v4;
	v8 =	vld.idx.msk [tilespmem:v11+s28+$0x0], $0xffff  }
0x1c7: {  	v10 =	vld.idx.msk [tilespmem:v11+s30+$0x0], $0xffff  }
0x1c8: {  	s22 =	simm.s32 $0x1;
	v20 =	vor.u32 v19, v3;
	v13 =	vld.idx.msk [tilespmem:v12+s28+$0x0], $0xffff  }
0x1c9: {  	v29 =	vadd.s32 s22, v2;
	v16 =	vld.idx.msk [tilespmem:v12+s30+$0x0], $0xffff  }
0x1ca: {  	v23 =	vor.u32 v29, v4;
	v12 =	vld.idx.msk [tilespmem:v15+s30+$0x0], $0xffff  }
0x1cb: {  	v9 =	vor.u32 v6, v3;
	v22 =	vld.idx.msk [tilespmem:v17+s28+$0x0], $0xffff  }
0x1cc: {  	v24 =	vld.idx.msk [tilespmem:v17+s30+$0x0], $0xffff  }
0x1cd: {  	v17 =	vld.idx.msk [tilespmem:v20+s28+$0x0], $0xffff  }
0x1ce: {  	v25 =	vand.u32 $0x1F, v6;
	v21 =	vld.idx.msk [tilespmem:v20+s30+$0x0], $0xffff  }
0x1cf: {  	v30 =	vor.u32 v5, v25;
	v26 =	vld.idx.msk [tilespmem:v23+s28+$0x0], $0xffff  }
0x1d0: {  	v6 =	vor.u32 $0x40, v5;
	v11 =	vld.idx.msk [tilespmem:v9+s28+$0x0], $0xffff  }
0x1d1: {  	v32 =	vor.u32 v25, v6;
	v14 =	vld.idx.msk [tilespmem:v9+s30+$0x0], $0xffff  }
0x1d2: {  	v9 =	vld.idx.msk [tilespmem:v15+s28+$0x0], $0xffff;
	v15 =	vor.u32 v29, v3  }
0x1d3: {  	v27 =	vld.idx.msk [tilespmem:v23+s30+$0x0], $0xffff  }
0x1d4: {  	v31 =	vand.u32 $0x1F, v18;
	v28 =	vld.idx.msk [tilespmem:v30+s28+$0x0], $0xffff  }
0x1d5: {  	v35 =	vor.u32 v5, v31;
	v30 =	vld.idx.msk [tilespmem:v30+s30+$0x0], $0xffff  }
0x1d6: {  	v33 =	vand.u32 $0x1F, v19;
	v36 =	vand.u32 $0x1F, v29;
	v29 =	vld.idx.msk [tilespmem:v32+s28+$0x0], $0xffff  }
0x1d7: {  	v34 =	vor.u32 v5, v33;
	v19 =	vimm.f32 $0.0e+00;
	v23 =	vld.idx.msk [tilespmem:v15+s28+$0x0], $0xffff  }
0x1d8: {  	s16 =	simm.s32 $0x4;
	v18 =	vimm.f32 $0.0e+00;
	v20 =	vimm.f32 $0.0e+00;
	v25 =	vld.idx.msk [tilespmem:v15+s30+$0x0], $0xffff;
	v15 =	vimm.f32 $0.0e+00  }
.LBB2_15:
0x1d9: {  	p0 =	slt.u32 s16, $0x1C;
	v32 =	vld.idx.msk [tilespmem:v32+s30+$0x0], $0xffff;
	v37 =	vor.u32 v5, v36  }
0x1da: {  	v38 =	vld.idx.msk [tilespmem:v35+s28+$0x0], $0xffff  }
0x1db: {  	v36 =	vor.u32 v36, v6;
	v35 =	vld.idx.msk [tilespmem:v35+s30+$0x0], $0xffff  }
0x1dc: {  	v39 =	vld.idx.msk [tilespmem:v34+s28+$0x0], $0xffff  }
0x1dd: {  	v33 =	vor.u32 v33, v6;
	v34 =	vld.idx.msk [tilespmem:v34+s30+$0x0], $0xffff  }
0x1de: {  	v40 =	vld.idx.msk [tilespmem:v37+s28+$0x0], $0xffff  }
0x1df: {  	v41 =	vadd.s32 s16, v2;
	s14 =	sadd.s32 $0x2, s16;
	s17 =	sadd.s32 $0x3, s16;
	v31 =	vor.u32 v31, v6;
	v37 =	vld.idx.msk [tilespmem:v37+s30+$0x0], $0xffff  }
0x1e0: {  	v42 =	vor.u32 v41, v4;
	v43 =	vadd.s32 s14, v2;
	v44 =	vadd.s32 s17, v2;
	v45 =	vld.idx.msk [tilespmem:v36+s28+$0x0], $0xffff  }
0x1e1: {  	v10 =	vmul.f32 v10, v8;
	v11 =	vmul.f32 v14, v11;
	v46 =	vor.u32 v41, v3;
	v14 =	vld.idx.msk [tilespmem:v36+s30+$0x0], $0xffff  }
0x1e2: {  	v48 =	vmul.f32 v16, v13;
	v49 =	vmul.f32 v12, v9;
	v36 =	vor.u32 v44, v4;
	v47 =	vld.idx.msk [tilespmem:v33+s28+$0x0], $0xffff  }
0x1e3: {  	v9 =	vmul.f32 v24, v22;
	v17 =	vmul.f32 v21, v17;
	v12 =	vor.u32 v44, v3;
	v13 =	vld.idx.msk [tilespmem:v33+s30+$0x0], $0xffff  }
0x1e4: {  	v22 =	vmul.f32 v27, v26;
	v21 =	vor.u32 v43, v4;
	v16 =	vmul.f32 v30, v28;
	v24 =	vld.idx.msk [tilespmem:v31+s28+$0x0], $0xffff  }
0x1e5: {  	v23 =	vmul.f32 v25, v23;
	v26 =	vor.u32 v43, v3;
	v27 =	vmul.f32 v32, v29;
	v25 =	vld.idx.msk [tilespmem:v31+s30+$0x0], $0xffff  }
0x1e6: {  	v15 =	vadd.f32 v16, v15;
	v16 =	vadd.f32 v10, v19;
	v19 =	vmul.f32 v37, v40;
	v8 =	vld.idx.msk [tilespmem:v42+s28+$0x0], $0xffff  }
0x1e7: {  	v18 =	vadd.f32 v11, v18;
	v20 =	vadd.f32 v27, v20;
	v27 =	vmul.f32 v14, v45;
	v10 =	vld.idx.msk [tilespmem:v42+s30+$0x0], $0xffff  }
0x1e8: {  	v16 =	vadd.f32 v22, v16;
	v15 =	vadd.f32 v19, v15;
	v19 =	vmul.f32 v34, v39;
	v11 =	vld.idx.msk [tilespmem:v46+s28+$0x0], $0xffff  }
0x1e9: {  	v18 =	vadd.f32 v23, v18;
	v20 =	vadd.f32 v27, v20;
	v22 =	vmul.f32 v13, v47;
	v14 =	vld.idx.msk [tilespmem:v46+s30+$0x0], $0xffff  }
0x1ea: {  	v23 =	vmul.f32 v35, v38;
	v15 =	vadd.f32 v19, v15;
	v19 =	vadd.f32 v9, v16;
	v13 =	vld.idx.msk [tilespmem:v36+s28+$0x0], $0xffff  }
0x1eb: {  	s14 =	sadd.s32 $0x1, s16;
	v17 =	vadd.f32 v17, v18;
	v20 =	vadd.f32 v22, v20;
	v18 =	vmul.f32 v25, v24;
	v16 =	vld.idx.msk [tilespmem:v36+s30+$0x0], $0xffff  }
0x1ec: {  	v15 =	vadd.f32 v23, v15;
	v19 =	vadd.f32 v48, v19;
	v36 =	vadd.s32 s14, v2;
	v9 =	vld.idx.msk [tilespmem:v12+s28+$0x0], $0xffff  }
0x1ed: {  	v23 =	vor.u32 v36, v4;
	v20 =	vadd.f32 v18, v20;
	v18 =	vadd.f32 v49, v17;
	v12 =	vld.idx.msk [tilespmem:v12+s30+$0x0], $0xffff  }
0x1ee: {  	v22 =	vld.idx.msk [tilespmem:v21+s28+$0x0], $0xffff  }
0x1ef: {  	v25 =	vor.u32 v36, v3;
	v24 =	vld.idx.msk [tilespmem:v21+s30+$0x0], $0xffff  }
0x1f0: {  	v27 =	vand.u32 $0x1F, v41;
	v17 =	vld.idx.msk [tilespmem:v26+s28+$0x0], $0xffff  }
0x1f1: {  	v29 =	vor.u32 v5, v27;
	v21 =	vld.idx.msk [tilespmem:v26+s30+$0x0], $0xffff  }
0x1f2: {  	v26 =	vld.idx.msk [tilespmem:v23+s28+$0x0], $0xffff  }
0x1f3: {  	v32 =	vor.u32 v27, v6;
	v27 =	vld.idx.msk [tilespmem:v23+s30+$0x0], $0xffff  }
.Ltmp6:
0x1f4: {  	v31 =	vand.u32 $0x1F, v44;
	v23 =	vld.idx.msk [tilespmem:v25+s28+$0x0], $0xffff;
	(pc) =	sbr.rel @p0 .LBB2_15-.Ltmp6, $4  }
0x1f5: {  	v35 =	vor.u32 v5, v31;
	v25 =	vld.idx.msk [tilespmem:v25+s30+$0x0], $0xffff  }
0x1f6: {  	v33 =	vand.u32 $0x1F, v43;
	v28 =	vld.idx.msk [tilespmem:v29+s28+$0x0], $0xffff  }
0x1f7: {  	v34 =	vor.u32 v5, v33;
	v30 =	vld.idx.msk [tilespmem:v29+s30+$0x0], $0xffff  }
0x1f8: {  	s16 =	sadd.s32 $0x4, s16;
	v36 =	vand.u32 $0x1F, v36;
	v29 =	vld.idx.msk [tilespmem:v32+s28+$0x0], $0xffff  }
0x1f9: {  	_ =	sdelay $0x2  }
0x1fa: {  	v37 =	vor.u32 v5, v36  }
0x1fb: {  	v32 =	vld.idx.msk [tilespmem:v32+s30+$0x0], $0xffff  }
0x1fc: {  	v38 =	vld.idx.msk [tilespmem:v35+s28+$0x0], $0xffff;
	v54 =	vor.u32 v36, v6  }
0x1fd: {  	v39 =	vld.idx.msk [tilespmem:v34+s28+$0x0], $0xffff  }
0x1fe: {  	v33 =	vor.u32 v33, v6;
	v56 =	vld.idx.msk [tilespmem:v34+s30+$0x0], $0xffff  }
0x1ff: {  	v40 =	vld.idx.msk [tilespmem:v37+s28+$0x0], $0xffff  }
0x200: {  	v37 =	vld.idx.msk [tilespmem:v37+s30+$0x0], $0xffff  }
0x201: {  	v31 =	vor.u32 v31, v6;
	v41 =	vld.idx.msk [tilespmem:v54+s28+$0x0], $0xffff  }
0x202: {  	v36 =	vld.idx.msk [tilespmem:v54+s30+$0x0], $0xffff  }
0x203: {  	v8 =	vmul.f32 v10, v8;
	v10 =	vmul.f32 v14, v11;
	v11 =	vld.idx.msk [tilespmem:v33+s28+$0x0], $0xffff  }
0x204: {  	v13 =	vmul.f32 v16, v13;
	v14 =	vmul.f32 v30, v28;
	v57 =	vld.idx.msk [tilespmem:v33+s30+$0x0], $0xffff  }
0x205: {  	v55 =	vld.idx.msk [tilespmem:v35+s30+$0x0], $0xffff;
	v16 =	vmul.f32 v24, v22;
	v58 =	vmul.f32 v32, v29  }
0x206: {  	v26 =	vmul.f32 v27, v26;
	v59 =	vld.idx.msk [tilespmem:v31+s28+$0x0], $0xffff;
	v14 =	vadd.f32 v14, v15;
	v15 =	vmul.f32 v37, v40  }
0x207: {  	v63 =	vmul.f32 v25, v23;
	v8 =	vadd.f32 v8, v19;
	v60 =	vld.idx.msk [tilespmem:v31+s30+$0x0], $0xffff;
	v61 =	vadd.f32 v58, v20  }
0x208: {  	v62 =	vmul.f32 v36, v41;
	v14 =	vadd.f32 v15, v14;
	v15 =	vmul.f32 v56, v39  }
0x209: {  	v10 =	vadd.f32 v10, v18;
	v8 =	vadd.f32 v26, v8;
	v11 =	vmul.f32 v57, v11  }
0x20a: {  	v19 =	vadd.f32 v62, v61;
	v14 =	vadd.f32 v15, v14;
	v15 =	vmul.f32 v55, v38  }
0x20b: {  	v17 =	vmul.f32 v21, v17;
	v10 =	vadd.f32 v63, v10;
	v8 =	vadd.f32 v16, v8  }
0x20c: {  	v16 =	vmul.f32 v60, v59;
	v11 =	vadd.f32 v11, v19;
	v14 =	vadd.f32 v15, v14  }
0x20d: {  	v9 =	vmul.f32 v12, v9;
	v10 =	vadd.f32 v17, v10;
	v8 =	vadd.f32 v13, v8  }
0x20e: {  	v11 =	vadd.f32 v16, v11;
	v12 =	vmul.f32 $6.250000000e-02, v14  }
0x20f: {  	v9 =	vadd.f32 v9, v10;
	v8 =	vmul.f32 $6.250000000e-02, v8  }
0x210: {  	v11 =	vmul.f32 $6.250000000e-02, v11;
	v10 =	vmul.f32 $1.442695020e+00, v12  }
0x211: {  	v9 =	vmul.f32 $6.250000000e-02, v9;
	v8 =	vmul.f32 $1.442695020e+00, v8  }
0x212: {  	(erf) = vpow2.f32 v10;
	v10 =	vmul.f32 $1.442695020e+00, v11  }
0x213: {  	(erf) = vpow2.f32 v8;
	v8 =	vmul.f32 $1.442695020e+00, v9  }
0x214: {  	(erf) = vpow2.f32 v10  }
0x215: {  	(erf) = vpow2.f32 v8;
	_ =	sdelay $0x1  }
0x216: {  	v7 =	vshll.u32 v7, $0x4  }
0x217: {  	s14 =	simm.s32 $0x0;
	v8 =	vor.u32 $0x1, v7  }
0x218: {  	v12 =	vadd.s32 s14, v2;
	v11 =	vor.u32 $0x2, v7  }
0x219: {  	v13 =	vor.u32 $0x3, v7;
	v14 =	vand.u32 $0x1F, v12  }
0x21a: {  	v15 =	vor.u32 v5, v14;
	v10 =	vpop (erf)  }
0x21b: {  	v9 =	vpop (erf);
	[tilespmem:v7+s3+$0x0] =	vst.idx.msk $0xffff, v10  }
0x21c: {  	v7 =	vpop (erf);
	[tilespmem:v8+s3+$0x0] =	vst.idx.msk $0xffff, v9  }
0x21d: {  	[tilespmem:v11+s3+$0x0] =	vst.idx.msk $0xffff, v7;
	v8 =	vpop (erf)  }
0x21e: {  	[tilespmem:v13+s3+$0x0] =	vst.idx.msk $0xffff, v8  }
0x21f: {  	v11 =	vld.idx.msk [tilespmem:v15+s31+$0x0], $0xffff;
	_ =	sdelay $0x2  }
0x220: {  	v13 =	vor.u32 v12, v4;
	_ =	sdelay $0x1  }
0x221: {  	v11 =	vmul.f32 v11, v10;
	_ =	sdelay $0x1  }
0x222: {  	[tilespmem:v15+s30+$0x0] =	vst.idx.msk $0xffff, v11  }
0x223: {  	v11 =	vld.idx.msk [tilespmem:v13+s31+$0x0], $0xffff;
	_ =	sdelay $0x2  }
0x224: {  	v14 =	vor.u32 v14, v6;
	_ =	sdelay $0x1  }
0x225: {  	v11 =	vmul.f32 v11, v9;
	_ =	sdelay $0x1  }
0x226: {  	[tilespmem:v13+s30+$0x0] =	vst.idx.msk $0xffff, v11  }
0x227: {  	v11 =	vld.idx.msk [tilespmem:v14+s31+$0x0], $0xffff;
	_ =	sdelay $0x2  }
0x228: {  	v12 =	vor.u32 v12, v3;
	_ =	sdelay $0x1  }
0x229: {  	v11 =	vmul.f32 v11, v7;
	_ =	sdelay $0x1  }
0x22a: {  	[tilespmem:v14+s30+$0x0] =	vst.idx.msk $0xffff, v11  }
0x22b: {  	s19 =	simm.s32 $0x1;
	v11 =	vld.idx.msk [tilespmem:v12+s31+$0x0], $0xffff  }
0x22c: {  	v13 =	vadd.s32 s19, v2  }
0x22d: {  	v14 =	vand.u32 $0x1F, v13  }
0x22e: {  	v15 =	vor.u32 v5, v14;
	_ =	sdelay $0x1  }
0x22f: {  	v11 =	vmul.f32 v11, v8;
	_ =	sdelay $0x1  }
0x230: {  	[tilespmem:v12+s30+$0x0] =	vst.idx.msk $0xffff, v11  }
0x231: {  	v11 =	vld.idx.msk [tilespmem:v15+s31+$0x0], $0xffff;
	_ =	sdelay $0x2  }
0x232: {  	v12 =	vor.u32 v13, v4;
	_ =	sdelay $0x1  }
0x233: {  	v11 =	vmul.f32 v11, v10;
	_ =	sdelay $0x1  }
0x234: {  	[tilespmem:v15+s30+$0x0] =	vst.idx.msk $0xffff, v11  }
0x235: {  	v11 =	vld.idx.msk [tilespmem:v12+s31+$0x0], $0xffff;
	_ =	sdelay $0x2  }
0x236: {  	v14 =	vor.u32 v14, v6;
	_ =	sdelay $0x1  }
0x237: {  	v11 =	vmul.f32 v11, v9;
	_ =	sdelay $0x1  }
0x238: {  	[tilespmem:v12+s30+$0x0] =	vst.idx.msk $0xffff, v11  }
0x239: {  	v11 =	vld.idx.msk [tilespmem:v14+s31+$0x0], $0xffff;
	_ =	sdelay $0x2  }
0x23a: {  	v12 =	vor.u32 v13, v3;
	_ =	sdelay $0x1  }
0x23b: {  	v11 =	vmul.f32 v11, v7;
	_ =	sdelay $0x1  }
0x23c: {  	[tilespmem:v14+s30+$0x0] =	vst.idx.msk $0xffff, v11  }
0x23d: {  	s20 =	simm.s32 $0x2;
	v11 =	vld.idx.msk [tilespmem:v12+s31+$0x0], $0xffff  }
0x23e: {  	v13 =	vadd.s32 s20, v2  }
0x23f: {  	v14 =	vand.u32 $0x1F, v13  }
0x240: {  	v15 =	vor.u32 v5, v14;
	_ =	sdelay $0x1  }
0x241: {  	v11 =	vmul.f32 v11, v8;
	_ =	sdelay $0x1  }
0x242: {  	[tilespmem:v12+s30+$0x0] =	vst.idx.msk $0xffff, v11  }
0x243: {  	v11 =	vld.idx.msk [tilespmem:v15+s31+$0x0], $0xffff;
	_ =	sdelay $0x2  }
0x244: {  	v12 =	vor.u32 v13, v4;
	_ =	sdelay $0x1  }
0x245: {  	v11 =	vmul.f32 v11, v10;
	_ =	sdelay $0x1  }
0x246: {  	[tilespmem:v15+s30+$0x0] =	vst.idx.msk $0xffff, v11  }
0x247: {  	v11 =	vld.idx.msk [tilespmem:v12+s31+$0x0], $0xffff;
	_ =	sdelay $0x2  }
0x248: {  	v14 =	vor.u32 v14, v6;
	_ =	sdelay $0x1  }
0x249: {  	v11 =	vmul.f32 v11, v9;
	_ =	sdelay $0x1  }
0x24a: {  	[tilespmem:v12+s30+$0x0] =	vst.idx.msk $0xffff, v11  }
0x24b: {  	v11 =	vld.idx.msk [tilespmem:v14+s31+$0x0], $0xffff;
	_ =	sdelay $0x2  }
0x24c: {  	v12 =	vor.u32 v13, v3;
	_ =	sdelay $0x1  }
0x24d: {  	v11 =	vmul.f32 v11, v7;
	_ =	sdelay $0x1  }
0x24e: {  	[tilespmem:v14+s30+$0x0] =	vst.idx.msk $0xffff, v11  }
0x24f: {  	s22 =	simm.s32 $0x3;
	v11 =	vld.idx.msk [tilespmem:v12+s31+$0x0], $0xffff  }
0x250: {  	v13 =	vadd.s32 s22, v2  }
0x251: {  	v14 =	vand.u32 $0x1F, v13  }
0x252: {  	v15 =	vor.u32 v5, v14;
	_ =	sdelay $0x1  }
0x253: {  	v11 =	vmul.f32 v11, v8;
	_ =	sdelay $0x1  }
0x254: {  	[tilespmem:v12+s30+$0x0] =	vst.idx.msk $0xffff, v11  }
0x255: {  	v11 =	vld.idx.msk [tilespmem:v15+s31+$0x0], $0xffff;
	_ =	sdelay $0x2  }
0x256: {  	v12 =	vor.u32 v13, v4;
	_ =	sdelay $0x1  }
0x257: {  	v11 =	vmul.f32 v11, v10;
	_ =	sdelay $0x1  }
0x258: {  	[tilespmem:v15+s30+$0x0] =	vst.idx.msk $0xffff, v11  }
0x259: {  	v11 =	vld.idx.msk [tilespmem:v12+s31+$0x0], $0xffff;
	_ =	sdelay $0x2  }
0x25a: {  	v14 =	vor.u32 v14, v6;
	_ =	sdelay $0x1  }
0x25b: {  	v11 =	vmul.f32 v11, v9;
	_ =	sdelay $0x1  }
0x25c: {  	[tilespmem:v12+s30+$0x0] =	vst.idx.msk $0xffff, v11  }
0x25d: {  	v11 =	vld.idx.msk [tilespmem:v14+s31+$0x0], $0xffff;
	_ =	sdelay $0x2  }
0x25e: {  	v13 =	vor.u32 v13, v3;
	_ =	sdelay $0x1  }
0x25f: {  	v11 =	vmul.f32 v11, v7;
	_ =	sdelay $0x1  }
0x260: {  	[tilespmem:v14+s30+$0x0] =	vst.idx.msk $0xffff, v11  }
0x261: {  	s16 =	simm.s32 $0x4;
	v15 =	vld.idx.msk [tilespmem:v13+s31+$0x0], $0xffff  }
0x262: {  	v11 =	vadd.s32 s16, v2  }
0x263: {  	v12 =	vand.u32 $0x1F, v11  }
0x264: {  	v14 =	vor.u32 v5, v12;
	_ =	sdelay $0x1  }
0x265: {  	s17 =	simm.s32 $0x8;
	v15 =	vmul.f32 v15, v8  }
.LBB2_17:
0x266: {  	_ = 	snop  }
0x267: {  	p0 =	slt.u32 s17, $0x1C;
	s19 =	smov.u32 s17;
	s17 =	sadd.s32 $0x4, s17;
	[tilespmem:v13+s30+$0x0] =	vst.idx.msk $0xffff, v15  }
0x268: {  	v13 =	vld.idx.msk [tilespmem:v14+s31+$0x0], $0xffff;
	_ =	sdelay $0x3  }
0x269: {  	v15 =	vor.u32 v11, v4;
	_ =	sdelay $0x1  }
0x26a: {  	v13 =	vmul.f32 v13, v10;
	_ =	sdelay $0x1  }
0x26b: {  	[tilespmem:v14+s30+$0x0] =	vst.idx.msk $0xffff, v13  }
0x26c: {  	v13 =	vld.idx.msk [tilespmem:v15+s31+$0x0], $0xffff;
	_ =	sdelay $0x3  }
0x26d: {  	v12 =	vor.u32 v12, v6;
	_ =	sdelay $0x1  }
0x26e: {  	v13 =	vmul.f32 v13, v9;
	_ =	sdelay $0x1  }
0x26f: {  	[tilespmem:v15+s30+$0x0] =	vst.idx.msk $0xffff, v13  }
0x270: {  	v13 =	vld.idx.msk [tilespmem:v12+s31+$0x0], $0xffff;
	_ =	sdelay $0x3  }
0x271: {  	v11 =	vor.u32 v11, v3;
	_ =	sdelay $0x1  }
0x272: {  	v13 =	vmul.f32 v13, v7;
	_ =	sdelay $0x1  }
0x273: {  	[tilespmem:v12+s30+$0x0] =	vst.idx.msk $0xffff, v13  }
0x274: {  	v12 =	vld.idx.msk [tilespmem:v11+s31+$0x0], $0xffff  }
0x275: {  	s14 =	sadd.s32 $0x1, s16  }
0x276: {  	v13 =	vadd.s32 s14, v2  }
0x277: {  	v14 =	vand.u32 $0x1F, v13  }
0x278: {  	v15 =	vor.u32 v5, v14;
	_ =	sdelay $0x1  }
0x279: {  	v12 =	vmul.f32 v12, v8;
	_ =	sdelay $0x1  }
0x27a: {  	[tilespmem:v11+s30+$0x0] =	vst.idx.msk $0xffff, v12  }
0x27b: {  	v11 =	vld.idx.msk [tilespmem:v15+s31+$0x0], $0xffff;
	_ =	sdelay $0x3  }
0x27c: {  	v12 =	vor.u32 v13, v4;
	_ =	sdelay $0x1  }
0x27d: {  	v11 =	vmul.f32 v11, v10;
	_ =	sdelay $0x1  }
0x27e: {  	[tilespmem:v15+s30+$0x0] =	vst.idx.msk $0xffff, v11  }
0x27f: {  	v11 =	vld.idx.msk [tilespmem:v12+s31+$0x0], $0xffff;
	_ =	sdelay $0x3  }
0x280: {  	v14 =	vor.u32 v14, v6;
	_ =	sdelay $0x1  }
0x281: {  	v11 =	vmul.f32 v11, v9;
	_ =	sdelay $0x1  }
0x282: {  	[tilespmem:v12+s30+$0x0] =	vst.idx.msk $0xffff, v11  }
0x283: {  	v11 =	vld.idx.msk [tilespmem:v14+s31+$0x0], $0xffff;
	_ =	sdelay $0x3  }
0x284: {  	v12 =	vor.u32 v13, v3;
	_ =	sdelay $0x1  }
0x285: {  	v11 =	vmul.f32 v11, v7;
	_ =	sdelay $0x1  }
0x286: {  	[tilespmem:v14+s30+$0x0] =	vst.idx.msk $0xffff, v11  }
0x287: {  	v11 =	vld.idx.msk [tilespmem:v12+s31+$0x0], $0xffff  }
0x288: {  	s14 =	sadd.s32 $0x2, s16  }
0x289: {  	v13 =	vadd.s32 s14, v2  }
0x28a: {  	v14 =	vand.u32 $0x1F, v13  }
0x28b: {  	v15 =	vor.u32 v5, v14;
	_ =	sdelay $0x1  }
0x28c: {  	v11 =	vmul.f32 v11, v8;
	_ =	sdelay $0x1  }
0x28d: {  	[tilespmem:v12+s30+$0x0] =	vst.idx.msk $0xffff, v11  }
0x28e: {  	v11 =	vld.idx.msk [tilespmem:v15+s31+$0x0], $0xffff;
	_ =	sdelay $0x3  }
0x28f: {  	v12 =	vor.u32 v13, v4;
	_ =	sdelay $0x1  }
0x290: {  	v11 =	vmul.f32 v11, v10;
	_ =	sdelay $0x1  }
0x291: {  	[tilespmem:v15+s30+$0x0] =	vst.idx.msk $0xffff, v11  }
0x292: {  	v11 =	vld.idx.msk [tilespmem:v12+s31+$0x0], $0xffff;
	_ =	sdelay $0x3  }
0x293: {  	v14 =	vor.u32 v14, v6;
	_ =	sdelay $0x1  }
0x294: {  	v11 =	vmul.f32 v11, v9;
	_ =	sdelay $0x1  }
0x295: {  	[tilespmem:v12+s30+$0x0] =	vst.idx.msk $0xffff, v11  }
0x296: {  	v11 =	vld.idx.msk [tilespmem:v14+s31+$0x0], $0xffff;
	_ =	sdelay $0x3  }
0x297: {  	v12 =	vor.u32 v13, v3;
	_ =	sdelay $0x1  }
0x298: {  	v11 =	vmul.f32 v11, v7;
	_ =	sdelay $0x1  }
0x299: {  	[tilespmem:v14+s30+$0x0] =	vst.idx.msk $0xffff, v11  }
0x29a: {  	v11 =	vld.idx.msk [tilespmem:v12+s31+$0x0], $0xffff  }
0x29b: {  	s14 =	sadd.s32 $0x3, s16;
	s16 =	smov.u32 s19  }
0x29c: {  	v13 =	vadd.s32 s14, v2  }
0x29d: {  	v14 =	vand.u32 $0x1F, v13  }
0x29e: {  	v15 =	vor.u32 v5, v14;
	_ =	sdelay $0x1  }
0x29f: {  	v11 =	vmul.f32 v11, v8;
	_ =	sdelay $0x1  }
0x2a0: {  	[tilespmem:v12+s30+$0x0] =	vst.idx.msk $0xffff, v11  }
0x2a1: {  	v11 =	vld.idx.msk [tilespmem:v15+s31+$0x0], $0xffff;
	_ =	sdelay $0x3  }
0x2a2: {  	v12 =	vor.u32 v13, v4;
	_ =	sdelay $0x1  }
0x2a3: {  	v11 =	vmul.f32 v11, v10;
	_ =	sdelay $0x1  }
0x2a4: {  	[tilespmem:v15+s30+$0x0] =	vst.idx.msk $0xffff, v11  }
0x2a5: {  	v11 =	vld.idx.msk [tilespmem:v12+s31+$0x0], $0xffff;
	_ =	sdelay $0x3  }
0x2a6: {  	v14 =	vor.u32 v14, v6;
	_ =	sdelay $0x1  }
0x2a7: {  	v11 =	vmul.f32 v11, v9;
	_ =	sdelay $0x1  }
0x2a8: {  	[tilespmem:v12+s30+$0x0] =	vst.idx.msk $0xffff, v11  }
0x2a9: {  	v11 =	vld.idx.msk [tilespmem:v14+s31+$0x0], $0xffff;
	_ =	sdelay $0x3  }
0x2aa: {  	v13 =	vor.u32 v13, v3;
	_ =	sdelay $0x1  }
0x2ab: {  	v11 =	vmul.f32 v11, v7;
	_ =	sdelay $0x1  }
0x2ac: {  	[tilespmem:v14+s30+$0x0] =	vst.idx.msk $0xffff, v11  }
0x2ad: {  	v15 =	vld.idx.msk [tilespmem:v13+s31+$0x0], $0xffff;
	_ =	sdelay $0x1  }
.Ltmp7:
0x2ae: {  	v11 =	vadd.s32 s16, v2;
	(pc) =	sbr.rel @p0 .LBB2_17-.Ltmp7, $3  }
0x2af: {  	v12 =	vand.u32 $0x1F, v11  }
0x2b0: {  	v14 =	vor.u32 v5, v12;
	_ =	sdelay $0x1  }
0x2b1: {  	v15 =	vmul.f32 v15, v8  }
0x2b2: {  	_ =	sdelay $0x3  }
0x2b3: {  	[tilespmem:v13+s30+$0x0] =	vst.idx.msk $0xffff, v15  }
0x2b4: {  	v13 =	vld.idx.msk [tilespmem:v14+s31+$0x0], $0xffff;
	_ =	sdelay $0x2  }
0x2b5: {  	v46 =	vor.u32 v11, v4;
	_ =	sdelay $0x1  }
0x2b6: {  	v13 =	vmul.f32 v13, v10;
	_ =	sdelay $0x1  }
0x2b7: {  	[tilespmem:v14+s30+$0x0] =	vst.idx.msk $0xffff, v13  }
0x2b8: {  	v13 =	vld.idx.msk [tilespmem:v46+s31+$0x0], $0xffff;
	_ =	sdelay $0x2  }
0x2b9: {  	v12 =	vor.u32 v12, v6;
	_ =	sdelay $0x1  }
0x2ba: {  	v13 =	vmul.f32 v13, v9;
	_ =	sdelay $0x1  }
0x2bb: {  	[tilespmem:v46+s30+$0x0] =	vst.idx.msk $0xffff, v13  }
0x2bc: {  	v13 =	vld.idx.msk [tilespmem:v12+s31+$0x0], $0xffff;
	_ =	sdelay $0x2  }
0x2bd: {  	v47 =	vor.u32 v11, v3;
	_ =	sdelay $0x1  }
0x2be: {  	v13 =	vmul.f32 v13, v7;
	_ =	sdelay $0x1  }
0x2bf: {  	[tilespmem:v12+s30+$0x0] =	vst.idx.msk $0xffff, v13  }
0x2c0: {  	s14 =	sadd.s32 $0x1, s16;
	v12 =	vld.idx.msk [tilespmem:v47+s31+$0x0], $0xffff  }
0x2c1: {  	v48 =	vadd.s32 s14, v2  }
0x2c2: {  	v49 =	vand.u32 $0x1F, v48  }
0x2c3: {  	v50 =	vor.u32 v5, v49;
	_ =	sdelay $0x1  }
0x2c4: {  	v12 =	vmul.f32 v12, v8;
	_ =	sdelay $0x1  }
0x2c5: {  	[tilespmem:v47+s30+$0x0] =	vst.idx.msk $0xffff, v12  }
0x2c6: {  	v11 =	vld.idx.msk [tilespmem:v50+s31+$0x0], $0xffff;
	_ =	sdelay $0x2  }
0x2c7: {  	v51 =	vor.u32 v48, v4;
	_ =	sdelay $0x1  }
0x2c8: {  	v11 =	vmul.f32 v11, v10;
	_ =	sdelay $0x1  }
0x2c9: {  	[tilespmem:v50+s30+$0x0] =	vst.idx.msk $0xffff, v11  }
0x2ca: {  	v11 =	vld.idx.msk [tilespmem:v51+s31+$0x0], $0xffff;
	_ =	sdelay $0x2  }
0x2cb: {  	v14 =	vor.u32 v49, v6;
	_ =	sdelay $0x1  }
0x2cc: {  	v11 =	vmul.f32 v11, v9;
	_ =	sdelay $0x1  }
0x2cd: {  	[tilespmem:v51+s30+$0x0] =	vst.idx.msk $0xffff, v11  }
0x2ce: {  	v11 =	vld.idx.msk [tilespmem:v14+s31+$0x0], $0xffff;
	_ =	sdelay $0x2  }
0x2cf: {  	v52 =	vor.u32 v48, v3;
	_ =	sdelay $0x1  }
0x2d0: {  	v11 =	vmul.f32 v11, v7;
	_ =	sdelay $0x1  }
0x2d1: {  	[tilespmem:v14+s30+$0x0] =	vst.idx.msk $0xffff, v11  }
0x2d2: {  	s19 =	sadd.s32 $0x2, s16;
	v11 =	vld.idx.msk [tilespmem:v52+s31+$0x0], $0xffff  }
0x2d3: {  	v53 =	vadd.s32 s19, v2  }
0x2d4: {  	v54 =	vand.u32 $0x1F, v53  }
0x2d5: {  	v55 =	vor.u32 v5, v54;
	_ =	sdelay $0x1  }
0x2d6: {  	v11 =	vmul.f32 v11, v8;
	_ =	sdelay $0x1  }
0x2d7: {  	[tilespmem:v52+s30+$0x0] =	vst.idx.msk $0xffff, v11  }
0x2d8: {  	v11 =	vld.idx.msk [tilespmem:v55+s31+$0x0], $0xffff;
	_ =	sdelay $0x2  }
0x2d9: {  	v56 =	vor.u32 v53, v4;
	_ =	sdelay $0x1  }
0x2da: {  	v11 =	vmul.f32 v11, v10;
	_ =	sdelay $0x1  }
0x2db: {  	[tilespmem:v55+s30+$0x0] =	vst.idx.msk $0xffff, v11  }
0x2dc: {  	v11 =	vld.idx.msk [tilespmem:v56+s31+$0x0], $0xffff;
	_ =	sdelay $0x2  }
0x2dd: {  	v14 =	vor.u32 v54, v6;
	_ =	sdelay $0x1  }
0x2de: {  	v11 =	vmul.f32 v11, v9;
	_ =	sdelay $0x1  }
0x2df: {  	[tilespmem:v56+s30+$0x0] =	vst.idx.msk $0xffff, v11  }
0x2e0: {  	v11 =	vld.idx.msk [tilespmem:v14+s31+$0x0], $0xffff;
	_ =	sdelay $0x2  }
0x2e1: {  	v57 =	vor.u32 v53, v3;
	_ =	sdelay $0x1  }
0x2e2: {  	v11 =	vmul.f32 v11, v7;
	_ =	sdelay $0x1  }
0x2e3: {  	[tilespmem:v14+s30+$0x0] =	vst.idx.msk $0xffff, v11  }
0x2e4: {  	s20 =	sadd.s32 $0x3, s16;
	v11 =	vld.idx.msk [tilespmem:v57+s31+$0x0], $0xffff  }
0x2e5: {  	v58 =	vadd.s32 s20, v2  }
0x2e6: {  	v59 =	vand.u32 $0x1F, v58  }
0x2e7: {  	v60 =	vor.u32 v5, v59;
	_ =	sdelay $0x1  }
0x2e8: {  	v11 =	vmul.f32 v11, v8;
	_ =	sdelay $0x1  }
0x2e9: {  	[tilespmem:v57+s30+$0x0] =	vst.idx.msk $0xffff, v11  }
0x2ea: {  	v11 =	vld.idx.msk [tilespmem:v60+s31+$0x0], $0xffff;
	_ =	sdelay $0x2  }
0x2eb: {  	v61 =	vor.u32 v58, v4;
	_ =	sdelay $0x1  }
0x2ec: {  	v62 =	vmul.f32 v11, v10;
	_ =	sdelay $0x1  }
0x2ed: {  	[tilespmem:v60+s30+$0x0] =	vst.idx.msk $0xffff, v62  }
0x2ee: {  	v5 =	vld.idx.msk [tilespmem:v61+s31+$0x0], $0xffff;
	_ =	sdelay $0x2  }
0x2ef: {  	v63 =	vor.u32 v59, v6;
	_ =	sdelay $0x1  }
0x2f0: {  	v5 =	vmul.f32 v5, v9;
	_ =	sdelay $0x1  }
0x2f1: {  	[tilespmem:v61+s30+$0x0] =	vst.idx.msk $0xffff, v5  }
0x2f2: {  	v4 =	vld.idx.msk [tilespmem:v63+s31+$0x0], $0xffff;
	_ =	sdelay $0x2  }
0x2f3: {  	v3 =	vor.u32 v58, v3;
	_ =	sdelay $0x1  }
0x2f4: {  	v4 =	vmul.f32 v4, v7;
	_ =	sdelay $0x1  }
0x2f5: {  	[tilespmem:v63+s30+$0x0] =	vst.idx.msk $0xffff, v4  }
0x2f6: {  	v4 =	vld.idx.msk [tilespmem:v3+s31+$0x0], $0xffff;
	_ =	sdelay $0x4  }
0x2f7: {  	s22 =	sand.u32 $0x200, s29;
	s29 =	sshll.u32 s24, $0x5;
	v4 =	vmul.f32 v4, v8  }
0x2f8: {  	s14 =	sor.u32 s29, s22  }
0x2f9: {  	s14 =	sor.u32 $0x16C00, s14;
	[tilespmem:v3+s30+$0x0] =	vst.idx.msk $0xffff, v4  }
0x2fa: {  	[spmem:s1] =	stream.indirect.scatter.add.f32 [tilespmem:s15], [sflag:$0x2], $0x80, s14, s25, $0xb8;
	[tilespmem:$0x1DC00] =	vst v63  }
0x2fb: {  	_ =	swait.ge [sflag:s21], $0x1000  }
0x2fc: {  	s13 =	sshll.u32 s13, $0x9;
	p0 =	sne.s32 s26, $0x13A;
	[sflag:s21] =	ssyncset.done $0x0  }
.Ltmp8:
0x2fd: {  	s13 =	sor.u32 $0x1D800, s13;
	[sflag:s21] =	ssyncadd.s32 $0xFFFFF000;
	(pc) =	sbr.rel @p0 .LBB2_6-.Ltmp8, $4  }
0x2fe: {  	[spmem:s2] =	stream.indirect.scatter.add.f32 [tilespmem:s13], [sflag:$0x2], $0x10, s14, s25, $0xb8;
	[tilespmem:$0x1DC00] =	vst v63  }
0x2ff: {  	_ =	swait.ge [sflag:s21], $0x200  }
0x300: {  	[sflag:s21] =	ssyncset.done $0x0  }
0x301: {  	[sflag:s21] =	ssyncadd.s32 $0xFFFFFE00  }
0x302: {  	[bflag:$0x0] =	sbarrier.arrive $0xFFFF;
	s13 =	simm.s32 $0x0  }
.LBB2_20:
0x303: {  	s14 =	sshll.u32 s13, $0x6  }
0x304: {  	s15 =	sadd.s32 s12, s14  }
0x305: {  	s14 =	sshll.u32 s15, $0x7  }
0x306: {  	s14 =	sand.u32 $0x3FFFFF80, s14  }
0x307: {  	s14 =	sadd.s32 s14, s1  }
0x308: {  	[tilespmem:s28], [sflag:$0x2] =	stream.linear.gather [spmem:s14], $0x2000, $0x38;
	[tilespmem:$0x1DC00] =	vst v63  }
0x309: {  	s26 =	sshll.u32 s15, $0x4;
	_ =	swait.ge [sflag:s21], $0x2000  }
0x30a: {  	s14 =	sand.u32 $0x3FFFFFF0, s26;
	[sflag:s21] =	ssyncset.done $0x0  }
0x30b: {  	s14 =	sadd.s32 s14, s2;
	[sflag:s21] =	ssyncadd.s32 $0xFFFFE000  }
0x30c: {  	[tilespmem:s3], [sflag:$0x2] =	stream.linear.gather [spmem:s14], $0x400, $0x38;
	[tilespmem:$0x1DC00] =	vst v63  }
0x30d: {  	_ =	swait.ge [sflag:s21], $0x400  }
0x30e: {  	[sflag:s21] =	ssyncset.done $0x0  }
0x30f: {  	s29 =	simm.s32 $0x0;
	[sflag:s21] =	ssyncadd.s32 $0xFFFFFC00  }
0x310: {  	v3 =	vld [tilespmem:s29+$0x1D800];
	_ =	sdelay $0x4  }
0x311: {  	v3 =	vmax.f32 v3, $9.999999680e-21  }
0x312: {  	(erf) = vrcp.f32 v3;
	_ =	sdelay $0x5  }
0x313: {  	s16 =	simm.s32 $0x17840  }
0x314: {  	v3 =	vld [tilespmem:s16+$0xFFFFFFC0]  }
0x315: {  	v4 =	vld [tilespmem:s16+$0xFFFFFFD0]  }
0x316: {  	v5 =	vld [tilespmem:s16+$0xFFFFFFE0];
	v6 =	vpop (erf)  }
0x317: {  	v9 =	vld [tilespmem:s16+$0x0];
	v8 =	vbroadcast v6, $0x0  }
0x318: {  	v10 =	vld [tilespmem:s16+$0x10]  }
0x319: {  	v7 =	vld [tilespmem:s16+$0xFFFFFFF0];
	v11 =	vbroadcast v6, $0x1;
	v3 =	vmul.f32 v8, v3  }
0x31a: {  	v60 =	vld [tilespmem:s16+$0x30];
	v13 =	vbroadcast v6, $0x2;
	v4 =	vmul.f32 v8, v4  }
0x31b: {  	v12 =	vld [tilespmem:s16+$0x20];
	v5 =	vmul.f32 v5, v11;
	[tilespmem:s16+$0xFFFFFFC0] =	vst v3  }
0x31c: {  	v62 =	vmul.f32 v9, v13;
	[tilespmem:s16+$0xFFFFFFD0] =	vst v4  }
0x31d: {  	v61 =	vbroadcast v6, $0x3;
	v63 =	vmul.f32 v10, v13;
	[tilespmem:s16+$0xFFFFFFE0] =	vst v5  }
0x31e: {  	v3 =	vmul.f32 v7, v11;
	[tilespmem:s16+$0x0] =	vst v62  }
0x31f: {  	v4 =	vmul.f32 v60, v61;
	[tilespmem:s16+$0x10] =	vst v63  }
0x320: {  	[tilespmem:s16+$0xFFFFFFF0] =	vst v3;
	v3 =	vmul.f32 v12, v61  }
0x321: {  	[tilespmem:s16+$0x30] =	vst v4  }
0x322: {  	s19 =	simm.s32 $0x10;
	s17 =	simm.s32 $0x80;
	[tilespmem:s16+$0x20] =	vst v3  }
.LBB2_21:
0x323: {  	p0 =	sne.s32 s17, $0xFC0;
	v3 =	vld [tilespmem:s19+$0x1D800];
	_ =	sdelay $0x4  }
0x324: {  	v3 =	vmax.f32 v3, $9.999999680e-21  }
0x325: {  	(erf) = vrcp.f32 v3;
	_ =	sdelay $0x1  }
0x326: {  	s16 =	sadd.s32 $0x80, s16  }
0x327: {  	v3 =	vld [tilespmem:s16+$0xFFFFFFF0]  }
0x328: {  	v4 =	vld [tilespmem:s16+$0x30]  }
0x329: {  	v5 =	vld [tilespmem:s16+$0x10]  }
0x32a: {  	v6 =	vld [tilespmem:s16+$0xFFFFFFD0]  }
0x32b: {  	v7 =	vld [tilespmem:s16+$0xFFFFFFC0]  }
0x32c: {  	v8 =	vld [tilespmem:s16+$0xFFFFFFE0]  }
0x32d: {  	v9 =	vld [tilespmem:s16+$0x0];
	v10 =	vpop (erf)  }
0x32e: {  	v11 =	vbroadcast v10, $0x0;
	v12 =	vbroadcast v10, $0x1;
	v13 =	vld [tilespmem:s16+$0x20]  }
0x32f: {  	v14 =	vbroadcast v10, $0x2;
	v10 =	vbroadcast v10, $0x3  }
0x330: {  	v7 =	vmul.f32 v11, v7;
	v6 =	vmul.f32 v11, v6  }
0x331: {  	v3 =	vmul.f32 v3, v12;
	v8 =	vmul.f32 v8, v12  }
0x332: {  	v5 =	vmul.f32 v5, v14;
	[tilespmem:s16+$0xFFFFFFC0] =	vst v7;
	v7 =	vmul.f32 v9, v14  }
0x333: {  	v4 =	vmul.f32 v4, v10;
	[tilespmem:s16+$0xFFFFFFD0] =	vst v6;
	v6 =	vmul.f32 v13, v10  }
0x334: {  	[tilespmem:s16+$0xFFFFFFE0] =	vst v8  }
.Ltmp9:
0x335: {  	[tilespmem:s16+$0xFFFFFFF0] =	vst v3;
	(pc) =	sbr.rel @p0 .LBB2_21-.Ltmp9, $4  }
0x336: {  	[tilespmem:s16+$0x0] =	vst v7  }
0x337: {  	[tilespmem:s16+$0x10] =	vst v5  }
0x338: {  	[tilespmem:s16+$0x20] =	vst v6  }
0x339: {  	s19 =	sshra.s32 s17, $0x2;
	s17 =	sadd.s32 $0x40, s17;
	[tilespmem:s16+$0x30] =	vst v4  }
0x33a: {  	v3 =	vld [tilespmem:s19+$0x1D800];
	_ =	sdelay $0x4  }
0x33b: {  	v3 =	vmax.f32 v3, $9.999999680e-21  }
0x33c: {  	(erf) = vrcp.f32 v3;
	_ =	sdelay $0x5  }
0x33d: {  	s14 =	sadd.s32 $0x80, s16  }
0x33e: {  	v3 =	vld [tilespmem:s14+$0xFFFFFFC0]  }
0x33f: {  	v4 =	vld [tilespmem:s14+$0xFFFFFFD0]  }
0x340: {  	v5 =	vld [tilespmem:s14+$0xFFFFFFE0];
	v6 =	vpop (erf)  }
0x341: {  	v9 =	vld [tilespmem:s14+$0x0];
	v8 =	vbroadcast v6, $0x0  }
0x342: {  	v10 =	vld [tilespmem:s14+$0x10]  }
0x343: {  	v7 =	vld [tilespmem:s14+$0xFFFFFFF0];
	v11 =	vbroadcast v6, $0x1;
	v3 =	vmul.f32 v8, v3  }
0x344: {  	v60 =	vld [tilespmem:s14+$0x30];
	v13 =	vbroadcast v6, $0x2;
	v4 =	vmul.f32 v8, v4  }
0x345: {  	v12 =	vld [tilespmem:s14+$0x20];
	v5 =	vmul.f32 v5, v11;
	[tilespmem:s14+$0xFFFFFFC0] =	vst v3  }
0x346: {  	v62 =	vmul.f32 v9, v13;
	[tilespmem:s14+$0xFFFFFFD0] =	vst v4  }
0x347: {  	v61 =	vbroadcast v6, $0x3;
	v63 =	vmul.f32 v10, v13;
	[tilespmem:s14+$0xFFFFFFE0] =	vst v5  }
0x348: {  	v3 =	vmul.f32 v7, v11;
	[tilespmem:s14+$0x0] =	vst v62  }
0x349: {  	v4 =	vmul.f32 v60, v61;
	[tilespmem:s14+$0x10] =	vst v63  }
0x34a: {  	s15 =	sadd.s32 s11, s15;
	s13 =	sadd.s32 $0x1, s13;
	[tilespmem:s14+$0xFFFFFFF0] =	vst v3;
	v3 =	vmul.f32 v12, v61  }
0x34b: {  	s15 =	sshll.u32 s15, $0x4;
	p0 =	sne.s32 s13, $0xA;
	[tilespmem:s14+$0x30] =	vst v4  }
.Ltmp10:
0x34c: {  	s29 =	sadd.s32 s10, s15;
	[tilespmem:s14+$0x20] =	vst v3;
	(pc) =	sbr.rel @p0 .LBB2_20-.Ltmp10, $4  }
0x34d: {  	[hbm4b:s29+s4] =	stream.linear.scatter [tilespmem:s28], [sflag:$0x2], $0x2000, $0x38;
	[tilespmem:$0x1DC00] =	vst v63  }
0x34e: {  	_ =	swait.ge [sflag:s21], $0x2000  }
0x34f: {  	[sflag:s21] =	ssyncset.done $0x0  }
0x350: {  	[sflag:s21] =	ssyncadd.s32 $0xFFFFE000  }
0x351: {  	s23 =	sadd.s32 $0x1, s23;
	s13 =	rddreg [dreg:$0xa]  }
0x352: {  	p0 =	sne.s32 s23, s13  }
.Ltmp11:
0x353: {  	_ = 	snop;
	(pc) =	sbr.rel @p0 .LBB2_1-.Ltmp11, $1  }
0x354: {  	_ =	sdelay $0x3  }
0x355: {  	_ =	sfence.sel $0x180000  }
0x356: {  	[bflag:$0x0] =	sbarrier.arrive $0xFFFF  }
0x357: {  	_ =	strace $0x90000047  }
0x358: {  	s0 =	stileid.u32;
	[bflag:$0x2] =	sbarrier.arrive $0xFFFF  }
0x359: {  	p0 =	sne.s32 s0, $0x0;
	s0 =	rddreg [dreg:$0x4]  }
0x35a: {  	s0 =	sadd.s32 @!p0 $0x100000, s0  }
0x35b: {  	[sflag:s0] =	ssyncadd.tile.s32 @!p0 $0x1;
	_ =	shalt  }
.Lfunc_end2:
_tile_overlayer_lowered:
.L_overlay_start_2:
0x35c: {  	(tag) =	ssettag $0x2  }
0x35d: {  	s0 =	rddreg [dreg:$0x0];
	s2 =	stileid.u32  }
0x35e: {  	s1 =	rddreg [dreg:$0x1];
	p0 =	sne.s32 s2, $0x0  }
0x35f: {  	s3 =	rddreg [dreg:$0x2];
	[bflag:$0x3] =	sbarrier.arrive $0xFFFF;
	s2 =	simm.s32 @!p0 $0x1C02  }
0x360: {  	[timem:s3], [sflag:s2] =	dma.local @!p0 [hbm:s0], s1  }
0x361: {  	s0 =	simm.s32 @!p0 $0x2  }
0x362: {  	_ =	swait.ge @!p0 [sflag:s0], s1  }
0x363: {  	s1 =	ssub.s32 @!p0 $0x0, s1;
	[sflag:s0] =	ssyncset.done @!p0 $0x0  }
0x364: {  	[sflag:s0] =	ssyncadd.s32 @!p0 s1  }
0x365: {  	[bflag:$0x3] =	sbarrier.arrive $0xFFFF  }
0x366: {  	_ =	shalt  }

</sc_bundles>
